<compile_context>
chip_gen: v7x
topology: tpu7x:2x2x1
jax: 0.10.2.dev20260603
libtpu: 0.0.44.dev20260713+nightly
codegen_flags: <defaults>
</compile_context>

<pallas_src>
import functools

import jax
import jax.numpy as jnp
from jax import lax
from jax.experimental import pallas as pl
from jax.experimental.pallas import tpu as pltpu
from jax.experimental.pallas import tpu_sc as plsc

E = 64
L = 768
LP = L + 128
T = 2048
TILE = 128
NBLK = T // TILE


def _routing_body(x_ref, wg_ref, xw_ref, dest_ref, offs_ref):
    x = x_ref[:]
    wg = wg_ref[:]
    logits = lax.dot_general(x, wg, (((1,), (1,)), ((), ())),
                             preferred_element_type=jnp.float32)
    m = jnp.max(logits, axis=1, keepdims=True)
    sexp = jnp.sum(jnp.exp(logits - m), axis=1, keepdims=True)
    top_w = 1.0 / sexp
    eids = lax.broadcasted_iota(jnp.int32, (T, E), 1)
    expert = jnp.min(jnp.where(logits == m, eids, E), axis=1, keepdims=True)

    xw_ref[:, 0:L] = x * top_w
    xw_ref[:, L:LP] = jnp.broadcast_to(top_w, (T, LP - L))

    r128 = lax.broadcasted_iota(jnp.int32, (TILE, TILE), 0)
    c128 = lax.broadcasted_iota(jnp.int32, (TILE, TILE), 1)
    tri = (c128 < r128).astype(jnp.float32)
    eids128 = lax.broadcasted_iota(jnp.int32, (TILE, E), 1)

    carry = jnp.zeros((1, E), dtype=jnp.float32)
    ranks = []
    for b in range(NBLK):
        oh = (eids128 == expert[b * TILE:(b + 1) * TILE]).astype(jnp.float32)
        within = lax.dot_general(tri, oh, (((1,), (0,)), ((), ())),
                                 preferred_element_type=jnp.float32)
        rank_full = within + carry
        ranks.append(jnp.sum(rank_full * oh, axis=1, keepdims=True))
        carry = carry + jnp.sum(oh, axis=0, keepdims=True)
    counts = carry

    r64 = lax.broadcasted_iota(jnp.int32, (E, E), 0)
    c64 = lax.broadcasted_iota(jnp.int32, (E, E), 1)
    tri_u = (r64 < c64).astype(jnp.float32)
    offs = lax.dot_general(counts, tri_u, (((1,), (0,)), ((), ())),
                           preferred_element_type=jnp.float32)
    offs_ref[:, 0:E] = offs.astype(jnp.int32)
    offs_ref[:, E:E + 1] = jnp.full((1, 1), T, jnp.int32)

    for b in range(NBLK):
        oh = (eids128 == expert[b * TILE:(b + 1) * TILE]).astype(jnp.float32)
        off_t = jnp.sum(offs * oh, axis=1, keepdims=True)
        dest_ref[b * TILE:(b + 1) * TILE, :] = (
            (ranks[b] + off_t).astype(jnp.int32))


def _routing(xf, wg):
    return pl.pallas_call(
        _routing_body,
        out_shape=(
            jax.ShapeDtypeStruct((T, LP), jnp.float32),
            jax.ShapeDtypeStruct((T, 1), jnp.int32),
            jax.ShapeDtypeStruct((1, E + 1), jnp.int32),
        ),
    )(xf, wg)


_NC = 2
_NS = 16
_NW = _NC * _NS
_CHUNK = T // _NW


@functools.cache
def _sc_mesh():
    return plsc.VectorSubcoreMesh(core_axis_name="c", subcore_axis_name="s")


def _sc_wid():
    return lax.axis_index("s") * _NC + lax.axis_index("c")


def _scatter_body(xw_hbm, dest_hbm, xs_out, idx_v, rows_v, sem):
    base = _sc_wid() * _CHUNK
    pltpu.sync_copy(dest_hbm.at[pl.ds(base, _CHUNK)], idx_v)
    pltpu.sync_copy(xw_hbm.at[pl.ds(base, _CHUNK)], rows_v)
    pltpu.async_copy(rows_v, xs_out.at[idx_v], sem).wait()


@functools.cache
def _sc_scatter():
    return pl.kernel(
        _scatter_body,
        out_type=jax.ShapeDtypeStruct((T, LP), jnp.float32),
        mesh=_sc_mesh(),
        scratch_types=[
            pltpu.VMEM((_CHUNK,), jnp.int32),
            pltpu.VMEM((_CHUNK, LP), jnp.float32),
            pltpu.SemaphoreType.DMA,
        ],
    )


def _gather_body(y_hbm, dest_hbm, out_hbm, idx_v, rows_v, sem):
    base = _sc_wid() * _CHUNK
    pltpu.sync_copy(dest_hbm.at[pl.ds(base, _CHUNK)], idx_v)
    pltpu.async_copy(y_hbm.at[idx_v], rows_v, sem).wait()
    pltpu.sync_copy(rows_v, out_hbm.at[pl.ds(base, _CHUNK)])


@functools.cache
def _sc_gather():
    return pl.kernel(
        _gather_body,
        out_type=jax.ShapeDtypeStruct((T, L), jnp.float32),
        mesh=_sc_mesh(),
        scratch_types=[
            pltpu.VMEM((_CHUNK,), jnp.int32),
            pltpu.VMEM((_CHUNK, L), jnp.float32),
            pltpu.SemaphoreType.DMA,
        ],
    )


EPG = 4
HALF = L // 2


def _expert_body(offs_ref, xs_ref, we_lo_ref, we_hi_ref, be_ref, out_ref):
    g = pl.program_id(0)

    @pl.when(g == 0)
    def _():
        out_ref[:] = jnp.zeros_like(out_ref)

    for j in range(EPG):
        e = g * EPG + j
        lo = offs_ref[e]
        hi = offs_ref[e + 1]
        w_a = we_lo_ref[0, j, 0, :, :].astype(jnp.bfloat16)
        w_b = we_hi_ref[0, j, 0, :, :].astype(jnp.bfloat16)
        b = be_ref[0, j:j + 1]

        for t in range(NBLK):
            @pl.when((t * TILE < hi) & ((t + 1) * TILE > lo))
            def _(t=t, lo=lo, hi=hi, w_a=w_a, w_b=w_b, b=b):
                rid = t * TILE + lax.broadcasted_iota(
                    jnp.int32, (TILE, 1), 0)
                mask = (rid >= lo) & (rid < hi)
                rows = jnp.where(
                    mask,
                    xs_ref[t * TILE:(t + 1) * TILE, 0:L],
                    0.0).astype(jnp.bfloat16)
                tw = jnp.where(
                    mask, xs_ref[t * TILE:(t + 1) * TILE, L:L + 1], 0.0)
                for h, w_h in ((0, w_a), (1, w_b)):
                    y = lax.dot_general(rows, w_h, (((1,), (1,)), ((), ())),
                                        preferred_element_type=jnp.float32)
                    y = y + tw * b[:, h * HALF:(h + 1) * HALF]
                    sl = slice(h * HALF, (h + 1) * HALF)
                    cur = out_ref[t * TILE:(t + 1) * TILE, sl]
                    out_ref[t * TILE:(t + 1) * TILE, sl] = cur + y


def _expert_matmuls(offs65, xs, we4, be3):
    grid_spec = pltpu.PrefetchScalarGridSpec(
        num_scalar_prefetch=1,
        grid=(E // EPG,),
        in_specs=[
            pl.BlockSpec((T, LP), lambda g, offs: (0, 0)),
            pl.BlockSpec((1, EPG, 1, L // 2, L),
                         lambda g, offs: (g, 0, 0, 0, 0)),
            pl.BlockSpec((1, EPG, 1, L // 2, L),
                         lambda g, offs: (g, 0, 1, 0, 0)),
            pl.BlockSpec((1, EPG, L), lambda g, offs: (g, 0, 0)),
        ],
        out_specs=pl.BlockSpec((T, L), lambda g, offs: (0, 0)),
    )
    return pl.pallas_call(
        _expert_body,
        grid_spec=grid_spec,
        out_shape=jax.ShapeDtypeStruct((T, L), jnp.float32),
    )(offs65, xs, we4, we4, be3)


def kernel(x, Wg, We, be):
    Bq, Cq, Lq = x.shape
    xf = x.reshape(T, L)
    xw, dest2d, offs = _routing(xf, Wg)
    dest = dest2d.reshape(T)
    offs65 = offs.reshape(E + 1)
    xs = _sc_scatter()(xw, dest)
    we5 = We.reshape(E // EPG, EPG, 2, L // 2, L)
    y_sorted = _expert_matmuls(offs65, xs, we5,
                               be.reshape(E // EPG, EPG, L))
    out = _sc_gather()(y_sorted, dest)
    return out.reshape(Bq, Cq, Lq)

# --- scband reference (transcript-rebuilt; emitter-appended) ---
"""Pipeline reference for scband-mmlinear-25254407700650 (READ-ONLY COPY).

The authoritative reference and input builder live on the scoring server;
editing this copy changes nothing except your own understanding.
"""

import jax, jax.numpy as jnp
import numpy as np

E = 64
TOP_K = 1
IN_LEN = 768
OUT_LEN = 768
B, C = 1, 2048


def setup_inputs(seed: int = 0) -> dict:
    key = jax.random.key(seed)
    k1, k2, k3, k4 = jax.random.split(key, 4)
    x = jax.random.normal(k1, (B, C, IN_LEN), dtype=jnp.float32)
    Wg = jax.random.normal(k2, (E, IN_LEN), dtype=jnp.float32) * 0.02
    We = jax.random.normal(k3, (E, OUT_LEN, IN_LEN), dtype=jnp.float32) * 0.02
    be = jax.random.normal(k4, (E, OUT_LEN), dtype=jnp.float32) * 0.02
    return {"x": x, "Wg": Wg, "We": We, "be": be}


def reference(x, Wg, We, be):
    # x: [B, C, L] -> flatten tokens
    Bq, Cq, L = x.shape
    xf = x.reshape(-1, L)
    T = xf.shape[0]
    # Gate (nn.Linear, no bias): router_logits = x @ Wg.T
    router_logits = xf @ Wg.T
    routing_weights = jax.nn.softmax(router_logits.astype(jnp.float32), axis=1)
    top_w, selected_experts = jax.lax.top_k(routing_weights, TOP_K)
    # norm_topk_prob is False in the module -> no renormalization
    # Build per-token/per-expert combine coefficients (zero for unselected experts).
    # This is mathematically identical to the torch gather + index_add_ loop.
    coef = jnp.zeros((T, E), dtype=jnp.float32)
    coef = coef.at[jnp.arange(T)[:, None], selected_experts].add(top_w)
    final_hidden_states = jnp.zeros((T, OUT_LEN), dtype=x.dtype)
    for e in range(E):
        expert_out = xf @ We[e].T + be[e]
        final_hidden_states = final_hidden_states + coef[:, e:e + 1] * expert_out
    return final_hidden_states.reshape(Bq, Cq, OUT_LEN)

if __name__ == "__main__":
    import jax
    _d = setup_inputs()
    print(jax.jit(kernel)(*tuple(_d.values())))

</pallas_src>

<mosaic_0001>
#map = affine_map<(d0, d1) -> (0, 0)>
#map1 = affine_map<(d0, d1) -> (0)>
module attributes {stable_mosaic.version = 14 : i64} {
  func.func @_scatter_body(%arg0: i32, %arg1: i32, %arg2: memref<2048x896xf32, #tpu.memory_space<hbm>>, %arg3: memref<2048xi32, #tpu.memory_space<hbm>>, %arg4: memref<2048x896xf32, #tpu.memory_space<hbm>>, %arg5: memref<64xi32, #tpu.memory_space<vmem>>, %arg6: memref<64x896xf32, #tpu.memory_space<vmem>>, %arg7: memref<!tpu.dma_semaphore, #tpu.memory_space<semaphore_mem>>) attributes {dimension_semantics = [#tpu.dimension_semantics<core_parallel>, #tpu.dimension_semantics<subcore_parallel>], iteration_bounds = array<i64: 2, 16>, scalar_prefetch = 0 : i64, scratch_operands = 3 : i64, tpu.core_type = #tpu.core_type<sc_vector_subcore>, window_params = [{transform_indices = #map}, {transform_indices = #map1}, {transform_indices = #map}]} {
    %mul3A = arith.constant 2 : i32
    %mul3A_0 = arith.muli %arg1, %mul3A : i32
    %add3A = arith.addi %mul3A_0, %arg0 : i32
    %mul3A_1 = arith.constant 64 : i32
    %mul3A_2 = arith.muli %add3A, %mul3A_1 : i32
    "tpu.region"() ({
      %run_scoped3A = tpu.sem_alloc : memref<!tpu.dma_semaphore, #tpu.memory_space<semaphore_mem>>
      %dma_start3A_7 = tpu.memref_slice %arg3[%mul3A_2] : memref<2048xi32, #tpu.memory_space<hbm>> -> memref<64xi32, #tpu.memory_space<hbm>>
      %dma_start3A_8 = tpu.memref_slice %arg3[%mul3A_2] : memref<2048xi32, #tpu.memory_space<hbm>> -> memref<64xi32, #tpu.memory_space<hbm>>
      tpu.enqueue_dma source(%dma_start3A_8 : memref<64xi32, #tpu.memory_space<hbm>>) target(%arg5 : memref<64xi32, #tpu.memory_space<vmem>>) target_semaphore(%run_scoped3A : memref<!tpu.dma_semaphore, #tpu.memory_space<semaphore_mem>>)
      %dma_wait3A_9 = tpu.memref_slice %arg3[%mul3A_2] : memref<2048xi32, #tpu.memory_space<hbm>> -> memref<64xi32, #tpu.memory_space<hbm>>
      %dma_wait3A_10 = tpu.memref_slice %arg3[%mul3A_2] : memref<2048xi32, #tpu.memory_space<hbm>> -> memref<64xi32, #tpu.memory_space<hbm>>
      tpu.wait_dma2 semaphore(%run_scoped3A : memref<!tpu.dma_semaphore, #tpu.memory_space<semaphore_mem>>) src(%dma_wait3A_10 : memref<64xi32, #tpu.memory_space<hbm>>) dst(%arg5 : memref<64xi32, #tpu.memory_space<vmem>>)
      tpu.yield
    }) : () -> ()
    "tpu.region"() ({
      %run_scoped3A = tpu.sem_alloc : memref<!tpu.dma_semaphore, #tpu.memory_space<semaphore_mem>>
      %dma_start3A_7 = arith.constant 0 : i32
      %dma_start3A_8 = tpu.memref_slice %arg2[%mul3A_2, %dma_start3A_7] : memref<2048x896xf32, #tpu.memory_space<hbm>> -> memref<64x896xf32, #tpu.memory_space<hbm>>
      %dma_start3A_9 = arith.constant 0 : i32
      %dma_start3A_10 = tpu.memref_slice %arg2[%mul3A_2, %dma_start3A_9] : memref<2048x896xf32, #tpu.memory_space<hbm>> -> memref<64x896xf32, #tpu.memory_space<hbm>>
      tpu.enqueue_dma source(%dma_start3A_10 : memref<64x896xf32, #tpu.memory_space<hbm>>) target(%arg6 : memref<64x896xf32, #tpu.memory_space<vmem>>) target_semaphore(%run_scoped3A : memref<!tpu.dma_semaphore, #tpu.memory_space<semaphore_mem>>)
      %dma_wait3A_11 = arith.constant 0 : i32
      %dma_wait3A_12 = tpu.memref_slice %arg2[%mul3A_2, %dma_wait3A_11] : memref<2048x896xf32, #tpu.memory_space<hbm>> -> memref<64x896xf32, #tpu.memory_space<hbm>>
      %dma_wait3A_13 = arith.constant 0 : i32
      %dma_wait3A_14 = tpu.memref_slice %arg2[%mul3A_2, %dma_wait3A_13] : memref<2048x896xf32, #tpu.memory_space<hbm>> -> memref<64x896xf32, #tpu.memory_space<hbm>>
      tpu.wait_dma2 semaphore(%run_scoped3A : memref<!tpu.dma_semaphore, #tpu.memory_space<semaphore_mem>>) src(%dma_wait3A_14 : memref<64x896xf32, #tpu.memory_space<hbm>>) dst(%arg6 : memref<64x896xf32, #tpu.memory_space<vmem>>)
      tpu.yield
    }) : () -> ()
    %dma_start3A = arith.constant 0 : i32
    %dma_start3A_3 = arith.constant 0 : i32
    %dma_start3A_4 = tpu.memref_slice %arg4[%dma_start3A, %dma_start3A_3] : memref<2048x896xf32, #tpu.memory_space<hbm>> -> memref<2048x896xf32, #tpu.memory_space<hbm>>
    tpu.enqueue_indirect_dma source(%arg6 : memref<64x896xf32, #tpu.memory_space<vmem>>) target(%dma_start3A_4 : memref<2048x896xf32, #tpu.memory_space<hbm>>) offsets(%arg5 : memref<64xi32, #tpu.memory_space<vmem>>) semaphore(%arg7 : memref<!tpu.dma_semaphore, #tpu.memory_space<semaphore_mem>>)
    %dma_wait3A = arith.constant 0 : i32
    %dma_wait3A_5 = arith.constant 0 : i32
    %dma_wait3A_6 = tpu.memref_slice %arg4[%dma_wait3A, %dma_wait3A_5] : memref<2048x896xf32, #tpu.memory_space<hbm>> -> memref<2048x896xf32, #tpu.memory_space<hbm>>
    tpu.wait_indirect_dma semaphore(%arg7 : memref<!tpu.dma_semaphore, #tpu.memory_space<semaphore_mem>>) src(%arg6 : memref<64x896xf32, #tpu.memory_space<vmem>>) dst(%dma_wait3A_6 : memref<2048x896xf32, #tpu.memory_space<hbm>>)
    return
  }
}

#map = affine_map<(d0, d1) -> (0, 0)>
#map1 = affine_map<(d0, d1) -> (0)>
module attributes {stable_mosaic.version = 14 : i64} {
  func.func @_gather_body(%arg0: i32, %arg1: i32, %arg2: memref<2048x768xf32, #tpu.memory_space<hbm>>, %arg3: memref<2048xi32, #tpu.memory_space<hbm>>, %arg4: memref<2048x768xf32, #tpu.memory_space<hbm>>, %arg5: memref<64xi32, #tpu.memory_space<vmem>>, %arg6: memref<64x768xf32, #tpu.memory_space<vmem>>, %arg7: memref<!tpu.dma_semaphore, #tpu.memory_space<semaphore_mem>>) attributes {dimension_semantics = [#tpu.dimension_semantics<core_parallel>, #tpu.dimension_semantics<subcore_parallel>], iteration_bounds = array<i64: 2, 16>, scalar_prefetch = 0 : i64, scratch_operands = 3 : i64, tpu.core_type = #tpu.core_type<sc_vector_subcore>, window_params = [{transform_indices = #map}, {transform_indices = #map1}, {transform_indices = #map}]} {
    %mul3A = arith.constant 2 : i32
    %mul3A_0 = arith.muli %arg1, %mul3A : i32
    %add3A = arith.addi %mul3A_0, %arg0 : i32
    %mul3A_1 = arith.constant 64 : i32
    %mul3A_2 = arith.muli %add3A, %mul3A_1 : i32
    "tpu.region"() ({
      %run_scoped3A = tpu.sem_alloc : memref<!tpu.dma_semaphore, #tpu.memory_space<semaphore_mem>>
      %dma_start3A_7 = tpu.memref_slice %arg3[%mul3A_2] : memref<2048xi32, #tpu.memory_space<hbm>> -> memref<64xi32, #tpu.memory_space<hbm>>
      %dma_start3A_8 = tpu.memref_slice %arg3[%mul3A_2] : memref<2048xi32, #tpu.memory_space<hbm>> -> memref<64xi32, #tpu.memory_space<hbm>>
      tpu.enqueue_dma source(%dma_start3A_8 : memref<64xi32, #tpu.memory_space<hbm>>) target(%arg5 : memref<64xi32, #tpu.memory_space<vmem>>) target_semaphore(%run_scoped3A : memref<!tpu.dma_semaphore, #tpu.memory_space<semaphore_mem>>)
      %dma_wait3A_9 = tpu.memref_slice %arg3[%mul3A_2] : memref<2048xi32, #tpu.memory_space<hbm>> -> memref<64xi32, #tpu.memory_space<hbm>>
      %dma_wait3A_10 = tpu.memref_slice %arg3[%mul3A_2] : memref<2048xi32, #tpu.memory_space<hbm>> -> memref<64xi32, #tpu.memory_space<hbm>>
      tpu.wait_dma2 semaphore(%run_scoped3A : memref<!tpu.dma_semaphore, #tpu.memory_space<semaphore_mem>>) src(%dma_wait3A_10 : memref<64xi32, #tpu.memory_space<hbm>>) dst(%arg5 : memref<64xi32, #tpu.memory_space<vmem>>)
      tpu.yield
    }) : () -> ()
    %dma_start3A = arith.constant 0 : i32
    %dma_start3A_3 = arith.constant 0 : i32
    %dma_start3A_4 = tpu.memref_slice %arg2[%dma_start3A, %dma_start3A_3] : memref<2048x768xf32, #tpu.memory_space<hbm>> -> memref<2048x768xf32, #tpu.memory_space<hbm>>
    tpu.enqueue_indirect_dma source(%dma_start3A_4 : memref<2048x768xf32, #tpu.memory_space<hbm>>) target(%arg6 : memref<64x768xf32, #tpu.memory_space<vmem>>) offsets(%arg5 : memref<64xi32, #tpu.memory_space<vmem>>) semaphore(%arg7 : memref<!tpu.dma_semaphore, #tpu.memory_space<semaphore_mem>>)
    %dma_wait3A = arith.constant 0 : i32
    %dma_wait3A_5 = arith.constant 0 : i32
    %dma_wait3A_6 = tpu.memref_slice %arg2[%dma_wait3A, %dma_wait3A_5] : memref<2048x768xf32, #tpu.memory_space<hbm>> -> memref<2048x768xf32, #tpu.memory_space<hbm>>
    tpu.wait_indirect_dma semaphore(%arg7 : memref<!tpu.dma_semaphore, #tpu.memory_space<semaphore_mem>>) src(%dma_wait3A_6 : memref<2048x768xf32, #tpu.memory_space<hbm>>) dst(%arg6 : memref<64x768xf32, #tpu.memory_space<vmem>>)
    "tpu.region"() ({
      %run_scoped3A = tpu.sem_alloc : memref<!tpu.dma_semaphore, #tpu.memory_space<semaphore_mem>>
      %dma_start3A_7 = arith.constant 0 : i32
      %dma_start3A_8 = tpu.memref_slice %arg4[%mul3A_2, %dma_start3A_7] : memref<2048x768xf32, #tpu.memory_space<hbm>> -> memref<64x768xf32, #tpu.memory_space<hbm>>
      %dma_start3A_9 = arith.constant 0 : i32
      %dma_start3A_10 = tpu.memref_slice %arg4[%mul3A_2, %dma_start3A_9] : memref<2048x768xf32, #tpu.memory_space<hbm>> -> memref<64x768xf32, #tpu.memory_space<hbm>>
      tpu.enqueue_dma source(%arg6 : memref<64x768xf32, #tpu.memory_space<vmem>>) target(%dma_start3A_10 : memref<64x768xf32, #tpu.memory_space<hbm>>) target_semaphore(%run_scoped3A : memref<!tpu.dma_semaphore, #tpu.memory_space<semaphore_mem>>)
      %dma_wait3A_11 = arith.constant 0 : i32
      %dma_wait3A_12 = tpu.memref_slice %arg4[%mul3A_2, %dma_wait3A_11] : memref<2048x768xf32, #tpu.memory_space<hbm>> -> memref<64x768xf32, #tpu.memory_space<hbm>>
      %dma_wait3A_13 = arith.constant 0 : i32
      %dma_wait3A_14 = tpu.memref_slice %arg4[%mul3A_2, %dma_wait3A_13] : memref<2048x768xf32, #tpu.memory_space<hbm>> -> memref<64x768xf32, #tpu.memory_space<hbm>>
      tpu.wait_dma2 semaphore(%run_scoped3A : memref<!tpu.dma_semaphore, #tpu.memory_space<semaphore_mem>>) src(%arg6 : memref<64x768xf32, #tpu.memory_space<vmem>>) dst(%dma_wait3A_14 : memref<64x768xf32, #tpu.memory_space<hbm>>)
      tpu.yield
    }) : () -> ()
    return
  }
}

module attributes {stable_mosaic.version = 14 : i64} {
  func.func @_routing_body(%arg0: memref<2048x768xf32, #tpu.memory_space<vmem>>, %arg1: memref<64x768xf32, #tpu.memory_space<vmem>>, %arg2: memref<2048x896xf32, #tpu.memory_space<vmem>>, %arg3: memref<2048x1xi32, #tpu.memory_space<vmem>>, %arg4: memref<1x65xi32, #tpu.memory_space<vmem>>) attributes {dimension_semantics = [], scalar_prefetch = 0 : i64, scratch_operands = 0 : i64, tpu.core_type = #tpu.core_type<tc>} {
    %get3A = arith.constant 0 : index
    %get3A_0 = arith.constant 0 : index
    %get3A_1 = vector.load %arg0[%get3A, %get3A_0] : memref<2048x768xf32, #tpu.memory_space<vmem>>, vector<2048x768xf32>
    %get3A_2 = arith.constant 0 : index
    %get3A_3 = arith.constant 0 : index
    %get3A_4 = vector.load %arg1[%get3A_2, %get3A_3] : memref<64x768xf32, #tpu.memory_space<vmem>>, vector<64x768xf32>
    %dot_general3A = arith.constant dense<0.000000e+00> : vector<2048x64xf32>
    %dot_general3A_5 = tpu.matmul %get3A_1, %get3A_4, %dot_general3A {dimension_numbers = #tpu.dot_dimension_numbers<[1], [1], [0], [0], [0, 0, 1, 0], [], []>, transpose_lhs_hint = false} : vector<2048x768xf32>, vector<64x768xf32>, vector<2048x64xf32> -> vector<2048x64xf32>
    %reduce_max3A = arith.constant dense<0xFF800000> : vector<2048xf32>
    %reduce_max3A_6 = vector.multi_reduction <maximumf>, %dot_general3A_5, %reduce_max3A [1] : vector<2048x64xf32> to vector<2048xf32>
    %broadcast_in_dim3A = vector.shape_cast %reduce_max3A_6 : vector<2048xf32> to vector<2048x1xf32>
    %sub3A = vector.broadcast %broadcast_in_dim3A : vector<2048x1xf32> to vector<2048x64xf32>
    %sub3A_7 = arith.subf %dot_general3A_5, %sub3A : vector<2048x64xf32>
    %exp3A = math.exp %sub3A_7 : vector<2048x64xf32>
    %reduce_sum3A = arith.constant dense<0.000000e+00> : vector<2048xf32>
    %reduce_sum3A_8 = vector.multi_reduction <add>, %exp3A, %reduce_sum3A [1] : vector<2048x64xf32> to vector<2048xf32>
    %broadcast_in_dim3A_9 = vector.shape_cast %reduce_sum3A_8 : vector<2048xf32> to vector<2048x1xf32>
    %div3A = arith.constant 1.000000e+00 : f32
    %div3A_10 = vector.broadcast %div3A : f32 to vector<2048x1xf32>
    %div3A_11 = arith.divf %div3A_10, %broadcast_in_dim3A_9 : vector<2048x1xf32>
    %iota3A = tpu.iota {dimensions = array<i32: 1>} : vector<2048x64xi32>
    %eq3A = vector.broadcast %broadcast_in_dim3A : vector<2048x1xf32> to vector<2048x64xf32>
    %eq3A_12 = arith.cmpf oeq, %dot_general3A_5, %eq3A : vector<2048x64xf32>
    %jit3A = arith.constant 64 : i32
    %broadcast_in_dim3A_13 = vector.broadcast %jit3A : i32 to vector<2048x64xi32>
    %select_n3A = arith.select %eq3A_12, %iota3A, %broadcast_in_dim3A_13 : vector<2048x64xi1>, vector<2048x64xi32>
    %reduce_min3A = arith.constant dense<2147483647> : vector<2048xi32>
    %reduce_min3A_14 = vector.multi_reduction <minsi>, %select_n3A, %reduce_min3A [1] : vector<2048x64xi32> to vector<2048xi32>
    %broadcast_in_dim3A_15 = vector.shape_cast %reduce_min3A_14 : vector<2048xi32> to vector<2048x1xi32>
    %mul3A = vector.broadcast %div3A_11 : vector<2048x1xf32> to vector<2048x768xf32>
    %mul3A_16 = arith.mulf %get3A_1, %mul3A : vector<2048x768xf32>
    %swap3A = arith.constant 0 : index
    %swap3A_17 = arith.constant 0 : index
    %swap3A_18 = vector.load %arg2[%swap3A, %swap3A_17] : memref<2048x896xf32, #tpu.memory_space<vmem>>, vector<2048x768xf32>
    tpu.vector_store %arg2[%swap3A, %swap3A_17], %mul3A_16 {strides = array<i32>} : memref<2048x896xf32, #tpu.memory_space<vmem>>, vector<2048x768xf32>,
    %broadcast_in_dim3A_19 = vector.shape_cast %div3A_11 : vector<2048x1xf32> to vector<2048x1xf32>
    %broadcast_in_dim3A_20 = vector.broadcast %broadcast_in_dim3A_19 : vector<2048x1xf32> to vector<2048x128xf32>
    %swap3A_21 = arith.constant 0 : index
    %swap3A_22 = arith.constant 768 : index
    %swap3A_23 = vector.load %arg2[%swap3A_21, %swap3A_22] : memref<2048x896xf32, #tpu.memory_space<vmem>>, vector<2048x128xf32>
    tpu.vector_store %arg2[%swap3A_21, %swap3A_22], %broadcast_in_dim3A_20 {strides = array<i32>} : memref<2048x896xf32, #tpu.memory_space<vmem>>, vector<2048x128xf32>,
    %iota3A_24 = tpu.iota {dimensions = array<i32: 0>} : vector<128x128xi32>
    %iota3A_25 = tpu.iota {dimensions = array<i32: 1>} : vector<128x128xi32>
    %lt3A = arith.cmpi slt, %iota3A_25, %iota3A_24 : vector<128x128xi32>
    %convert_element_type3A = arith.extui %lt3A : vector<128x128xi1> to vector<128x128xi32>
    %convert_element_type3A_26 = arith.sitofp %convert_element_type3A : vector<128x128xi32> to vector<128x128xf32>
    %iota3A_27 = tpu.iota {dimensions = array<i32: 1>} : vector<128x64xi32>
    %broadcast_in_dim3A_28 = arith.constant 0.000000e+00 : f32
    %broadcast_in_dim3A_29 = vector.broadcast %broadcast_in_dim3A_28 : f32 to vector<1x64xf32>
    %slice3A = vector.extract_strided_slice %broadcast_in_dim3A_15 {offsets = [0, 0], sizes = [128, 1], strides = [1, 1]} : vector<2048x1xi32> to vector<128x1xi32>
    %eq3A_30 = vector.broadcast %slice3A : vector<128x1xi32> to vector<128x64xi32>
    %eq3A_31 = arith.cmpi eq, %iota3A_27, %eq3A_30 : vector<128x64xi32>
    %convert_element_type3A_32 = arith.extui %eq3A_31 : vector<128x64xi1> to vector<128x64xi32>
    %convert_element_type3A_33 = arith.sitofp %convert_element_type3A_32 : vector<128x64xi32> to vector<128x64xf32>
    %dot_general3A_34 = arith.constant dense<0.000000e+00> : vector<128x64xf32>
    %dot_general3A_35 = tpu.matmul %convert_element_type3A_26, %convert_element_type3A_33, %dot_general3A_34 {dimension_numbers = #tpu.dot_dimension_numbers<[1], [0], [0], [1], [0, 0, 1, 1], [], []>, transpose_lhs_hint = false} : vector<128x128xf32>, vector<128x64xf32>, vector<128x64xf32> -> vector<128x64xf32>
    %add3A = vector.broadcast %broadcast_in_dim3A_29 : vector<1x64xf32> to vector<128x64xf32>
    %add3A_36 = arith.addf %dot_general3A_35, %add3A : vector<128x64xf32>
    %mul3A_37 = arith.mulf %add3A_36, %convert_element_type3A_33 : vector<128x64xf32>
    %reduce_sum3A_38 = arith.constant dense<0.000000e+00> : vector<128xf32>
    %reduce_sum3A_39 = vector.multi_reduction <add>, %mul3A_37, %reduce_sum3A_38 [1] : vector<128x64xf32> to vector<128xf32>
    %broadcast_in_dim3A_40 = vector.shape_cast %reduce_sum3A_39 : vector<128xf32> to vector<128x1xf32>
    %reduce_sum3A_41 = arith.constant dense<0.000000e+00> : vector<64xf32>
    %reduce_sum3A_42 = vector.multi_reduction <add>, %convert_element_type3A_33, %reduce_sum3A_41 [0] : vector<128x64xf32> to vector<64xf32>
    %broadcast_in_dim3A_43 = vector.shape_cast %reduce_sum3A_42 : vector<64xf32> to vector<1x64xf32>
    %add3A_44 = arith.addf %broadcast_in_dim3A_29, %broadcast_in_dim3A_43 : vector<1x64xf32>
    %slice3A_45 = vector.extract_strided_slice %broadcast_in_dim3A_15 {offsets = [128, 0], sizes = [128, 1], strides = [1, 1]} : vector<2048x1xi32> to vector<128x1xi32>
    %eq3A_46 = vector.broadcast %slice3A_45 : vector<128x1xi32> to vector<128x64xi32>
    %eq3A_47 = arith.cmpi eq, %iota3A_27, %eq3A_46 : vector<128x64xi32>
    %convert_element_type3A_48 = arith.extui %eq3A_47 : vector<128x64xi1> to vector<128x64xi32>
    %convert_element_type3A_49 = arith.sitofp %convert_element_type3A_48 : vector<128x64xi32> to vector<128x64xf32>
    %dot_general3A_50 = arith.constant dense<0.000000e+00> : vector<128x64xf32>
    %dot_general3A_51 = tpu.matmul %convert_element_type3A_26, %convert_element_type3A_49, %dot_general3A_50 {dimension_numbers = #tpu.dot_dimension_numbers<[1], [0], [0], [1], [0, 0, 1, 1], [], []>, transpose_lhs_hint = false} : vector<128x128xf32>, vector<128x64xf32>, vector<128x64xf32> -> vector<128x64xf32>
    %add3A_52 = vector.broadcast %add3A_44 : vector<1x64xf32> to vector<128x64xf32>
    %add3A_53 = arith.addf %dot_general3A_51, %add3A_52 : vector<128x64xf32>
    %mul3A_54 = arith.mulf %add3A_53, %convert_element_type3A_49 : vector<128x64xf32>
    %reduce_sum3A_55 = arith.constant dense<0.000000e+00> : vector<128xf32>
    %reduce_sum3A_56 = vector.multi_reduction <add>, %mul3A_54, %reduce_sum3A_55 [1] : vector<128x64xf32> to vector<128xf32>
    %broadcast_in_dim3A_57 = vector.shape_cast %reduce_sum3A_56 : vector<128xf32> to vector<128x1xf32>
    %reduce_sum3A_58 = arith.constant dense<0.000000e+00> : vector<64xf32>
    %reduce_sum3A_59 = vector.multi_reduction <add>, %convert_element_type3A_49, %reduce_sum3A_58 [0] : vector<128x64xf32> to vector<64xf32>
    %broadcast_in_dim3A_60 = vector.shape_cast %reduce_sum3A_59 : vector<64xf32> to vector<1x64xf32>
    %add3A_61 = arith.addf %add3A_44, %broadcast_in_dim3A_60 : vector<1x64xf32>
    %slice3A_62 = vector.extract_strided_slice %broadcast_in_dim3A_15 {offsets = [256, 0], sizes = [128, 1], strides = [1, 1]} : vector<2048x1xi32> to vector<128x1xi32>
    %eq3A_63 = vector.broadcast %slice3A_62 : vector<128x1xi32> to vector<128x64xi32>
    %eq3A_64 = arith.cmpi eq, %iota3A_27, %eq3A_63 : vector<128x64xi32>
    %convert_element_type3A_65 = arith.extui %eq3A_64 : vector<128x64xi1> to vector<128x64xi32>
    %convert_element_type3A_66 = arith.sitofp %convert_element_type3A_65 : vector<128x64xi32> to vector<128x64xf32>
    %dot_general3A_67 = arith.constant dense<0.000000e+00> : vector<128x64xf32>
    %dot_general3A_68 = tpu.matmul %convert_element_type3A_26, %convert_element_type3A_66, %dot_general3A_67 {dimension_numbers = #tpu.dot_dimension_numbers<[1], [0], [0], [1], [0, 0, 1, 1], [], []>, transpose_lhs_hint = false} : vector<128x128xf32>, vector<128x64xf32>, vector<128x64xf32> -> vector<128x64xf32>
    %add3A_69 = vector.broadcast %add3A_61 : vector<1x64xf32> to vector<128x64xf32>
    %add3A_70 = arith.addf %dot_general3A_68, %add3A_69 : vector<128x64xf32>
    %mul3A_71 = arith.mulf %add3A_70, %convert_element_type3A_66 : vector<128x64xf32>
    %reduce_sum3A_72 = arith.constant dense<0.000000e+00> : vector<128xf32>
    %reduce_sum3A_73 = vector.multi_reduction <add>, %mul3A_71, %reduce_sum3A_72 [1] : vector<128x64xf32> to vector<128xf32>
    %broadcast_in_dim3A_74 = vector.shape_cast %reduce_sum3A_73 : vector<128xf32> to vector<128x1xf32>
    %reduce_sum3A_75 = arith.constant dense<0.000000e+00> : vector<64xf32>
    %reduce_sum3A_76 = vector.multi_reduction <add>, %convert_element_type3A_66, %reduce_sum3A_75 [0] : vector<128x64xf32> to vector<64xf32>
    %broadcast_in_dim3A_77 = vector.shape_cast %reduce_sum3A_76 : vector<64xf32> to vector<1x64xf32>
    %add3A_78 = arith.addf %add3A_61, %broadcast_in_dim3A_77 : vector<1x64xf32>
    %slice3A_79 = vector.extract_strided_slice %broadcast_in_dim3A_15 {offsets = [384, 0], sizes = [128, 1], strides = [1, 1]} : vector<2048x1xi32> to vector<128x1xi32>
    %eq3A_80 = vector.broadcast %slice3A_79 : vector<128x1xi32> to vector<128x64xi32>
    %eq3A_81 = arith.cmpi eq, %iota3A_27, %eq3A_80 : vector<128x64xi32>
    %convert_element_type3A_82 = arith.extui %eq3A_81 : vector<128x64xi1> to vector<128x64xi32>
    %convert_element_type3A_83 = arith.sitofp %convert_element_type3A_82 : vector<128x64xi32> to vector<128x64xf32>
    %dot_general3A_84 = arith.constant dense<0.000000e+00> : vector<128x64xf32>
    %dot_general3A_85 = tpu.matmul %convert_element_type3A_26, %convert_element_type3A_83, %dot_general3A_84 {dimension_numbers = #tpu.dot_dimension_numbers<[1], [0], [0], [1], [0, 0, 1, 1], [], []>, transpose_lhs_hint = false} : vector<128x128xf32>, vector<128x64xf32>, vector<128x64xf32> -> vector<128x64xf32>
    %add3A_86 = vector.broadcast %add3A_78 : vector<1x64xf32> to vector<128x64xf32>
    %add3A_87 = arith.addf %dot_general3A_85, %add3A_86 : vector<128x64xf32>
    %mul3A_88 = arith.mulf %add3A_87, %convert_element_type3A_83 : vector<128x64xf32>
    %reduce_sum3A_89 = arith.constant dense<0.000000e+00> : vector<128xf32>
    %reduce_sum3A_90 = vector.multi_reduction <add>, %mul3A_88, %reduce_sum3A_89 [1] : vector<128x64xf32> to vector<128xf32>
    %broadcast_in_dim3A_91 = vector.shape_cast %reduce_sum3A_90 : vector<128xf32> to vector<128x1xf32>
    %reduce_sum3A_92 = arith.constant dense<0.000000e+00> : vector<64xf32>
    %reduce_sum3A_93 = vector.multi_reduction <add>, %convert_element_type3A_83, %reduce_sum3A_92 [0] : vector<128x64xf32> to vector<64xf32>
    %broadcast_in_dim3A_94 = vector.shape_cast %reduce_sum3A_93 : vector<64xf32> to vector<1x64xf32>
    %add3A_95 = arith.addf %add3A_78, %broadcast_in_dim3A_94 : vector<1x64xf32>
    %slice3A_96 = vector.extract_strided_slice %broadcast_in_dim3A_15 {offsets = [512, 0], sizes = [128, 1], strides = [1, 1]} : vector<2048x1xi32> to vector<128x1xi32>
    %eq3A_97 = vector.broadcast %slice3A_96 : vector<128x1xi32> to vector<128x64xi32>
    %eq3A_98 = arith.cmpi eq, %iota3A_27, %eq3A_97 : vector<128x64xi32>
    %convert_element_type3A_99 = arith.extui %eq3A_98 : vector<128x64xi1> to vector<128x64xi32>
    %convert_element_type3A_100 = arith.sitofp %convert_element_type3A_99 : vector<128x64xi32> to vector<128x64xf32>
    %dot_general3A_101 = arith.constant dense<0.000000e+00> : vector<128x64xf32>
    %dot_general3A_102 = tpu.matmul %convert_element_type3A_26, %convert_element_type3A_100, %dot_general3A_101 {dimension_numbers = #tpu.dot_dimension_numbers<[1], [0], [0], [1], [0, 0, 1, 1], [], []>, transpose_lhs_hint = false} : vector<128x128xf32>, vector<128x64xf32>, vector<128x64xf32> -> vector<128x64xf32>
    %add3A_103 = vector.broadcast %add3A_95 : vector<1x64xf32> to vector<128x64xf32>
    %add3A_104 = arith.addf %dot_general3A_102, %add3A_103 : vector<128x64xf32>
    %mul3A_105 = arith.mulf %add3A_104, %convert_element_type3A_100 : vector<128x64xf32>
    %reduce_sum3A_106 = arith.constant dense<0.000000e+00> : vector<128xf32>
    %reduce_sum3A_107 = vector.multi_reduction <add>, %mul3A_105, %reduce_sum3A_106 [1] : vector<128x64xf32> to vector<128xf32>
    %broadcast_in_dim3A_108 = vector.shape_cast %reduce_sum3A_107 : vector<128xf32> to vector<128x1xf32>
    %reduce_sum3A_109 = arith.constant dense<0.000000e+00> : vector<64xf32>
    %reduce_sum3A_110 = vector.multi_reduction <add>, %convert_element_type3A_100, %reduce_sum3A_109 [0] : vector<128x64xf32> to vector<64xf32>
    %broadcast_in_dim3A_111 = vector.shape_cast %reduce_sum3A_110 : vector<64xf32> to vector<1x64xf32>
    %add3A_112 = arith.addf %add3A_95, %broadcast_in_dim3A_111 : vector<1x64xf32>
    %slice3A_113 = vector.extract_strided_slice %broadcast_in_dim3A_15 {offsets = [640, 0], sizes = [128, 1], strides = [1, 1]} : vector<2048x1xi32> to vector<128x1xi32>
    %eq3A_114 = vector.broadcast %slice3A_113 : vector<128x1xi32> to vector<128x64xi32>
    %eq3A_115 = arith.cmpi eq, %iota3A_27, %eq3A_114 : vector<128x64xi32>
    %convert_element_type3A_116 = arith.extui %eq3A_115 : vector<128x64xi1> to vector<128x64xi32>
    %convert_element_type3A_117 = arith.sitofp %convert_element_type3A_116 : vector<128x64xi32> to vector<128x64xf32>
    %dot_general3A_118 = arith.constant dense<0.000000e+00> : vector<128x64xf32>
    %dot_general3A_119 = tpu.matmul %convert_element_type3A_26, %convert_element_type3A_117, %dot_general3A_118 {dimension_numbers = #tpu.dot_dimension_numbers<[1], [0], [0], [1], [0, 0, 1, 1], [], []>, transpose_lhs_hint = false} : vector<128x128xf32>, vector<128x64xf32>, vector<128x64xf32> -> vector<128x64xf32>
    %add3A_120 = vector.broadcast %add3A_112 : vector<1x64xf32> to vector<128x64xf32>
    %add3A_121 = arith.addf %dot_general3A_119, %add3A_120 : vector<128x64xf32>
    %mul3A_122 = arith.mulf %add3A_121, %convert_element_type3A_117 : vector<128x64xf32>
    %reduce_sum3A_123 = arith.constant dense<0.000000e+00> : vector<128xf32>
    %reduce_sum3A_124 = vector.multi_reduction <add>, %mul3A_122, %reduce_sum3A_123 [1] : vector<128x64xf32> to vector<128xf32>
    %broadcast_in_dim3A_125 = vector.shape_cast %reduce_sum3A_124 : vector<128xf32> to vector<128x1xf32>
    %reduce_sum3A_126 = arith.constant dense<0.000000e+00> : vector<64xf32>
    %reduce_sum3A_127 = vector.multi_reduction <add>, %convert_element_type3A_117, %reduce_sum3A_126 [0] : vector<128x64xf32> to vector<64xf32>
    %broadcast_in_dim3A_128 = vector.shape_cast %reduce_sum3A_127 : vector<64xf32> to vector<1x64xf32>
    %add3A_129 = arith.addf %add3A_112, %broadcast_in_dim3A_128 : vector<1x64xf32>
    %slice3A_130 = vector.extract_strided_slice %broadcast_in_dim3A_15 {offsets = [768, 0], sizes = [128, 1], strides = [1, 1]} : vector<2048x1xi32> to vector<128x1xi32>
    %eq3A_131 = vector.broadcast %slice3A_130 : vector<128x1xi32> to vector<128x64xi32>
    %eq3A_132 = arith.cmpi eq, %iota3A_27, %eq3A_131 : vector<128x64xi32>
    %convert_element_type3A_133 = arith.extui %eq3A_132 : vector<128x64xi1> to vector<128x64xi32>
    %convert_element_type3A_134 = arith.sitofp %convert_element_type3A_133 : vector<128x64xi32> to vector<128x64xf32>
    %dot_general3A_135 = arith.constant dense<0.000000e+00> : vector<128x64xf32>
    %dot_general3A_136 = tpu.matmul %convert_element_type3A_26, %convert_element_type3A_134, %dot_general3A_135 {dimension_numbers = #tpu.dot_dimension_numbers<[1], [0], [0], [1], [0, 0, 1, 1], [], []>, transpose_lhs_hint = false} : vector<128x128xf32>, vector<128x64xf32>, vector<128x64xf32> -> vector<128x64xf32>
    %add3A_137 = vector.broadcast %add3A_129 : vector<1x64xf32> to vector<128x64xf32>
    %add3A_138 = arith.addf %dot_general3A_136, %add3A_137 : vector<128x64xf32>
    %mul3A_139 = arith.mulf %add3A_138, %convert_element_type3A_134 : vector<128x64xf32>
    %reduce_sum3A_140 = arith.constant dense<0.000000e+00> : vector<128xf32>
    %reduce_sum3A_141 = vector.multi_reduction <add>, %mul3A_139, %reduce_sum3A_140 [1] : vector<128x64xf32> to vector<128xf32>
    %broadcast_in_dim3A_142 = vector.shape_cast %reduce_sum3A_141 : vector<128xf32> to vector<128x1xf32>
    %reduce_sum3A_143 = arith.constant dense<0.000000e+00> : vector<64xf32>
    %reduce_sum3A_144 = vector.multi_reduction <add>, %convert_element_type3A_134, %reduce_sum3A_143 [0] : vector<128x64xf32> to vector<64xf32>
    %broadcast_in_dim3A_145 = vector.shape_cast %reduce_sum3A_144 : vector<64xf32> to vector<1x64xf32>
    %add3A_146 = arith.addf %add3A_129, %broadcast_in_dim3A_145 : vector<1x64xf32>
    %slice3A_147 = vector.extract_strided_slice %broadcast_in_dim3A_15 {offsets = [896, 0], sizes = [128, 1], strides = [1, 1]} : vector<2048x1xi32> to vector<128x1xi32>
    %eq3A_148 = vector.broadcast %slice3A_147 : vector<128x1xi32> to vector<128x64xi32>
    %eq3A_149 = arith.cmpi eq, %iota3A_27, %eq3A_148 : vector<128x64xi32>
    %convert_element_type3A_150 = arith.extui %eq3A_149 : vector<128x64xi1> to vector<128x64xi32>
    %convert_element_type3A_151 = arith.sitofp %convert_element_type3A_150 : vector<128x64xi32> to vector<128x64xf32>
    %dot_general3A_152 = arith.constant dense<0.000000e+00> : vector<128x64xf32>
    %dot_general3A_153 = tpu.matmul %convert_element_type3A_26, %convert_element_type3A_151, %dot_general3A_152 {dimension_numbers = #tpu.dot_dimension_numbers<[1], [0], [0], [1], [0, 0, 1, 1], [], []>, transpose_lhs_hint = false} : vector<128x128xf32>, vector<128x64xf32>, vector<128x64xf32> -> vector<128x64xf32>
    %add3A_154 = vector.broadcast %add3A_146 : vector<1x64xf32> to vector<128x64xf32>
    %add3A_155 = arith.addf %dot_general3A_153, %add3A_154 : vector<128x64xf32>
    %mul3A_156 = arith.mulf %add3A_155, %convert_element_type3A_151 : vector<128x64xf32>
    %reduce_sum3A_157 = arith.constant dense<0.000000e+00> : vector<128xf32>
    %reduce_sum3A_158 = vector.multi_reduction <add>, %mul3A_156, %reduce_sum3A_157 [1] : vector<128x64xf32> to vector<128xf32>
    %broadcast_in_dim3A_159 = vector.shape_cast %reduce_sum3A_158 : vector<128xf32> to vector<128x1xf32>
    %reduce_sum3A_160 = arith.constant dense<0.000000e+00> : vector<64xf32>
    %reduce_sum3A_161 = vector.multi_reduction <add>, %convert_element_type3A_151, %reduce_sum3A_160 [0] : vector<128x64xf32> to vector<64xf32>
    %broadcast_in_dim3A_162 = vector.shape_cast %reduce_sum3A_161 : vector<64xf32> to vector<1x64xf32>
    %add3A_163 = arith.addf %add3A_146, %broadcast_in_dim3A_162 : vector<1x64xf32>
    %slice3A_164 = vector.extract_strided_slice %broadcast_in_dim3A_15 {offsets = [1024, 0], sizes = [128, 1], strides = [1, 1]} : vector<2048x1xi32> to vector<128x1xi32>
    %eq3A_165 = vector.broadcast %slice3A_164 : vector<128x1xi32> to vector<128x64xi32>
    %eq3A_166 = arith.cmpi eq, %iota3A_27, %eq3A_165 : vector<128x64xi32>
    %convert_element_type3A_167 = arith.extui %eq3A_166 : vector<128x64xi1> to vector<128x64xi32>
    %convert_element_type3A_168 = arith.sitofp %convert_element_type3A_167 : vector<128x64xi32> to vector<128x64xf32>
    %dot_general3A_169 = arith.constant dense<0.000000e+00> : vector<128x64xf32>
    %dot_general3A_170 = tpu.matmul %convert_element_type3A_26, %convert_element_type3A_168, %dot_general3A_169 {dimension_numbers = #tpu.dot_dimension_numbers<[1], [0], [0], [1], [0, 0, 1, 1], [], []>, transpose_lhs_hint = false} : vector<128x128xf32>, vector<128x64xf32>, vector<128x64xf32> -> vector<128x64xf32>
    %add3A_171 = vector.broadcast %add3A_163 : vector<1x64xf32> to vector<128x64xf32>
    %add3A_172 = arith.addf %dot_general3A_170, %add3A_171 : vector<128x64xf32>
    %mul3A_173 = arith.mulf %add3A_172, %convert_element_type3A_168 : vector<128x64xf32>
    %reduce_sum3A_174 = arith.constant dense<0.000000e+00> : vector<128xf32>
    %reduce_sum3A_175 = vector.multi_reduction <add>, %mul3A_173, %reduce_sum3A_174 [1] : vector<128x64xf32> to vector<128xf32>
    %broadcast_in_dim3A_176 = vector.shape_cast %reduce_sum3A_175 : vector<128xf32> to vector<128x1xf32>
    %reduce_sum3A_177 = arith.constant dense<0.000000e+00> : vector<64xf32>
    %reduce_sum3A_178 = vector.multi_reduction <add>, %convert_element_type3A_168, %reduce_sum3A_177 [0] : vector<128x64xf32> to vector<64xf32>
    %broadcast_in_dim3A_179 = vector.shape_cast %reduce_sum3A_178 : vector<64xf32> to vector<1x64xf32>
    %add3A_180 = arith.addf %add3A_163, %broadcast_in_dim3A_179 : vector<1x64xf32>
    %slice3A_181 = vector.extract_strided_slice %broadcast_in_dim3A_15 {offsets = [1152, 0], sizes = [128, 1], strides = [1, 1]} : vector<2048x1xi32> to vector<128x1xi32>
    %eq3A_182 = vector.broadcast %slice3A_181 : vector<128x1xi32> to vector<128x64xi32>
    %eq3A_183 = arith.cmpi eq, %iota3A_27, %eq3A_182 : vector<128x64xi32>
    %convert_element_type3A_184 = arith.extui %eq3A_183 : vector<128x64xi1> to vector<128x64xi32>
    %convert_element_type3A_185 = arith.sitofp %convert_element_type3A_184 : vector<128x64xi32> to vector<128x64xf32>
    %dot_general3A_186 = arith.constant dense<0.000000e+00> : vector<128x64xf32>
    %dot_general3A_187 = tpu.matmul %convert_element_type3A_26, %convert_element_type3A_185, %dot_general3A_186 {dimension_numbers = #tpu.dot_dimension_numbers<[1], [0], [0], [1], [0, 0, 1, 1], [], []>, transpose_lhs_hint = false} : vector<128x128xf32>, vector<128x64xf32>, vector<128x64xf32> -> vector<128x64xf32>
    %add3A_188 = vector.broadcast %add3A_180 : vector<1x64xf32> to vector<128x64xf32>
    %add3A_189 = arith.addf %dot_general3A_187, %add3A_188 : vector<128x64xf32>
    %mul3A_190 = arith.mulf %add3A_189, %convert_element_type3A_185 : vector<128x64xf32>
    %reduce_sum3A_191 = arith.constant dense<0.000000e+00> : vector<128xf32>
    %reduce_sum3A_192 = vector.multi_reduction <add>, %mul3A_190, %reduce_sum3A_191 [1] : vector<128x64xf32> to vector<128xf32>
    %broadcast_in_dim3A_193 = vector.shape_cast %reduce_sum3A_192 : vector<128xf32> to vector<128x1xf32>
    %reduce_sum3A_194 = arith.constant dense<0.000000e+00> : vector<64xf32>
    %reduce_sum3A_195 = vector.multi_reduction <add>, %convert_element_type3A_185, %reduce_sum3A_194 [0] : vector<128x64xf32> to vector<64xf32>
    %broadcast_in_dim3A_196 = vector.shape_cast %reduce_sum3A_195 : vector<64xf32> to vector<1x64xf32>
    %add3A_197 = arith.addf %add3A_180, %broadcast_in_dim3A_196 : vector<1x64xf32>
    %slice3A_198 = vector.extract_strided_slice %broadcast_in_dim3A_15 {offsets = [1280, 0], sizes = [128, 1], strides = [1, 1]} : vector<2048x1xi32> to vector<128x1xi32>
    %eq3A_199 = vector.broadcast %slice3A_198 : vector<128x1xi32> to vector<128x64xi32>
    %eq3A_200 = arith.cmpi eq, %iota3A_27, %eq3A_199 : vector<128x64xi32>
    %convert_element_type3A_201 = arith.extui %eq3A_200 : vector<128x64xi1> to vector<128x64xi32>
    %convert_element_type3A_202 = arith.sitofp %convert_element_type3A_201 : vector<128x64xi32> to vector<128x64xf32>
    %dot_general3A_203 = arith.constant dense<0.000000e+00> : vector<128x64xf32>
    %dot_general3A_204 = tpu.matmul %convert_element_type3A_26, %convert_element_type3A_202, %dot_general3A_203 {dimension_numbers = #tpu.dot_dimension_numbers<[1], [0], [0], [1], [0, 0, 1, 1], [], []>, transpose_lhs_hint = false} : vector<128x128xf32>, vector<128x64xf32>, vector<128x64xf32> -> vector<128x64xf32>
    %add3A_205 = vector.broadcast %add3A_197 : vector<1x64xf32> to vector<128x64xf32>
    %add3A_206 = arith.addf %dot_general3A_204, %add3A_205 : vector<128x64xf32>
    %mul3A_207 = arith.mulf %add3A_206, %convert_element_type3A_202 : vector<128x64xf32>
    %reduce_sum3A_208 = arith.constant dense<0.000000e+00> : vector<128xf32>
    %reduce_sum3A_209 = vector.multi_reduction <add>, %mul3A_207, %reduce_sum3A_208 [1] : vector<128x64xf32> to vector<128xf32>
    %broadcast_in_dim3A_210 = vector.shape_cast %reduce_sum3A_209 : vector<128xf32> to vector<128x1xf32>
    %reduce_sum3A_211 = arith.constant dense<0.000000e+00> : vector<64xf32>
    %reduce_sum3A_212 = vector.multi_reduction <add>, %convert_element_type3A_202, %reduce_sum3A_211 [0] : vector<128x64xf32> to vector<64xf32>
    %broadcast_in_dim3A_213 = vector.shape_cast %reduce_sum3A_212 : vector<64xf32> to vector<1x64xf32>
    %add3A_214 = arith.addf %add3A_197, %broadcast_in_dim3A_213 : vector<1x64xf32>
    %slice3A_215 = vector.extract_strided_slice %broadcast_in_dim3A_15 {offsets = [1408, 0], sizes = [128, 1], strides = [1, 1]} : vector<2048x1xi32> to vector<128x1xi32>
    %eq3A_216 = vector.broadcast %slice3A_215 : vector<128x1xi32> to vector<128x64xi32>
    %eq3A_217 = arith.cmpi eq, %iota3A_27, %eq3A_216 : vector<128x64xi32>
    %convert_element_type3A_218 = arith.extui %eq3A_217 : vector<128x64xi1> to vector<128x64xi32>
    %convert_element_type3A_219 = arith.sitofp %convert_element_type3A_218 : vector<128x64xi32> to vector<128x64xf32>
    %dot_general3A_220 = arith.constant dense<0.000000e+00> : vector<128x64xf32>
    %dot_general3A_221 = tpu.matmul %convert_element_type3A_26, %convert_element_type3A_219, %dot_general3A_220 {dimension_numbers = #tpu.dot_dimension_numbers<[1], [0], [0], [1], [0, 0, 1, 1], [], []>, transpose_lhs_hint = false} : vector<128x128xf32>, vector<128x64xf32>, vector<128x64xf32> -> vector<128x64xf32>
    %add3A_222 = vector.broadcast %add3A_214 : vector<1x64xf32> to vector<128x64xf32>
    %add3A_223 = arith.addf %dot_general3A_221, %add3A_222 : vector<128x64xf32>
    %mul3A_224 = arith.mulf %add3A_223, %convert_element_type3A_219 : vector<128x64xf32>
    %reduce_sum3A_225 = arith.constant dense<0.000000e+00> : vector<128xf32>
    %reduce_sum3A_226 = vector.multi_reduction <add>, %mul3A_224, %reduce_sum3A_225 [1] : vector<128x64xf32> to vector<128xf32>
    %broadcast_in_dim3A_227 = vector.shape_cast %reduce_sum3A_226 : vector<128xf32> to vector<128x1xf32>
    %reduce_sum3A_228 = arith.constant dense<0.000000e+00> : vector<64xf32>
    %reduce_sum3A_229 = vector.multi_reduction <add>, %convert_element_type3A_219, %reduce_sum3A_228 [0] : vector<128x64xf32> to vector<64xf32>
    %broadcast_in_dim3A_230 = vector.shape_cast %reduce_sum3A_229 : vector<64xf32> to vector<1x64xf32>
    %add3A_231 = arith.addf %add3A_214, %broadcast_in_dim3A_230 : vector<1x64xf32>
    %slice3A_232 = vector.extract_strided_slice %broadcast_in_dim3A_15 {offsets = [1536, 0], sizes = [128, 1], strides = [1, 1]} : vector<2048x1xi32> to vector<128x1xi32>
    %eq3A_233 = vector.broadcast %slice3A_232 : vector<128x1xi32> to vector<128x64xi32>
    %eq3A_234 = arith.cmpi eq, %iota3A_27, %eq3A_233 : vector<128x64xi32>
    %convert_element_type3A_235 = arith.extui %eq3A_234 : vector<128x64xi1> to vector<128x64xi32>
    %convert_element_type3A_236 = arith.sitofp %convert_element_type3A_235 : vector<128x64xi32> to vector<128x64xf32>
    %dot_general3A_237 = arith.constant dense<0.000000e+00> : vector<128x64xf32>
    %dot_general3A_238 = tpu.matmul %convert_element_type3A_26, %convert_element_type3A_236, %dot_general3A_237 {dimension_numbers = #tpu.dot_dimension_numbers<[1], [0], [0], [1], [0, 0, 1, 1], [], []>, transpose_lhs_hint = false} : vector<128x128xf32>, vector<128x64xf32>, vector<128x64xf32> -> vector<128x64xf32>
    %add3A_239 = vector.broadcast %add3A_231 : vector<1x64xf32> to vector<128x64xf32>
    %add3A_240 = arith.addf %dot_general3A_238, %add3A_239 : vector<128x64xf32>
    %mul3A_241 = arith.mulf %add3A_240, %convert_element_type3A_236 : vector<128x64xf32>
    %reduce_sum3A_242 = arith.constant dense<0.000000e+00> : vector<128xf32>
    %reduce_sum3A_243 = vector.multi_reduction <add>, %mul3A_241, %reduce_sum3A_242 [1] : vector<128x64xf32> to vector<128xf32>
    %broadcast_in_dim3A_244 = vector.shape_cast %reduce_sum3A_243 : vector<128xf32> to vector<128x1xf32>
    %reduce_sum3A_245 = arith.constant dense<0.000000e+00> : vector<64xf32>
    %reduce_sum3A_246 = vector.multi_reduction <add>, %convert_element_type3A_236, %reduce_sum3A_245 [0] : vector<128x64xf32> to vector<64xf32>
    %broadcast_in_dim3A_247 = vector.shape_cast %reduce_sum3A_246 : vector<64xf32> to vector<1x64xf32>
    %add3A_248 = arith.addf %add3A_231, %broadcast_in_dim3A_247 : vector<1x64xf32>
    %slice3A_249 = vector.extract_strided_slice %broadcast_in_dim3A_15 {offsets = [1664, 0], sizes = [128, 1], strides = [1, 1]} : vector<2048x1xi32> to vector<128x1xi32>
    %eq3A_250 = vector.broadcast %slice3A_249 : vector<128x1xi32> to vector<128x64xi32>
    %eq3A_251 = arith.cmpi eq, %iota3A_27, %eq3A_250 : vector<128x64xi32>
    %convert_element_type3A_252 = arith.extui %eq3A_251 : vector<128x64xi1> to vector<128x64xi32>
    %convert_element_type3A_253 = arith.sitofp %convert_element_type3A_252 : vector<128x64xi32> to vector<128x64xf32>
    %dot_general3A_254 = arith.constant dense<0.000000e+00> : vector<128x64xf32>
    %dot_general3A_255 = tpu.matmul %convert_element_type3A_26, %convert_element_type3A_253, %dot_general3A_254 {dimension_numbers = #tpu.dot_dimension_numbers<[1], [0], [0], [1], [0, 0, 1, 1], [], []>, transpose_lhs_hint = false} : vector<128x128xf32>, vector<128x64xf32>, vector<128x64xf32> -> vector<128x64xf32>
    %add3A_256 = vector.broadcast %add3A_248 : vector<1x64xf32> to vector<128x64xf32>
    %add3A_257 = arith.addf %dot_general3A_255, %add3A_256 : vector<128x64xf32>
    %mul3A_258 = arith.mulf %add3A_257, %convert_element_type3A_253 : vector<128x64xf32>
    %reduce_sum3A_259 = arith.constant dense<0.000000e+00> : vector<128xf32>
    %reduce_sum3A_260 = vector.multi_reduction <add>, %mul3A_258, %reduce_sum3A_259 [1] : vector<128x64xf32> to vector<128xf32>
    %broadcast_in_dim3A_261 = vector.shape_cast %reduce_sum3A_260 : vector<128xf32> to vector<128x1xf32>
    %reduce_sum3A_262 = arith.constant dense<0.000000e+00> : vector<64xf32>
    %reduce_sum3A_263 = vector.multi_reduction <add>, %convert_element_type3A_253, %reduce_sum3A_262 [0] : vector<128x64xf32> to vector<64xf32>
    %broadcast_in_dim3A_264 = vector.shape_cast %reduce_sum3A_263 : vector<64xf32> to vector<1x64xf32>
    %add3A_265 = arith.addf %add3A_248, %broadcast_in_dim3A_264 : vector<1x64xf32>
    %slice3A_266 = vector.extract_strided_slice %broadcast_in_dim3A_15 {offsets = [1792, 0], sizes = [128, 1], strides = [1, 1]} : vector<2048x1xi32> to vector<128x1xi32>
    %eq3A_267 = vector.broadcast %slice3A_266 : vector<128x1xi32> to vector<128x64xi32>
    %eq3A_268 = arith.cmpi eq, %iota3A_27, %eq3A_267 : vector<128x64xi32>
    %convert_element_type3A_269 = arith.extui %eq3A_268 : vector<128x64xi1> to vector<128x64xi32>
    %convert_element_type3A_270 = arith.sitofp %convert_element_type3A_269 : vector<128x64xi32> to vector<128x64xf32>
    %dot_general3A_271 = arith.constant dense<0.000000e+00> : vector<128x64xf32>
    %dot_general3A_272 = tpu.matmul %convert_element_type3A_26, %convert_element_type3A_270, %dot_general3A_271 {dimension_numbers = #tpu.dot_dimension_numbers<[1], [0], [0], [1], [0, 0, 1, 1], [], []>, transpose_lhs_hint = false} : vector<128x128xf32>, vector<128x64xf32>, vector<128x64xf32> -> vector<128x64xf32>
    %add3A_273 = vector.broadcast %add3A_265 : vector<1x64xf32> to vector<128x64xf32>
    %add3A_274 = arith.addf %dot_general3A_272, %add3A_273 : vector<128x64xf32>
    %mul3A_275 = arith.mulf %add3A_274, %convert_element_type3A_270 : vector<128x64xf32>
    %reduce_sum3A_276 = arith.constant dense<0.000000e+00> : vector<128xf32>
    %reduce_sum3A_277 = vector.multi_reduction <add>, %mul3A_275, %reduce_sum3A_276 [1] : vector<128x64xf32> to vector<128xf32>
    %broadcast_in_dim3A_278 = vector.shape_cast %reduce_sum3A_277 : vector<128xf32> to vector<128x1xf32>
    %reduce_sum3A_279 = arith.constant dense<0.000000e+00> : vector<64xf32>
    %reduce_sum3A_280 = vector.multi_reduction <add>, %convert_element_type3A_270, %reduce_sum3A_279 [0] : vector<128x64xf32> to vector<64xf32>
    %broadcast_in_dim3A_281 = vector.shape_cast %reduce_sum3A_280 : vector<64xf32> to vector<1x64xf32>
    %add3A_282 = arith.addf %add3A_265, %broadcast_in_dim3A_281 : vector<1x64xf32>
    %slice3A_283 = vector.extract_strided_slice %broadcast_in_dim3A_15 {offsets = [1920, 0], sizes = [128, 1], strides = [1, 1]} : vector<2048x1xi32> to vector<128x1xi32>
    %eq3A_284 = vector.broadcast %slice3A_283 : vector<128x1xi32> to vector<128x64xi32>
    %eq3A_285 = arith.cmpi eq, %iota3A_27, %eq3A_284 : vector<128x64xi32>
    %convert_element_type3A_286 = arith.extui %eq3A_285 : vector<128x64xi1> to vector<128x64xi32>
    %convert_element_type3A_287 = arith.sitofp %convert_element_type3A_286 : vector<128x64xi32> to vector<128x64xf32>
    %dot_general3A_288 = arith.constant dense<0.000000e+00> : vector<128x64xf32>
    %dot_general3A_289 = tpu.matmul %convert_element_type3A_26, %convert_element_type3A_287, %dot_general3A_288 {dimension_numbers = #tpu.dot_dimension_numbers<[1], [0], [0], [1], [0, 0, 1, 1], [], []>, transpose_lhs_hint = false} : vector<128x128xf32>, vector<128x64xf32>, vector<128x64xf32> -> vector<128x64xf32>
    %add3A_290 = vector.broadcast %add3A_282 : vector<1x64xf32> to vector<128x64xf32>
    %add3A_291 = arith.addf %dot_general3A_289, %add3A_290 : vector<128x64xf32>
    %mul3A_292 = arith.mulf %add3A_291, %convert_element_type3A_287 : vector<128x64xf32>
    %reduce_sum3A_293 = arith.constant dense<0.000000e+00> : vector<128xf32>
    %reduce_sum3A_294 = vector.multi_reduction <add>, %mul3A_292, %reduce_sum3A_293 [1] : vector<128x64xf32> to vector<128xf32>
    %broadcast_in_dim3A_295 = vector.shape_cast %reduce_sum3A_294 : vector<128xf32> to vector<128x1xf32>
    %reduce_sum3A_296 = arith.constant dense<0.000000e+00> : vector<64xf32>
    %reduce_sum3A_297 = vector.multi_reduction <add>, %convert_element_type3A_287, %reduce_sum3A_296 [0] : vector<128x64xf32> to vector<64xf32>
    %broadcast_in_dim3A_298 = vector.shape_cast %reduce_sum3A_297 : vector<64xf32> to vector<1x64xf32>
    %add3A_299 = arith.addf %add3A_282, %broadcast_in_dim3A_298 : vector<1x64xf32>
    %iota3A_300 = tpu.iota {dimensions = array<i32: 0>} : vector<64x64xi32>
    %iota3A_301 = tpu.iota {dimensions = array<i32: 1>} : vector<64x64xi32>
    %lt3A_302 = arith.cmpi slt, %iota3A_300, %iota3A_301 : vector<64x64xi32>
    %convert_element_type3A_303 = arith.extui %lt3A_302 : vector<64x64xi1> to vector<64x64xi32>
    %convert_element_type3A_304 = arith.sitofp %convert_element_type3A_303 : vector<64x64xi32> to vector<64x64xf32>
    %dot_general3A_305 = arith.constant dense<0.000000e+00> : vector<1x64xf32>
    %dot_general3A_306 = tpu.matmul %add3A_299, %convert_element_type3A_304, %dot_general3A_305 {dimension_numbers = #tpu.dot_dimension_numbers<[1], [0], [0], [1], [0, 0, 1, 1], [], []>, transpose_lhs_hint = false} : vector<1x64xf32>, vector<64x64xf32>, vector<1x64xf32> -> vector<1x64xf32>
    %convert_element_type3A_307 = arith.fptosi %dot_general3A_306 : vector<1x64xf32> to vector<1x64xi32>
    %swap3A_308 = arith.constant 0 : index
    %swap3A_309 = arith.constant 0 : index
    %swap3A_310 = vector.load %arg4[%swap3A_308, %swap3A_309] : memref<1x65xi32, #tpu.memory_space<vmem>>, vector<1x64xi32>
    tpu.vector_store %arg4[%swap3A_308, %swap3A_309], %convert_element_type3A_307 {strides = array<i32>} : memref<1x65xi32, #tpu.memory_space<vmem>>, vector<1x64xi32>,
    %broadcast_in_dim3A_311 = arith.constant 2048 : i32
    %broadcast_in_dim3A_312 = vector.broadcast %broadcast_in_dim3A_311 : i32 to vector<1x1xi32>
    %swap3A_313 = arith.constant 0 : index
    %swap3A_314 = arith.constant 64 : index
    %swap3A_315 = vector.load %arg4[%swap3A_313, %swap3A_314] : memref<1x65xi32, #tpu.memory_space<vmem>>, vector<1x1xi32>
    tpu.vector_store %arg4[%swap3A_313, %swap3A_314], %broadcast_in_dim3A_312 {strides = array<i32>} : memref<1x65xi32, #tpu.memory_space<vmem>>, vector<1x1xi32>,
    %slice3A_316 = vector.extract_strided_slice %broadcast_in_dim3A_15 {offsets = [0, 0], sizes = [128, 1], strides = [1, 1]} : vector<2048x1xi32> to vector<128x1xi32>
    %eq3A_317 = vector.broadcast %slice3A_316 : vector<128x1xi32> to vector<128x64xi32>
    %eq3A_318 = arith.cmpi eq, %iota3A_27, %eq3A_317 : vector<128x64xi32>
    %convert_element_type3A_319 = arith.extui %eq3A_318 : vector<128x64xi1> to vector<128x64xi32>
    %convert_element_type3A_320 = arith.sitofp %convert_element_type3A_319 : vector<128x64xi32> to vector<128x64xf32>
    %mul3A_321 = vector.broadcast %dot_general3A_306 : vector<1x64xf32> to vector<128x64xf32>
    %mul3A_322 = arith.mulf %mul3A_321, %convert_element_type3A_320 : vector<128x64xf32>
    %reduce_sum3A_323 = arith.constant dense<0.000000e+00> : vector<128xf32>
    %reduce_sum3A_324 = vector.multi_reduction <add>, %mul3A_322, %reduce_sum3A_323 [1] : vector<128x64xf32> to vector<128xf32>
    %broadcast_in_dim3A_325 = vector.shape_cast %reduce_sum3A_324 : vector<128xf32> to vector<128x1xf32>
    %add3A_326 = arith.addf %broadcast_in_dim3A_40, %broadcast_in_dim3A_325 : vector<128x1xf32>
    %convert_element_type3A_327 = arith.fptosi %add3A_326 : vector<128x1xf32> to vector<128x1xi32>
    %swap3A_328 = arith.constant 0 : index
    %swap3A_329 = arith.constant 0 : index
    %swap3A_330 = vector.load %arg3[%swap3A_328, %swap3A_329] : memref<2048x1xi32, #tpu.memory_space<vmem>>, vector<128x1xi32>
    tpu.vector_store %arg3[%swap3A_328, %swap3A_329], %convert_element_type3A_327 {strides = array<i32>} : memref<2048x1xi32, #tpu.memory_space<vmem>>, vector<128x1xi32>,
    %slice3A_331 = vector.extract_strided_slice %broadcast_in_dim3A_15 {offsets = [128, 0], sizes = [128, 1], strides = [1, 1]} : vector<2048x1xi32> to vector<128x1xi32>
    %eq3A_332 = vector.broadcast %slice3A_331 : vector<128x1xi32> to vector<128x64xi32>
    %eq3A_333 = arith.cmpi eq, %iota3A_27, %eq3A_332 : vector<128x64xi32>
    %convert_element_type3A_334 = arith.extui %eq3A_333 : vector<128x64xi1> to vector<128x64xi32>
    %convert_element_type3A_335 = arith.sitofp %convert_element_type3A_334 : vector<128x64xi32> to vector<128x64xf32>
    %mul3A_336 = vector.broadcast %dot_general3A_306 : vector<1x64xf32> to vector<128x64xf32>
    %mul3A_337 = arith.mulf %mul3A_336, %convert_element_type3A_335 : vector<128x64xf32>
    %reduce_sum3A_338 = arith.constant dense<0.000000e+00> : vector<128xf32>
    %reduce_sum3A_339 = vector.multi_reduction <add>, %mul3A_337, %reduce_sum3A_338 [1] : vector<128x64xf32> to vector<128xf32>
    %broadcast_in_dim3A_340 = vector.shape_cast %reduce_sum3A_339 : vector<128xf32> to vector<128x1xf32>
    %add3A_341 = arith.addf %broadcast_in_dim3A_57, %broadcast_in_dim3A_340 : vector<128x1xf32>
    %convert_element_type3A_342 = arith.fptosi %add3A_341 : vector<128x1xf32> to vector<128x1xi32>
    %swap3A_343 = arith.constant 128 : index
    %swap3A_344 = arith.constant 0 : index
    %swap3A_345 = vector.load %arg3[%swap3A_343, %swap3A_344] : memref<2048x1xi32, #tpu.memory_space<vmem>>, vector<128x1xi32>
    tpu.vector_store %arg3[%swap3A_343, %swap3A_344], %convert_element_type3A_342 {strides = array<i32>} : memref<2048x1xi32, #tpu.memory_space<vmem>>, vector<128x1xi32>,
    %slice3A_346 = vector.extract_strided_slice %broadcast_in_dim3A_15 {offsets = [256, 0], sizes = [128, 1], strides = [1, 1]} : vector<2048x1xi32> to vector<128x1xi32>
    %eq3A_347 = vector.broadcast %slice3A_346 : vector<128x1xi32> to vector<128x64xi32>
    %eq3A_348 = arith.cmpi eq, %iota3A_27, %eq3A_347 : vector<128x64xi32>
    %convert_element_type3A_349 = arith.extui %eq3A_348 : vector<128x64xi1> to vector<128x64xi32>
    %convert_element_type3A_350 = arith.sitofp %convert_element_type3A_349 : vector<128x64xi32> to vector<128x64xf32>
    %mul3A_351 = vector.broadcast %dot_general3A_306 : vector<1x64xf32> to vector<128x64xf32>
    %mul3A_352 = arith.mulf %mul3A_351, %convert_element_type3A_350 : vector<128x64xf32>
    %reduce_sum3A_353 = arith.constant dense<0.000000e+00> : vector<128xf32>
    %reduce_sum3A_354 = vector.multi_reduction <add>, %mul3A_352, %reduce_sum3A_353 [1] : vector<128x64xf32> to vector<128xf32>
    %broadcast_in_dim3A_355 = vector.shape_cast %reduce_sum3A_354 : vector<128xf32> to vector<128x1xf32>
    %add3A_356 = arith.addf %broadcast_in_dim3A_74, %broadcast_in_dim3A_355 : vector<128x1xf32>
    %convert_element_type3A_357 = arith.fptosi %add3A_356 : vector<128x1xf32> to vector<128x1xi32>
    %swap3A_358 = arith.constant 256 : index
    %swap3A_359 = arith.constant 0 : index
    %swap3A_360 = vector.load %arg3[%swap3A_358, %swap3A_359] : memref<2048x1xi32, #tpu.memory_space<vmem>>, vector<128x1xi32>
    tpu.vector_store %arg3[%swap3A_358, %swap3A_359], %convert_element_type3A_357 {strides = array<i32>} : memref<2048x1xi32, #tpu.memory_space<vmem>>, vector<128x1xi32>,
    %slice3A_361 = vector.extract_strided_slice %broadcast_in_dim3A_15 {offsets = [384, 0], sizes = [128, 1], strides = [1, 1]} : vector<2048x1xi32> to vector<128x1xi32>
    %eq3A_362 = vector.broadcast %slice3A_361 : vector<128x1xi32> to vector<128x64xi32>
    %eq3A_363 = arith.cmpi eq, %iota3A_27, %eq3A_362 : vector<128x64xi32>
    %convert_element_type3A_364 = arith.extui %eq3A_363 : vector<128x64xi1> to vector<128x64xi32>
    %convert_element_type3A_365 = arith.sitofp %convert_element_type3A_364 : vector<128x64xi32> to vector<128x64xf32>
    %mul3A_366 = vector.broadcast %dot_general3A_306 : vector<1x64xf32> to vector<128x64xf32>
    %mul3A_367 = arith.mulf %mul3A_366, %convert_element_type3A_365 : vector<128x64xf32>
    %reduce_sum3A_368 = arith.constant dense<0.000000e+00> : vector<128xf32>
    %reduce_sum3A_369 = vector.multi_reduction <add>, %mul3A_367, %reduce_sum3A_368 [1] : vector<128x64xf32> to vector<128xf32>
    %broadcast_in_dim3A_370 = vector.shape_cast %reduce_sum3A_369 : vector<128xf32> to vector<128x1xf32>
    %add3A_371 = arith.addf %broadcast_in_dim3A_91, %broadcast_in_dim3A_370 : vector<128x1xf32>
    %convert_element_type3A_372 = arith.fptosi %add3A_371 : vector<128x1xf32> to vector<128x1xi32>
    %swap3A_373 = arith.constant 384 : index
    %swap3A_374 = arith.constant 0 : index
    %swap3A_375 = vector.load %arg3[%swap3A_373, %swap3A_374] : memref<2048x1xi32, #tpu.memory_space<vmem>>, vector<128x1xi32>
    tpu.vector_store %arg3[%swap3A_373, %swap3A_374], %convert_element_type3A_372 {strides = array<i32>} : memref<2048x1xi32, #tpu.memory_space<vmem>>, vector<128x1xi32>,
    %slice3A_376 = vector.extract_strided_slice %broadcast_in_dim3A_15 {offsets = [512, 0], sizes = [128, 1], strides = [1, 1]} : vector<2048x1xi32> to vector<128x1xi32>
    %eq3A_377 = vector.broadcast %slice3A_376 : vector<128x1xi32> to vector<128x64xi32>
    %eq3A_378 = arith.cmpi eq, %iota3A_27, %eq3A_377 : vector<128x64xi32>
    %convert_element_type3A_379 = arith.extui %eq3A_378 : vector<128x64xi1> to vector<128x64xi32>
    %convert_element_type3A_380 = arith.sitofp %convert_element_type3A_379 : vector<128x64xi32> to vector<128x64xf32>
    %mul3A_381 = vector.broadcast %dot_general3A_306 : vector<1x64xf32> to vector<128x64xf32>
    %mul3A_382 = arith.mulf %mul3A_381, %convert_element_type3A_380 : vector<128x64xf32>
    %reduce_sum3A_383 = arith.constant dense<0.000000e+00> : vector<128xf32>
    %reduce_sum3A_384 = vector.multi_reduction <add>, %mul3A_382, %reduce_sum3A_383 [1] : vector<128x64xf32> to vector<128xf32>
    %broadcast_in_dim3A_385 = vector.shape_cast %reduce_sum3A_384 : vector<128xf32> to vector<128x1xf32>
    %add3A_386 = arith.addf %broadcast_in_dim3A_108, %broadcast_in_dim3A_385 : vector<128x1xf32>
    %convert_element_type3A_387 = arith.fptosi %add3A_386 : vector<128x1xf32> to vector<128x1xi32>
    %swap3A_388 = arith.constant 512 : index
    %swap3A_389 = arith.constant 0 : index
    %swap3A_390 = vector.load %arg3[%swap3A_388, %swap3A_389] : memref<2048x1xi32, #tpu.memory_space<vmem>>, vector<128x1xi32>
    tpu.vector_store %arg3[%swap3A_388, %swap3A_389], %convert_element_type3A_387 {strides = array<i32>} : memref<2048x1xi32, #tpu.memory_space<vmem>>, vector<128x1xi32>,
    %slice3A_391 = vector.extract_strided_slice %broadcast_in_dim3A_15 {offsets = [640, 0], sizes = [128, 1], strides = [1, 1]} : vector<2048x1xi32> to vector<128x1xi32>
    %eq3A_392 = vector.broadcast %slice3A_391 : vector<128x1xi32> to vector<128x64xi32>
    %eq3A_393 = arith.cmpi eq, %iota3A_27, %eq3A_392 : vector<128x64xi32>
    %convert_element_type3A_394 = arith.extui %eq3A_393 : vector<128x64xi1> to vector<128x64xi32>
    %convert_element_type3A_395 = arith.sitofp %convert_element_type3A_394 : vector<128x64xi32> to vector<128x64xf32>
    %mul3A_396 = vector.broadcast %dot_general3A_306 : vector<1x64xf32> to vector<128x64xf32>
    %mul3A_397 = arith.mulf %mul3A_396, %convert_element_type3A_395 : vector<128x64xf32>
    %reduce_sum3A_398 = arith.constant dense<0.000000e+00> : vector<128xf32>
    %reduce_sum3A_399 = vector.multi_reduction <add>, %mul3A_397, %reduce_sum3A_398 [1] : vector<128x64xf32> to vector<128xf32>
    %broadcast_in_dim3A_400 = vector.shape_cast %reduce_sum3A_399 : vector<128xf32> to vector<128x1xf32>
    %add3A_401 = arith.addf %broadcast_in_dim3A_125, %broadcast_in_dim3A_400 : vector<128x1xf32>
    %convert_element_type3A_402 = arith.fptosi %add3A_401 : vector<128x1xf32> to vector<128x1xi32>
    %swap3A_403 = arith.constant 640 : index
    %swap3A_404 = arith.constant 0 : index
    %swap3A_405 = vector.load %arg3[%swap3A_403, %swap3A_404] : memref<2048x1xi32, #tpu.memory_space<vmem>>, vector<128x1xi32>
    tpu.vector_store %arg3[%swap3A_403, %swap3A_404], %convert_element_type3A_402 {strides = array<i32>} : memref<2048x1xi32, #tpu.memory_space<vmem>>, vector<128x1xi32>,
    %slice3A_406 = vector.extract_strided_slice %broadcast_in_dim3A_15 {offsets = [768, 0], sizes = [128, 1], strides = [1, 1]} : vector<2048x1xi32> to vector<128x1xi32>
    %eq3A_407 = vector.broadcast %slice3A_406 : vector<128x1xi32> to vector<128x64xi32>
    %eq3A_408 = arith.cmpi eq, %iota3A_27, %eq3A_407 : vector<128x64xi32>
    %convert_element_type3A_409 = arith.extui %eq3A_408 : vector<128x64xi1> to vector<128x64xi32>
    %convert_element_type3A_410 = arith.sitofp %convert_element_type3A_409 : vector<128x64xi32> to vector<128x64xf32>
    %mul3A_411 = vector.broadcast %dot_general3A_306 : vector<1x64xf32> to vector<128x64xf32>
    %mul3A_412 = arith.mulf %mul3A_411, %convert_element_type3A_410 : vector<128x64xf32>
    %reduce_sum3A_413 = arith.constant dense<0.000000e+00> : vector<128xf32>
    %reduce_sum3A_414 = vector.multi_reduction <add>, %mul3A_412, %reduce_sum3A_413 [1] : vector<128x64xf32> to vector<128xf32>
    %broadcast_in_dim3A_415 = vector.shape_cast %reduce_sum3A_414 : vector<128xf32> to vector<128x1xf32>
    %add3A_416 = arith.addf %broadcast_in_dim3A_142, %broadcast_in_dim3A_415 : vector<128x1xf32>
    %convert_element_type3A_417 = arith.fptosi %add3A_416 : vector<128x1xf32> to vector<128x1xi32>
    %swap3A_418 = arith.constant 768 : index
    %swap3A_419 = arith.constant 0 : index
    %swap3A_420 = vector.load %arg3[%swap3A_418, %swap3A_419] : memref<2048x1xi32, #tpu.memory_space<vmem>>, vector<128x1xi32>
    tpu.vector_store %arg3[%swap3A_418, %swap3A_419], %convert_element_type3A_417 {strides = array<i32>} : memref<2048x1xi32, #tpu.memory_space<vmem>>, vector<128x1xi32>,
    %slice3A_421 = vector.extract_strided_slice %broadcast_in_dim3A_15 {offsets = [896, 0], sizes = [128, 1], strides = [1, 1]} : vector<2048x1xi32> to vector<128x1xi32>
    %eq3A_422 = vector.broadcast %slice3A_421 : vector<128x1xi32> to vector<128x64xi32>
    %eq3A_423 = arith.cmpi eq, %iota3A_27, %eq3A_422 : vector<128x64xi32>
    %convert_element_type3A_424 = arith.extui %eq3A_423 : vector<128x64xi1> to vector<128x64xi32>
    %convert_element_type3A_425 = arith.sitofp %convert_element_type3A_424 : vector<128x64xi32> to vector<128x64xf32>
    %mul3A_426 = vector.broadcast %dot_general3A_306 : vector<1x64xf32> to vector<128x64xf32>
    %mul3A_427 = arith.mulf %mul3A_426, %convert_element_type3A_425 : vector<128x64xf32>
    %reduce_sum3A_428 = arith.constant dense<0.000000e+00> : vector<128xf32>
    %reduce_sum3A_429 = vector.multi_reduction <add>, %mul3A_427, %reduce_sum3A_428 [1] : vector<128x64xf32> to vector<128xf32>
    %broadcast_in_dim3A_430 = vector.shape_cast %reduce_sum3A_429 : vector<128xf32> to vector<128x1xf32>
    %add3A_431 = arith.addf %broadcast_in_dim3A_159, %broadcast_in_dim3A_430 : vector<128x1xf32>
    %convert_element_type3A_432 = arith.fptosi %add3A_431 : vector<128x1xf32> to vector<128x1xi32>
    %swap3A_433 = arith.constant 896 : index
    %swap3A_434 = arith.constant 0 : index
    %swap3A_435 = vector.load %arg3[%swap3A_433, %swap3A_434] : memref<2048x1xi32, #tpu.memory_space<vmem>>, vector<128x1xi32>
    tpu.vector_store %arg3[%swap3A_433, %swap3A_434], %convert_element_type3A_432 {strides = array<i32>} : memref<2048x1xi32, #tpu.memory_space<vmem>>, vector<128x1xi32>,
    %slice3A_436 = vector.extract_strided_slice %broadcast_in_dim3A_15 {offsets = [1024, 0], sizes = [128, 1], strides = [1, 1]} : vector<2048x1xi32> to vector<128x1xi32>
    %eq3A_437 = vector.broadcast %slice3A_436 : vector<128x1xi32> to vector<128x64xi32>
    %eq3A_438 = arith.cmpi eq, %iota3A_27, %eq3A_437 : vector<128x64xi32>
    %convert_element_type3A_439 = arith.extui %eq3A_438 : vector<128x64xi1> to vector<128x64xi32>
    %convert_element_type3A_440 = arith.sitofp %convert_element_type3A_439 : vector<128x64xi32> to vector<128x64xf32>
    %mul3A_441 = vector.broadcast %dot_general3A_306 : vector<1x64xf32> to vector<128x64xf32>
    %mul3A_442 = arith.mulf %mul3A_441, %convert_element_type3A_440 : vector<128x64xf32>
    %reduce_sum3A_443 = arith.constant dense<0.000000e+00> : vector<128xf32>
    %reduce_sum3A_444 = vector.multi_reduction <add>, %mul3A_442, %reduce_sum3A_443 [1] : vector<128x64xf32> to vector<128xf32>
    %broadcast_in_dim3A_445 = vector.shape_cast %reduce_sum3A_444 : vector<128xf32> to vector<128x1xf32>
    %add3A_446 = arith.addf %broadcast_in_dim3A_176, %broadcast_in_dim3A_445 : vector<128x1xf32>
    %convert_element_type3A_447 = arith.fptosi %add3A_446 : vector<128x1xf32> to vector<128x1xi32>
    %swap3A_448 = arith.constant 1024 : index
    %swap3A_449 = arith.constant 0 : index
    %swap3A_450 = vector.load %arg3[%swap3A_448, %swap3A_449] : memref<2048x1xi32, #tpu.memory_space<vmem>>, vector<128x1xi32>
    tpu.vector_store %arg3[%swap3A_448, %swap3A_449], %convert_element_type3A_447 {strides = array<i32>} : memref<2048x1xi32, #tpu.memory_space<vmem>>, vector<128x1xi32>,
    %slice3A_451 = vector.extract_strided_slice %broadcast_in_dim3A_15 {offsets = [1152, 0], sizes = [128, 1], strides = [1, 1]} : vector<2048x1xi32> to vector<128x1xi32>
    %eq3A_452 = vector.broadcast %slice3A_451 : vector<128x1xi32> to vector<128x64xi32>
    %eq3A_453 = arith.cmpi eq, %iota3A_27, %eq3A_452 : vector<128x64xi32>
    %convert_element_type3A_454 = arith.extui %eq3A_453 : vector<128x64xi1> to vector<128x64xi32>
    %convert_element_type3A_455 = arith.sitofp %convert_element_type3A_454 : vector<128x64xi32> to vector<128x64xf32>
    %mul3A_456 = vector.broadcast %dot_general3A_306 : vector<1x64xf32> to vector<128x64xf32>
    %mul3A_457 = arith.mulf %mul3A_456, %convert_element_type3A_455 : vector<128x64xf32>
    %reduce_sum3A_458 = arith.constant dense<0.000000e+00> : vector<128xf32>
    %reduce_sum3A_459 = vector.multi_reduction <add>, %mul3A_457, %reduce_sum3A_458 [1] : vector<128x64xf32> to vector<128xf32>
    %broadcast_in_dim3A_460 = vector.shape_cast %reduce_sum3A_459 : vector<128xf32> to vector<128x1xf32>
    %add3A_461 = arith.addf %broadcast_in_dim3A_193, %broadcast_in_dim3A_460 : vector<128x1xf32>
    %convert_element_type3A_462 = arith.fptosi %add3A_461 : vector<128x1xf32> to vector<128x1xi32>
    %swap3A_463 = arith.constant 1152 : index
    %swap3A_464 = arith.constant 0 : index
    %swap3A_465 = vector.load %arg3[%swap3A_463, %swap3A_464] : memref<2048x1xi32, #tpu.memory_space<vmem>>, vector<128x1xi32>
    tpu.vector_store %arg3[%swap3A_463, %swap3A_464], %convert_element_type3A_462 {strides = array<i32>} : memref<2048x1xi32, #tpu.memory_space<vmem>>, vector<128x1xi32>,
    %slice3A_466 = vector.extract_strided_slice %broadcast_in_dim3A_15 {offsets = [1280, 0], sizes = [128, 1], strides = [1, 1]} : vector<2048x1xi32> to vector<128x1xi32>
    %eq3A_467 = vector.broadcast %slice3A_466 : vector<128x1xi32> to vector<128x64xi32>
    %eq3A_468 = arith.cmpi eq, %iota3A_27, %eq3A_467 : vector<128x64xi32>
    %convert_element_type3A_469 = arith.extui %eq3A_468 : vector<128x64xi1> to vector<128x64xi32>
    %convert_element_type3A_470 = arith.sitofp %convert_element_type3A_469 : vector<128x64xi32> to vector<128x64xf32>
    %mul3A_471 = vector.broadcast %dot_general3A_306 : vector<1x64xf32> to vector<128x64xf32>
    %mul3A_472 = arith.mulf %mul3A_471, %convert_element_type3A_470 : vector<128x64xf32>
    %reduce_sum3A_473 = arith.constant dense<0.000000e+00> : vector<128xf32>
    %reduce_sum3A_474 = vector.multi_reduction <add>, %mul3A_472, %reduce_sum3A_473 [1] : vector<128x64xf32> to vector<128xf32>
    %broadcast_in_dim3A_475 = vector.shape_cast %reduce_sum3A_474 : vector<128xf32> to vector<128x1xf32>
    %add3A_476 = arith.addf %broadcast_in_dim3A_210, %broadcast_in_dim3A_475 : vector<128x1xf32>
    %convert_element_type3A_477 = arith.fptosi %add3A_476 : vector<128x1xf32> to vector<128x1xi32>
    %swap3A_478 = arith.constant 1280 : index
    %swap3A_479 = arith.constant 0 : index
    %swap3A_480 = vector.load %arg3[%swap3A_478, %swap3A_479] : memref<2048x1xi32, #tpu.memory_space<vmem>>, vector<128x1xi32>
    tpu.vector_store %arg3[%swap3A_478, %swap3A_479], %convert_element_type3A_477 {strides = array<i32>} : memref<2048x1xi32, #tpu.memory_space<vmem>>, vector<128x1xi32>,
    %slice3A_481 = vector.extract_strided_slice %broadcast_in_dim3A_15 {offsets = [1408, 0], sizes = [128, 1], strides = [1, 1]} : vector<2048x1xi32> to vector<128x1xi32>
    %eq3A_482 = vector.broadcast %slice3A_481 : vector<128x1xi32> to vector<128x64xi32>
    %eq3A_483 = arith.cmpi eq, %iota3A_27, %eq3A_482 : vector<128x64xi32>
    %convert_element_type3A_484 = arith.extui %eq3A_483 : vector<128x64xi1> to vector<128x64xi32>
    %convert_element_type3A_485 = arith.sitofp %convert_element_type3A_484 : vector<128x64xi32> to vector<128x64xf32>
    %mul3A_486 = vector.broadcast %dot_general3A_306 : vector<1x64xf32> to vector<128x64xf32>
    %mul3A_487 = arith.mulf %mul3A_486, %convert_element_type3A_485 : vector<128x64xf32>
    %reduce_sum3A_488 = arith.constant dense<0.000000e+00> : vector<128xf32>
    %reduce_sum3A_489 = vector.multi_reduction <add>, %mul3A_487, %reduce_sum3A_488 [1] : vector<128x64xf32> to vector<128xf32>
    %broadcast_in_dim3A_490 = vector.shape_cast %reduce_sum3A_489 : vector<128xf32> to vector<128x1xf32>
    %add3A_491 = arith.addf %broadcast_in_dim3A_227, %broadcast_in_dim3A_490 : vector<128x1xf32>
    %convert_element_type3A_492 = arith.fptosi %add3A_491 : vector<128x1xf32> to vector<128x1xi32>
    %swap3A_493 = arith.constant 1408 : index
    %swap3A_494 = arith.constant 0 : index
    %swap3A_495 = vector.load %arg3[%swap3A_493, %swap3A_494] : memref<2048x1xi32, #tpu.memory_space<vmem>>, vector<128x1xi32>
    tpu.vector_store %arg3[%swap3A_493, %swap3A_494], %convert_element_type3A_492 {strides = array<i32>} : memref<2048x1xi32, #tpu.memory_space<vmem>>, vector<128x1xi32>,
    %slice3A_496 = vector.extract_strided_slice %broadcast_in_dim3A_15 {offsets = [1536, 0], sizes = [128, 1], strides = [1, 1]} : vector<2048x1xi32> to vector<128x1xi32>
    %eq3A_497 = vector.broadcast %slice3A_496 : vector<128x1xi32> to vector<128x64xi32>
    %eq3A_498 = arith.cmpi eq, %iota3A_27, %eq3A_497 : vector<128x64xi32>
    %convert_element_type3A_499 = arith.extui %eq3A_498 : vector<128x64xi1> to vector<128x64xi32>
    %convert_element_type3A_500 = arith.sitofp %convert_element_type3A_499 : vector<128x64xi32> to vector<128x64xf32>
    %mul3A_501 = vector.broadcast %dot_general3A_306 : vector<1x64xf32> to vector<128x64xf32>
    %mul3A_502 = arith.mulf %mul3A_501, %convert_element_type3A_500 : vector<128x64xf32>
    %reduce_sum3A_503 = arith.constant dense<0.000000e+00> : vector<128xf32>
    %reduce_sum3A_504 = vector.multi_reduction <add>, %mul3A_502, %reduce_sum3A_503 [1] : vector<128x64xf32> to vector<128xf32>
    %broadcast_in_dim3A_505 = vector.shape_cast %reduce_sum3A_504 : vector<128xf32> to vector<128x1xf32>
    %add3A_506 = arith.addf %broadcast_in_dim3A_244, %broadcast_in_dim3A_505 : vector<128x1xf32>
    %convert_element_type3A_507 = arith.fptosi %add3A_506 : vector<128x1xf32> to vector<128x1xi32>
    %swap3A_508 = arith.constant 1536 : index
    %swap3A_509 = arith.constant 0 : index
    %swap3A_510 = vector.load %arg3[%swap3A_508, %swap3A_509] : memref<2048x1xi32, #tpu.memory_space<vmem>>, vector<128x1xi32>
    tpu.vector_store %arg3[%swap3A_508, %swap3A_509], %convert_element_type3A_507 {strides = array<i32>} : memref<2048x1xi32, #tpu.memory_space<vmem>>, vector<128x1xi32>,
    %slice3A_511 = vector.extract_strided_slice %broadcast_in_dim3A_15 {offsets = [1664, 0], sizes = [128, 1], strides = [1, 1]} : vector<2048x1xi32> to vector<128x1xi32>
    %eq3A_512 = vector.broadcast %slice3A_511 : vector<128x1xi32> to vector<128x64xi32>
    %eq3A_513 = arith.cmpi eq, %iota3A_27, %eq3A_512 : vector<128x64xi32>
    %convert_element_type3A_514 = arith.extui %eq3A_513 : vector<128x64xi1> to vector<128x64xi32>
    %convert_element_type3A_515 = arith.sitofp %convert_element_type3A_514 : vector<128x64xi32> to vector<128x64xf32>
    %mul3A_516 = vector.broadcast %dot_general3A_306 : vector<1x64xf32> to vector<128x64xf32>
    %mul3A_517 = arith.mulf %mul3A_516, %convert_element_type3A_515 : vector<128x64xf32>
    %reduce_sum3A_518 = arith.constant dense<0.000000e+00> : vector<128xf32>
    %reduce_sum3A_519 = vector.multi_reduction <add>, %mul3A_517, %reduce_sum3A_518 [1] : vector<128x64xf32> to vector<128xf32>
    %broadcast_in_dim3A_520 = vector.shape_cast %reduce_sum3A_519 : vector<128xf32> to vector<128x1xf32>
    %add3A_521 = arith.addf %broadcast_in_dim3A_261, %broadcast_in_dim3A_520 : vector<128x1xf32>
    %convert_element_type3A_522 = arith.fptosi %add3A_521 : vector<128x1xf32> to vector<128x1xi32>
    %swap3A_523 = arith.constant 1664 : index
    %swap3A_524 = arith.constant 0 : index
    %swap3A_525 = vector.load %arg3[%swap3A_523, %swap3A_524] : memref<2048x1xi32, #tpu.memory_space<vmem>>, vector<128x1xi32>
    tpu.vector_store %arg3[%swap3A_523, %swap3A_524], %convert_element_type3A_522 {strides = array<i32>} : memref<2048x1xi32, #tpu.memory_space<vmem>>, vector<128x1xi32>,
    %slice3A_526 = vector.extract_strided_slice %broadcast_in_dim3A_15 {offsets = [1792, 0], sizes = [128, 1], strides = [1, 1]} : vector<2048x1xi32> to vector<128x1xi32>
    %eq3A_527 = vector.broadcast %slice3A_526 : vector<128x1xi32> to vector<128x64xi32>
    %eq3A_528 = arith.cmpi eq, %iota3A_27, %eq3A_527 : vector<128x64xi32>
    %convert_element_type3A_529 = arith.extui %eq3A_528 : vector<128x64xi1> to vector<128x64xi32>
    %convert_element_type3A_530 = arith.sitofp %convert_element_type3A_529 : vector<128x64xi32> to vector<128x64xf32>
    %mul3A_531 = vector.broadcast %dot_general3A_306 : vector<1x64xf32> to vector<128x64xf32>
    %mul3A_532 = arith.mulf %mul3A_531, %convert_element_type3A_530 : vector<128x64xf32>
    %reduce_sum3A_533 = arith.constant dense<0.000000e+00> : vector<128xf32>
    %reduce_sum3A_534 = vector.multi_reduction <add>, %mul3A_532, %reduce_sum3A_533 [1] : vector<128x64xf32> to vector<128xf32>
    %broadcast_in_dim3A_535 = vector.shape_cast %reduce_sum3A_534 : vector<128xf32> to vector<128x1xf32>
    %add3A_536 = arith.addf %broadcast_in_dim3A_278, %broadcast_in_dim3A_535 : vector<128x1xf32>
    %convert_element_type3A_537 = arith.fptosi %add3A_536 : vector<128x1xf32> to vector<128x1xi32>
    %swap3A_538 = arith.constant 1792 : index
    %swap3A_539 = arith.constant 0 : index
    %swap3A_540 = vector.load %arg3[%swap3A_538, %swap3A_539] : memref<2048x1xi32, #tpu.memory_space<vmem>>, vector<128x1xi32>
    tpu.vector_store %arg3[%swap3A_538, %swap3A_539], %convert_element_type3A_537 {strides = array<i32>} : memref<2048x1xi32, #tpu.memory_space<vmem>>, vector<128x1xi32>,
    %slice3A_541 = vector.extract_strided_slice %broadcast_in_dim3A_15 {offsets = [1920, 0], sizes = [128, 1], strides = [1, 1]} : vector<2048x1xi32> to vector<128x1xi32>
    %eq3A_542 = vector.broadcast %slice3A_541 : vector<128x1xi32> to vector<128x64xi32>
    %eq3A_543 = arith.cmpi eq, %iota3A_27, %eq3A_542 : vector<128x64xi32>
    %convert_element_type3A_544 = arith.extui %eq3A_543 : vector<128x64xi1> to vector<128x64xi32>
    %convert_element_type3A_545 = arith.sitofp %convert_element_type3A_544 : vector<128x64xi32> to vector<128x64xf32>
    %mul3A_546 = vector.broadcast %dot_general3A_306 : vector<1x64xf32> to vector<128x64xf32>
    %mul3A_547 = arith.mulf %mul3A_546, %convert_element_type3A_545 : vector<128x64xf32>
    %reduce_sum3A_548 = arith.constant dense<0.000000e+00> : vector<128xf32>
    %reduce_sum3A_549 = vector.multi_reduction <add>, %mul3A_547, %reduce_sum3A_548 [1] : vector<128x64xf32> to vector<128xf32>
    %broadcast_in_dim3A_550 = vector.shape_cast %reduce_sum3A_549 : vector<128xf32> to vector<128x1xf32>
    %add3A_551 = arith.addf %broadcast_in_dim3A_295, %broadcast_in_dim3A_550 : vector<128x1xf32>
    %convert_element_type3A_552 = arith.fptosi %add3A_551 : vector<128x1xf32> to vector<128x1xi32>
    %swap3A_553 = arith.constant 1920 : index
    %swap3A_554 = arith.constant 0 : index
    %swap3A_555 = vector.load %arg3[%swap3A_553, %swap3A_554] : memref<2048x1xi32, #tpu.memory_space<vmem>>, vector<128x1xi32>
    tpu.vector_store %arg3[%swap3A_553, %swap3A_554], %convert_element_type3A_552 {strides = array<i32>} : memref<2048x1xi32, #tpu.memory_space<vmem>>, vector<128x1xi32>,
    return
  }
}

module attributes {stable_mosaic.version = 14 : i64} {
  func.func @_expert_body(%arg0: i32, %arg1: memref<65xi32, #tpu.memory_space<smem>>, %arg2: memref<2048x896xf32, #tpu.memory_space<vmem>>, %arg3: memref<1x4x1x384x768xf32, #tpu.memory_space<vmem>>, %arg4: memref<1x4x1x384x768xf32, #tpu.memory_space<vmem>>, %arg5: memref<1x4x768xf32, #tpu.memory_space<vmem>>, %arg6: memref<2048x768xf32, #tpu.memory_space<vmem>>) attributes {dimension_semantics = [#tpu.dimension_semantics<arbitrary>], iteration_bounds = array<i64: 16>, scalar_prefetch = 1 : i64, scratch_operands = 0 : i64, tpu.core_type = #tpu.core_type<tc>, window_params = [{pipeline_mode = #tpu.pipeline_mode<synchronous>, transform_indices = @transform_0, window_bounds = array<i64: 2048, 896>}, {transform_indices = @transform_1, window_bounds = array<i64: 1, 4, 1, 384, 768>}, {transform_indices = @transform_2, window_bounds = array<i64: 1, 4, 1, 384, 768>}, {transform_indices = @transform_3, window_bounds = array<i64: 1, 4, 768>}, {pipeline_mode = #tpu.pipeline_mode<synchronous>, transform_indices = @transform_4, window_bounds = array<i64: 2048, 768>}]} {
    %eq3A = arith.constant 0 : i32
    %eq3A_0 = arith.cmpi eq, %arg0, %eq3A : i32
    %convert_element_type3A = arith.extui %eq3A_0 : i1 to i32
    %cond3A = arith.constant 0 : i32
    %cond3A_1 = arith.cmpi ne, %convert_element_type3A, %cond3A : i32
    scf.if %cond3A_1 {
      %broadcast_in_dim3A = arith.constant 0.000000e+00 : f32
      %broadcast_in_dim3A_632 = vector.broadcast %broadcast_in_dim3A : f32 to vector<2048x768xf32>
      %swap3A = arith.constant 0 : index
      %swap3A_633 = arith.constant 0 : index
      %swap3A_634 = vector.load %arg6[%swap3A, %swap3A_633] : memref<2048x768xf32, #tpu.memory_space<vmem>>, vector<2048x768xf32>
      tpu.vector_store %arg6[%swap3A, %swap3A_633], %broadcast_in_dim3A_632 {strides = array<i32>} : memref<2048x768xf32, #tpu.memory_space<vmem>>, vector<2048x768xf32>,
    } else {
    }
    %mul3A = arith.constant 4 : i32
    %mul3A_2 = arith.muli %arg0, %mul3A : i32
    %add3A = arith.constant 0 : i32
    %add3A_3 = arith.addi %mul3A_2, %add3A : i32
    %get3A = arith.index_cast %add3A_3 : i32 to index
    %get3A_4 = memref.load %arg1[%get3A] : memref<65xi32, #tpu.memory_space<smem>>
    %add3A_5 = arith.constant 1 : i32
    %add3A_6 = arith.addi %add3A_3, %add3A_5 : i32
    %get3A_7 = arith.index_cast %add3A_6 : i32 to index
    %get3A_8 = memref.load %arg1[%get3A_7] : memref<65xi32, #tpu.memory_space<smem>>
    %get3A_9 = arith.constant 0 : index
    %get3A_10 = arith.constant 0 : index
    %get3A_11 = arith.constant 0 : index
    %get3A_12 = arith.constant 0 : index
    %get3A_13 = arith.constant 0 : index
    %get3A_14 = vector.load %arg3[%get3A_9, %get3A_10, %get3A_11, %get3A_12, %get3A_13] : memref<1x4x1x384x768xf32, #tpu.memory_space<vmem>>, vector<1x1x1x384x768xf32>
    %get3A_15 = vector.shape_cast %get3A_14 : vector<1x1x1x384x768xf32> to vector<384x768xf32>
    %convert_element_type3A_16 = arith.truncf %get3A_15 : vector<384x768xf32> to vector<384x768xbf16>
    %get3A_17 = arith.constant 0 : index
    %get3A_18 = arith.constant 0 : index
    %get3A_19 = arith.constant 0 : index
    %get3A_20 = arith.constant 0 : index
    %get3A_21 = arith.constant 0 : index
    %get3A_22 = vector.load %arg4[%get3A_17, %get3A_18, %get3A_19, %get3A_20, %get3A_21] : memref<1x4x1x384x768xf32, #tpu.memory_space<vmem>>, vector<1x1x1x384x768xf32>
    %get3A_23 = vector.shape_cast %get3A_22 : vector<1x1x1x384x768xf32> to vector<384x768xf32>
    %convert_element_type3A_24 = arith.truncf %get3A_23 : vector<384x768xf32> to vector<384x768xbf16>
    %get3A_25 = arith.constant 0 : index
    %get3A_26 = arith.constant 0 : index
    %get3A_27 = arith.constant 0 : index
    %get3A_28 = vector.load %arg5[%get3A_25, %get3A_26, %get3A_27] : memref<1x4x768xf32, #tpu.memory_space<vmem>>, vector<1x1x768xf32>
    %get3A_29 = vector.shape_cast %get3A_28 : vector<1x1x768xf32> to vector<1x768xf32>
    %gt3A = arith.constant 0 : i32
    %gt3A_30 = arith.cmpi sgt, %get3A_8, %gt3A : i32
    %lt3A = arith.constant 128 : i32
    %lt3A_31 = arith.cmpi slt, %get3A_4, %lt3A : i32
    %and3A = arith.andi %gt3A_30, %lt3A_31 : i1
    %convert_element_type3A_32 = arith.extui %and3A : i1 to i32
    %cond3A_33 = arith.constant 0 : i32
    %cond3A_34 = arith.cmpi ne, %convert_element_type3A_32, %cond3A_33 : i32
    scf.if %cond3A_34 {
      %iota3A = tpu.iota {dimensions = array<i32: 0>} : vector<128x1xi32>
      %add3A_632 = arith.constant 0 : i32
      %add3A_633 = vector.broadcast %add3A_632 : i32 to vector<128x1xi32>
      %add3A_634 = arith.addi %add3A_633, %iota3A : vector<128x1xi32>
      %ge3A = vector.broadcast %get3A_4 : i32 to vector<128x1xi32>
      %ge3A_635 = arith.cmpi sge, %add3A_634, %ge3A : vector<128x1xi32>
      %lt3A_636 = vector.broadcast %get3A_8 : i32 to vector<128x1xi32>
      %lt3A_637 = arith.cmpi slt, %add3A_634, %lt3A_636 : vector<128x1xi32>
      %and3A_638 = arith.andi %ge3A_635, %lt3A_637 : vector<128x1xi1>
      %get3A_639 = arith.constant 0 : index
      %get3A_640 = arith.constant 0 : index
      %get3A_641 = vector.load %arg2[%get3A_639, %get3A_640] : memref<2048x896xf32, #tpu.memory_space<vmem>>, vector<128x768xf32>
      %jit3A = arith.constant 0.000000e+00 : f32
      %broadcast_in_dim3A = vector.shape_cast %and3A_638 : vector<128x1xi1> to vector<128x1xi1>
      %broadcast_in_dim3A_642 = vector.broadcast %broadcast_in_dim3A : vector<128x1xi1> to vector<128x768xi1>
      %broadcast_in_dim3A_643 = vector.broadcast %jit3A : f32 to vector<128x768xf32>
      %select_n3A = arith.select %broadcast_in_dim3A_642, %get3A_641, %broadcast_in_dim3A_643 : vector<128x768xi1>, vector<128x768xf32>
      %convert_element_type3A_644 = arith.truncf %select_n3A : vector<128x768xf32> to vector<128x768xbf16>
      %get3A_645 = arith.constant 0 : index
      %get3A_646 = arith.constant 768 : index
      %get3A_647 = vector.load %arg2[%get3A_645, %get3A_646] : memref<2048x896xf32, #tpu.memory_space<vmem>>, vector<128x1xf32>
      %jit3A_648 = arith.constant 0.000000e+00 : f32
      %broadcast_in_dim3A_649 = vector.broadcast %jit3A_648 : f32 to vector<128x1xf32>
      %select_n3A_650 = arith.select %and3A_638, %get3A_647, %broadcast_in_dim3A_649 : vector<128x1xi1>, vector<128x1xf32>
      %dot_general3A = arith.constant dense<0.000000e+00> : vector<128x384xf32>
      %dot_general3A_651 = tpu.matmul %convert_element_type3A_644, %convert_element_type3A_16, %dot_general3A {dimension_numbers = #tpu.dot_dimension_numbers<[1], [1], [0], [0], [0, 0, 1, 0], [], []>, transpose_lhs_hint = false} : vector<128x768xbf16>, vector<384x768xbf16>, vector<128x384xf32> -> vector<128x384xf32>
      %slice3A = vector.extract_strided_slice %get3A_29 {offsets = [0, 0], sizes = [1, 384], strides = [1, 1]} : vector<1x768xf32> to vector<1x384xf32>
      %mul3A_652 = vector.broadcast %select_n3A_650 : vector<128x1xf32> to vector<128x384xf32>
      %mul3A_653 = vector.broadcast %slice3A : vector<1x384xf32> to vector<128x384xf32>
      %mul3A_654 = arith.mulf %mul3A_652, %mul3A_653 : vector<128x384xf32>
      %add3A_655 = arith.addf %dot_general3A_651, %mul3A_654 : vector<128x384xf32>
      %get3A_656 = arith.constant 0 : index
      %get3A_657 = arith.constant 0 : index
      %get3A_658 = vector.load %arg6[%get3A_656, %get3A_657] : memref<2048x768xf32, #tpu.memory_space<vmem>>, vector<128x384xf32>
      %add3A_659 = arith.addf %get3A_658, %add3A_655 : vector<128x384xf32>
      %swap3A = arith.constant 0 : index
      %swap3A_660 = arith.constant 0 : index
      %swap3A_661 = vector.load %arg6[%swap3A, %swap3A_660] : memref<2048x768xf32, #tpu.memory_space<vmem>>, vector<128x384xf32>
      tpu.vector_store %arg6[%swap3A, %swap3A_660], %add3A_659 {strides = array<i32>} : memref<2048x768xf32, #tpu.memory_space<vmem>>, vector<128x384xf32>,
      %dot_general3A_662 = arith.constant dense<0.000000e+00> : vector<128x384xf32>
      %dot_general3A_663 = tpu.matmul %convert_element_type3A_644, %convert_element_type3A_24, %dot_general3A_662 {dimension_numbers = #tpu.dot_dimension_numbers<[1], [1], [0], [0], [0, 0, 1, 0], [], []>, transpose_lhs_hint = false} : vector<128x768xbf16>, vector<384x768xbf16>, vector<128x384xf32> -> vector<128x384xf32>
      %slice3A_664 = vector.extract_strided_slice %get3A_29 {offsets = [0, 384], sizes = [1, 384], strides = [1, 1]} : vector<1x768xf32> to vector<1x384xf32>
      %mul3A_665 = vector.broadcast %select_n3A_650 : vector<128x1xf32> to vector<128x384xf32>
      %mul3A_666 = vector.broadcast %slice3A_664 : vector<1x384xf32> to vector<128x384xf32>
      %mul3A_667 = arith.mulf %mul3A_665, %mul3A_666 : vector<128x384xf32>
      %add3A_668 = arith.addf %dot_general3A_663, %mul3A_667 : vector<128x384xf32>
      %get3A_669 = arith.constant 0 : index
      %get3A_670 = arith.constant 384 : index
      %get3A_671 = vector.load %arg6[%get3A_669, %get3A_670] : memref<2048x768xf32, #tpu.memory_space<vmem>>, vector<128x384xf32>
      %add3A_672 = arith.addf %get3A_671, %add3A_668 : vector<128x384xf32>
      %swap3A_673 = arith.constant 0 : index
      %swap3A_674 = arith.constant 384 : index
      %swap3A_675 = vector.load %arg6[%swap3A_673, %swap3A_674] : memref<2048x768xf32, #tpu.memory_space<vmem>>, vector<128x384xf32>
      tpu.vector_store %arg6[%swap3A_673, %swap3A_674], %add3A_672 {strides = array<i32>} : memref<2048x768xf32, #tpu.memory_space<vmem>>, vector<128x384xf32>,
    } else {
    }
    %gt3A_35 = arith.constant 128 : i32
    %gt3A_36 = arith.cmpi sgt, %get3A_8, %gt3A_35 : i32
    %lt3A_37 = arith.constant 256 : i32
    %lt3A_38 = arith.cmpi slt, %get3A_4, %lt3A_37 : i32
    %and3A_39 = arith.andi %gt3A_36, %lt3A_38 : i1
    %convert_element_type3A_40 = arith.extui %and3A_39 : i1 to i32
    %cond3A_41 = arith.constant 0 : i32
    %cond3A_42 = arith.cmpi ne, %convert_element_type3A_40, %cond3A_41 : i32
    scf.if %cond3A_42 {
      %iota3A = tpu.iota {dimensions = array<i32: 0>} : vector<128x1xi32>
      %add3A_632 = arith.constant 128 : i32
      %add3A_633 = vector.broadcast %add3A_632 : i32 to vector<128x1xi32>
      %add3A_634 = arith.addi %add3A_633, %iota3A : vector<128x1xi32>
      %ge3A = vector.broadcast %get3A_4 : i32 to vector<128x1xi32>
      %ge3A_635 = arith.cmpi sge, %add3A_634, %ge3A : vector<128x1xi32>
      %lt3A_636 = vector.broadcast %get3A_8 : i32 to vector<128x1xi32>
      %lt3A_637 = arith.cmpi slt, %add3A_634, %lt3A_636 : vector<128x1xi32>
      %and3A_638 = arith.andi %ge3A_635, %lt3A_637 : vector<128x1xi1>
      %get3A_639 = arith.constant 128 : index
      %get3A_640 = arith.constant 0 : index
      %get3A_641 = vector.load %arg2[%get3A_639, %get3A_640] : memref<2048x896xf32, #tpu.memory_space<vmem>>, vector<128x768xf32>
      %jit3A = arith.constant 0.000000e+00 : f32
      %broadcast_in_dim3A = vector.shape_cast %and3A_638 : vector<128x1xi1> to vector<128x1xi1>
      %broadcast_in_dim3A_642 = vector.broadcast %broadcast_in_dim3A : vector<128x1xi1> to vector<128x768xi1>
      %broadcast_in_dim3A_643 = vector.broadcast %jit3A : f32 to vector<128x768xf32>
      %select_n3A = arith.select %broadcast_in_dim3A_642, %get3A_641, %broadcast_in_dim3A_643 : vector<128x768xi1>, vector<128x768xf32>
      %convert_element_type3A_644 = arith.truncf %select_n3A : vector<128x768xf32> to vector<128x768xbf16>
      %get3A_645 = arith.constant 128 : index
      %get3A_646 = arith.constant 768 : index
      %get3A_647 = vector.load %arg2[%get3A_645, %get3A_646] : memref<2048x896xf32, #tpu.memory_space<vmem>>, vector<128x1xf32>
      %jit3A_648 = arith.constant 0.000000e+00 : f32
      %broadcast_in_dim3A_649 = vector.broadcast %jit3A_648 : f32 to vector<128x1xf32>
      %select_n3A_650 = arith.select %and3A_638, %get3A_647, %broadcast_in_dim3A_649 : vector<128x1xi1>, vector<128x1xf32>
      %dot_general3A = arith.constant dense<0.000000e+00> : vector<128x384xf32>
      %dot_general3A_651 = tpu.matmul %convert_element_type3A_644, %convert_element_type3A_16, %dot_general3A {dimension_numbers = #tpu.dot_dimension_numbers<[1], [1], [0], [0], [0, 0, 1, 0], [], []>, transpose_lhs_hint = false} : vector<128x768xbf16>, vector<384x768xbf16>, vector<128x384xf32> -> vector<128x384xf32>
      %slice3A = vector.extract_strided_slice %get3A_29 {offsets = [0, 0], sizes = [1, 384], strides = [1, 1]} : vector<1x768xf32> to vector<1x384xf32>
      %mul3A_652 = vector.broadcast %select_n3A_650 : vector<128x1xf32> to vector<128x384xf32>
      %mul3A_653 = vector.broadcast %slice3A : vector<1x384xf32> to vector<128x384xf32>
      %mul3A_654 = arith.mulf %mul3A_652, %mul3A_653 : vector<128x384xf32>
      %add3A_655 = arith.addf %dot_general3A_651, %mul3A_654 : vector<128x384xf32>
      %get3A_656 = arith.constant 128 : index
      %get3A_657 = arith.constant 0 : index
      %get3A_658 = vector.load %arg6[%get3A_656, %get3A_657] : memref<2048x768xf32, #tpu.memory_space<vmem>>, vector<128x384xf32>
      %add3A_659 = arith.addf %get3A_658, %add3A_655 : vector<128x384xf32>
      %swap3A = arith.constant 128 : index
      %swap3A_660 = arith.constant 0 : index
      %swap3A_661 = vector.load %arg6[%swap3A, %swap3A_660] : memref<2048x768xf32, #tpu.memory_space<vmem>>, vector<128x384xf32>
      tpu.vector_store %arg6[%swap3A, %swap3A_660], %add3A_659 {strides = array<i32>} : memref<2048x768xf32, #tpu.memory_space<vmem>>, vector<128x384xf32>,
      %dot_general3A_662 = arith.constant dense<0.000000e+00> : vector<128x384xf32>
      %dot_general3A_663 = tpu.matmul %convert_element_type3A_644, %convert_element_type3A_24, %dot_general3A_662 {dimension_numbers = #tpu.dot_dimension_numbers<[1], [1], [0], [0], [0, 0, 1, 0], [], []>, transpose_lhs_hint = false} : vector<128x768xbf16>, vector<384x768xbf16>, vector<128x384xf32> -> vector<128x384xf32>
      %slice3A_664 = vector.extract_strided_slice %get3A_29 {offsets = [0, 384], sizes = [1, 384], strides = [1, 1]} : vector<1x768xf32> to vector<1x384xf32>
      %mul3A_665 = vector.broadcast %select_n3A_650 : vector<128x1xf32> to vector<128x384xf32>
      %mul3A_666 = vector.broadcast %slice3A_664 : vector<1x384xf32> to vector<128x384xf32>
      %mul3A_667 = arith.mulf %mul3A_665, %mul3A_666 : vector<128x384xf32>
      %add3A_668 = arith.addf %dot_general3A_663, %mul3A_667 : vector<128x384xf32>
      %get3A_669 = arith.constant 128 : index
      %get3A_670 = arith.constant 384 : index
      %get3A_671 = vector.load %arg6[%get3A_669, %get3A_670] : memref<2048x768xf32, #tpu.memory_space<vmem>>, vector<128x384xf32>
      %add3A_672 = arith.addf %get3A_671, %add3A_668 : vector<128x384xf32>
      %swap3A_673 = arith.constant 128 : index
      %swap3A_674 = arith.constant 384 : index
      %swap3A_675 = vector.load %arg6[%swap3A_673, %swap3A_674] : memref<2048x768xf32, #tpu.memory_space<vmem>>, vector<128x384xf32>
      tpu.vector_store %arg6[%swap3A_673, %swap3A_674], %add3A_672 {strides = array<i32>} : memref<2048x768xf32, #tpu.memory_space<vmem>>, vector<128x384xf32>,
    } else {
    }
    %gt3A_43 = arith.constant 256 : i32
    %gt3A_44 = arith.cmpi sgt, %get3A_8, %gt3A_43 : i32
    %lt3A_45 = arith.constant 384 : i32
    %lt3A_46 = arith.cmpi slt, %get3A_4, %lt3A_45 : i32
    %and3A_47 = arith.andi %gt3A_44, %lt3A_46 : i1
    %convert_element_type3A_48 = arith.extui %and3A_47 : i1 to i32
    %cond3A_49 = arith.constant 0 : i32
    %cond3A_50 = arith.cmpi ne, %convert_element_type3A_48, %cond3A_49 : i32
    scf.if %cond3A_50 {
      %iota3A = tpu.iota {dimensions = array<i32: 0>} : vector<128x1xi32>
      %add3A_632 = arith.constant 256 : i32
      %add3A_633 = vector.broadcast %add3A_632 : i32 to vector<128x1xi32>
      %add3A_634 = arith.addi %add3A_633, %iota3A : vector<128x1xi32>
      %ge3A = vector.broadcast %get3A_4 : i32 to vector<128x1xi32>
      %ge3A_635 = arith.cmpi sge, %add3A_634, %ge3A : vector<128x1xi32>
      %lt3A_636 = vector.broadcast %get3A_8 : i32 to vector<128x1xi32>
      %lt3A_637 = arith.cmpi slt, %add3A_634, %lt3A_636 : vector<128x1xi32>
      %and3A_638 = arith.andi %ge3A_635, %lt3A_637 : vector<128x1xi1>
      %get3A_639 = arith.constant 256 : index
      %get3A_640 = arith.constant 0 : index
      %get3A_641 = vector.load %arg2[%get3A_639, %get3A_640] : memref<2048x896xf32, #tpu.memory_space<vmem>>, vector<128x768xf32>
      %jit3A = arith.constant 0.000000e+00 : f32
      %broadcast_in_dim3A = vector.shape_cast %and3A_638 : vector<128x1xi1> to vector<128x1xi1>
      %broadcast_in_dim3A_642 = vector.broadcast %broadcast_in_dim3A : vector<128x1xi1> to vector<128x768xi1>
      %broadcast_in_dim3A_643 = vector.broadcast %jit3A : f32 to vector<128x768xf32>
      %select_n3A = arith.select %broadcast_in_dim3A_642, %get3A_641, %broadcast_in_dim3A_643 : vector<128x768xi1>, vector<128x768xf32>
      %convert_element_type3A_644 = arith.truncf %select_n3A : vector<128x768xf32> to vector<128x768xbf16>
      %get3A_645 = arith.constant 256 : index
      %get3A_646 = arith.constant 768 : index
      %get3A_647 = vector.load %arg2[%get3A_645, %get3A_646] : memref<2048x896xf32, #tpu.memory_space<vmem>>, vector<128x1xf32>
      %jit3A_648 = arith.constant 0.000000e+00 : f32
      %broadcast_in_dim3A_649 = vector.broadcast %jit3A_648 : f32 to vector<128x1xf32>
      %select_n3A_650 = arith.select %and3A_638, %get3A_647, %broadcast_in_dim3A_649 : vector<128x1xi1>, vector<128x1xf32>
      %dot_general3A = arith.constant dense<0.000000e+00> : vector<128x384xf32>
      %dot_general3A_651 = tpu.matmul %convert_element_type3A_644, %convert_element_type3A_16, %dot_general3A {dimension_numbers = #tpu.dot_dimension_numbers<[1], [1], [0], [0], [0, 0, 1, 0], [], []>, transpose_lhs_hint = false} : vector<128x768xbf16>, vector<384x768xbf16>, vector<128x384xf32> -> vector<128x384xf32>
      %slice3A = vector.extract_strided_slice %get3A_29 {offsets = [0, 0], sizes = [1, 384], strides = [1, 1]} : vector<1x768xf32> to vector<1x384xf32>
      %mul3A_652 = vector.broadcast %select_n3A_650 : vector<128x1xf32> to vector<128x384xf32>
      %mul3A_653 = vector.broadcast %slice3A : vector<1x384xf32> to vector<128x384xf32>
      %mul3A_654 = arith.mulf %mul3A_652, %mul3A_653 : vector<128x384xf32>
      %add3A_655 = arith.addf %dot_general3A_651, %mul3A_654 : vector<128x384xf32>
      %get3A_656 = arith.constant 256 : index
      %get3A_657 = arith.constant 0 : index
      %get3A_658 = vector.load %arg6[%get3A_656, %get3A_657] : memref<2048x768xf32, #tpu.memory_space<vmem>>, vector<128x384xf32>
      %add3A_659 = arith.addf %get3A_658, %add3A_655 : vector<128x384xf32>
      %swap3A = arith.constant 256 : index
      %swap3A_660 = arith.constant 0 : index
      %swap3A_661 = vector.load %arg6[%swap3A, %swap3A_660] : memref<2048x768xf32, #tpu.memory_space<vmem>>, vector<128x384xf32>
      tpu.vector_store %arg6[%swap3A, %swap3A_660], %add3A_659 {strides = array<i32>} : memref<2048x768xf32, #tpu.memory_space<vmem>>, vector<128x384xf32>,
      %dot_general3A_662 = arith.constant dense<0.000000e+00> : vector<128x384xf32>
      %dot_general3A_663 = tpu.matmul %convert_element_type3A_644, %convert_element_type3A_24, %dot_general3A_662 {dimension_numbers = #tpu.dot_dimension_numbers<[1], [1], [0], [0], [0, 0, 1, 0], [], []>, transpose_lhs_hint = false} : vector<128x768xbf16>, vector<384x768xbf16>, vector<128x384xf32> -> vector<128x384xf32>
      %slice3A_664 = vector.extract_strided_slice %get3A_29 {offsets = [0, 384], sizes = [1, 384], strides = [1, 1]} : vector<1x768xf32> to vector<1x384xf32>
      %mul3A_665 = vector.broadcast %select_n3A_650 : vector<128x1xf32> to vector<128x384xf32>
      %mul3A_666 = vector.broadcast %slice3A_664 : vector<1x384xf32> to vector<128x384xf32>
      %mul3A_667 = arith.mulf %mul3A_665, %mul3A_666 : vector<128x384xf32>
      %add3A_668 = arith.addf %dot_general3A_663, %mul3A_667 : vector<128x384xf32>
      %get3A_669 = arith.constant 256 : index
      %get3A_670 = arith.constant 384 : index
      %get3A_671 = vector.load %arg6[%get3A_669, %get3A_670] : memref<2048x768xf32, #tpu.memory_space<vmem>>, vector<128x384xf32>
      %add3A_672 = arith.addf %get3A_671, %add3A_668 : vector<128x384xf32>
      %swap3A_673 = arith.constant 256 : index
      %swap3A_674 = arith.constant 384 : index
      %swap3A_675 = vector.load %arg6[%swap3A_673, %swap3A_674] : memref<2048x768xf32, #tpu.memory_space<vmem>>, vector<128x384xf32>
      tpu.vector_store %arg6[%swap3A_673, %swap3A_674], %add3A_672 {strides = array<i32>} : memref<2048x768xf32, #tpu.memory_space<vmem>>, vector<128x384xf32>,
    } else {
    }
    %gt3A_51 = arith.constant 384 : i32
    %gt3A_52 = arith.cmpi sgt, %get3A_8, %gt3A_51 : i32
    %lt3A_53 = arith.constant 512 : i32
    %lt3A_54 = arith.cmpi slt, %get3A_4, %lt3A_53 : i32
    %and3A_55 = arith.andi %gt3A_52, %lt3A_54 : i1
    %convert_element_type3A_56 = arith.extui %and3A_55 : i1 to i32
    %cond3A_57 = arith.constant 0 : i32
    %cond3A_58 = arith.cmpi ne, %convert_element_type3A_56, %cond3A_57 : i32
    scf.if %cond3A_58 {
      %iota3A = tpu.iota {dimensions = array<i32: 0>} : vector<128x1xi32>
      %add3A_632 = arith.constant 384 : i32
      %add3A_633 = vector.broadcast %add3A_632 : i32 to vector<128x1xi32>
      %add3A_634 = arith.addi %add3A_633, %iota3A : vector<128x1xi32>
      %ge3A = vector.broadcast %get3A_4 : i32 to vector<128x1xi32>
      %ge3A_635 = arith.cmpi sge, %add3A_634, %ge3A : vector<128x1xi32>
      %lt3A_636 = vector.broadcast %get3A_8 : i32 to vector<128x1xi32>
      %lt3A_637 = arith.cmpi slt, %add3A_634, %lt3A_636 : vector<128x1xi32>
      %and3A_638 = arith.andi %ge3A_635, %lt3A_637 : vector<128x1xi1>
      %get3A_639 = arith.constant 384 : index
      %get3A_640 = arith.constant 0 : index
      %get3A_641 = vector.load %arg2[%get3A_639, %get3A_640] : memref<2048x896xf32, #tpu.memory_space<vmem>>, vector<128x768xf32>
      %jit3A = arith.constant 0.000000e+00 : f32
      %broadcast_in_dim3A = vector.shape_cast %and3A_638 : vector<128x1xi1> to vector<128x1xi1>
      %broadcast_in_dim3A_642 = vector.broadcast %broadcast_in_dim3A : vector<128x1xi1> to vector<128x768xi1>
      %broadcast_in_dim3A_643 = vector.broadcast %jit3A : f32 to vector<128x768xf32>
      %select_n3A = arith.select %broadcast_in_dim3A_642, %get3A_641, %broadcast_in_dim3A_643 : vector<128x768xi1>, vector<128x768xf32>
      %convert_element_type3A_644 = arith.truncf %select_n3A : vector<128x768xf32> to vector<128x768xbf16>
      %get3A_645 = arith.constant 384 : index
      %get3A_646 = arith.constant 768 : index
      %get3A_647 = vector.load %arg2[%get3A_645, %get3A_646] : memref<2048x896xf32, #tpu.memory_space<vmem>>, vector<128x1xf32>
      %jit3A_648 = arith.constant 0.000000e+00 : f32
      %broadcast_in_dim3A_649 = vector.broadcast %jit3A_648 : f32 to vector<128x1xf32>
      %select_n3A_650 = arith.select %and3A_638, %get3A_647, %broadcast_in_dim3A_649 : vector<128x1xi1>, vector<128x1xf32>
      %dot_general3A = arith.constant dense<0.000000e+00> : vector<128x384xf32>
      %dot_general3A_651 = tpu.matmul %convert_element_type3A_644, %convert_element_type3A_16, %dot_general3A {dimension_numbers = #tpu.dot_dimension_numbers<[1], [1], [0], [0], [0, 0, 1, 0], [], []>, transpose_lhs_hint = false} : vector<128x768xbf16>, vector<384x768xbf16>, vector<128x384xf32> -> vector<128x384xf32>
      %slice3A = vector.extract_strided_slice %get3A_29 {offsets = [0, 0], sizes = [1, 384], strides = [1, 1]} : vector<1x768xf32> to vector<1x384xf32>
      %mul3A_652 = vector.broadcast %select_n3A_650 : vector<128x1xf32> to vector<128x384xf32>
      %mul3A_653 = vector.broadcast %slice3A : vector<1x384xf32> to vector<128x384xf32>
      %mul3A_654 = arith.mulf %mul3A_652, %mul3A_653 : vector<128x384xf32>
      %add3A_655 = arith.addf %dot_general3A_651, %mul3A_654 : vector<128x384xf32>
      %get3A_656 = arith.constant 384 : index
      %get3A_657 = arith.constant 0 : index
      %get3A_658 = vector.load %arg6[%get3A_656, %get3A_657] : memref<2048x768xf32, #tpu.memory_space<vmem>>, vector<128x384xf32>
      %add3A_659 = arith.addf %get3A_658, %add3A_655 : vector<128x384xf32>
      %swap3A = arith.constant 384 : index
      %swap3A_660 = arith.constant 0 : index
      %swap3A_661 = vector.load %arg6[%swap3A, %swap3A_660] : memref<2048x768xf32, #tpu.memory_space<vmem>>, vector<128x384xf32>
      tpu.vector_store %arg6[%swap3A, %swap3A_660], %add3A_659 {strides = array<i32>} : memref<2048x768xf32, #tpu.memory_space<vmem>>, vector<128x384xf32>,
      %dot_general3A_662 = arith.constant dense<0.000000e+00> : vector<128x384xf32>
      %dot_general3A_663 = tpu.matmul %convert_element_type3A_644, %convert_element_type3A_24, %dot_general3A_662 {dimension_numbers = #tpu.dot_dimension_numbers<[1], [1], [0], [0], [0, 0, 1, 0], [], []>, transpose_lhs_hint = false} : vector<128x768xbf16>, vector<384x768xbf16>, vector<128x384xf32> -> vector<128x384xf32>
      %slice3A_664 = vector.extract_strided_slice %get3A_29 {offsets = [0, 384], sizes = [1, 384], strides = [1, 1]} : vector<1x768xf32> to vector<1x384xf32>
      %mul3A_665 = vector.broadcast %select_n3A_650 : vector<128x1xf32> to vector<128x384xf32>
      %mul3A_666 = vector.broadcast %slice3A_664 : vector<1x384xf32> to vector<128x384xf32>
      %mul3A_667 = arith.mulf %mul3A_665, %mul3A_666 : vector<128x384xf32>
      %add3A_668 = arith.addf %dot_general3A_663, %mul3A_667 : vector<128x384xf32>
      %get3A_669 = arith.constant 384 : index
      %get3A_670 = arith.constant 384 : index
      %get3A_671 = vector.load %arg6[%get3A_669, %get3A_670] : memref<2048x768xf32, #tpu.memory_space<vmem>>, vector<128x384xf32>
      %add3A_672 = arith.addf %get3A_671, %add3A_668 : vector<128x384xf32>
      %swap3A_673 = arith.constant 384 : index
      %swap3A_674 = arith.constant 384 : index
      %swap3A_675 = vector.load %arg6[%swap3A_673, %swap3A_674] : memref<2048x768xf32, #tpu.memory_space<vmem>>, vector<128x384xf32>
      tpu.vector_store %arg6[%swap3A_673, %swap3A_674], %add3A_672 {strides = array<i32>} : memref<2048x768xf32, #tpu.memory_space<vmem>>, vector<128x384xf32>,
    } else {
    }
    %gt3A_59 = arith.constant 512 : i32
    %gt3A_60 = arith.cmpi sgt, %get3A_8, %gt3A_59 : i32
    %lt3A_61 = arith.constant 640 : i32
    %lt3A_62 = arith.cmpi slt, %get3A_4, %lt3A_61 : i32
    %and3A_63 = arith.andi %gt3A_60, %lt3A_62 : i1
    %convert_element_type3A_64 = arith.extui %and3A_63 : i1 to i32
    %cond3A_65 = arith.constant 0 : i32
    %cond3A_66 = arith.cmpi ne, %convert_element_type3A_64, %cond3A_65 : i32
    scf.if %cond3A_66 {
      %iota3A = tpu.iota {dimensions = array<i32: 0>} : vector<128x1xi32>
      %add3A_632 = arith.constant 512 : i32
      %add3A_633 = vector.broadcast %add3A_632 : i32 to vector<128x1xi32>
      %add3A_634 = arith.addi %add3A_633, %iota3A : vector<128x1xi32>
      %ge3A = vector.broadcast %get3A_4 : i32 to vector<128x1xi32>
      %ge3A_635 = arith.cmpi sge, %add3A_634, %ge3A : vector<128x1xi32>
      %lt3A_636 = vector.broadcast %get3A_8 : i32 to vector<128x1xi32>
      %lt3A_637 = arith.cmpi slt, %add3A_634, %lt3A_636 : vector<128x1xi32>
      %and3A_638 = arith.andi %ge3A_635, %lt3A_637 : vector<128x1xi1>
      %get3A_639 = arith.constant 512 : index
      %get3A_640 = arith.constant 0 : index
      %get3A_641 = vector.load %arg2[%get3A_639, %get3A_640] : memref<2048x896xf32, #tpu.memory_space<vmem>>, vector<128x768xf32>
      %jit3A = arith.constant 0.000000e+00 : f32
      %broadcast_in_dim3A = vector.shape_cast %and3A_638 : vector<128x1xi1> to vector<128x1xi1>
      %broadcast_in_dim3A_642 = vector.broadcast %broadcast_in_dim3A : vector<128x1xi1> to vector<128x768xi1>
      %broadcast_in_dim3A_643 = vector.broadcast %jit3A : f32 to vector<128x768xf32>
      %select_n3A = arith.select %broadcast_in_dim3A_642, %get3A_641, %broadcast_in_dim3A_643 : vector<128x768xi1>, vector<128x768xf32>
      %convert_element_type3A_644 = arith.truncf %select_n3A : vector<128x768xf32> to vector<128x768xbf16>
      %get3A_645 = arith.constant 512 : index
      %get3A_646 = arith.constant 768 : index
      %get3A_647 = vector.load %arg2[%get3A_645, %get3A_646] : memref<2048x896xf32, #tpu.memory_space<vmem>>, vector<128x1xf32>
      %jit3A_648 = arith.constant 0.000000e+00 : f32
      %broadcast_in_dim3A_649 = vector.broadcast %jit3A_648 : f32 to vector<128x1xf32>
      %select_n3A_650 = arith.select %and3A_638, %get3A_647, %broadcast_in_dim3A_649 : vector<128x1xi1>, vector<128x1xf32>
      %dot_general3A = arith.constant dense<0.000000e+00> : vector<128x384xf32>
      %dot_general3A_651 = tpu.matmul %convert_element_type3A_644, %convert_element_type3A_16, %dot_general3A {dimension_numbers = #tpu.dot_dimension_numbers<[1], [1], [0], [0], [0, 0, 1, 0], [], []>, transpose_lhs_hint = false} : vector<128x768xbf16>, vector<384x768xbf16>, vector<128x384xf32> -> vector<128x384xf32>
      %slice3A = vector.extract_strided_slice %get3A_29 {offsets = [0, 0], sizes = [1, 384], strides = [1, 1]} : vector<1x768xf32> to vector<1x384xf32>
      %mul3A_652 = vector.broadcast %select_n3A_650 : vector<128x1xf32> to vector<128x384xf32>
      %mul3A_653 = vector.broadcast %slice3A : vector<1x384xf32> to vector<128x384xf32>
      %mul3A_654 = arith.mulf %mul3A_652, %mul3A_653 : vector<128x384xf32>
      %add3A_655 = arith.addf %dot_general3A_651, %mul3A_654 : vector<128x384xf32>
      %get3A_656 = arith.constant 512 : index
      %get3A_657 = arith.constant 0 : index
      %get3A_658 = vector.load %arg6[%get3A_656, %get3A_657] : memref<2048x768xf32, #tpu.memory_space<vmem>>, vector<128x384xf32>
      %add3A_659 = arith.addf %get3A_658, %add3A_655 : vector<128x384xf32>
      %swap3A = arith.constant 512 : index
      %swap3A_660 = arith.constant 0 : index
      %swap3A_661 = vector.load %arg6[%swap3A, %swap3A_660] : memref<2048x768xf32, #tpu.memory_space<vmem>>, vector<128x384xf32>
      tpu.vector_store %arg6[%swap3A, %swap3A_660], %add3A_659 {strides = array<i32>} : memref<2048x768xf32, #tpu.memory_space<vmem>>, vector<128x384xf32>,
      %dot_general3A_662 = arith.constant dense<0.000000e+00> : vector<128x384xf32>
      %dot_general3A_663 = tpu.matmul %convert_element_type3A_644, %convert_element_type3A_24, %dot_general3A_662 {dimension_numbers = #tpu.dot_dimension_numbers<[1], [1], [0], [0], [0, 0, 1, 0], [], []>, transpose_lhs_hint = false} : vector<128x768xbf16>, vector<384x768xbf16>, vector<128x384xf32> -> vector<128x384xf32>
      %slice3A_664 = vector.extract_strided_slice %get3A_29 {offsets = [0, 384], sizes = [1, 384], strides = [1, 1]} : vector<1x768xf32> to vector<1x384xf32>
      %mul3A_665 = vector.broadcast %select_n3A_650 : vector<128x1xf32> to vector<128x384xf32>
      %mul3A_666 = vector.broadcast %slice3A_664 : vector<1x384xf32> to vector<128x384xf32>
      %mul3A_667 = arith.mulf %mul3A_665, %mul3A_666 : vector<128x384xf32>
      %add3A_668 = arith.addf %dot_general3A_663, %mul3A_667 : vector<128x384xf32>
      %get3A_669 = arith.constant 512 : index
      %get3A_670 = arith.constant 384 : index
      %get3A_671 = vector.load %arg6[%get3A_669, %get3A_670] : memref<2048x768xf32, #tpu.memory_space<vmem>>, vector<128x384xf32>
      %add3A_672 = arith.addf %get3A_671, %add3A_668 : vector<128x384xf32>
      %swap3A_673 = arith.constant 512 : index
      %swap3A_674 = arith.constant 384 : index
      %swap3A_675 = vector.load %arg6[%swap3A_673, %swap3A_674] : memref<2048x768xf32, #tpu.memory_space<vmem>>, vector<128x384xf32>
      tpu.vector_store %arg6[%swap3A_673, %swap3A_674], %add3A_672 {strides = array<i32>} : memref<2048x768xf32, #tpu.memory_space<vmem>>, vector<128x384xf32>,
    } else {
    }
    %gt3A_67 = arith.constant 640 : i32
    %gt3A_68 = arith.cmpi sgt, %get3A_8, %gt3A_67 : i32
    %lt3A_69 = arith.constant 768 : i32
    %lt3A_70 = arith.cmpi slt, %get3A_4, %lt3A_69 : i32
    %and3A_71 = arith.andi %gt3A_68, %lt3A_70 : i1
    %convert_element_type3A_72 = arith.extui %and3A_71 : i1 to i32
    %cond3A_73 = arith.constant 0 : i32
    %cond3A_74 = arith.cmpi ne, %convert_element_type3A_72, %cond3A_73 : i32
    scf.if %cond3A_74 {
      %iota3A = tpu.iota {dimensions = array<i32: 0>} : vector<128x1xi32>
      %add3A_632 = arith.constant 640 : i32
      %add3A_633 = vector.broadcast %add3A_632 : i32 to vector<128x1xi32>
      %add3A_634 = arith.addi %add3A_633, %iota3A : vector<128x1xi32>
      %ge3A = vector.broadcast %get3A_4 : i32 to vector<128x1xi32>
      %ge3A_635 = arith.cmpi sge, %add3A_634, %ge3A : vector<128x1xi32>
      %lt3A_636 = vector.broadcast %get3A_8 : i32 to vector<128x1xi32>
      %lt3A_637 = arith.cmpi slt, %add3A_634, %lt3A_636 : vector<128x1xi32>
      %and3A_638 = arith.andi %ge3A_635, %lt3A_637 : vector<128x1xi1>
      %get3A_639 = arith.constant 640 : index
      %get3A_640 = arith.constant 0 : index
      %get3A_641 = vector.load %arg2[%get3A_639, %get3A_640] : memref<2048x896xf32, #tpu.memory_space<vmem>>, vector<128x768xf32>
      %jit3A = arith.constant 0.000000e+00 : f32
      %broadcast_in_dim3A = vector.shape_cast %and3A_638 : vector<128x1xi1> to vector<128x1xi1>
      %broadcast_in_dim3A_642 = vector.broadcast %broadcast_in_dim3A : vector<128x1xi1> to vector<128x768xi1>
      %broadcast_in_dim3A_643 = vector.broadcast %jit3A : f32 to vector<128x768xf32>
      %select_n3A = arith.select %broadcast_in_dim3A_642, %get3A_641, %broadcast_in_dim3A_643 : vector<128x768xi1>, vector<128x768xf32>
      %convert_element_type3A_644 = arith.truncf %select_n3A : vector<128x768xf32> to vector<128x768xbf16>
      %get3A_645 = arith.constant 640 : index
      %get3A_646 = arith.constant 768 : index
      %get3A_647 = vector.load %arg2[%get3A_645, %get3A_646] : memref<2048x896xf32, #tpu.memory_space<vmem>>, vector<128x1xf32>
      %jit3A_648 = arith.constant 0.000000e+00 : f32
      %broadcast_in_dim3A_649 = vector.broadcast %jit3A_648 : f32 to vector<128x1xf32>
      %select_n3A_650 = arith.select %and3A_638, %get3A_647, %broadcast_in_dim3A_649 : vector<128x1xi1>, vector<128x1xf32>
      %dot_general3A = arith.constant dense<0.000000e+00> : vector<128x384xf32>
      %dot_general3A_651 = tpu.matmul %convert_element_type3A_644, %convert_element_type3A_16, %dot_general3A {dimension_numbers = #tpu.dot_dimension_numbers<[1], [1], [0], [0], [0, 0, 1, 0], [], []>, transpose_lhs_hint = false} : vector<128x768xbf16>, vector<384x768xbf16>, vector<128x384xf32> -> vector<128x384xf32>
      %slice3A = vector.extract_strided_slice %get3A_29 {offsets = [0, 0], sizes = [1, 384], strides = [1, 1]} : vector<1x768xf32> to vector<1x384xf32>
      %mul3A_652 = vector.broadcast %select_n3A_650 : vector<128x1xf32> to vector<128x384xf32>
      %mul3A_653 = vector.broadcast %slice3A : vector<1x384xf32> to vector<128x384xf32>
      %mul3A_654 = arith.mulf %mul3A_652, %mul3A_653 : vector<128x384xf32>
      %add3A_655 = arith.addf %dot_general3A_651, %mul3A_654 : vector<128x384xf32>
      %get3A_656 = arith.constant 640 : index
      %get3A_657 = arith.constant 0 : index
      %get3A_658 = vector.load %arg6[%get3A_656, %get3A_657] : memref<2048x768xf32, #tpu.memory_space<vmem>>, vector<128x384xf32>
      %add3A_659 = arith.addf %get3A_658, %add3A_655 : vector<128x384xf32>
      %swap3A = arith.constant 640 : index
      %swap3A_660 = arith.constant 0 : index
      %swap3A_661 = vector.load %arg6[%swap3A, %swap3A_660] : memref<2048x768xf32, #tpu.memory_space<vmem>>, vector<128x384xf32>
      tpu.vector_store %arg6[%swap3A, %swap3A_660], %add3A_659 {strides = array<i32>} : memref<2048x768xf32, #tpu.memory_space<vmem>>, vector<128x384xf32>,
      %dot_general3A_662 = arith.constant dense<0.000000e+00> : vector<128x384xf32>
      %dot_general3A_663 = tpu.matmul %convert_element_type3A_644, %convert_element_type3A_24, %dot_general3A_662 {dimension_numbers = #tpu.dot_dimension_numbers<[1], [1], [0], [0], [0, 0, 1, 0], [], []>, transpose_lhs_hint = false} : vector<128x768xbf16>, vector<384x768xbf16>, vector<128x384xf32> -> vector<128x384xf32>
      %slice3A_664 = vector.extract_strided_slice %get3A_29 {offsets = [0, 384], sizes = [1, 384], strides = [1, 1]} : vector<1x768xf32> to vector<1x384xf32>
      %mul3A_665 = vector.broadcast %select_n3A_650 : vector<128x1xf32> to vector<128x384xf32>
      %mul3A_666 = vector.broadcast %slice3A_664 : vector<1x384xf32> to vector<128x384xf32>
      %mul3A_667 = arith.mulf %mul3A_665, %mul3A_666 : vector<128x384xf32>
      %add3A_668 = arith.addf %dot_general3A_663, %mul3A_667 : vector<128x384xf32>
      %get3A_669 = arith.constant 640 : index
      %get3A_670 = arith.constant 384 : index
      %get3A_671 = vector.load %arg6[%get3A_669, %get3A_670] : memref<2048x768xf32, #tpu.memory_space<vmem>>, vector<128x384xf32>
      %add3A_672 = arith.addf %get3A_671, %add3A_668 : vector<128x384xf32>
      %swap3A_673 = arith.constant 640 : index
      %swap3A_674 = arith.constant 384 : index
      %swap3A_675 = vector.load %arg6[%swap3A_673, %swap3A_674] : memref<2048x768xf32, #tpu.memory_space<vmem>>, vector<128x384xf32>
      tpu.vector_store %arg6[%swap3A_673, %swap3A_674], %add3A_672 {strides = array<i32>} : memref<2048x768xf32, #tpu.memory_space<vmem>>, vector<128x384xf32>,
    } else {
    }
    %gt3A_75 = arith.constant 768 : i32
    %gt3A_76 = arith.cmpi sgt, %get3A_8, %gt3A_75 : i32
    %lt3A_77 = arith.constant 896 : i32
    %lt3A_78 = arith.cmpi slt, %get3A_4, %lt3A_77 : i32
    %and3A_79 = arith.andi %gt3A_76, %lt3A_78 : i1
    %convert_element_type3A_80 = arith.extui %and3A_79 : i1 to i32
    %cond3A_81 = arith.constant 0 : i32
    %cond3A_82 = arith.cmpi ne, %convert_element_type3A_80, %cond3A_81 : i32
    scf.if %cond3A_82 {
      %iota3A = tpu.iota {dimensions = array<i32: 0>} : vector<128x1xi32>
      %add3A_632 = arith.constant 768 : i32
      %add3A_633 = vector.broadcast %add3A_632 : i32 to vector<128x1xi32>
      %add3A_634 = arith.addi %add3A_633, %iota3A : vector<128x1xi32>
      %ge3A = vector.broadcast %get3A_4 : i32 to vector<128x1xi32>
      %ge3A_635 = arith.cmpi sge, %add3A_634, %ge3A : vector<128x1xi32>
      %lt3A_636 = vector.broadcast %get3A_8 : i32 to vector<128x1xi32>
      %lt3A_637 = arith.cmpi slt, %add3A_634, %lt3A_636 : vector<128x1xi32>
      %and3A_638 = arith.andi %ge3A_635, %lt3A_637 : vector<128x1xi1>
      %get3A_639 = arith.constant 768 : index
      %get3A_640 = arith.constant 0 : index
      %get3A_641 = vector.load %arg2[%get3A_639, %get3A_640] : memref<2048x896xf32, #tpu.memory_space<vmem>>, vector<128x768xf32>
      %jit3A = arith.constant 0.000000e+00 : f32
      %broadcast_in_dim3A = vector.shape_cast %and3A_638 : vector<128x1xi1> to vector<128x1xi1>
      %broadcast_in_dim3A_642 = vector.broadcast %broadcast_in_dim3A : vector<128x1xi1> to vector<128x768xi1>
      %broadcast_in_dim3A_643 = vector.broadcast %jit3A : f32 to vector<128x768xf32>
      %select_n3A = arith.select %broadcast_in_dim3A_642, %get3A_641, %broadcast_in_dim3A_643 : vector<128x768xi1>, vector<128x768xf32>
      %convert_element_type3A_644 = arith.truncf %select_n3A : vector<128x768xf32> to vector<128x768xbf16>
      %get3A_645 = arith.constant 768 : index
      %get3A_646 = arith.constant 768 : index
      %get3A_647 = vector.load %arg2[%get3A_645, %get3A_646] : memref<2048x896xf32, #tpu.memory_space<vmem>>, vector<128x1xf32>
      %jit3A_648 = arith.constant 0.000000e+00 : f32
      %broadcast_in_dim3A_649 = vector.broadcast %jit3A_648 : f32 to vector<128x1xf32>
      %select_n3A_650 = arith.select %and3A_638, %get3A_647, %broadcast_in_dim3A_649 : vector<128x1xi1>, vector<128x1xf32>
      %dot_general3A = arith.constant dense<0.000000e+00> : vector<128x384xf32>
      %dot_general3A_651 = tpu.matmul %convert_element_type3A_644, %convert_element_type3A_16, %dot_general3A {dimension_numbers = #tpu.dot_dimension_numbers<[1], [1], [0], [0], [0, 0, 1, 0], [], []>, transpose_lhs_hint = false} : vector<128x768xbf16>, vector<384x768xbf16>, vector<128x384xf32> -> vector<128x384xf32>
      %slice3A = vector.extract_strided_slice %get3A_29 {offsets = [0, 0], sizes = [1, 384], strides = [1, 1]} : vector<1x768xf32> to vector<1x384xf32>
      %mul3A_652 = vector.broadcast %select_n3A_650 : vector<128x1xf32> to vector<128x384xf32>
      %mul3A_653 = vector.broadcast %slice3A : vector<1x384xf32> to vector<128x384xf32>
      %mul3A_654 = arith.mulf %mul3A_652, %mul3A_653 : vector<128x384xf32>
      %add3A_655 = arith.addf %dot_general3A_651, %mul3A_654 : vector<128x384xf32>
      %get3A_656 = arith.constant 768 : index
      %get3A_657 = arith.constant 0 : index
      %get3A_658 = vector.load %arg6[%get3A_656, %get3A_657] : memref<2048x768xf32, #tpu.memory_space<vmem>>, vector<128x384xf32>
      %add3A_659 = arith.addf %get3A_658, %add3A_655 : vector<128x384xf32>
      %swap3A = arith.constant 768 : index
      %swap3A_660 = arith.constant 0 : index
      %swap3A_661 = vector.load %arg6[%swap3A, %swap3A_660] : memref<2048x768xf32, #tpu.memory_space<vmem>>, vector<128x384xf32>
      tpu.vector_store %arg6[%swap3A, %swap3A_660], %add3A_659 {strides = array<i32>} : memref<2048x768xf32, #tpu.memory_space<vmem>>, vector<128x384xf32>,
      %dot_general3A_662 = arith.constant dense<0.000000e+00> : vector<128x384xf32>
      %dot_general3A_663 = tpu.matmul %convert_element_type3A_644, %convert_element_type3A_24, %dot_general3A_662 {dimension_numbers = #tpu.dot_dimension_numbers<[1], [1], [0], [0], [0, 0, 1, 0], [], []>, transpose_lhs_hint = false} : vector<128x768xbf16>, vector<384x768xbf16>, vector<128x384xf32> -> vector<128x384xf32>
      %slice3A_664 = vector.extract_strided_slice %get3A_29 {offsets = [0, 384], sizes = [1, 384], strides = [1, 1]} : vector<1x768xf32> to vector<1x384xf32>
      %mul3A_665 = vector.broadcast %select_n3A_650 : vector<128x1xf32> to vector<128x384xf32>
      %mul3A_666 = vector.broadcast %slice3A_664 : vector<1x384xf32> to vector<128x384xf32>
      %mul3A_667 = arith.mulf %mul3A_665, %mul3A_666 : vector<128x384xf32>
      %add3A_668 = arith.addf %dot_general3A_663, %mul3A_667 : vector<128x384xf32>
      %get3A_669 = arith.constant 768 : index
      %get3A_670 = arith.constant 384 : index
      %get3A_671 = vector.load %arg6[%get3A_669, %get3A_670] : memref<2048x768xf32, #tpu.memory_space<vmem>>, vector<128x384xf32>
      %add3A_672 = arith.addf %get3A_671, %add3A_668 : vector<128x384xf32>
      %swap3A_673 = arith.constant 768 : index
      %swap3A_674 = arith.constant 384 : index
      %swap3A_675 = vector.load %arg6[%swap3A_673, %swap3A_674] : memref<2048x768xf32, #tpu.memory_space<vmem>>, vector<128x384xf32>
      tpu.vector_store %arg6[%swap3A_673, %swap3A_674], %add3A_672 {strides = array<i32>} : memref<2048x768xf32, #tpu.memory_space<vmem>>, vector<128x384xf32>,
    } else {
    }
    %gt3A_83 = arith.constant 896 : i32
    %gt3A_84 = arith.cmpi sgt, %get3A_8, %gt3A_83 : i32
    %lt3A_85 = arith.constant 1024 : i32
    %lt3A_86 = arith.cmpi slt, %get3A_4, %lt3A_85 : i32
    %and3A_87 = arith.andi %gt3A_84, %lt3A_86 : i1
    %convert_element_type3A_88 = arith.extui %and3A_87 : i1 to i32
    %cond3A_89 = arith.constant 0 : i32
    %cond3A_90 = arith.cmpi ne, %convert_element_type3A_88, %cond3A_89 : i32
    scf.if %cond3A_90 {
      %iota3A = tpu.iota {dimensions = array<i32: 0>} : vector<128x1xi32>
      %add3A_632 = arith.constant 896 : i32
      %add3A_633 = vector.broadcast %add3A_632 : i32 to vector<128x1xi32>
      %add3A_634 = arith.addi %add3A_633, %iota3A : vector<128x1xi32>
      %ge3A = vector.broadcast %get3A_4 : i32 to vector<128x1xi32>
      %ge3A_635 = arith.cmpi sge, %add3A_634, %ge3A : vector<128x1xi32>
      %lt3A_636 = vector.broadcast %get3A_8 : i32 to vector<128x1xi32>
      %lt3A_637 = arith.cmpi slt, %add3A_634, %lt3A_636 : vector<128x1xi32>
      %and3A_638 = arith.andi %ge3A_635, %lt3A_637 : vector<128x1xi1>
      %get3A_639 = arith.constant 896 : index
      %get3A_640 = arith.constant 0 : index
      %get3A_641 = vector.load %arg2[%get3A_639, %get3A_640] : memref<2048x896xf32, #tpu.memory_space<vmem>>, vector<128x768xf32>
      %jit3A = arith.constant 0.000000e+00 : f32
      %broadcast_in_dim3A = vector.shape_cast %and3A_638 : vector<128x1xi1> to vector<128x1xi1>
      %broadcast_in_dim3A_642 = vector.broadcast %broadcast_in_dim3A : vector<128x1xi1> to vector<128x768xi1>
      %broadcast_in_dim3A_643 = vector.broadcast %jit3A : f32 to vector<128x768xf32>
      %select_n3A = arith.select %broadcast_in_dim3A_642, %get3A_641, %broadcast_in_dim3A_643 : vector<128x768xi1>, vector<128x768xf32>
      %convert_element_type3A_644 = arith.truncf %select_n3A : vector<128x768xf32> to vector<128x768xbf16>
      %get3A_645 = arith.constant 896 : index
      %get3A_646 = arith.constant 768 : index
      %get3A_647 = vector.load %arg2[%get3A_645, %get3A_646] : memref<2048x896xf32, #tpu.memory_space<vmem>>, vector<128x1xf32>
      %jit3A_648 = arith.constant 0.000000e+00 : f32
      %broadcast_in_dim3A_649 = vector.broadcast %jit3A_648 : f32 to vector<128x1xf32>
      %select_n3A_650 = arith.select %and3A_638, %get3A_647, %broadcast_in_dim3A_649 : vector<128x1xi1>, vector<128x1xf32>
      %dot_general3A = arith.constant dense<0.000000e+00> : vector<128x384xf32>
      %dot_general3A_651 = tpu.matmul %convert_element_type3A_644, %convert_element_type3A_16, %dot_general3A {dimension_numbers = #tpu.dot_dimension_numbers<[1], [1], [0], [0], [0, 0, 1, 0], [], []>, transpose_lhs_hint = false} : vector<128x768xbf16>, vector<384x768xbf16>, vector<128x384xf32> -> vector<128x384xf32>
      %slice3A = vector.extract_strided_slice %get3A_29 {offsets = [0, 0], sizes = [1, 384], strides = [1, 1]} : vector<1x768xf32> to vector<1x384xf32>
      %mul3A_652 = vector.broadcast %select_n3A_650 : vector<128x1xf32> to vector<128x384xf32>
      %mul3A_653 = vector.broadcast %slice3A : vector<1x384xf32> to vector<128x384xf32>
      %mul3A_654 = arith.mulf %mul3A_652, %mul3A_653 : vector<128x384xf32>
      %add3A_655 = arith.addf %dot_general3A_651, %mul3A_654 : vector<128x384xf32>
      %get3A_656 = arith.constant 896 : index
      %get3A_657 = arith.constant 0 : index
      %get3A_658 = vector.load %arg6[%get3A_656, %get3A_657] : memref<2048x768xf32, #tpu.memory_space<vmem>>, vector<128x384xf32>
      %add3A_659 = arith.addf %get3A_658, %add3A_655 : vector<128x384xf32>
      %swap3A = arith.constant 896 : index
      %swap3A_660 = arith.constant 0 : index
      %swap3A_661 = vector.load %arg6[%swap3A, %swap3A_660] : memref<2048x768xf32, #tpu.memory_space<vmem>>, vector<128x384xf32>
      tpu.vector_store %arg6[%swap3A, %swap3A_660], %add3A_659 {strides = array<i32>} : memref<2048x768xf32, #tpu.memory_space<vmem>>, vector<128x384xf32>,
      %dot_general3A_662 = arith.constant dense<0.000000e+00> : vector<128x384xf32>
      %dot_general3A_663 = tpu.matmul %convert_element_type3A_644, %convert_element_type3A_24, %dot_general3A_662 {dimension_numbers = #tpu.dot_dimension_numbers<[1], [1], [0], [0], [0, 0, 1, 0], [], []>, transpose_lhs_hint = false} : vector<128x768xbf16>, vector<384x768xbf16>, vector<128x384xf32> -> vector<128x384xf32>
      %slice3A_664 = vector.extract_strided_slice %get3A_29 {offsets = [0, 384], sizes = [1, 384], strides = [1, 1]} : vector<1x768xf32> to vector<1x384xf32>
      %mul3A_665 = vector.broadcast %select_n3A_650 : vector<128x1xf32> to vector<128x384xf32>
      %mul3A_666 = vector.broadcast %slice3A_664 : vector<1x384xf32> to vector<128x384xf32>
      %mul3A_667 = arith.mulf %mul3A_665, %mul3A_666 : vector<128x384xf32>
      %add3A_668 = arith.addf %dot_general3A_663, %mul3A_667 : vector<128x384xf32>
      %get3A_669 = arith.constant 896 : index
      %get3A_670 = arith.constant 384 : index
      %get3A_671 = vector.load %arg6[%get3A_669, %get3A_670] : memref<2048x768xf32, #tpu.memory_space<vmem>>, vector<128x384xf32>
      %add3A_672 = arith.addf %get3A_671, %add3A_668 : vector<128x384xf32>
      %swap3A_673 = arith.constant 896 : index
      %swap3A_674 = arith.constant 384 : index
      %swap3A_675 = vector.load %arg6[%swap3A_673, %swap3A_674] : memref<2048x768xf32, #tpu.memory_space<vmem>>, vector<128x384xf32>
      tpu.vector_store %arg6[%swap3A_673, %swap3A_674], %add3A_672 {strides = array<i32>} : memref<2048x768xf32, #tpu.memory_space<vmem>>, vector<128x384xf32>,
    } else {
    }
    %gt3A_91 = arith.constant 1024 : i32
    %gt3A_92 = arith.cmpi sgt, %get3A_8, %gt3A_91 : i32
    %lt3A_93 = arith.constant 1152 : i32
    %lt3A_94 = arith.cmpi slt, %get3A_4, %lt3A_93 : i32
    %and3A_95 = arith.andi %gt3A_92, %lt3A_94 : i1
    %convert_element_type3A_96 = arith.extui %and3A_95 : i1 to i32
    %cond3A_97 = arith.constant 0 : i32
    %cond3A_98 = arith.cmpi ne, %convert_element_type3A_96, %cond3A_97 : i32
    scf.if %cond3A_98 {
      %iota3A = tpu.iota {dimensions = array<i32: 0>} : vector<128x1xi32>
      %add3A_632 = arith.constant 1024 : i32
      %add3A_633 = vector.broadcast %add3A_632 : i32 to vector<128x1xi32>
      %add3A_634 = arith.addi %add3A_633, %iota3A : vector<128x1xi32>
      %ge3A = vector.broadcast %get3A_4 : i32 to vector<128x1xi32>
      %ge3A_635 = arith.cmpi sge, %add3A_634, %ge3A : vector<128x1xi32>
      %lt3A_636 = vector.broadcast %get3A_8 : i32 to vector<128x1xi32>
      %lt3A_637 = arith.cmpi slt, %add3A_634, %lt3A_636 : vector<128x1xi32>
      %and3A_638 = arith.andi %ge3A_635, %lt3A_637 : vector<128x1xi1>
      %get3A_639 = arith.constant 1024 : index
      %get3A_640 = arith.constant 0 : index
      %get3A_641 = vector.load %arg2[%get3A_639, %get3A_640] : memref<2048x896xf32, #tpu.memory_space<vmem>>, vector<128x768xf32>
      %jit3A = arith.constant 0.000000e+00 : f32
      %broadcast_in_dim3A = vector.shape_cast %and3A_638 : vector<128x1xi1> to vector<128x1xi1>
      %broadcast_in_dim3A_642 = vector.broadcast %broadcast_in_dim3A : vector<128x1xi1> to vector<128x768xi1>
      %broadcast_in_dim3A_643 = vector.broadcast %jit3A : f32 to vector<128x768xf32>
      %select_n3A = arith.select %broadcast_in_dim3A_642, %get3A_641, %broadcast_in_dim3A_643 : vector<128x768xi1>, vector<128x768xf32>
      %convert_element_type3A_644 = arith.truncf %select_n3A : vector<128x768xf32> to vector<128x768xbf16>
      %get3A_645 = arith.constant 1024 : index
      %get3A_646 = arith.constant 768 : index
      %get3A_647 = vector.load %arg2[%get3A_645, %get3A_646] : memref<2048x896xf32, #tpu.memory_space<vmem>>, vector<128x1xf32>
      %jit3A_648 = arith.constant 0.000000e+00 : f32
      %broadcast_in_dim3A_649 = vector.broadcast %jit3A_648 : f32 to vector<128x1xf32>
      %select_n3A_650 = arith.select %and3A_638, %get3A_647, %broadcast_in_dim3A_649 : vector<128x1xi1>, vector<128x1xf32>
      %dot_general3A = arith.constant dense<0.000000e+00> : vector<128x384xf32>
      %dot_general3A_651 = tpu.matmul %convert_element_type3A_644, %convert_element_type3A_16, %dot_general3A {dimension_numbers = #tpu.dot_dimension_numbers<[1], [1], [0], [0], [0, 0, 1, 0], [], []>, transpose_lhs_hint = false} : vector<128x768xbf16>, vector<384x768xbf16>, vector<128x384xf32> -> vector<128x384xf32>
      %slice3A = vector.extract_strided_slice %get3A_29 {offsets = [0, 0], sizes = [1, 384], strides = [1, 1]} : vector<1x768xf32> to vector<1x384xf32>
      %mul3A_652 = vector.broadcast %select_n3A_650 : vector<128x1xf32> to vector<128x384xf32>
      %mul3A_653 = vector.broadcast %slice3A : vector<1x384xf32> to vector<128x384xf32>
      %mul3A_654 = arith.mulf %mul3A_652, %mul3A_653 : vector<128x384xf32>
      %add3A_655 = arith.addf %dot_general3A_651, %mul3A_654 : vector<128x384xf32>
      %get3A_656 = arith.constant 1024 : index
      %get3A_657 = arith.constant 0 : index
      %get3A_658 = vector.load %arg6[%get3A_656, %get3A_657] : memref<2048x768xf32, #tpu.memory_space<vmem>>, vector<128x384xf32>
      %add3A_659 = arith.addf %get3A_658, %add3A_655 : vector<128x384xf32>
      %swap3A = arith.constant 1024 : index
      %swap3A_660 = arith.constant 0 : index
      %swap3A_661 = vector.load %arg6[%swap3A, %swap3A_660] : memref<2048x768xf32, #tpu.memory_space<vmem>>, vector<128x384xf32>
      tpu.vector_store %arg6[%swap3A, %swap3A_660], %add3A_659 {strides = array<i32>} : memref<2048x768xf32, #tpu.memory_space<vmem>>, vector<128x384xf32>,
      %dot_general3A_662 = arith.constant dense<0.000000e+00> : vector<128x384xf32>
      %dot_general3A_663 = tpu.matmul %convert_element_type3A_644, %convert_element_type3A_24, %dot_general3A_662 {dimension_numbers = #tpu.dot_dimension_numbers<[1], [1], [0], [0], [0, 0, 1, 0], [], []>, transpose_lhs_hint = false} : vector<128x768xbf16>, vector<384x768xbf16>, vector<128x384xf32> -> vector<128x384xf32>
      %slice3A_664 = vector.extract_strided_slice %get3A_29 {offsets = [0, 384], sizes = [1, 384], strides = [1, 1]} : vector<1x768xf32> to vector<1x384xf32>
      %mul3A_665 = vector.broadcast %select_n3A_650 : vector<128x1xf32> to vector<128x384xf32>
      %mul3A_666 = vector.broadcast %slice3A_664 : vector<1x384xf32> to vector<128x384xf32>
      %mul3A_667 = arith.mulf %mul3A_665, %mul3A_666 : vector<128x384xf32>
      %add3A_668 = arith.addf %dot_general3A_663, %mul3A_667 : vector<128x384xf32>
      %get3A_669 = arith.constant 1024 : index
      %get3A_670 = arith.constant 384 : index
      %get3A_671 = vector.load %arg6[%get3A_669, %get3A_670] : memref<2048x768xf32, #tpu.memory_space<vmem>>, vector<128x384xf32>
      %add3A_672 = arith.addf %get3A_671, %add3A_668 : vector<128x384xf32>
      %swap3A_673 = arith.constant 1024 : index
      %swap3A_674 = arith.constant 384 : index
      %swap3A_675 = vector.load %arg6[%swap3A_673, %swap3A_674] : memref<2048x768xf32, #tpu.memory_space<vmem>>, vector<128x384xf32>
      tpu.vector_store %arg6[%swap3A_673, %swap3A_674], %add3A_672 {strides = array<i32>} : memref<2048x768xf32, #tpu.memory_space<vmem>>, vector<128x384xf32>,
    } else {
    }
    %gt3A_99 = arith.constant 1152 : i32
    %gt3A_100 = arith.cmpi sgt, %get3A_8, %gt3A_99 : i32
    %lt3A_101 = arith.constant 1280 : i32
    %lt3A_102 = arith.cmpi slt, %get3A_4, %lt3A_101 : i32
    %and3A_103 = arith.andi %gt3A_100, %lt3A_102 : i1
    %convert_element_type3A_104 = arith.extui %and3A_103 : i1 to i32
    %cond3A_105 = arith.constant 0 : i32
    %cond3A_106 = arith.cmpi ne, %convert_element_type3A_104, %cond3A_105 : i32
    scf.if %cond3A_106 {
      %iota3A = tpu.iota {dimensions = array<i32: 0>} : vector<128x1xi32>
      %add3A_632 = arith.constant 1152 : i32
      %add3A_633 = vector.broadcast %add3A_632 : i32 to vector<128x1xi32>
      %add3A_634 = arith.addi %add3A_633, %iota3A : vector<128x1xi32>
      %ge3A = vector.broadcast %get3A_4 : i32 to vector<128x1xi32>
      %ge3A_635 = arith.cmpi sge, %add3A_634, %ge3A : vector<128x1xi32>
      %lt3A_636 = vector.broadcast %get3A_8 : i32 to vector<128x1xi32>
      %lt3A_637 = arith.cmpi slt, %add3A_634, %lt3A_636 : vector<128x1xi32>
      %and3A_638 = arith.andi %ge3A_635, %lt3A_637 : vector<128x1xi1>
      %get3A_639 = arith.constant 1152 : index
      %get3A_640 = arith.constant 0 : index
      %get3A_641 = vector.load %arg2[%get3A_639, %get3A_640] : memref<2048x896xf32, #tpu.memory_space<vmem>>, vector<128x768xf32>
      %jit3A = arith.constant 0.000000e+00 : f32
      %broadcast_in_dim3A = vector.shape_cast %and3A_638 : vector<128x1xi1> to vector<128x1xi1>
      %broadcast_in_dim3A_642 = vector.broadcast %broadcast_in_dim3A : vector<128x1xi1> to vector<128x768xi1>
      %broadcast_in_dim3A_643 = vector.broadcast %jit3A : f32 to vector<128x768xf32>
      %select_n3A = arith.select %broadcast_in_dim3A_642, %get3A_641, %broadcast_in_dim3A_643 : vector<128x768xi1>, vector<128x768xf32>
      %convert_element_type3A_644 = arith.truncf %select_n3A : vector<128x768xf32> to vector<128x768xbf16>
      %get3A_645 = arith.constant 1152 : index
      %get3A_646 = arith.constant 768 : index
      %get3A_647 = vector.load %arg2[%get3A_645, %get3A_646] : memref<2048x896xf32, #tpu.memory_space<vmem>>, vector<128x1xf32>
      %jit3A_648 = arith.constant 0.000000e+00 : f32
      %broadcast_in_dim3A_649 = vector.broadcast %jit3A_648 : f32 to vector<128x1xf32>
      %select_n3A_650 = arith.select %and3A_638, %get3A_647, %broadcast_in_dim3A_649 : vector<128x1xi1>, vector<128x1xf32>
      %dot_general3A = arith.constant dense<0.000000e+00> : vector<128x384xf32>
      %dot_general3A_651 = tpu.matmul %convert_element_type3A_644, %convert_element_type3A_16, %dot_general3A {dimension_numbers = #tpu.dot_dimension_numbers<[1], [1], [0], [0], [0, 0, 1, 0], [], []>, transpose_lhs_hint = false} : vector<128x768xbf16>, vector<384x768xbf16>, vector<128x384xf32> -> vector<128x384xf32>
      %slice3A = vector.extract_strided_slice %get3A_29 {offsets = [0, 0], sizes = [1, 384], strides = [1, 1]} : vector<1x768xf32> to vector<1x384xf32>
      %mul3A_652 = vector.broadcast %select_n3A_650 : vector<128x1xf32> to vector<128x384xf32>
      %mul3A_653 = vector.broadcast %slice3A : vector<1x384xf32> to vector<128x384xf32>
      %mul3A_654 = arith.mulf %mul3A_652, %mul3A_653 : vector<128x384xf32>
      %add3A_655 = arith.addf %dot_general3A_651, %mul3A_654 : vector<128x384xf32>
      %get3A_656 = arith.constant 1152 : index
      %get3A_657 = arith.constant 0 : index
      %get3A_658 = vector.load %arg6[%get3A_656, %get3A_657] : memref<2048x768xf32, #tpu.memory_space<vmem>>, vector<128x384xf32>
      %add3A_659 = arith.addf %get3A_658, %add3A_655 : vector<128x384xf32>
      %swap3A = arith.constant 1152 : index
      %swap3A_660 = arith.constant 0 : index
      %swap3A_661 = vector.load %arg6[%swap3A, %swap3A_660] : memref<2048x768xf32, #tpu.memory_space<vmem>>, vector<128x384xf32>
      tpu.vector_store %arg6[%swap3A, %swap3A_660], %add3A_659 {strides = array<i32>} : memref<2048x768xf32, #tpu.memory_space<vmem>>, vector<128x384xf32>,
      %dot_general3A_662 = arith.constant dense<0.000000e+00> : vector<128x384xf32>
      %dot_general3A_663 = tpu.matmul %convert_element_type3A_644, %convert_element_type3A_24, %dot_general3A_662 {dimension_numbers = #tpu.dot_dimension_numbers<[1], [1], [0], [0], [0, 0, 1, 0], [], []>, transpose_lhs_hint = false} : vector<128x768xbf16>, vector<384x768xbf16>, vector<128x384xf32> -> vector<128x384xf32>
      %slice3A_664 = vector.extract_strided_slice %get3A_29 {offsets = [0, 384], sizes = [1, 384], strides = [1, 1]} : vector<1x768xf32> to vector<1x384xf32>
      %mul3A_665 = vector.broadcast %select_n3A_650 : vector<128x1xf32> to vector<128x384xf32>
      %mul3A_666 = vector.broadcast %slice3A_664 : vector<1x384xf32> to vector<128x384xf32>
      %mul3A_667 = arith.mulf %mul3A_665, %mul3A_666 : vector<128x384xf32>
      %add3A_668 = arith.addf %dot_general3A_663, %mul3A_667 : vector<128x384xf32>
      %get3A_669 = arith.constant 1152 : index
      %get3A_670 = arith.constant 384 : index
      %get3A_671 = vector.load %arg6[%get3A_669, %get3A_670] : memref<2048x768xf32, #tpu.memory_space<vmem>>, vector<128x384xf32>
      %add3A_672 = arith.addf %get3A_671, %add3A_668 : vector<128x384xf32>
      %swap3A_673 = arith.constant 1152 : index
      %swap3A_674 = arith.constant 384 : index
      %swap3A_675 = vector.load %arg6[%swap3A_673, %swap3A_674] : memref<2048x768xf32, #tpu.memory_space<vmem>>, vector<128x384xf32>
      tpu.vector_store %arg6[%swap3A_673, %swap3A_674], %add3A_672 {strides = array<i32>} : memref<2048x768xf32, #tpu.memory_space<vmem>>, vector<128x384xf32>,
    } else {
    }
    %gt3A_107 = arith.constant 1280 : i32
    %gt3A_108 = arith.cmpi sgt, %get3A_8, %gt3A_107 : i32
    %lt3A_109 = arith.constant 1408 : i32
    %lt3A_110 = arith.cmpi slt, %get3A_4, %lt3A_109 : i32
    %and3A_111 = arith.andi %gt3A_108, %lt3A_110 : i1
    %convert_element_type3A_112 = arith.extui %and3A_111 : i1 to i32
    %cond3A_113 = arith.constant 0 : i32
    %cond3A_114 = arith.cmpi ne, %convert_element_type3A_112, %cond3A_113 : i32
    scf.if %cond3A_114 {
      %iota3A = tpu.iota {dimensions = array<i32: 0>} : vector<128x1xi32>
      %add3A_632 = arith.constant 1280 : i32
      %add3A_633 = vector.broadcast %add3A_632 : i32 to vector<128x1xi32>
      %add3A_634 = arith.addi %add3A_633, %iota3A : vector<128x1xi32>
      %ge3A = vector.broadcast %get3A_4 : i32 to vector<128x1xi32>
      %ge3A_635 = arith.cmpi sge, %add3A_634, %ge3A : vector<128x1xi32>
      %lt3A_636 = vector.broadcast %get3A_8 : i32 to vector<128x1xi32>
      %lt3A_637 = arith.cmpi slt, %add3A_634, %lt3A_636 : vector<128x1xi32>
      %and3A_638 = arith.andi %ge3A_635, %lt3A_637 : vector<128x1xi1>
      %get3A_639 = arith.constant 1280 : index
      %get3A_640 = arith.constant 0 : index
      %get3A_641 = vector.load %arg2[%get3A_639, %get3A_640] : memref<2048x896xf32, #tpu.memory_space<vmem>>, vector<128x768xf32>
      %jit3A = arith.constant 0.000000e+00 : f32
      %broadcast_in_dim3A = vector.shape_cast %and3A_638 : vector<128x1xi1> to vector<128x1xi1>
      %broadcast_in_dim3A_642 = vector.broadcast %broadcast_in_dim3A : vector<128x1xi1> to vector<128x768xi1>
      %broadcast_in_dim3A_643 = vector.broadcast %jit3A : f32 to vector<128x768xf32>
      %select_n3A = arith.select %broadcast_in_dim3A_642, %get3A_641, %broadcast_in_dim3A_643 : vector<128x768xi1>, vector<128x768xf32>
      %convert_element_type3A_644 = arith.truncf %select_n3A : vector<128x768xf32> to vector<128x768xbf16>
      %get3A_645 = arith.constant 1280 : index
      %get3A_646 = arith.constant 768 : index
      %get3A_647 = vector.load %arg2[%get3A_645, %get3A_646] : memref<2048x896xf32, #tpu.memory_space<vmem>>, vector<128x1xf32>
      %jit3A_648 = arith.constant 0.000000e+00 : f32
      %broadcast_in_dim3A_649 = vector.broadcast %jit3A_648 : f32 to vector<128x1xf32>
      %select_n3A_650 = arith.select %and3A_638, %get3A_647, %broadcast_in_dim3A_649 : vector<128x1xi1>, vector<128x1xf32>
      %dot_general3A = arith.constant dense<0.000000e+00> : vector<128x384xf32>
      %dot_general3A_651 = tpu.matmul %convert_element_type3A_644, %convert_element_type3A_16, %dot_general3A {dimension_numbers = #tpu.dot_dimension_numbers<[1], [1], [0], [0], [0, 0, 1, 0], [], []>, transpose_lhs_hint = false} : vector<128x768xbf16>, vector<384x768xbf16>, vector<128x384xf32> -> vector<128x384xf32>
      %slice3A = vector.extract_strided_slice %get3A_29 {offsets = [0, 0], sizes = [1, 384], strides = [1, 1]} : vector<1x768xf32> to vector<1x384xf32>
      %mul3A_652 = vector.broadcast %select_n3A_650 : vector<128x1xf32> to vector<128x384xf32>
      %mul3A_653 = vector.broadcast %slice3A : vector<1x384xf32> to vector<128x384xf32>
      %mul3A_654 = arith.mulf %mul3A_652, %mul3A_653 : vector<128x384xf32>
      %add3A_655 = arith.addf %dot_general3A_651, %mul3A_654 : vector<128x384xf32>
      %get3A_656 = arith.constant 1280 : index
      %get3A_657 = arith.constant 0 : index
      %get3A_658 = vector.load %arg6[%get3A_656, %get3A_657] : memref<2048x768xf32, #tpu.memory_space<vmem>>, vector<128x384xf32>
      %add3A_659 = arith.addf %get3A_658, %add3A_655 : vector<128x384xf32>
      %swap3A = arith.constant 1280 : index
      %swap3A_660 = arith.constant 0 : index
      %swap3A_661 = vector.load %arg6[%swap3A, %swap3A_660] : memref<2048x768xf32, #tpu.memory_space<vmem>>, vector<128x384xf32>
      tpu.vector_store %arg6[%swap3A, %swap3A_660], %add3A_659 {strides = array<i32>} : memref<2048x768xf32, #tpu.memory_space<vmem>>, vector<128x384xf32>,
      %dot_general3A_662 = arith.constant dense<0.000000e+00> : vector<128x384xf32>
      %dot_general3A_663 = tpu.matmul %convert_element_type3A_644, %convert_element_type3A_24, %dot_general3A_662 {dimension_numbers = #tpu.dot_dimension_numbers<[1], [1], [0], [0], [0, 0, 1, 0], [], []>, transpose_lhs_hint = false} : vector<128x768xbf16>, vector<384x768xbf16>, vector<128x384xf32> -> vector<128x384xf32>
      %slice3A_664 = vector.extract_strided_slice %get3A_29 {offsets = [0, 384], sizes = [1, 384], strides = [1, 1]} : vector<1x768xf32> to vector<1x384xf32>
      %mul3A_665 = vector.broadcast %select_n3A_650 : vector<128x1xf32> to vector<128x384xf32>
      %mul3A_666 = vector.broadcast %slice3A_664 : vector<1x384xf32> to vector<128x384xf32>
      %mul3A_667 = arith.mulf %mul3A_665, %mul3A_666 : vector<128x384xf32>
      %add3A_668 = arith.addf %dot_general3A_663, %mul3A_667 : vector<128x384xf32>
      %get3A_669 = arith.constant 1280 : index
      %get3A_670 = arith.constant 384 : index
      %get3A_671 = vector.load %arg6[%get3A_669, %get3A_670] : memref<2048x768xf32, #tpu.memory_space<vmem>>, vector<128x384xf32>
      %add3A_672 = arith.addf %get3A_671, %add3A_668 : vector<128x384xf32>
      %swap3A_673 = arith.constant 1280 : index
      %swap3A_674 = arith.constant 384 : index
      %swap3A_675 = vector.load %arg6[%swap3A_673, %swap3A_674] : memref<2048x768xf32, #tpu.memory_space<vmem>>, vector<128x384xf32>
      tpu.vector_store %arg6[%swap3A_673, %swap3A_674], %add3A_672 {strides = array<i32>} : memref<2048x768xf32, #tpu.memory_space<vmem>>, vector<128x384xf32>,
    } else {
    }
    %gt3A_115 = arith.constant 1408 : i32
    %gt3A_116 = arith.cmpi sgt, %get3A_8, %gt3A_115 : i32
    %lt3A_117 = arith.constant 1536 : i32
    %lt3A_118 = arith.cmpi slt, %get3A_4, %lt3A_117 : i32
    %and3A_119 = arith.andi %gt3A_116, %lt3A_118 : i1
    %convert_element_type3A_120 = arith.extui %and3A_119 : i1 to i32
    %cond3A_121 = arith.constant 0 : i32
    %cond3A_122 = arith.cmpi ne, %convert_element_type3A_120, %cond3A_121 : i32
    scf.if %cond3A_122 {
      %iota3A = tpu.iota {dimensions = array<i32: 0>} : vector<128x1xi32>
      %add3A_632 = arith.constant 1408 : i32
      %add3A_633 = vector.broadcast %add3A_632 : i32 to vector<128x1xi32>
      %add3A_634 = arith.addi %add3A_633, %iota3A : vector<128x1xi32>
      %ge3A = vector.broadcast %get3A_4 : i32 to vector<128x1xi32>
      %ge3A_635 = arith.cmpi sge, %add3A_634, %ge3A : vector<128x1xi32>
      %lt3A_636 = vector.broadcast %get3A_8 : i32 to vector<128x1xi32>
      %lt3A_637 = arith.cmpi slt, %add3A_634, %lt3A_636 : vector<128x1xi32>
      %and3A_638 = arith.andi %ge3A_635, %lt3A_637 : vector<128x1xi1>
      %get3A_639 = arith.constant 1408 : index
      %get3A_640 = arith.constant 0 : index
      %get3A_641 = vector.load %arg2[%get3A_639, %get3A_640] : memref<2048x896xf32, #tpu.memory_space<vmem>>, vector<128x768xf32>
      %jit3A = arith.constant 0.000000e+00 : f32
      %broadcast_in_dim3A = vector.shape_cast %and3A_638 : vector<128x1xi1> to vector<128x1xi1>
      %broadcast_in_dim3A_642 = vector.broadcast %broadcast_in_dim3A : vector<128x1xi1> to vector<128x768xi1>
      %broadcast_in_dim3A_643 = vector.broadcast %jit3A : f32 to vector<128x768xf32>
      %select_n3A = arith.select %broadcast_in_dim3A_642, %get3A_641, %broadcast_in_dim3A_643 : vector<128x768xi1>, vector<128x768xf32>
      %convert_element_type3A_644 = arith.truncf %select_n3A : vector<128x768xf32> to vector<128x768xbf16>
      %get3A_645 = arith.constant 1408 : index
      %get3A_646 = arith.constant 768 : index
      %get3A_647 = vector.load %arg2[%get3A_645, %get3A_646] : memref<2048x896xf32, #tpu.memory_space<vmem>>, vector<128x1xf32>
      %jit3A_648 = arith.constant 0.000000e+00 : f32
      %broadcast_in_dim3A_649 = vector.broadcast %jit3A_648 : f32 to vector<128x1xf32>
      %select_n3A_650 = arith.select %and3A_638, %get3A_647, %broadcast_in_dim3A_649 : vector<128x1xi1>, vector<128x1xf32>
      %dot_general3A = arith.constant dense<0.000000e+00> : vector<128x384xf32>
      %dot_general3A_651 = tpu.matmul %convert_element_type3A_644, %convert_element_type3A_16, %dot_general3A {dimension_numbers = #tpu.dot_dimension_numbers<[1], [1], [0], [0], [0, 0, 1, 0], [], []>, transpose_lhs_hint = false} : vector<128x768xbf16>, vector<384x768xbf16>, vector<128x384xf32> -> vector<128x384xf32>
      %slice3A = vector.extract_strided_slice %get3A_29 {offsets = [0, 0], sizes = [1, 384], strides = [1, 1]} : vector<1x768xf32> to vector<1x384xf32>
      %mul3A_652 = vector.broadcast %select_n3A_650 : vector<128x1xf32> to vector<128x384xf32>
      %mul3A_653 = vector.broadcast %slice3A : vector<1x384xf32> to vector<128x384xf32>
      %mul3A_654 = arith.mulf %mul3A_652, %mul3A_653 : vector<128x384xf32>
      %add3A_655 = arith.addf %dot_general3A_651, %mul3A_654 : vector<128x384xf32>
      %get3A_656 = arith.constant 1408 : index
      %get3A_657 = arith.constant 0 : index
      %get3A_658 = vector.load %arg6[%get3A_656, %get3A_657] : memref<2048x768xf32, #tpu.memory_space<vmem>>, vector<128x384xf32>
      %add3A_659 = arith.addf %get3A_658, %add3A_655 : vector<128x384xf32>
      %swap3A = arith.constant 1408 : index
      %swap3A_660 = arith.constant 0 : index
      %swap3A_661 = vector.load %arg6[%swap3A, %swap3A_660] : memref<2048x768xf32, #tpu.memory_space<vmem>>, vector<128x384xf32>
      tpu.vector_store %arg6[%swap3A, %swap3A_660], %add3A_659 {strides = array<i32>} : memref<2048x768xf32, #tpu.memory_space<vmem>>, vector<128x384xf32>,
      %dot_general3A_662 = arith.constant dense<0.000000e+00> : vector<128x384xf32>
      %dot_general3A_663 = tpu.matmul %convert_element_type3A_644, %convert_element_type3A_24, %dot_general3A_662 {dimension_numbers = #tpu.dot_dimension_numbers<[1], [1], [0], [0], [0, 0, 1, 0], [], []>, transpose_lhs_hint = false} : vector<128x768xbf16>, vector<384x768xbf16>, vector<128x384xf32> -> vector<128x384xf32>
      %slice3A_664 = vector.extract_strided_slice %get3A_29 {offsets = [0, 384], sizes = [1, 384], strides = [1, 1]} : vector<1x768xf32> to vector<1x384xf32>
      %mul3A_665 = vector.broadcast %select_n3A_650 : vector<128x1xf32> to vector<128x384xf32>
      %mul3A_666 = vector.broadcast %slice3A_664 : vector<1x384xf32> to vector<128x384xf32>
      %mul3A_667 = arith.mulf %mul3A_665, %mul3A_666 : vector<128x384xf32>
      %add3A_668 = arith.addf %dot_general3A_663, %mul3A_667 : vector<128x384xf32>
      %get3A_669 = arith.constant 1408 : index
      %get3A_670 = arith.constant 384 : index
      %get3A_671 = vector.load %arg6[%get3A_669, %get3A_670] : memref<2048x768xf32, #tpu.memory_space<vmem>>, vector<128x384xf32>
      %add3A_672 = arith.addf %get3A_671, %add3A_668 : vector<128x384xf32>
      %swap3A_673 = arith.constant 1408 : index
      %swap3A_674 = arith.constant 384 : index
      %swap3A_675 = vector.load %arg6[%swap3A_673, %swap3A_674] : memref<2048x768xf32, #tpu.memory_space<vmem>>, vector<128x384xf32>
      tpu.vector_store %arg6[%swap3A_673, %swap3A_674], %add3A_672 {strides = array<i32>} : memref<2048x768xf32, #tpu.memory_space<vmem>>, vector<128x384xf32>,
    } else {
    }
    %gt3A_123 = arith.constant 1536 : i32
    %gt3A_124 = arith.cmpi sgt, %get3A_8, %gt3A_123 : i32
    %lt3A_125 = arith.constant 1664 : i32
    %lt3A_126 = arith.cmpi slt, %get3A_4, %lt3A_125 : i32
    %and3A_127 = arith.andi %gt3A_124, %lt3A_126 : i1
    %convert_element_type3A_128 = arith.extui %and3A_127 : i1 to i32
    %cond3A_129 = arith.constant 0 : i32
    %cond3A_130 = arith.cmpi ne, %convert_element_type3A_128, %cond3A_129 : i32
    scf.if %cond3A_130 {
      %iota3A = tpu.iota {dimensions = array<i32: 0>} : vector<128x1xi32>
      %add3A_632 = arith.constant 1536 : i32
      %add3A_633 = vector.broadcast %add3A_632 : i32 to vector<128x1xi32>
      %add3A_634 = arith.addi %add3A_633, %iota3A : vector<128x1xi32>
      %ge3A = vector.broadcast %get3A_4 : i32 to vector<128x1xi32>
      %ge3A_635 = arith.cmpi sge, %add3A_634, %ge3A : vector<128x1xi32>
      %lt3A_636 = vector.broadcast %get3A_8 : i32 to vector<128x1xi32>
      %lt3A_637 = arith.cmpi slt, %add3A_634, %lt3A_636 : vector<128x1xi32>
      %and3A_638 = arith.andi %ge3A_635, %lt3A_637 : vector<128x1xi1>
      %get3A_639 = arith.constant 1536 : index
      %get3A_640 = arith.constant 0 : index
      %get3A_641 = vector.load %arg2[%get3A_639, %get3A_640] : memref<2048x896xf32, #tpu.memory_space<vmem>>, vector<128x768xf32>
      %jit3A = arith.constant 0.000000e+00 : f32
      %broadcast_in_dim3A = vector.shape_cast %and3A_638 : vector<128x1xi1> to vector<128x1xi1>
      %broadcast_in_dim3A_642 = vector.broadcast %broadcast_in_dim3A : vector<128x1xi1> to vector<128x768xi1>
      %broadcast_in_dim3A_643 = vector.broadcast %jit3A : f32 to vector<128x768xf32>
      %select_n3A = arith.select %broadcast_in_dim3A_642, %get3A_641, %broadcast_in_dim3A_643 : vector<128x768xi1>, vector<128x768xf32>
      %convert_element_type3A_644 = arith.truncf %select_n3A : vector<128x768xf32> to vector<128x768xbf16>
      %get3A_645 = arith.constant 1536 : index
      %get3A_646 = arith.constant 768 : index
      %get3A_647 = vector.load %arg2[%get3A_645, %get3A_646] : memref<2048x896xf32, #tpu.memory_space<vmem>>, vector<128x1xf32>
      %jit3A_648 = arith.constant 0.000000e+00 : f32
      %broadcast_in_dim3A_649 = vector.broadcast %jit3A_648 : f32 to vector<128x1xf32>
      %select_n3A_650 = arith.select %and3A_638, %get3A_647, %broadcast_in_dim3A_649 : vector<128x1xi1>, vector<128x1xf32>
      %dot_general3A = arith.constant dense<0.000000e+00> : vector<128x384xf32>
      %dot_general3A_651 = tpu.matmul %convert_element_type3A_644, %convert_element_type3A_16, %dot_general3A {dimension_numbers = #tpu.dot_dimension_numbers<[1], [1], [0], [0], [0, 0, 1, 0], [], []>, transpose_lhs_hint = false} : vector<128x768xbf16>, vector<384x768xbf16>, vector<128x384xf32> -> vector<128x384xf32>
      %slice3A = vector.extract_strided_slice %get3A_29 {offsets = [0, 0], sizes = [1, 384], strides = [1, 1]} : vector<1x768xf32> to vector<1x384xf32>
      %mul3A_652 = vector.broadcast %select_n3A_650 : vector<128x1xf32> to vector<128x384xf32>
      %mul3A_653 = vector.broadcast %slice3A : vector<1x384xf32> to vector<128x384xf32>
      %mul3A_654 = arith.mulf %mul3A_652, %mul3A_653 : vector<128x384xf32>
      %add3A_655 = arith.addf %dot_general3A_651, %mul3A_654 : vector<128x384xf32>
      %get3A_656 = arith.constant 1536 : index
      %get3A_657 = arith.constant 0 : index
      %get3A_658 = vector.load %arg6[%get3A_656, %get3A_657] : memref<2048x768xf32, #tpu.memory_space<vmem>>, vector<128x384xf32>
      %add3A_659 = arith.addf %get3A_658, %add3A_655 : vector<128x384xf32>
      %swap3A = arith.constant 1536 : index
      %swap3A_660 = arith.constant 0 : index
      %swap3A_661 = vector.load %arg6[%swap3A, %swap3A_660] : memref<2048x768xf32, #tpu.memory_space<vmem>>, vector<128x384xf32>
      tpu.vector_store %arg6[%swap3A, %swap3A_660], %add3A_659 {strides = array<i32>} : memref<2048x768xf32, #tpu.memory_space<vmem>>, vector<128x384xf32>,
      %dot_general3A_662 = arith.constant dense<0.000000e+00> : vector<128x384xf32>
      %dot_general3A_663 = tpu.matmul %convert_element_type3A_644, %convert_element_type3A_24, %dot_general3A_662 {dimension_numbers = #tpu.dot_dimension_numbers<[1], [1], [0], [0], [0, 0, 1, 0], [], []>, transpose_lhs_hint = false} : vector<128x768xbf16>, vector<384x768xbf16>, vector<128x384xf32> -> vector<128x384xf32>
      %slice3A_664 = vector.extract_strided_slice %get3A_29 {offsets = [0, 384], sizes = [1, 384], strides = [1, 1]} : vector<1x768xf32> to vector<1x384xf32>
      %mul3A_665 = vector.broadcast %select_n3A_650 : vector<128x1xf32> to vector<128x384xf32>
      %mul3A_666 = vector.broadcast %slice3A_664 : vector<1x384xf32> to vector<128x384xf32>
      %mul3A_667 = arith.mulf %mul3A_665, %mul3A_666 : vector<128x384xf32>
      %add3A_668 = arith.addf %dot_general3A_663, %mul3A_667 : vector<128x384xf32>
      %get3A_669 = arith.constant 1536 : index
      %get3A_670 = arith.constant 384 : index
      %get3A_671 = vector.load %arg6[%get3A_669, %get3A_670] : memref<2048x768xf32, #tpu.memory_space<vmem>>, vector<128x384xf32>
      %add3A_672 = arith.addf %get3A_671, %add3A_668 : vector<128x384xf32>
      %swap3A_673 = arith.constant 1536 : index
      %swap3A_674 = arith.constant 384 : index
      %swap3A_675 = vector.load %arg6[%swap3A_673, %swap3A_674] : memref<2048x768xf32, #tpu.memory_space<vmem>>, vector<128x384xf32>
      tpu.vector_store %arg6[%swap3A_673, %swap3A_674], %add3A_672 {strides = array<i32>} : memref<2048x768xf32, #tpu.memory_space<vmem>>, vector<128x384xf32>,
    } else {
    }
    %gt3A_131 = arith.constant 1664 : i32
    %gt3A_132 = arith.cmpi sgt, %get3A_8, %gt3A_131 : i32
    %lt3A_133 = arith.constant 1792 : i32
    %lt3A_134 = arith.cmpi slt, %get3A_4, %lt3A_133 : i32
    %and3A_135 = arith.andi %gt3A_132, %lt3A_134 : i1
    %convert_element_type3A_136 = arith.extui %and3A_135 : i1 to i32
    %cond3A_137 = arith.constant 0 : i32
    %cond3A_138 = arith.cmpi ne, %convert_element_type3A_136, %cond3A_137 : i32
    scf.if %cond3A_138 {
      %iota3A = tpu.iota {dimensions = array<i32: 0>} : vector<128x1xi32>
      %add3A_632 = arith.constant 1664 : i32
      %add3A_633 = vector.broadcast %add3A_632 : i32 to vector<128x1xi32>
      %add3A_634 = arith.addi %add3A_633, %iota3A : vector<128x1xi32>
      %ge3A = vector.broadcast %get3A_4 : i32 to vector<128x1xi32>
      %ge3A_635 = arith.cmpi sge, %add3A_634, %ge3A : vector<128x1xi32>
      %lt3A_636 = vector.broadcast %get3A_8 : i32 to vector<128x1xi32>
      %lt3A_637 = arith.cmpi slt, %add3A_634, %lt3A_636 : vector<128x1xi32>
      %and3A_638 = arith.andi %ge3A_635, %lt3A_637 : vector<128x1xi1>
      %get3A_639 = arith.constant 1664 : index
      %get3A_640 = arith.constant 0 : index
      %get3A_641 = vector.load %arg2[%get3A_639, %get3A_640] : memref<2048x896xf32, #tpu.memory_space<vmem>>, vector<128x768xf32>
      %jit3A = arith.constant 0.000000e+00 : f32
      %broadcast_in_dim3A = vector.shape_cast %and3A_638 : vector<128x1xi1> to vector<128x1xi1>
      %broadcast_in_dim3A_642 = vector.broadcast %broadcast_in_dim3A : vector<128x1xi1> to vector<128x768xi1>
      %broadcast_in_dim3A_643 = vector.broadcast %jit3A : f32 to vector<128x768xf32>
      %select_n3A = arith.select %broadcast_in_dim3A_642, %get3A_641, %broadcast_in_dim3A_643 : vector<128x768xi1>, vector<128x768xf32>
      %convert_element_type3A_644 = arith.truncf %select_n3A : vector<128x768xf32> to vector<128x768xbf16>
      %get3A_645 = arith.constant 1664 : index
      %get3A_646 = arith.constant 768 : index
      %get3A_647 = vector.load %arg2[%get3A_645, %get3A_646] : memref<2048x896xf32, #tpu.memory_space<vmem>>, vector<128x1xf32>
      %jit3A_648 = arith.constant 0.000000e+00 : f32
      %broadcast_in_dim3A_649 = vector.broadcast %jit3A_648 : f32 to vector<128x1xf32>
      %select_n3A_650 = arith.select %and3A_638, %get3A_647, %broadcast_in_dim3A_649 : vector<128x1xi1>, vector<128x1xf32>
      %dot_general3A = arith.constant dense<0.000000e+00> : vector<128x384xf32>
      %dot_general3A_651 = tpu.matmul %convert_element_type3A_644, %convert_element_type3A_16, %dot_general3A {dimension_numbers = #tpu.dot_dimension_numbers<[1], [1], [0], [0], [0, 0, 1, 0], [], []>, transpose_lhs_hint = false} : vector<128x768xbf16>, vector<384x768xbf16>, vector<128x384xf32> -> vector<128x384xf32>
      %slice3A = vector.extract_strided_slice %get3A_29 {offsets = [0, 0], sizes = [1, 384], strides = [1, 1]} : vector<1x768xf32> to vector<1x384xf32>
      %mul3A_652 = vector.broadcast %select_n3A_650 : vector<128x1xf32> to vector<128x384xf32>
      %mul3A_653 = vector.broadcast %slice3A : vector<1x384xf32> to vector<128x384xf32>
      %mul3A_654 = arith.mulf %mul3A_652, %mul3A_653 : vector<128x384xf32>
      %add3A_655 = arith.addf %dot_general3A_651, %mul3A_654 : vector<128x384xf32>
      %get3A_656 = arith.constant 1664 : index
      %get3A_657 = arith.constant 0 : index
      %get3A_658 = vector.load %arg6[%get3A_656, %get3A_657] : memref<2048x768xf32, #tpu.memory_space<vmem>>, vector<128x384xf32>
      %add3A_659 = arith.addf %get3A_658, %add3A_655 : vector<128x384xf32>
      %swap3A = arith.constant 1664 : index
      %swap3A_660 = arith.constant 0 : index
      %swap3A_661 = vector.load %arg6[%swap3A, %swap3A_660] : memref<2048x768xf32, #tpu.memory_space<vmem>>, vector<128x384xf32>
      tpu.vector_store %arg6[%swap3A, %swap3A_660], %add3A_659 {strides = array<i32>} : memref<2048x768xf32, #tpu.memory_space<vmem>>, vector<128x384xf32>,
      %dot_general3A_662 = arith.constant dense<0.000000e+00> : vector<128x384xf32>
      %dot_general3A_663 = tpu.matmul %convert_element_type3A_644, %convert_element_type3A_24, %dot_general3A_662 {dimension_numbers = #tpu.dot_dimension_numbers<[1], [1], [0], [0], [0, 0, 1, 0], [], []>, transpose_lhs_hint = false} : vector<128x768xbf16>, vector<384x768xbf16>, vector<128x384xf32> -> vector<128x384xf32>
      %slice3A_664 = vector.extract_strided_slice %get3A_29 {offsets = [0, 384], sizes = [1, 384], strides = [1, 1]} : vector<1x768xf32> to vector<1x384xf32>
      %mul3A_665 = vector.broadcast %select_n3A_650 : vector<128x1xf32> to vector<128x384xf32>
      %mul3A_666 = vector.broadcast %slice3A_664 : vector<1x384xf32> to vector<128x384xf32>
      %mul3A_667 = arith.mulf %mul3A_665, %mul3A_666 : vector<128x384xf32>
      %add3A_668 = arith.addf %dot_general3A_663, %mul3A_667 : vector<128x384xf32>
      %get3A_669 = arith.constant 1664 : index
      %get3A_670 = arith.constant 384 : index
      %get3A_671 = vector.load %arg6[%get3A_669, %get3A_670] : memref<2048x768xf32, #tpu.memory_space<vmem>>, vector<128x384xf32>
      %add3A_672 = arith.addf %get3A_671, %add3A_668 : vector<128x384xf32>
      %swap3A_673 = arith.constant 1664 : index
      %swap3A_674 = arith.constant 384 : index
      %swap3A_675 = vector.load %arg6[%swap3A_673, %swap3A_674] : memref<2048x768xf32, #tpu.memory_space<vmem>>, vector<128x384xf32>
      tpu.vector_store %arg6[%swap3A_673, %swap3A_674], %add3A_672 {strides = array<i32>} : memref<2048x768xf32, #tpu.memory_space<vmem>>, vector<128x384xf32>,
    } else {
    }
    %gt3A_139 = arith.constant 1792 : i32
    %gt3A_140 = arith.cmpi sgt, %get3A_8, %gt3A_139 : i32
    %lt3A_141 = arith.constant 1920 : i32
    %lt3A_142 = arith.cmpi slt, %get3A_4, %lt3A_141 : i32
    %and3A_143 = arith.andi %gt3A_140, %lt3A_142 : i1
    %convert_element_type3A_144 = arith.extui %and3A_143 : i1 to i32
    %cond3A_145 = arith.constant 0 : i32
    %cond3A_146 = arith.cmpi ne, %convert_element_type3A_144, %cond3A_145 : i32
    scf.if %cond3A_146 {
      %iota3A = tpu.iota {dimensions = array<i32: 0>} : vector<128x1xi32>
      %add3A_632 = arith.constant 1792 : i32
      %add3A_633 = vector.broadcast %add3A_632 : i32 to vector<128x1xi32>
      %add3A_634 = arith.addi %add3A_633, %iota3A : vector<128x1xi32>
      %ge3A = vector.broadcast %get3A_4 : i32 to vector<128x1xi32>
      %ge3A_635 = arith.cmpi sge, %add3A_634, %ge3A : vector<128x1xi32>
      %lt3A_636 = vector.broadcast %get3A_8 : i32 to vector<128x1xi32>
      %lt3A_637 = arith.cmpi slt, %add3A_634, %lt3A_636 : vector<128x1xi32>
      %and3A_638 = arith.andi %ge3A_635, %lt3A_637 : vector<128x1xi1>
      %get3A_639 = arith.constant 1792 : index
      %get3A_640 = arith.constant 0 : index
      %get3A_641 = vector.load %arg2[%get3A_639, %get3A_640] : memref<2048x896xf32, #tpu.memory_space<vmem>>, vector<128x768xf32>
      %jit3A = arith.constant 0.000000e+00 : f32
      %broadcast_in_dim3A = vector.shape_cast %and3A_638 : vector<128x1xi1> to vector<128x1xi1>
      %broadcast_in_dim3A_642 = vector.broadcast %broadcast_in_dim3A : vector<128x1xi1> to vector<128x768xi1>
      %broadcast_in_dim3A_643 = vector.broadcast %jit3A : f32 to vector<128x768xf32>
      %select_n3A = arith.select %broadcast_in_dim3A_642, %get3A_641, %broadcast_in_dim3A_643 : vector<128x768xi1>, vector<128x768xf32>
      %convert_element_type3A_644 = arith.truncf %select_n3A : vector<128x768xf32> to vector<128x768xbf16>
      %get3A_645 = arith.constant 1792 : index
      %get3A_646 = arith.constant 768 : index
      %get3A_647 = vector.load %arg2[%get3A_645, %get3A_646] : memref<2048x896xf32, #tpu.memory_space<vmem>>, vector<128x1xf32>
      %jit3A_648 = arith.constant 0.000000e+00 : f32
      %broadcast_in_dim3A_649 = vector.broadcast %jit3A_648 : f32 to vector<128x1xf32>
      %select_n3A_650 = arith.select %and3A_638, %get3A_647, %broadcast_in_dim3A_649 : vector<128x1xi1>, vector<128x1xf32>
      %dot_general3A = arith.constant dense<0.000000e+00> : vector<128x384xf32>
      %dot_general3A_651 = tpu.matmul %convert_element_type3A_644, %convert_element_type3A_16, %dot_general3A {dimension_numbers = #tpu.dot_dimension_numbers<[1], [1], [0], [0], [0, 0, 1, 0], [], []>, transpose_lhs_hint = false} : vector<128x768xbf16>, vector<384x768xbf16>, vector<128x384xf32> -> vector<128x384xf32>
      %slice3A = vector.extract_strided_slice %get3A_29 {offsets = [0, 0], sizes = [1, 384], strides = [1, 1]} : vector<1x768xf32> to vector<1x384xf32>
      %mul3A_652 = vector.broadcast %select_n3A_650 : vector<128x1xf32> to vector<128x384xf32>
      %mul3A_653 = vector.broadcast %slice3A : vector<1x384xf32> to vector<128x384xf32>
      %mul3A_654 = arith.mulf %mul3A_652, %mul3A_653 : vector<128x384xf32>
      %add3A_655 = arith.addf %dot_general3A_651, %mul3A_654 : vector<128x384xf32>
      %get3A_656 = arith.constant 1792 : index
      %get3A_657 = arith.constant 0 : index
      %get3A_658 = vector.load %arg6[%get3A_656, %get3A_657] : memref<2048x768xf32, #tpu.memory_space<vmem>>, vector<128x384xf32>
      %add3A_659 = arith.addf %get3A_658, %add3A_655 : vector<128x384xf32>
      %swap3A = arith.constant 1792 : index
      %swap3A_660 = arith.constant 0 : index
      %swap3A_661 = vector.load %arg6[%swap3A, %swap3A_660] : memref<2048x768xf32, #tpu.memory_space<vmem>>, vector<128x384xf32>
      tpu.vector_store %arg6[%swap3A, %swap3A_660], %add3A_659 {strides = array<i32>} : memref<2048x768xf32, #tpu.memory_space<vmem>>, vector<128x384xf32>,
      %dot_general3A_662 = arith.constant dense<0.000000e+00> : vector<128x384xf32>
      %dot_general3A_663 = tpu.matmul %convert_element_type3A_644, %convert_element_type3A_24, %dot_general3A_662 {dimension_numbers = #tpu.dot_dimension_numbers<[1], [1], [0], [0], [0, 0, 1, 0], [], []>, transpose_lhs_hint = false} : vector<128x768xbf16>, vector<384x768xbf16>, vector<128x384xf32> -> vector<128x384xf32>
      %slice3A_664 = vector.extract_strided_slice %get3A_29 {offsets = [0, 384], sizes = [1, 384], strides = [1, 1]} : vector<1x768xf32> to vector<1x384xf32>
      %mul3A_665 = vector.broadcast %select_n3A_650 : vector<128x1xf32> to vector<128x384xf32>
      %mul3A_666 = vector.broadcast %slice3A_664 : vector<1x384xf32> to vector<128x384xf32>
      %mul3A_667 = arith.mulf %mul3A_665, %mul3A_666 : vector<128x384xf32>
      %add3A_668 = arith.addf %dot_general3A_663, %mul3A_667 : vector<128x384xf32>
      %get3A_669 = arith.constant 1792 : index
      %get3A_670 = arith.constant 384 : index
      %get3A_671 = vector.load %arg6[%get3A_669, %get3A_670] : memref<2048x768xf32, #tpu.memory_space<vmem>>, vector<128x384xf32>
      %add3A_672 = arith.addf %get3A_671, %add3A_668 : vector<128x384xf32>
      %swap3A_673 = arith.constant 1792 : index
      %swap3A_674 = arith.constant 384 : index
      %swap3A_675 = vector.load %arg6[%swap3A_673, %swap3A_674] : memref<2048x768xf32, #tpu.memory_space<vmem>>, vector<128x384xf32>
      tpu.vector_store %arg6[%swap3A_673, %swap3A_674], %add3A_672 {strides = array<i32>} : memref<2048x768xf32, #tpu.memory_space<vmem>>, vector<128x384xf32>,
    } else {
    }
    %gt3A_147 = arith.constant 1920 : i32
    %gt3A_148 = arith.cmpi sgt, %get3A_8, %gt3A_147 : i32
    %lt3A_149 = arith.constant 2048 : i32
    %lt3A_150 = arith.cmpi slt, %get3A_4, %lt3A_149 : i32
    %and3A_151 = arith.andi %gt3A_148, %lt3A_150 : i1
    %convert_element_type3A_152 = arith.extui %and3A_151 : i1 to i32
    %cond3A_153 = arith.constant 0 : i32
    %cond3A_154 = arith.cmpi ne, %convert_element_type3A_152, %cond3A_153 : i32
    scf.if %cond3A_154 {
      %iota3A = tpu.iota {dimensions = array<i32: 0>} : vector<128x1xi32>
      %add3A_632 = arith.constant 1920 : i32
      %add3A_633 = vector.broadcast %add3A_632 : i32 to vector<128x1xi32>
      %add3A_634 = arith.addi %add3A_633, %iota3A : vector<128x1xi32>
      %ge3A = vector.broadcast %get3A_4 : i32 to vector<128x1xi32>
      %ge3A_635 = arith.cmpi sge, %add3A_634, %ge3A : vector<128x1xi32>
      %lt3A_636 = vector.broadcast %get3A_8 : i32 to vector<128x1xi32>
      %lt3A_637 = arith.cmpi slt, %add3A_634, %lt3A_636 : vector<128x1xi32>
      %and3A_638 = arith.andi %ge3A_635, %lt3A_637 : vector<128x1xi1>
      %get3A_639 = arith.constant 1920 : index
      %get3A_640 = arith.constant 0 : index
      %get3A_641 = vector.load %arg2[%get3A_639, %get3A_640] : memref<2048x896xf32, #tpu.memory_space<vmem>>, vector<128x768xf32>
      %jit3A = arith.constant 0.000000e+00 : f32
      %broadcast_in_dim3A = vector.shape_cast %and3A_638 : vector<128x1xi1> to vector<128x1xi1>
      %broadcast_in_dim3A_642 = vector.broadcast %broadcast_in_dim3A : vector<128x1xi1> to vector<128x768xi1>
      %broadcast_in_dim3A_643 = vector.broadcast %jit3A : f32 to vector<128x768xf32>
      %select_n3A = arith.select %broadcast_in_dim3A_642, %get3A_641, %broadcast_in_dim3A_643 : vector<128x768xi1>, vector<128x768xf32>
      %convert_element_type3A_644 = arith.truncf %select_n3A : vector<128x768xf32> to vector<128x768xbf16>
      %get3A_645 = arith.constant 1920 : index
      %get3A_646 = arith.constant 768 : index
      %get3A_647 = vector.load %arg2[%get3A_645, %get3A_646] : memref<2048x896xf32, #tpu.memory_space<vmem>>, vector<128x1xf32>
      %jit3A_648 = arith.constant 0.000000e+00 : f32
      %broadcast_in_dim3A_649 = vector.broadcast %jit3A_648 : f32 to vector<128x1xf32>
      %select_n3A_650 = arith.select %and3A_638, %get3A_647, %broadcast_in_dim3A_649 : vector<128x1xi1>, vector<128x1xf32>
      %dot_general3A = arith.constant dense<0.000000e+00> : vector<128x384xf32>
      %dot_general3A_651 = tpu.matmul %convert_element_type3A_644, %convert_element_type3A_16, %dot_general3A {dimension_numbers = #tpu.dot_dimension_numbers<[1], [1], [0], [0], [0, 0, 1, 0], [], []>, transpose_lhs_hint = false} : vector<128x768xbf16>, vector<384x768xbf16>, vector<128x384xf32> -> vector<128x384xf32>
      %slice3A = vector.extract_strided_slice %get3A_29 {offsets = [0, 0], sizes = [1, 384], strides = [1, 1]} : vector<1x768xf32> to vector<1x384xf32>
      %mul3A_652 = vector.broadcast %select_n3A_650 : vector<128x1xf32> to vector<128x384xf32>
      %mul3A_653 = vector.broadcast %slice3A : vector<1x384xf32> to vector<128x384xf32>
      %mul3A_654 = arith.mulf %mul3A_652, %mul3A_653 : vector<128x384xf32>
      %add3A_655 = arith.addf %dot_general3A_651, %mul3A_654 : vector<128x384xf32>
      %get3A_656 = arith.constant 1920 : index
      %get3A_657 = arith.constant 0 : index
      %get3A_658 = vector.load %arg6[%get3A_656, %get3A_657] : memref<2048x768xf32, #tpu.memory_space<vmem>>, vector<128x384xf32>
      %add3A_659 = arith.addf %get3A_658, %add3A_655 : vector<128x384xf32>
      %swap3A = arith.constant 1920 : index
      %swap3A_660 = arith.constant 0 : index
      %swap3A_661 = vector.load %arg6[%swap3A, %swap3A_660] : memref<2048x768xf32, #tpu.memory_space<vmem>>, vector<128x384xf32>
      tpu.vector_store %arg6[%swap3A, %swap3A_660], %add3A_659 {strides = array<i32>} : memref<2048x768xf32, #tpu.memory_space<vmem>>, vector<128x384xf32>,
      %dot_general3A_662 = arith.constant dense<0.000000e+00> : vector<128x384xf32>
      %dot_general3A_663 = tpu.matmul %convert_element_type3A_644, %convert_element_type3A_24, %dot_general3A_662 {dimension_numbers = #tpu.dot_dimension_numbers<[1], [1], [0], [0], [0, 0, 1, 0], [], []>, transpose_lhs_hint = false} : vector<128x768xbf16>, vector<384x768xbf16>, vector<128x384xf32> -> vector<128x384xf32>
      %slice3A_664 = vector.extract_strided_slice %get3A_29 {offsets = [0, 384], sizes = [1, 384], strides = [1, 1]} : vector<1x768xf32> to vector<1x384xf32>
      %mul3A_665 = vector.broadcast %select_n3A_650 : vector<128x1xf32> to vector<128x384xf32>
      %mul3A_666 = vector.broadcast %slice3A_664 : vector<1x384xf32> to vector<128x384xf32>
      %mul3A_667 = arith.mulf %mul3A_665, %mul3A_666 : vector<128x384xf32>
      %add3A_668 = arith.addf %dot_general3A_663, %mul3A_667 : vector<128x384xf32>
      %get3A_669 = arith.constant 1920 : index
      %get3A_670 = arith.constant 384 : index
      %get3A_671 = vector.load %arg6[%get3A_669, %get3A_670] : memref<2048x768xf32, #tpu.memory_space<vmem>>, vector<128x384xf32>
      %add3A_672 = arith.addf %get3A_671, %add3A_668 : vector<128x384xf32>
      %swap3A_673 = arith.constant 1920 : index
      %swap3A_674 = arith.constant 384 : index
      %swap3A_675 = vector.load %arg6[%swap3A_673, %swap3A_674] : memref<2048x768xf32, #tpu.memory_space<vmem>>, vector<128x384xf32>
      tpu.vector_store %arg6[%swap3A_673, %swap3A_674], %add3A_672 {strides = array<i32>} : memref<2048x768xf32, #tpu.memory_space<vmem>>, vector<128x384xf32>,
    } else {
    }
    %mul3A_155 = arith.constant 4 : i32
    %mul3A_156 = arith.muli %arg0, %mul3A_155 : i32
    %add3A_157 = arith.constant 1 : i32
    %add3A_158 = arith.addi %mul3A_156, %add3A_157 : i32
    %get3A_159 = arith.index_cast %add3A_158 : i32 to index
    %get3A_160 = memref.load %arg1[%get3A_159] : memref<65xi32, #tpu.memory_space<smem>>
    %add3A_161 = arith.constant 1 : i32
    %add3A_162 = arith.addi %add3A_158, %add3A_161 : i32
    %get3A_163 = arith.index_cast %add3A_162 : i32 to index
    %get3A_164 = memref.load %arg1[%get3A_163] : memref<65xi32, #tpu.memory_space<smem>>
    %get3A_165 = arith.constant 0 : index
    %get3A_166 = arith.constant 1 : index
    %get3A_167 = arith.constant 0 : index
    %get3A_168 = arith.constant 0 : index
    %get3A_169 = arith.constant 0 : index
    %get3A_170 = vector.load %arg3[%get3A_165, %get3A_166, %get3A_167, %get3A_168, %get3A_169] : memref<1x4x1x384x768xf32, #tpu.memory_space<vmem>>, vector<1x1x1x384x768xf32>
    %get3A_171 = vector.shape_cast %get3A_170 : vector<1x1x1x384x768xf32> to vector<384x768xf32>
    %convert_element_type3A_172 = arith.truncf %get3A_171 : vector<384x768xf32> to vector<384x768xbf16>
    %get3A_173 = arith.constant 0 : index
    %get3A_174 = arith.constant 1 : index
    %get3A_175 = arith.constant 0 : index
    %get3A_176 = arith.constant 0 : index
    %get3A_177 = arith.constant 0 : index
    %get3A_178 = vector.load %arg4[%get3A_173, %get3A_174, %get3A_175, %get3A_176, %get3A_177] : memref<1x4x1x384x768xf32, #tpu.memory_space<vmem>>, vector<1x1x1x384x768xf32>
    %get3A_179 = vector.shape_cast %get3A_178 : vector<1x1x1x384x768xf32> to vector<384x768xf32>
    %convert_element_type3A_180 = arith.truncf %get3A_179 : vector<384x768xf32> to vector<384x768xbf16>
    %get3A_181 = arith.constant 0 : index
    %get3A_182 = arith.constant 1 : index
    %get3A_183 = arith.constant 0 : index
    %get3A_184 = vector.load %arg5[%get3A_181, %get3A_182, %get3A_183] : memref<1x4x768xf32, #tpu.memory_space<vmem>>, vector<1x1x768xf32>
    %get3A_185 = vector.shape_cast %get3A_184 : vector<1x1x768xf32> to vector<1x768xf32>
    %gt3A_186 = arith.constant 0 : i32
    %gt3A_187 = arith.cmpi sgt, %get3A_164, %gt3A_186 : i32
    %lt3A_188 = arith.constant 128 : i32
    %lt3A_189 = arith.cmpi slt, %get3A_160, %lt3A_188 : i32
    %and3A_190 = arith.andi %gt3A_187, %lt3A_189 : i1
    %convert_element_type3A_191 = arith.extui %and3A_190 : i1 to i32
    %cond3A_192 = arith.constant 0 : i32
    %cond3A_193 = arith.cmpi ne, %convert_element_type3A_191, %cond3A_192 : i32
    scf.if %cond3A_193 {
      %iota3A = tpu.iota {dimensions = array<i32: 0>} : vector<128x1xi32>
      %add3A_632 = arith.constant 0 : i32
      %add3A_633 = vector.broadcast %add3A_632 : i32 to vector<128x1xi32>
      %add3A_634 = arith.addi %add3A_633, %iota3A : vector<128x1xi32>
      %ge3A = vector.broadcast %get3A_160 : i32 to vector<128x1xi32>
      %ge3A_635 = arith.cmpi sge, %add3A_634, %ge3A : vector<128x1xi32>
      %lt3A_636 = vector.broadcast %get3A_164 : i32 to vector<128x1xi32>
      %lt3A_637 = arith.cmpi slt, %add3A_634, %lt3A_636 : vector<128x1xi32>
      %and3A_638 = arith.andi %ge3A_635, %lt3A_637 : vector<128x1xi1>
      %get3A_639 = arith.constant 0 : index
      %get3A_640 = arith.constant 0 : index
      %get3A_641 = vector.load %arg2[%get3A_639, %get3A_640] : memref<2048x896xf32, #tpu.memory_space<vmem>>, vector<128x768xf32>
      %jit3A = arith.constant 0.000000e+00 : f32
      %broadcast_in_dim3A = vector.shape_cast %and3A_638 : vector<128x1xi1> to vector<128x1xi1>
      %broadcast_in_dim3A_642 = vector.broadcast %broadcast_in_dim3A : vector<128x1xi1> to vector<128x768xi1>
      %broadcast_in_dim3A_643 = vector.broadcast %jit3A : f32 to vector<128x768xf32>
      %select_n3A = arith.select %broadcast_in_dim3A_642, %get3A_641, %broadcast_in_dim3A_643 : vector<128x768xi1>, vector<128x768xf32>
      %convert_element_type3A_644 = arith.truncf %select_n3A : vector<128x768xf32> to vector<128x768xbf16>
      %get3A_645 = arith.constant 0 : index
      %get3A_646 = arith.constant 768 : index
      %get3A_647 = vector.load %arg2[%get3A_645, %get3A_646] : memref<2048x896xf32, #tpu.memory_space<vmem>>, vector<128x1xf32>
      %jit3A_648 = arith.constant 0.000000e+00 : f32
      %broadcast_in_dim3A_649 = vector.broadcast %jit3A_648 : f32 to vector<128x1xf32>
      %select_n3A_650 = arith.select %and3A_638, %get3A_647, %broadcast_in_dim3A_649 : vector<128x1xi1>, vector<128x1xf32>
      %dot_general3A = arith.constant dense<0.000000e+00> : vector<128x384xf32>
      %dot_general3A_651 = tpu.matmul %convert_element_type3A_644, %convert_element_type3A_172, %dot_general3A {dimension_numbers = #tpu.dot_dimension_numbers<[1], [1], [0], [0], [0, 0, 1, 0], [], []>, transpose_lhs_hint = false} : vector<128x768xbf16>, vector<384x768xbf16>, vector<128x384xf32> -> vector<128x384xf32>
      %slice3A = vector.extract_strided_slice %get3A_185 {offsets = [0, 0], sizes = [1, 384], strides = [1, 1]} : vector<1x768xf32> to vector<1x384xf32>
      %mul3A_652 = vector.broadcast %select_n3A_650 : vector<128x1xf32> to vector<128x384xf32>
      %mul3A_653 = vector.broadcast %slice3A : vector<1x384xf32> to vector<128x384xf32>
      %mul3A_654 = arith.mulf %mul3A_652, %mul3A_653 : vector<128x384xf32>
      %add3A_655 = arith.addf %dot_general3A_651, %mul3A_654 : vector<128x384xf32>
      %get3A_656 = arith.constant 0 : index
      %get3A_657 = arith.constant 0 : index
      %get3A_658 = vector.load %arg6[%get3A_656, %get3A_657] : memref<2048x768xf32, #tpu.memory_space<vmem>>, vector<128x384xf32>
      %add3A_659 = arith.addf %get3A_658, %add3A_655 : vector<128x384xf32>
      %swap3A = arith.constant 0 : index
      %swap3A_660 = arith.constant 0 : index
      %swap3A_661 = vector.load %arg6[%swap3A, %swap3A_660] : memref<2048x768xf32, #tpu.memory_space<vmem>>, vector<128x384xf32>
      tpu.vector_store %arg6[%swap3A, %swap3A_660], %add3A_659 {strides = array<i32>} : memref<2048x768xf32, #tpu.memory_space<vmem>>, vector<128x384xf32>,
      %dot_general3A_662 = arith.constant dense<0.000000e+00> : vector<128x384xf32>
      %dot_general3A_663 = tpu.matmul %convert_element_type3A_644, %convert_element_type3A_180, %dot_general3A_662 {dimension_numbers = #tpu.dot_dimension_numbers<[1], [1], [0], [0], [0, 0, 1, 0], [], []>, transpose_lhs_hint = false} : vector<128x768xbf16>, vector<384x768xbf16>, vector<128x384xf32> -> vector<128x384xf32>
      %slice3A_664 = vector.extract_strided_slice %get3A_185 {offsets = [0, 384], sizes = [1, 384], strides = [1, 1]} : vector<1x768xf32> to vector<1x384xf32>
      %mul3A_665 = vector.broadcast %select_n3A_650 : vector<128x1xf32> to vector<128x384xf32>
      %mul3A_666 = vector.broadcast %slice3A_664 : vector<1x384xf32> to vector<128x384xf32>
      %mul3A_667 = arith.mulf %mul3A_665, %mul3A_666 : vector<128x384xf32>
      %add3A_668 = arith.addf %dot_general3A_663, %mul3A_667 : vector<128x384xf32>
      %get3A_669 = arith.constant 0 : index
      %get3A_670 = arith.constant 384 : index
      %get3A_671 = vector.load %arg6[%get3A_669, %get3A_670] : memref<2048x768xf32, #tpu.memory_space<vmem>>, vector<128x384xf32>
      %add3A_672 = arith.addf %get3A_671, %add3A_668 : vector<128x384xf32>
      %swap3A_673 = arith.constant 0 : index
      %swap3A_674 = arith.constant 384 : index
      %swap3A_675 = vector.load %arg6[%swap3A_673, %swap3A_674] : memref<2048x768xf32, #tpu.memory_space<vmem>>, vector<128x384xf32>
      tpu.vector_store %arg6[%swap3A_673, %swap3A_674], %add3A_672 {strides = array<i32>} : memref<2048x768xf32, #tpu.memory_space<vmem>>, vector<128x384xf32>,
    } else {
    }
    %gt3A_194 = arith.constant 128 : i32
    %gt3A_195 = arith.cmpi sgt, %get3A_164, %gt3A_194 : i32
    %lt3A_196 = arith.constant 256 : i32
    %lt3A_197 = arith.cmpi slt, %get3A_160, %lt3A_196 : i32
    %and3A_198 = arith.andi %gt3A_195, %lt3A_197 : i1
    %convert_element_type3A_199 = arith.extui %and3A_198 : i1 to i32
    %cond3A_200 = arith.constant 0 : i32
    %cond3A_201 = arith.cmpi ne, %convert_element_type3A_199, %cond3A_200 : i32
    scf.if %cond3A_201 {
      %iota3A = tpu.iota {dimensions = array<i32: 0>} : vector<128x1xi32>
      %add3A_632 = arith.constant 128 : i32
      %add3A_633 = vector.broadcast %add3A_632 : i32 to vector<128x1xi32>
      %add3A_634 = arith.addi %add3A_633, %iota3A : vector<128x1xi32>
      %ge3A = vector.broadcast %get3A_160 : i32 to vector<128x1xi32>
      %ge3A_635 = arith.cmpi sge, %add3A_634, %ge3A : vector<128x1xi32>
      %lt3A_636 = vector.broadcast %get3A_164 : i32 to vector<128x1xi32>
      %lt3A_637 = arith.cmpi slt, %add3A_634, %lt3A_636 : vector<128x1xi32>
      %and3A_638 = arith.andi %ge3A_635, %lt3A_637 : vector<128x1xi1>
      %get3A_639 = arith.constant 128 : index
      %get3A_640 = arith.constant 0 : index
      %get3A_641 = vector.load %arg2[%get3A_639, %get3A_640] : memref<2048x896xf32, #tpu.memory_space<vmem>>, vector<128x768xf32>
      %jit3A = arith.constant 0.000000e+00 : f32
      %broadcast_in_dim3A = vector.shape_cast %and3A_638 : vector<128x1xi1> to vector<128x1xi1>
      %broadcast_in_dim3A_642 = vector.broadcast %broadcast_in_dim3A : vector<128x1xi1> to vector<128x768xi1>
      %broadcast_in_dim3A_643 = vector.broadcast %jit3A : f32 to vector<128x768xf32>
      %select_n3A = arith.select %broadcast_in_dim3A_642, %get3A_641, %broadcast_in_dim3A_643 : vector<128x768xi1>, vector<128x768xf32>
      %convert_element_type3A_644 = arith.truncf %select_n3A : vector<128x768xf32> to vector<128x768xbf16>
      %get3A_645 = arith.constant 128 : index
      %get3A_646 = arith.constant 768 : index
      %get3A_647 = vector.load %arg2[%get3A_645, %get3A_646] : memref<2048x896xf32, #tpu.memory_space<vmem>>, vector<128x1xf32>
      %jit3A_648 = arith.constant 0.000000e+00 : f32
      %broadcast_in_dim3A_649 = vector.broadcast %jit3A_648 : f32 to vector<128x1xf32>
      %select_n3A_650 = arith.select %and3A_638, %get3A_647, %broadcast_in_dim3A_649 : vector<128x1xi1>, vector<128x1xf32>
      %dot_general3A = arith.constant dense<0.000000e+00> : vector<128x384xf32>
      %dot_general3A_651 = tpu.matmul %convert_element_type3A_644, %convert_element_type3A_172, %dot_general3A {dimension_numbers = #tpu.dot_dimension_numbers<[1], [1], [0], [0], [0, 0, 1, 0], [], []>, transpose_lhs_hint = false} : vector<128x768xbf16>, vector<384x768xbf16>, vector<128x384xf32> -> vector<128x384xf32>
      %slice3A = vector.extract_strided_slice %get3A_185 {offsets = [0, 0], sizes = [1, 384], strides = [1, 1]} : vector<1x768xf32> to vector<1x384xf32>
      %mul3A_652 = vector.broadcast %select_n3A_650 : vector<128x1xf32> to vector<128x384xf32>
      %mul3A_653 = vector.broadcast %slice3A : vector<1x384xf32> to vector<128x384xf32>
      %mul3A_654 = arith.mulf %mul3A_652, %mul3A_653 : vector<128x384xf32>
      %add3A_655 = arith.addf %dot_general3A_651, %mul3A_654 : vector<128x384xf32>
      %get3A_656 = arith.constant 128 : index
      %get3A_657 = arith.constant 0 : index
      %get3A_658 = vector.load %arg6[%get3A_656, %get3A_657] : memref<2048x768xf32, #tpu.memory_space<vmem>>, vector<128x384xf32>
      %add3A_659 = arith.addf %get3A_658, %add3A_655 : vector<128x384xf32>
      %swap3A = arith.constant 128 : index
      %swap3A_660 = arith.constant 0 : index
      %swap3A_661 = vector.load %arg6[%swap3A, %swap3A_660] : memref<2048x768xf32, #tpu.memory_space<vmem>>, vector<128x384xf32>
      tpu.vector_store %arg6[%swap3A, %swap3A_660], %add3A_659 {strides = array<i32>} : memref<2048x768xf32, #tpu.memory_space<vmem>>, vector<128x384xf32>,
      %dot_general3A_662 = arith.constant dense<0.000000e+00> : vector<128x384xf32>
      %dot_general3A_663 = tpu.matmul %convert_element_type3A_644, %convert_element_type3A_180, %dot_general3A_662 {dimension_numbers = #tpu.dot_dimension_numbers<[1], [1], [0], [0], [0, 0, 1, 0], [], []>, transpose_lhs_hint = false} : vector<128x768xbf16>, vector<384x768xbf16>, vector<128x384xf32> -> vector<128x384xf32>
      %slice3A_664 = vector.extract_strided_slice %get3A_185 {offsets = [0, 384], sizes = [1, 384], strides = [1, 1]} : vector<1x768xf32> to vector<1x384xf32>
      %mul3A_665 = vector.broadcast %select_n3A_650 : vector<128x1xf32> to vector<128x384xf32>
      %mul3A_666 = vector.broadcast %slice3A_664 : vector<1x384xf32> to vector<128x384xf32>
      %mul3A_667 = arith.mulf %mul3A_665, %mul3A_666 : vector<128x384xf32>
      %add3A_668 = arith.addf %dot_general3A_663, %mul3A_667 : vector<128x384xf32>
      %get3A_669 = arith.constant 128 : index
      %get3A_670 = arith.constant 384 : index
      %get3A_671 = vector.load %arg6[%get3A_669, %get3A_670] : memref<2048x768xf32, #tpu.memory_space<vmem>>, vector<128x384xf32>
      %add3A_672 = arith.addf %get3A_671, %add3A_668 : vector<128x384xf32>
      %swap3A_673 = arith.constant 128 : index
      %swap3A_674 = arith.constant 384 : index
      %swap3A_675 = vector.load %arg6[%swap3A_673, %swap3A_674] : memref<2048x768xf32, #tpu.memory_space<vmem>>, vector<128x384xf32>
      tpu.vector_store %arg6[%swap3A_673, %swap3A_674], %add3A_672 {strides = array<i32>} : memref<2048x768xf32, #tpu.memory_space<vmem>>, vector<128x384xf32>,
    } else {
    }
    %gt3A_202 = arith.constant 256 : i32
    %gt3A_203 = arith.cmpi sgt, %get3A_164, %gt3A_202 : i32
    %lt3A_204 = arith.constant 384 : i32
    %lt3A_205 = arith.cmpi slt, %get3A_160, %lt3A_204 : i32
    %and3A_206 = arith.andi %gt3A_203, %lt3A_205 : i1
    %convert_element_type3A_207 = arith.extui %and3A_206 : i1 to i32
    %cond3A_208 = arith.constant 0 : i32
    %cond3A_209 = arith.cmpi ne, %convert_element_type3A_207, %cond3A_208 : i32
    scf.if %cond3A_209 {
      %iota3A = tpu.iota {dimensions = array<i32: 0>} : vector<128x1xi32>
      %add3A_632 = arith.constant 256 : i32
      %add3A_633 = vector.broadcast %add3A_632 : i32 to vector<128x1xi32>
      %add3A_634 = arith.addi %add3A_633, %iota3A : vector<128x1xi32>
      %ge3A = vector.broadcast %get3A_160 : i32 to vector<128x1xi32>
      %ge3A_635 = arith.cmpi sge, %add3A_634, %ge3A : vector<128x1xi32>
      %lt3A_636 = vector.broadcast %get3A_164 : i32 to vector<128x1xi32>
      %lt3A_637 = arith.cmpi slt, %add3A_634, %lt3A_636 : vector<128x1xi32>
      %and3A_638 = arith.andi %ge3A_635, %lt3A_637 : vector<128x1xi1>
      %get3A_639 = arith.constant 256 : index
      %get3A_640 = arith.constant 0 : index
      %get3A_641 = vector.load %arg2[%get3A_639, %get3A_640] : memref<2048x896xf32, #tpu.memory_space<vmem>>, vector<128x768xf32>
      %jit3A = arith.constant 0.000000e+00 : f32
      %broadcast_in_dim3A = vector.shape_cast %and3A_638 : vector<128x1xi1> to vector<128x1xi1>
      %broadcast_in_dim3A_642 = vector.broadcast %broadcast_in_dim3A : vector<128x1xi1> to vector<128x768xi1>
      %broadcast_in_dim3A_643 = vector.broadcast %jit3A : f32 to vector<128x768xf32>
      %select_n3A = arith.select %broadcast_in_dim3A_642, %get3A_641, %broadcast_in_dim3A_643 : vector<128x768xi1>, vector<128x768xf32>
      %convert_element_type3A_644 = arith.truncf %select_n3A : vector<128x768xf32> to vector<128x768xbf16>
      %get3A_645 = arith.constant 256 : index
      %get3A_646 = arith.constant 768 : index
      %get3A_647 = vector.load %arg2[%get3A_645, %get3A_646] : memref<2048x896xf32, #tpu.memory_space<vmem>>, vector<128x1xf32>
      %jit3A_648 = arith.constant 0.000000e+00 : f32
      %broadcast_in_dim3A_649 = vector.broadcast %jit3A_648 : f32 to vector<128x1xf32>
      %select_n3A_650 = arith.select %and3A_638, %get3A_647, %broadcast_in_dim3A_649 : vector<128x1xi1>, vector<128x1xf32>
      %dot_general3A = arith.constant dense<0.000000e+00> : vector<128x384xf32>
      %dot_general3A_651 = tpu.matmul %convert_element_type3A_644, %convert_element_type3A_172, %dot_general3A {dimension_numbers = #tpu.dot_dimension_numbers<[1], [1], [0], [0], [0, 0, 1, 0], [], []>, transpose_lhs_hint = false} : vector<128x768xbf16>, vector<384x768xbf16>, vector<128x384xf32> -> vector<128x384xf32>
      %slice3A = vector.extract_strided_slice %get3A_185 {offsets = [0, 0], sizes = [1, 384], strides = [1, 1]} : vector<1x768xf32> to vector<1x384xf32>
      %mul3A_652 = vector.broadcast %select_n3A_650 : vector<128x1xf32> to vector<128x384xf32>
      %mul3A_653 = vector.broadcast %slice3A : vector<1x384xf32> to vector<128x384xf32>
      %mul3A_654 = arith.mulf %mul3A_652, %mul3A_653 : vector<128x384xf32>
      %add3A_655 = arith.addf %dot_general3A_651, %mul3A_654 : vector<128x384xf32>
      %get3A_656 = arith.constant 256 : index
      %get3A_657 = arith.constant 0 : index
      %get3A_658 = vector.load %arg6[%get3A_656, %get3A_657] : memref<2048x768xf32, #tpu.memory_space<vmem>>, vector<128x384xf32>
      %add3A_659 = arith.addf %get3A_658, %add3A_655 : vector<128x384xf32>
      %swap3A = arith.constant 256 : index
      %swap3A_660 = arith.constant 0 : index
      %swap3A_661 = vector.load %arg6[%swap3A, %swap3A_660] : memref<2048x768xf32, #tpu.memory_space<vmem>>, vector<128x384xf32>
      tpu.vector_store %arg6[%swap3A, %swap3A_660], %add3A_659 {strides = array<i32>} : memref<2048x768xf32, #tpu.memory_space<vmem>>, vector<128x384xf32>,
      %dot_general3A_662 = arith.constant dense<0.000000e+00> : vector<128x384xf32>
      %dot_general3A_663 = tpu.matmul %convert_element_type3A_644, %convert_element_type3A_180, %dot_general3A_662 {dimension_numbers = #tpu.dot_dimension_numbers<[1], [1], [0], [0], [0, 0, 1, 0], [], []>, transpose_lhs_hint = false} : vector<128x768xbf16>, vector<384x768xbf16>, vector<128x384xf32> -> vector<128x384xf32>
      %slice3A_664 = vector.extract_strided_slice %get3A_185 {offsets = [0, 384], sizes = [1, 384], strides = [1, 1]} : vector<1x768xf32> to vector<1x384xf32>
      %mul3A_665 = vector.broadcast %select_n3A_650 : vector<128x1xf32> to vector<128x384xf32>
      %mul3A_666 = vector.broadcast %slice3A_664 : vector<1x384xf32> to vector<128x384xf32>
      %mul3A_667 = arith.mulf %mul3A_665, %mul3A_666 : vector<128x384xf32>
      %add3A_668 = arith.addf %dot_general3A_663, %mul3A_667 : vector<128x384xf32>
      %get3A_669 = arith.constant 256 : index
      %get3A_670 = arith.constant 384 : index
      %get3A_671 = vector.load %arg6[%get3A_669, %get3A_670] : memref<2048x768xf32, #tpu.memory_space<vmem>>, vector<128x384xf32>
      %add3A_672 = arith.addf %get3A_671, %add3A_668 : vector<128x384xf32>
      %swap3A_673 = arith.constant 256 : index
      %swap3A_674 = arith.constant 384 : index
      %swap3A_675 = vector.load %arg6[%swap3A_673, %swap3A_674] : memref<2048x768xf32, #tpu.memory_space<vmem>>, vector<128x384xf32>
      tpu.vector_store %arg6[%swap3A_673, %swap3A_674], %add3A_672 {strides = array<i32>} : memref<2048x768xf32, #tpu.memory_space<vmem>>, vector<128x384xf32>,
    } else {
    }
    %gt3A_210 = arith.constant 384 : i32
    %gt3A_211 = arith.cmpi sgt, %get3A_164, %gt3A_210 : i32
    %lt3A_212 = arith.constant 512 : i32
    %lt3A_213 = arith.cmpi slt, %get3A_160, %lt3A_212 : i32
    %and3A_214 = arith.andi %gt3A_211, %lt3A_213 : i1
    %convert_element_type3A_215 = arith.extui %and3A_214 : i1 to i32
    %cond3A_216 = arith.constant 0 : i32
    %cond3A_217 = arith.cmpi ne, %convert_element_type3A_215, %cond3A_216 : i32
    scf.if %cond3A_217 {
      %iota3A = tpu.iota {dimensions = array<i32: 0>} : vector<128x1xi32>
      %add3A_632 = arith.constant 384 : i32
      %add3A_633 = vector.broadcast %add3A_632 : i32 to vector<128x1xi32>
      %add3A_634 = arith.addi %add3A_633, %iota3A : vector<128x1xi32>
      %ge3A = vector.broadcast %get3A_160 : i32 to vector<128x1xi32>
      %ge3A_635 = arith.cmpi sge, %add3A_634, %ge3A : vector<128x1xi32>
      %lt3A_636 = vector.broadcast %get3A_164 : i32 to vector<128x1xi32>
      %lt3A_637 = arith.cmpi slt, %add3A_634, %lt3A_636 : vector<128x1xi32>
      %and3A_638 = arith.andi %ge3A_635, %lt3A_637 : vector<128x1xi1>
      %get3A_639 = arith.constant 384 : index
      %get3A_640 = arith.constant 0 : index
      %get3A_641 = vector.load %arg2[%get3A_639, %get3A_640] : memref<2048x896xf32, #tpu.memory_space<vmem>>, vector<128x768xf32>
      %jit3A = arith.constant 0.000000e+00 : f32
      %broadcast_in_dim3A = vector.shape_cast %and3A_638 : vector<128x1xi1> to vector<128x1xi1>
      %broadcast_in_dim3A_642 = vector.broadcast %broadcast_in_dim3A : vector<128x1xi1> to vector<128x768xi1>
      %broadcast_in_dim3A_643 = vector.broadcast %jit3A : f32 to vector<128x768xf32>
      %select_n3A = arith.select %broadcast_in_dim3A_642, %get3A_641, %broadcast_in_dim3A_643 : vector<128x768xi1>, vector<128x768xf32>
      %convert_element_type3A_644 = arith.truncf %select_n3A : vector<128x768xf32> to vector<128x768xbf16>
      %get3A_645 = arith.constant 384 : index
      %get3A_646 = arith.constant 768 : index
      %get3A_647 = vector.load %arg2[%get3A_645, %get3A_646] : memref<2048x896xf32, #tpu.memory_space<vmem>>, vector<128x1xf32>
      %jit3A_648 = arith.constant 0.000000e+00 : f32
      %broadcast_in_dim3A_649 = vector.broadcast %jit3A_648 : f32 to vector<128x1xf32>
      %select_n3A_650 = arith.select %and3A_638, %get3A_647, %broadcast_in_dim3A_649 : vector<128x1xi1>, vector<128x1xf32>
      %dot_general3A = arith.constant dense<0.000000e+00> : vector<128x384xf32>
      %dot_general3A_651 = tpu.matmul %convert_element_type3A_644, %convert_element_type3A_172, %dot_general3A {dimension_numbers = #tpu.dot_dimension_numbers<[1], [1], [0], [0], [0, 0, 1, 0], [], []>, transpose_lhs_hint = false} : vector<128x768xbf16>, vector<384x768xbf16>, vector<128x384xf32> -> vector<128x384xf32>
      %slice3A = vector.extract_strided_slice %get3A_185 {offsets = [0, 0], sizes = [1, 384], strides = [1, 1]} : vector<1x768xf32> to vector<1x384xf32>
      %mul3A_652 = vector.broadcast %select_n3A_650 : vector<128x1xf32> to vector<128x384xf32>
      %mul3A_653 = vector.broadcast %slice3A : vector<1x384xf32> to vector<128x384xf32>
      %mul3A_654 = arith.mulf %mul3A_652, %mul3A_653 : vector<128x384xf32>
      %add3A_655 = arith.addf %dot_general3A_651, %mul3A_654 : vector<128x384xf32>
      %get3A_656 = arith.constant 384 : index
      %get3A_657 = arith.constant 0 : index
      %get3A_658 = vector.load %arg6[%get3A_656, %get3A_657] : memref<2048x768xf32, #tpu.memory_space<vmem>>, vector<128x384xf32>
      %add3A_659 = arith.addf %get3A_658, %add3A_655 : vector<128x384xf32>
      %swap3A = arith.constant 384 : index
      %swap3A_660 = arith.constant 0 : index
      %swap3A_661 = vector.load %arg6[%swap3A, %swap3A_660] : memref<2048x768xf32, #tpu.memory_space<vmem>>, vector<128x384xf32>
      tpu.vector_store %arg6[%swap3A, %swap3A_660], %add3A_659 {strides = array<i32>} : memref<2048x768xf32, #tpu.memory_space<vmem>>, vector<128x384xf32>,
      %dot_general3A_662 = arith.constant dense<0.000000e+00> : vector<128x384xf32>
      %dot_general3A_663 = tpu.matmul %convert_element_type3A_644, %convert_element_type3A_180, %dot_general3A_662 {dimension_numbers = #tpu.dot_dimension_numbers<[1], [1], [0], [0], [0, 0, 1, 0], [], []>, transpose_lhs_hint = false} : vector<128x768xbf16>, vector<384x768xbf16>, vector<128x384xf32> -> vector<128x384xf32>
      %slice3A_664 = vector.extract_strided_slice %get3A_185 {offsets = [0, 384], sizes = [1, 384], strides = [1, 1]} : vector<1x768xf32> to vector<1x384xf32>
      %mul3A_665 = vector.broadcast %select_n3A_650 : vector<128x1xf32> to vector<128x384xf32>
      %mul3A_666 = vector.broadcast %slice3A_664 : vector<1x384xf32> to vector<128x384xf32>
      %mul3A_667 = arith.mulf %mul3A_665, %mul3A_666 : vector<128x384xf32>
      %add3A_668 = arith.addf %dot_general3A_663, %mul3A_667 : vector<128x384xf32>
      %get3A_669 = arith.constant 384 : index
      %get3A_670 = arith.constant 384 : index
      %get3A_671 = vector.load %arg6[%get3A_669, %get3A_670] : memref<2048x768xf32, #tpu.memory_space<vmem>>, vector<128x384xf32>
      %add3A_672 = arith.addf %get3A_671, %add3A_668 : vector<128x384xf32>
      %swap3A_673 = arith.constant 384 : index
      %swap3A_674 = arith.constant 384 : index
      %swap3A_675 = vector.load %arg6[%swap3A_673, %swap3A_674] : memref<2048x768xf32, #tpu.memory_space<vmem>>, vector<128x384xf32>
      tpu.vector_store %arg6[%swap3A_673, %swap3A_674], %add3A_672 {strides = array<i32>} : memref<2048x768xf32, #tpu.memory_space<vmem>>, vector<128x384xf32>,
    } else {
    }
    %gt3A_218 = arith.constant 512 : i32
    %gt3A_219 = arith.cmpi sgt, %get3A_164, %gt3A_218 : i32
    %lt3A_220 = arith.constant 640 : i32
    %lt3A_221 = arith.cmpi slt, %get3A_160, %lt3A_220 : i32
    %and3A_222 = arith.andi %gt3A_219, %lt3A_221 : i1
    %convert_element_type3A_223 = arith.extui %and3A_222 : i1 to i32
    %cond3A_224 = arith.constant 0 : i32
    %cond3A_225 = arith.cmpi ne, %convert_element_type3A_223, %cond3A_224 : i32
    scf.if %cond3A_225 {
      %iota3A = tpu.iota {dimensions = array<i32: 0>} : vector<128x1xi32>
      %add3A_632 = arith.constant 512 : i32
      %add3A_633 = vector.broadcast %add3A_632 : i32 to vector<128x1xi32>
      %add3A_634 = arith.addi %add3A_633, %iota3A : vector<128x1xi32>
      %ge3A = vector.broadcast %get3A_160 : i32 to vector<128x1xi32>
      %ge3A_635 = arith.cmpi sge, %add3A_634, %ge3A : vector<128x1xi32>
      %lt3A_636 = vector.broadcast %get3A_164 : i32 to vector<128x1xi32>
      %lt3A_637 = arith.cmpi slt, %add3A_634, %lt3A_636 : vector<128x1xi32>
      %and3A_638 = arith.andi %ge3A_635, %lt3A_637 : vector<128x1xi1>
      %get3A_639 = arith.constant 512 : index
      %get3A_640 = arith.constant 0 : index
      %get3A_641 = vector.load %arg2[%get3A_639, %get3A_640] : memref<2048x896xf32, #tpu.memory_space<vmem>>, vector<128x768xf32>
      %jit3A = arith.constant 0.000000e+00 : f32
      %broadcast_in_dim3A = vector.shape_cast %and3A_638 : vector<128x1xi1> to vector<128x1xi1>
      %broadcast_in_dim3A_642 = vector.broadcast %broadcast_in_dim3A : vector<128x1xi1> to vector<128x768xi1>
      %broadcast_in_dim3A_643 = vector.broadcast %jit3A : f32 to vector<128x768xf32>
      %select_n3A = arith.select %broadcast_in_dim3A_642, %get3A_641, %broadcast_in_dim3A_643 : vector<128x768xi1>, vector<128x768xf32>
      %convert_element_type3A_644 = arith.truncf %select_n3A : vector<128x768xf32> to vector<128x768xbf16>
      %get3A_645 = arith.constant 512 : index
      %get3A_646 = arith.constant 768 : index
      %get3A_647 = vector.load %arg2[%get3A_645, %get3A_646] : memref<2048x896xf32, #tpu.memory_space<vmem>>, vector<128x1xf32>
      %jit3A_648 = arith.constant 0.000000e+00 : f32
      %broadcast_in_dim3A_649 = vector.broadcast %jit3A_648 : f32 to vector<128x1xf32>
      %select_n3A_650 = arith.select %and3A_638, %get3A_647, %broadcast_in_dim3A_649 : vector<128x1xi1>, vector<128x1xf32>
      %dot_general3A = arith.constant dense<0.000000e+00> : vector<128x384xf32>
      %dot_general3A_651 = tpu.matmul %convert_element_type3A_644, %convert_element_type3A_172, %dot_general3A {dimension_numbers = #tpu.dot_dimension_numbers<[1], [1], [0], [0], [0, 0, 1, 0], [], []>, transpose_lhs_hint = false} : vector<128x768xbf16>, vector<384x768xbf16>, vector<128x384xf32> -> vector<128x384xf32>
      %slice3A = vector.extract_strided_slice %get3A_185 {offsets = [0, 0], sizes = [1, 384], strides = [1, 1]} : vector<1x768xf32> to vector<1x384xf32>
      %mul3A_652 = vector.broadcast %select_n3A_650 : vector<128x1xf32> to vector<128x384xf32>
      %mul3A_653 = vector.broadcast %slice3A : vector<1x384xf32> to vector<128x384xf32>
      %mul3A_654 = arith.mulf %mul3A_652, %mul3A_653 : vector<128x384xf32>
      %add3A_655 = arith.addf %dot_general3A_651, %mul3A_654 : vector<128x384xf32>
      %get3A_656 = arith.constant 512 : index
      %get3A_657 = arith.constant 0 : index
      %get3A_658 = vector.load %arg6[%get3A_656, %get3A_657] : memref<2048x768xf32, #tpu.memory_space<vmem>>, vector<128x384xf32>
      %add3A_659 = arith.addf %get3A_658, %add3A_655 : vector<128x384xf32>
      %swap3A = arith.constant 512 : index
      %swap3A_660 = arith.constant 0 : index
      %swap3A_661 = vector.load %arg6[%swap3A, %swap3A_660] : memref<2048x768xf32, #tpu.memory_space<vmem>>, vector<128x384xf32>
      tpu.vector_store %arg6[%swap3A, %swap3A_660], %add3A_659 {strides = array<i32>} : memref<2048x768xf32, #tpu.memory_space<vmem>>, vector<128x384xf32>,
      %dot_general3A_662 = arith.constant dense<0.000000e+00> : vector<128x384xf32>
      %dot_general3A_663 = tpu.matmul %convert_element_type3A_644, %convert_element_type3A_180, %dot_general3A_662 {dimension_numbers = #tpu.dot_dimension_numbers<[1], [1], [0], [0], [0, 0, 1, 0], [], []>, transpose_lhs_hint = false} : vector<128x768xbf16>, vector<384x768xbf16>, vector<128x384xf32> -> vector<128x384xf32>
      %slice3A_664 = vector.extract_strided_slice %get3A_185 {offsets = [0, 384], sizes = [1, 384], strides = [1, 1]} : vector<1x768xf32> to vector<1x384xf32>
      %mul3A_665 = vector.broadcast %select_n3A_650 : vector<128x1xf32> to vector<128x384xf32>
      %mul3A_666 = vector.broadcast %slice3A_664 : vector<1x384xf32> to vector<128x384xf32>
      %mul3A_667 = arith.mulf %mul3A_665, %mul3A_666 : vector<128x384xf32>
      %add3A_668 = arith.addf %dot_general3A_663, %mul3A_667 : vector<128x384xf32>
      %get3A_669 = arith.constant 512 : index
      %get3A_670 = arith.constant 384 : index
      %get3A_671 = vector.load %arg6[%get3A_669, %get3A_670] : memref<2048x768xf32, #tpu.memory_space<vmem>>, vector<128x384xf32>
      %add3A_672 = arith.addf %get3A_671, %add3A_668 : vector<128x384xf32>
      %swap3A_673 = arith.constant 512 : index
      %swap3A_674 = arith.constant 384 : index
      %swap3A_675 = vector.load %arg6[%swap3A_673, %swap3A_674] : memref<2048x768xf32, #tpu.memory_space<vmem>>, vector<128x384xf32>
      tpu.vector_store %arg6[%swap3A_673, %swap3A_674], %add3A_672 {strides = array<i32>} : memref<2048x768xf32, #tpu.memory_space<vmem>>, vector<128x384xf32>,
    } else {
    }
    %gt3A_226 = arith.constant 640 : i32
    %gt3A_227 = arith.cmpi sgt, %get3A_164, %gt3A_226 : i32
    %lt3A_228 = arith.constant 768 : i32
    %lt3A_229 = arith.cmpi slt, %get3A_160, %lt3A_228 : i32
    %and3A_230 = arith.andi %gt3A_227, %lt3A_229 : i1
    %convert_element_type3A_231 = arith.extui %and3A_230 : i1 to i32
    %cond3A_232 = arith.constant 0 : i32
    %cond3A_233 = arith.cmpi ne, %convert_element_type3A_231, %cond3A_232 : i32
    scf.if %cond3A_233 {
      %iota3A = tpu.iota {dimensions = array<i32: 0>} : vector<128x1xi32>
      %add3A_632 = arith.constant 640 : i32
      %add3A_633 = vector.broadcast %add3A_632 : i32 to vector<128x1xi32>
      %add3A_634 = arith.addi %add3A_633, %iota3A : vector<128x1xi32>
      %ge3A = vector.broadcast %get3A_160 : i32 to vector<128x1xi32>
      %ge3A_635 = arith.cmpi sge, %add3A_634, %ge3A : vector<128x1xi32>
      %lt3A_636 = vector.broadcast %get3A_164 : i32 to vector<128x1xi32>
      %lt3A_637 = arith.cmpi slt, %add3A_634, %lt3A_636 : vector<128x1xi32>
      %and3A_638 = arith.andi %ge3A_635, %lt3A_637 : vector<128x1xi1>
      %get3A_639 = arith.constant 640 : index
      %get3A_640 = arith.constant 0 : index
      %get3A_641 = vector.load %arg2[%get3A_639, %get3A_640] : memref<2048x896xf32, #tpu.memory_space<vmem>>, vector<128x768xf32>
      %jit3A = arith.constant 0.000000e+00 : f32
      %broadcast_in_dim3A = vector.shape_cast %and3A_638 : vector<128x1xi1> to vector<128x1xi1>
      %broadcast_in_dim3A_642 = vector.broadcast %broadcast_in_dim3A : vector<128x1xi1> to vector<128x768xi1>
      %broadcast_in_dim3A_643 = vector.broadcast %jit3A : f32 to vector<128x768xf32>
      %select_n3A = arith.select %broadcast_in_dim3A_642, %get3A_641, %broadcast_in_dim3A_643 : vector<128x768xi1>, vector<128x768xf32>
      %convert_element_type3A_644 = arith.truncf %select_n3A : vector<128x768xf32> to vector<128x768xbf16>
      %get3A_645 = arith.constant 640 : index
      %get3A_646 = arith.constant 768 : index
      %get3A_647 = vector.load %arg2[%get3A_645, %get3A_646] : memref<2048x896xf32, #tpu.memory_space<vmem>>, vector<128x1xf32>
      %jit3A_648 = arith.constant 0.000000e+00 : f32
      %broadcast_in_dim3A_649 = vector.broadcast %jit3A_648 : f32 to vector<128x1xf32>
      %select_n3A_650 = arith.select %and3A_638, %get3A_647, %broadcast_in_dim3A_649 : vector<128x1xi1>, vector<128x1xf32>
      %dot_general3A = arith.constant dense<0.000000e+00> : vector<128x384xf32>
      %dot_general3A_651 = tpu.matmul %convert_element_type3A_644, %convert_element_type3A_172, %dot_general3A {dimension_numbers = #tpu.dot_dimension_numbers<[1], [1], [0], [0], [0, 0, 1, 0], [], []>, transpose_lhs_hint = false} : vector<128x768xbf16>, vector<384x768xbf16>, vector<128x384xf32> -> vector<128x384xf32>
      %slice3A = vector.extract_strided_slice %get3A_185 {offsets = [0, 0], sizes = [1, 384], strides = [1, 1]} : vector<1x768xf32> to vector<1x384xf32>
      %mul3A_652 = vector.broadcast %select_n3A_650 : vector<128x1xf32> to vector<128x384xf32>
      %mul3A_653 = vector.broadcast %slice3A : vector<1x384xf32> to vector<128x384xf32>
      %mul3A_654 = arith.mulf %mul3A_652, %mul3A_653 : vector<128x384xf32>
      %add3A_655 = arith.addf %dot_general3A_651, %mul3A_654 : vector<128x384xf32>
      %get3A_656 = arith.constant 640 : index
      %get3A_657 = arith.constant 0 : index
      %get3A_658 = vector.load %arg6[%get3A_656, %get3A_657] : memref<2048x768xf32, #tpu.memory_space<vmem>>, vector<128x384xf32>
      %add3A_659 = arith.addf %get3A_658, %add3A_655 : vector<128x384xf32>
      %swap3A = arith.constant 640 : index
      %swap3A_660 = arith.constant 0 : index
      %swap3A_661 = vector.load %arg6[%swap3A, %swap3A_660] : memref<2048x768xf32, #tpu.memory_space<vmem>>, vector<128x384xf32>
      tpu.vector_store %arg6[%swap3A, %swap3A_660], %add3A_659 {strides = array<i32>} : memref<2048x768xf32, #tpu.memory_space<vmem>>, vector<128x384xf32>,
      %dot_general3A_662 = arith.constant dense<0.000000e+00> : vector<128x384xf32>
      %dot_general3A_663 = tpu.matmul %convert_element_type3A_644, %convert_element_type3A_180, %dot_general3A_662 {dimension_numbers = #tpu.dot_dimension_numbers<[1], [1], [0], [0], [0, 0, 1, 0], [], []>, transpose_lhs_hint = false} : vector<128x768xbf16>, vector<384x768xbf16>, vector<128x384xf32> -> vector<128x384xf32>
      %slice3A_664 = vector.extract_strided_slice %get3A_185 {offsets = [0, 384], sizes = [1, 384], strides = [1, 1]} : vector<1x768xf32> to vector<1x384xf32>
      %mul3A_665 = vector.broadcast %select_n3A_650 : vector<128x1xf32> to vector<128x384xf32>
      %mul3A_666 = vector.broadcast %slice3A_664 : vector<1x384xf32> to vector<128x384xf32>
      %mul3A_667 = arith.mulf %mul3A_665, %mul3A_666 : vector<128x384xf32>
      %add3A_668 = arith.addf %dot_general3A_663, %mul3A_667 : vector<128x384xf32>
      %get3A_669 = arith.constant 640 : index
      %get3A_670 = arith.constant 384 : index
      %get3A_671 = vector.load %arg6[%get3A_669, %get3A_670] : memref<2048x768xf32, #tpu.memory_space<vmem>>, vector<128x384xf32>
      %add3A_672 = arith.addf %get3A_671, %add3A_668 : vector<128x384xf32>
      %swap3A_673 = arith.constant 640 : index
      %swap3A_674 = arith.constant 384 : index
      %swap3A_675 = vector.load %arg6[%swap3A_673, %swap3A_674] : memref<2048x768xf32, #tpu.memory_space<vmem>>, vector<128x384xf32>
      tpu.vector_store %arg6[%swap3A_673, %swap3A_674], %add3A_672 {strides = array<i32>} : memref<2048x768xf32, #tpu.memory_space<vmem>>, vector<128x384xf32>,
    } else {
    }
    %gt3A_234 = arith.constant 768 : i32
    %gt3A_235 = arith.cmpi sgt, %get3A_164, %gt3A_234 : i32
    %lt3A_236 = arith.constant 896 : i32
    %lt3A_237 = arith.cmpi slt, %get3A_160, %lt3A_236 : i32
    %and3A_238 = arith.andi %gt3A_235, %lt3A_237 : i1
    %convert_element_type3A_239 = arith.extui %and3A_238 : i1 to i32
    %cond3A_240 = arith.constant 0 : i32
    %cond3A_241 = arith.cmpi ne, %convert_element_type3A_239, %cond3A_240 : i32
    scf.if %cond3A_241 {
      %iota3A = tpu.iota {dimensions = array<i32: 0>} : vector<128x1xi32>
      %add3A_632 = arith.constant 768 : i32
      %add3A_633 = vector.broadcast %add3A_632 : i32 to vector<128x1xi32>
      %add3A_634 = arith.addi %add3A_633, %iota3A : vector<128x1xi32>
      %ge3A = vector.broadcast %get3A_160 : i32 to vector<128x1xi32>
      %ge3A_635 = arith.cmpi sge, %add3A_634, %ge3A : vector<128x1xi32>
      %lt3A_636 = vector.broadcast %get3A_164 : i32 to vector<128x1xi32>
      %lt3A_637 = arith.cmpi slt, %add3A_634, %lt3A_636 : vector<128x1xi32>
      %and3A_638 = arith.andi %ge3A_635, %lt3A_637 : vector<128x1xi1>
      %get3A_639 = arith.constant 768 : index
      %get3A_640 = arith.constant 0 : index
      %get3A_641 = vector.load %arg2[%get3A_639, %get3A_640] : memref<2048x896xf32, #tpu.memory_space<vmem>>, vector<128x768xf32>
      %jit3A = arith.constant 0.000000e+00 : f32
      %broadcast_in_dim3A = vector.shape_cast %and3A_638 : vector<128x1xi1> to vector<128x1xi1>
      %broadcast_in_dim3A_642 = vector.broadcast %broadcast_in_dim3A : vector<128x1xi1> to vector<128x768xi1>
      %broadcast_in_dim3A_643 = vector.broadcast %jit3A : f32 to vector<128x768xf32>
      %select_n3A = arith.select %broadcast_in_dim3A_642, %get3A_641, %broadcast_in_dim3A_643 : vector<128x768xi1>, vector<128x768xf32>
      %convert_element_type3A_644 = arith.truncf %select_n3A : vector<128x768xf32> to vector<128x768xbf16>
      %get3A_645 = arith.constant 768 : index
      %get3A_646 = arith.constant 768 : index
      %get3A_647 = vector.load %arg2[%get3A_645, %get3A_646] : memref<2048x896xf32, #tpu.memory_space<vmem>>, vector<128x1xf32>
      %jit3A_648 = arith.constant 0.000000e+00 : f32
      %broadcast_in_dim3A_649 = vector.broadcast %jit3A_648 : f32 to vector<128x1xf32>
      %select_n3A_650 = arith.select %and3A_638, %get3A_647, %broadcast_in_dim3A_649 : vector<128x1xi1>, vector<128x1xf32>
      %dot_general3A = arith.constant dense<0.000000e+00> : vector<128x384xf32>
      %dot_general3A_651 = tpu.matmul %convert_element_type3A_644, %convert_element_type3A_172, %dot_general3A {dimension_numbers = #tpu.dot_dimension_numbers<[1], [1], [0], [0], [0, 0, 1, 0], [], []>, transpose_lhs_hint = false} : vector<128x768xbf16>, vector<384x768xbf16>, vector<128x384xf32> -> vector<128x384xf32>
      %slice3A = vector.extract_strided_slice %get3A_185 {offsets = [0, 0], sizes = [1, 384], strides = [1, 1]} : vector<1x768xf32> to vector<1x384xf32>
      %mul3A_652 = vector.broadcast %select_n3A_650 : vector<128x1xf32> to vector<128x384xf32>
      %mul3A_653 = vector.broadcast %slice3A : vector<1x384xf32> to vector<128x384xf32>
      %mul3A_654 = arith.mulf %mul3A_652, %mul3A_653 : vector<128x384xf32>
      %add3A_655 = arith.addf %dot_general3A_651, %mul3A_654 : vector<128x384xf32>
      %get3A_656 = arith.constant 768 : index
      %get3A_657 = arith.constant 0 : index
      %get3A_658 = vector.load %arg6[%get3A_656, %get3A_657] : memref<2048x768xf32, #tpu.memory_space<vmem>>, vector<128x384xf32>
      %add3A_659 = arith.addf %get3A_658, %add3A_655 : vector<128x384xf32>
      %swap3A = arith.constant 768 : index
      %swap3A_660 = arith.constant 0 : index
      %swap3A_661 = vector.load %arg6[%swap3A, %swap3A_660] : memref<2048x768xf32, #tpu.memory_space<vmem>>, vector<128x384xf32>
      tpu.vector_store %arg6[%swap3A, %swap3A_660], %add3A_659 {strides = array<i32>} : memref<2048x768xf32, #tpu.memory_space<vmem>>, vector<128x384xf32>,
      %dot_general3A_662 = arith.constant dense<0.000000e+00> : vector<128x384xf32>
      %dot_general3A_663 = tpu.matmul %convert_element_type3A_644, %convert_element_type3A_180, %dot_general3A_662 {dimension_numbers = #tpu.dot_dimension_numbers<[1], [1], [0], [0], [0, 0, 1, 0], [], []>, transpose_lhs_hint = false} : vector<128x768xbf16>, vector<384x768xbf16>, vector<128x384xf32> -> vector<128x384xf32>
      %slice3A_664 = vector.extract_strided_slice %get3A_185 {offsets = [0, 384], sizes = [1, 384], strides = [1, 1]} : vector<1x768xf32> to vector<1x384xf32>
      %mul3A_665 = vector.broadcast %select_n3A_650 : vector<128x1xf32> to vector<128x384xf32>
      %mul3A_666 = vector.broadcast %slice3A_664 : vector<1x384xf32> to vector<128x384xf32>
      %mul3A_667 = arith.mulf %mul3A_665, %mul3A_666 : vector<128x384xf32>
      %add3A_668 = arith.addf %dot_general3A_663, %mul3A_667 : vector<128x384xf32>
      %get3A_669 = arith.constant 768 : index
      %get3A_670 = arith.constant 384 : index
      %get3A_671 = vector.load %arg6[%get3A_669, %get3A_670] : memref<2048x768xf32, #tpu.memory_space<vmem>>, vector<128x384xf32>
      %add3A_672 = arith.addf %get3A_671, %add3A_668 : vector<128x384xf32>
      %swap3A_673 = arith.constant 768 : index
      %swap3A_674 = arith.constant 384 : index
      %swap3A_675 = vector.load %arg6[%swap3A_673, %swap3A_674] : memref<2048x768xf32, #tpu.memory_space<vmem>>, vector<128x384xf32>
      tpu.vector_store %arg6[%swap3A_673, %swap3A_674], %add3A_672 {strides = array<i32>} : memref<2048x768xf32, #tpu.memory_space<vmem>>, vector<128x384xf32>,
    } else {
    }
    %gt3A_242 = arith.constant 896 : i32
    %gt3A_243 = arith.cmpi sgt, %get3A_164, %gt3A_242 : i32
    %lt3A_244 = arith.constant 1024 : i32
    %lt3A_245 = arith.cmpi slt, %get3A_160, %lt3A_244 : i32
    %and3A_246 = arith.andi %gt3A_243, %lt3A_245 : i1
    %convert_element_type3A_247 = arith.extui %and3A_246 : i1 to i32
    %cond3A_248 = arith.constant 0 : i32
    %cond3A_249 = arith.cmpi ne, %convert_element_type3A_247, %cond3A_248 : i32
    scf.if %cond3A_249 {
      %iota3A = tpu.iota {dimensions = array<i32: 0>} : vector<128x1xi32>
      %add3A_632 = arith.constant 896 : i32
      %add3A_633 = vector.broadcast %add3A_632 : i32 to vector<128x1xi32>
      %add3A_634 = arith.addi %add3A_633, %iota3A : vector<128x1xi32>
      %ge3A = vector.broadcast %get3A_160 : i32 to vector<128x1xi32>
      %ge3A_635 = arith.cmpi sge, %add3A_634, %ge3A : vector<128x1xi32>
      %lt3A_636 = vector.broadcast %get3A_164 : i32 to vector<128x1xi32>
      %lt3A_637 = arith.cmpi slt, %add3A_634, %lt3A_636 : vector<128x1xi32>
      %and3A_638 = arith.andi %ge3A_635, %lt3A_637 : vector<128x1xi1>
      %get3A_639 = arith.constant 896 : index
      %get3A_640 = arith.constant 0 : index
      %get3A_641 = vector.load %arg2[%get3A_639, %get3A_640] : memref<2048x896xf32, #tpu.memory_space<vmem>>, vector<128x768xf32>
      %jit3A = arith.constant 0.000000e+00 : f32
      %broadcast_in_dim3A = vector.shape_cast %and3A_638 : vector<128x1xi1> to vector<128x1xi1>
      %broadcast_in_dim3A_642 = vector.broadcast %broadcast_in_dim3A : vector<128x1xi1> to vector<128x768xi1>
      %broadcast_in_dim3A_643 = vector.broadcast %jit3A : f32 to vector<128x768xf32>
      %select_n3A = arith.select %broadcast_in_dim3A_642, %get3A_641, %broadcast_in_dim3A_643 : vector<128x768xi1>, vector<128x768xf32>
      %convert_element_type3A_644 = arith.truncf %select_n3A : vector<128x768xf32> to vector<128x768xbf16>
      %get3A_645 = arith.constant 896 : index
      %get3A_646 = arith.constant 768 : index
      %get3A_647 = vector.load %arg2[%get3A_645, %get3A_646] : memref<2048x896xf32, #tpu.memory_space<vmem>>, vector<128x1xf32>
      %jit3A_648 = arith.constant 0.000000e+00 : f32
      %broadcast_in_dim3A_649 = vector.broadcast %jit3A_648 : f32 to vector<128x1xf32>
      %select_n3A_650 = arith.select %and3A_638, %get3A_647, %broadcast_in_dim3A_649 : vector<128x1xi1>, vector<128x1xf32>
      %dot_general3A = arith.constant dense<0.000000e+00> : vector<128x384xf32>
      %dot_general3A_651 = tpu.matmul %convert_element_type3A_644, %convert_element_type3A_172, %dot_general3A {dimension_numbers = #tpu.dot_dimension_numbers<[1], [1], [0], [0], [0, 0, 1, 0], [], []>, transpose_lhs_hint = false} : vector<128x768xbf16>, vector<384x768xbf16>, vector<128x384xf32> -> vector<128x384xf32>
      %slice3A = vector.extract_strided_slice %get3A_185 {offsets = [0, 0], sizes = [1, 384], strides = [1, 1]} : vector<1x768xf32> to vector<1x384xf32>
      %mul3A_652 = vector.broadcast %select_n3A_650 : vector<128x1xf32> to vector<128x384xf32>
      %mul3A_653 = vector.broadcast %slice3A : vector<1x384xf32> to vector<128x384xf32>
      %mul3A_654 = arith.mulf %mul3A_652, %mul3A_653 : vector<128x384xf32>
      %add3A_655 = arith.addf %dot_general3A_651, %mul3A_654 : vector<128x384xf32>
      %get3A_656 = arith.constant 896 : index
      %get3A_657 = arith.constant 0 : index
      %get3A_658 = vector.load %arg6[%get3A_656, %get3A_657] : memref<2048x768xf32, #tpu.memory_space<vmem>>, vector<128x384xf32>
      %add3A_659 = arith.addf %get3A_658, %add3A_655 : vector<128x384xf32>
      %swap3A = arith.constant 896 : index
      %swap3A_660 = arith.constant 0 : index
      %swap3A_661 = vector.load %arg6[%swap3A, %swap3A_660] : memref<2048x768xf32, #tpu.memory_space<vmem>>, vector<128x384xf32>
      tpu.vector_store %arg6[%swap3A, %swap3A_660], %add3A_659 {strides = array<i32>} : memref<2048x768xf32, #tpu.memory_space<vmem>>, vector<128x384xf32>,
      %dot_general3A_662 = arith.constant dense<0.000000e+00> : vector<128x384xf32>
      %dot_general3A_663 = tpu.matmul %convert_element_type3A_644, %convert_element_type3A_180, %dot_general3A_662 {dimension_numbers = #tpu.dot_dimension_numbers<[1], [1], [0], [0], [0, 0, 1, 0], [], []>, transpose_lhs_hint = false} : vector<128x768xbf16>, vector<384x768xbf16>, vector<128x384xf32> -> vector<128x384xf32>
      %slice3A_664 = vector.extract_strided_slice %get3A_185 {offsets = [0, 384], sizes = [1, 384], strides = [1, 1]} : vector<1x768xf32> to vector<1x384xf32>
      %mul3A_665 = vector.broadcast %select_n3A_650 : vector<128x1xf32> to vector<128x384xf32>
      %mul3A_666 = vector.broadcast %slice3A_664 : vector<1x384xf32> to vector<128x384xf32>
      %mul3A_667 = arith.mulf %mul3A_665, %mul3A_666 : vector<128x384xf32>
      %add3A_668 = arith.addf %dot_general3A_663, %mul3A_667 : vector<128x384xf32>
      %get3A_669 = arith.constant 896 : index
      %get3A_670 = arith.constant 384 : index
      %get3A_671 = vector.load %arg6[%get3A_669, %get3A_670] : memref<2048x768xf32, #tpu.memory_space<vmem>>, vector<128x384xf32>
      %add3A_672 = arith.addf %get3A_671, %add3A_668 : vector<128x384xf32>
      %swap3A_673 = arith.constant 896 : index
      %swap3A_674 = arith.constant 384 : index
      %swap3A_675 = vector.load %arg6[%swap3A_673, %swap3A_674] : memref<2048x768xf32, #tpu.memory_space<vmem>>, vector<128x384xf32>
      tpu.vector_store %arg6[%swap3A_673, %swap3A_674], %add3A_672 {strides = array<i32>} : memref<2048x768xf32, #tpu.memory_space<vmem>>, vector<128x384xf32>,
    } else {
    }
    %gt3A_250 = arith.constant 1024 : i32
    %gt3A_251 = arith.cmpi sgt, %get3A_164, %gt3A_250 : i32
    %lt3A_252 = arith.constant 1152 : i32
    %lt3A_253 = arith.cmpi slt, %get3A_160, %lt3A_252 : i32
    %and3A_254 = arith.andi %gt3A_251, %lt3A_253 : i1
    %convert_element_type3A_255 = arith.extui %and3A_254 : i1 to i32
    %cond3A_256 = arith.constant 0 : i32
    %cond3A_257 = arith.cmpi ne, %convert_element_type3A_255, %cond3A_256 : i32
    scf.if %cond3A_257 {
      %iota3A = tpu.iota {dimensions = array<i32: 0>} : vector<128x1xi32>
      %add3A_632 = arith.constant 1024 : i32
      %add3A_633 = vector.broadcast %add3A_632 : i32 to vector<128x1xi32>
      %add3A_634 = arith.addi %add3A_633, %iota3A : vector<128x1xi32>
      %ge3A = vector.broadcast %get3A_160 : i32 to vector<128x1xi32>
      %ge3A_635 = arith.cmpi sge, %add3A_634, %ge3A : vector<128x1xi32>
      %lt3A_636 = vector.broadcast %get3A_164 : i32 to vector<128x1xi32>
      %lt3A_637 = arith.cmpi slt, %add3A_634, %lt3A_636 : vector<128x1xi32>
      %and3A_638 = arith.andi %ge3A_635, %lt3A_637 : vector<128x1xi1>
      %get3A_639 = arith.constant 1024 : index
      %get3A_640 = arith.constant 0 : index
      %get3A_641 = vector.load %arg2[%get3A_639, %get3A_640] : memref<2048x896xf32, #tpu.memory_space<vmem>>, vector<128x768xf32>
      %jit3A = arith.constant 0.000000e+00 : f32
      %broadcast_in_dim3A = vector.shape_cast %and3A_638 : vector<128x1xi1> to vector<128x1xi1>
      %broadcast_in_dim3A_642 = vector.broadcast %broadcast_in_dim3A : vector<128x1xi1> to vector<128x768xi1>
      %broadcast_in_dim3A_643 = vector.broadcast %jit3A : f32 to vector<128x768xf32>
      %select_n3A = arith.select %broadcast_in_dim3A_642, %get3A_641, %broadcast_in_dim3A_643 : vector<128x768xi1>, vector<128x768xf32>
      %convert_element_type3A_644 = arith.truncf %select_n3A : vector<128x768xf32> to vector<128x768xbf16>
      %get3A_645 = arith.constant 1024 : index
      %get3A_646 = arith.constant 768 : index
      %get3A_647 = vector.load %arg2[%get3A_645, %get3A_646] : memref<2048x896xf32, #tpu.memory_space<vmem>>, vector<128x1xf32>
      %jit3A_648 = arith.constant 0.000000e+00 : f32
      %broadcast_in_dim3A_649 = vector.broadcast %jit3A_648 : f32 to vector<128x1xf32>
      %select_n3A_650 = arith.select %and3A_638, %get3A_647, %broadcast_in_dim3A_649 : vector<128x1xi1>, vector<128x1xf32>
      %dot_general3A = arith.constant dense<0.000000e+00> : vector<128x384xf32>
      %dot_general3A_651 = tpu.matmul %convert_element_type3A_644, %convert_element_type3A_172, %dot_general3A {dimension_numbers = #tpu.dot_dimension_numbers<[1], [1], [0], [0], [0, 0, 1, 0], [], []>, transpose_lhs_hint = false} : vector<128x768xbf16>, vector<384x768xbf16>, vector<128x384xf32> -> vector<128x384xf32>
      %slice3A = vector.extract_strided_slice %get3A_185 {offsets = [0, 0], sizes = [1, 384], strides = [1, 1]} : vector<1x768xf32> to vector<1x384xf32>
      %mul3A_652 = vector.broadcast %select_n3A_650 : vector<128x1xf32> to vector<128x384xf32>
      %mul3A_653 = vector.broadcast %slice3A : vector<1x384xf32> to vector<128x384xf32>
      %mul3A_654 = arith.mulf %mul3A_652, %mul3A_653 : vector<128x384xf32>
      %add3A_655 = arith.addf %dot_general3A_651, %mul3A_654 : vector<128x384xf32>
      %get3A_656 = arith.constant 1024 : index
      %get3A_657 = arith.constant 0 : index
      %get3A_658 = vector.load %arg6[%get3A_656, %get3A_657] : memref<2048x768xf32, #tpu.memory_space<vmem>>, vector<128x384xf32>
      %add3A_659 = arith.addf %get3A_658, %add3A_655 : vector<128x384xf32>
      %swap3A = arith.constant 1024 : index
      %swap3A_660 = arith.constant 0 : index
      %swap3A_661 = vector.load %arg6[%swap3A, %swap3A_660] : memref<2048x768xf32, #tpu.memory_space<vmem>>, vector<128x384xf32>
      tpu.vector_store %arg6[%swap3A, %swap3A_660], %add3A_659 {strides = array<i32>} : memref<2048x768xf32, #tpu.memory_space<vmem>>, vector<128x384xf32>,
      %dot_general3A_662 = arith.constant dense<0.000000e+00> : vector<128x384xf32>
      %dot_general3A_663 = tpu.matmul %convert_element_type3A_644, %convert_element_type3A_180, %dot_general3A_662 {dimension_numbers = #tpu.dot_dimension_numbers<[1], [1], [0], [0], [0, 0, 1, 0], [], []>, transpose_lhs_hint = false} : vector<128x768xbf16>, vector<384x768xbf16>, vector<128x384xf32> -> vector<128x384xf32>
      %slice3A_664 = vector.extract_strided_slice %get3A_185 {offsets = [0, 384], sizes = [1, 384], strides = [1, 1]} : vector<1x768xf32> to vector<1x384xf32>
      %mul3A_665 = vector.broadcast %select_n3A_650 : vector<128x1xf32> to vector<128x384xf32>
      %mul3A_666 = vector.broadcast %slice3A_664 : vector<1x384xf32> to vector<128x384xf32>
      %mul3A_667 = arith.mulf %mul3A_665, %mul3A_666 : vector<128x384xf32>
      %add3A_668 = arith.addf %dot_general3A_663, %mul3A_667 : vector<128x384xf32>
      %get3A_669 = arith.constant 1024 : index
      %get3A_670 = arith.constant 384 : index
      %get3A_671 = vector.load %arg6[%get3A_669, %get3A_670] : memref<2048x768xf32, #tpu.memory_space<vmem>>, vector<128x384xf32>
      %add3A_672 = arith.addf %get3A_671, %add3A_668 : vector<128x384xf32>
      %swap3A_673 = arith.constant 1024 : index
      %swap3A_674 = arith.constant 384 : index
      %swap3A_675 = vector.load %arg6[%swap3A_673, %swap3A_674] : memref<2048x768xf32, #tpu.memory_space<vmem>>, vector<128x384xf32>
      tpu.vector_store %arg6[%swap3A_673, %swap3A_674], %add3A_672 {strides = array<i32>} : memref<2048x768xf32, #tpu.memory_space<vmem>>, vector<128x384xf32>,
    } else {
    }
    %gt3A_258 = arith.constant 1152 : i32
    %gt3A_259 = arith.cmpi sgt, %get3A_164, %gt3A_258 : i32
    %lt3A_260 = arith.constant 1280 : i32
    %lt3A_261 = arith.cmpi slt, %get3A_160, %lt3A_260 : i32
    %and3A_262 = arith.andi %gt3A_259, %lt3A_261 : i1
    %convert_element_type3A_263 = arith.extui %and3A_262 : i1 to i32
    %cond3A_264 = arith.constant 0 : i32
    %cond3A_265 = arith.cmpi ne, %convert_element_type3A_263, %cond3A_264 : i32
    scf.if %cond3A_265 {
      %iota3A = tpu.iota {dimensions = array<i32: 0>} : vector<128x1xi32>
      %add3A_632 = arith.constant 1152 : i32
      %add3A_633 = vector.broadcast %add3A_632 : i32 to vector<128x1xi32>
      %add3A_634 = arith.addi %add3A_633, %iota3A : vector<128x1xi32>
      %ge3A = vector.broadcast %get3A_160 : i32 to vector<128x1xi32>
      %ge3A_635 = arith.cmpi sge, %add3A_634, %ge3A : vector<128x1xi32>
      %lt3A_636 = vector.broadcast %get3A_164 : i32 to vector<128x1xi32>
      %lt3A_637 = arith.cmpi slt, %add3A_634, %lt3A_636 : vector<128x1xi32>
      %and3A_638 = arith.andi %ge3A_635, %lt3A_637 : vector<128x1xi1>
      %get3A_639 = arith.constant 1152 : index
      %get3A_640 = arith.constant 0 : index
      %get3A_641 = vector.load %arg2[%get3A_639, %get3A_640] : memref<2048x896xf32, #tpu.memory_space<vmem>>, vector<128x768xf32>
      %jit3A = arith.constant 0.000000e+00 : f32
      %broadcast_in_dim3A = vector.shape_cast %and3A_638 : vector<128x1xi1> to vector<128x1xi1>
      %broadcast_in_dim3A_642 = vector.broadcast %broadcast_in_dim3A : vector<128x1xi1> to vector<128x768xi1>
      %broadcast_in_dim3A_643 = vector.broadcast %jit3A : f32 to vector<128x768xf32>
      %select_n3A = arith.select %broadcast_in_dim3A_642, %get3A_641, %broadcast_in_dim3A_643 : vector<128x768xi1>, vector<128x768xf32>
      %convert_element_type3A_644 = arith.truncf %select_n3A : vector<128x768xf32> to vector<128x768xbf16>
      %get3A_645 = arith.constant 1152 : index
      %get3A_646 = arith.constant 768 : index
      %get3A_647 = vector.load %arg2[%get3A_645, %get3A_646] : memref<2048x896xf32, #tpu.memory_space<vmem>>, vector<128x1xf32>
      %jit3A_648 = arith.constant 0.000000e+00 : f32
      %broadcast_in_dim3A_649 = vector.broadcast %jit3A_648 : f32 to vector<128x1xf32>
      %select_n3A_650 = arith.select %and3A_638, %get3A_647, %broadcast_in_dim3A_649 : vector<128x1xi1>, vector<128x1xf32>
      %dot_general3A = arith.constant dense<0.000000e+00> : vector<128x384xf32>
      %dot_general3A_651 = tpu.matmul %convert_element_type3A_644, %convert_element_type3A_172, %dot_general3A {dimension_numbers = #tpu.dot_dimension_numbers<[1], [1], [0], [0], [0, 0, 1, 0], [], []>, transpose_lhs_hint = false} : vector<128x768xbf16>, vector<384x768xbf16>, vector<128x384xf32> -> vector<128x384xf32>
      %slice3A = vector.extract_strided_slice %get3A_185 {offsets = [0, 0], sizes = [1, 384], strides = [1, 1]} : vector<1x768xf32> to vector<1x384xf32>
      %mul3A_652 = vector.broadcast %select_n3A_650 : vector<128x1xf32> to vector<128x384xf32>
      %mul3A_653 = vector.broadcast %slice3A : vector<1x384xf32> to vector<128x384xf32>
      %mul3A_654 = arith.mulf %mul3A_652, %mul3A_653 : vector<128x384xf32>
      %add3A_655 = arith.addf %dot_general3A_651, %mul3A_654 : vector<128x384xf32>
      %get3A_656 = arith.constant 1152 : index
      %get3A_657 = arith.constant 0 : index
      %get3A_658 = vector.load %arg6[%get3A_656, %get3A_657] : memref<2048x768xf32, #tpu.memory_space<vmem>>, vector<128x384xf32>
      %add3A_659 = arith.addf %get3A_658, %add3A_655 : vector<128x384xf32>
      %swap3A = arith.constant 1152 : index
      %swap3A_660 = arith.constant 0 : index
      %swap3A_661 = vector.load %arg6[%swap3A, %swap3A_660] : memref<2048x768xf32, #tpu.memory_space<vmem>>, vector<128x384xf32>
      tpu.vector_store %arg6[%swap3A, %swap3A_660], %add3A_659 {strides = array<i32>} : memref<2048x768xf32, #tpu.memory_space<vmem>>, vector<128x384xf32>,
      %dot_general3A_662 = arith.constant dense<0.000000e+00> : vector<128x384xf32>
      %dot_general3A_663 = tpu.matmul %convert_element_type3A_644, %convert_element_type3A_180, %dot_general3A_662 {dimension_numbers = #tpu.dot_dimension_numbers<[1], [1], [0], [0], [0, 0, 1, 0], [], []>, transpose_lhs_hint = false} : vector<128x768xbf16>, vector<384x768xbf16>, vector<128x384xf32> -> vector<128x384xf32>
      %slice3A_664 = vector.extract_strided_slice %get3A_185 {offsets = [0, 384], sizes = [1, 384], strides = [1, 1]} : vector<1x768xf32> to vector<1x384xf32>
      %mul3A_665 = vector.broadcast %select_n3A_650 : vector<128x1xf32> to vector<128x384xf32>
      %mul3A_666 = vector.broadcast %slice3A_664 : vector<1x384xf32> to vector<128x384xf32>
      %mul3A_667 = arith.mulf %mul3A_665, %mul3A_666 : vector<128x384xf32>
      %add3A_668 = arith.addf %dot_general3A_663, %mul3A_667 : vector<128x384xf32>
      %get3A_669 = arith.constant 1152 : index
      %get3A_670 = arith.constant 384 : index
      %get3A_671 = vector.load %arg6[%get3A_669, %get3A_670] : memref<2048x768xf32, #tpu.memory_space<vmem>>, vector<128x384xf32>
      %add3A_672 = arith.addf %get3A_671, %add3A_668 : vector<128x384xf32>
      %swap3A_673 = arith.constant 1152 : index
      %swap3A_674 = arith.constant 384 : index
      %swap3A_675 = vector.load %arg6[%swap3A_673, %swap3A_674] : memref<2048x768xf32, #tpu.memory_space<vmem>>, vector<128x384xf32>
      tpu.vector_store %arg6[%swap3A_673, %swap3A_674], %add3A_672 {strides = array<i32>} : memref<2048x768xf32, #tpu.memory_space<vmem>>, vector<128x384xf32>,
    } else {
    }
    %gt3A_266 = arith.constant 1280 : i32
    %gt3A_267 = arith.cmpi sgt, %get3A_164, %gt3A_266 : i32
    %lt3A_268 = arith.constant 1408 : i32
    %lt3A_269 = arith.cmpi slt, %get3A_160, %lt3A_268 : i32
    %and3A_270 = arith.andi %gt3A_267, %lt3A_269 : i1
    %convert_element_type3A_271 = arith.extui %and3A_270 : i1 to i32
    %cond3A_272 = arith.constant 0 : i32
    %cond3A_273 = arith.cmpi ne, %convert_element_type3A_271, %cond3A_272 : i32
    scf.if %cond3A_273 {
      %iota3A = tpu.iota {dimensions = array<i32: 0>} : vector<128x1xi32>
      %add3A_632 = arith.constant 1280 : i32
      %add3A_633 = vector.broadcast %add3A_632 : i32 to vector<128x1xi32>
      %add3A_634 = arith.addi %add3A_633, %iota3A : vector<128x1xi32>
      %ge3A = vector.broadcast %get3A_160 : i32 to vector<128x1xi32>
      %ge3A_635 = arith.cmpi sge, %add3A_634, %ge3A : vector<128x1xi32>
      %lt3A_636 = vector.broadcast %get3A_164 : i32 to vector<128x1xi32>
      %lt3A_637 = arith.cmpi slt, %add3A_634, %lt3A_636 : vector<128x1xi32>
      %and3A_638 = arith.andi %ge3A_635, %lt3A_637 : vector<128x1xi1>
      %get3A_639 = arith.constant 1280 : index
      %get3A_640 = arith.constant 0 : index
      %get3A_641 = vector.load %arg2[%get3A_639, %get3A_640] : memref<2048x896xf32, #tpu.memory_space<vmem>>, vector<128x768xf32>
      %jit3A = arith.constant 0.000000e+00 : f32
      %broadcast_in_dim3A = vector.shape_cast %and3A_638 : vector<128x1xi1> to vector<128x1xi1>
      %broadcast_in_dim3A_642 = vector.broadcast %broadcast_in_dim3A : vector<128x1xi1> to vector<128x768xi1>
      %broadcast_in_dim3A_643 = vector.broadcast %jit3A : f32 to vector<128x768xf32>
      %select_n3A = arith.select %broadcast_in_dim3A_642, %get3A_641, %broadcast_in_dim3A_643 : vector<128x768xi1>, vector<128x768xf32>
      %convert_element_type3A_644 = arith.truncf %select_n3A : vector<128x768xf32> to vector<128x768xbf16>
      %get3A_645 = arith.constant 1280 : index
      %get3A_646 = arith.constant 768 : index
      %get3A_647 = vector.load %arg2[%get3A_645, %get3A_646] : memref<2048x896xf32, #tpu.memory_space<vmem>>, vector<128x1xf32>
      %jit3A_648 = arith.constant 0.000000e+00 : f32
      %broadcast_in_dim3A_649 = vector.broadcast %jit3A_648 : f32 to vector<128x1xf32>
      %select_n3A_650 = arith.select %and3A_638, %get3A_647, %broadcast_in_dim3A_649 : vector<128x1xi1>, vector<128x1xf32>
      %dot_general3A = arith.constant dense<0.000000e+00> : vector<128x384xf32>
      %dot_general3A_651 = tpu.matmul %convert_element_type3A_644, %convert_element_type3A_172, %dot_general3A {dimension_numbers = #tpu.dot_dimension_numbers<[1], [1], [0], [0], [0, 0, 1, 0], [], []>, transpose_lhs_hint = false} : vector<128x768xbf16>, vector<384x768xbf16>, vector<128x384xf32> -> vector<128x384xf32>
      %slice3A = vector.extract_strided_slice %get3A_185 {offsets = [0, 0], sizes = [1, 384], strides = [1, 1]} : vector<1x768xf32> to vector<1x384xf32>
      %mul3A_652 = vector.broadcast %select_n3A_650 : vector<128x1xf32> to vector<128x384xf32>
      %mul3A_653 = vector.broadcast %slice3A : vector<1x384xf32> to vector<128x384xf32>
      %mul3A_654 = arith.mulf %mul3A_652, %mul3A_653 : vector<128x384xf32>
      %add3A_655 = arith.addf %dot_general3A_651, %mul3A_654 : vector<128x384xf32>
      %get3A_656 = arith.constant 1280 : index
      %get3A_657 = arith.constant 0 : index
      %get3A_658 = vector.load %arg6[%get3A_656, %get3A_657] : memref<2048x768xf32, #tpu.memory_space<vmem>>, vector<128x384xf32>
      %add3A_659 = arith.addf %get3A_658, %add3A_655 : vector<128x384xf32>
      %swap3A = arith.constant 1280 : index
      %swap3A_660 = arith.constant 0 : index
      %swap3A_661 = vector.load %arg6[%swap3A, %swap3A_660] : memref<2048x768xf32, #tpu.memory_space<vmem>>, vector<128x384xf32>
      tpu.vector_store %arg6[%swap3A, %swap3A_660], %add3A_659 {strides = array<i32>} : memref<2048x768xf32, #tpu.memory_space<vmem>>, vector<128x384xf32>,
      %dot_general3A_662 = arith.constant dense<0.000000e+00> : vector<128x384xf32>
      %dot_general3A_663 = tpu.matmul %convert_element_type3A_644, %convert_element_type3A_180, %dot_general3A_662 {dimension_numbers = #tpu.dot_dimension_numbers<[1], [1], [0], [0], [0, 0, 1, 0], [], []>, transpose_lhs_hint = false} : vector<128x768xbf16>, vector<384x768xbf16>, vector<128x384xf32> -> vector<128x384xf32>
      %slice3A_664 = vector.extract_strided_slice %get3A_185 {offsets = [0, 384], sizes = [1, 384], strides = [1, 1]} : vector<1x768xf32> to vector<1x384xf32>
      %mul3A_665 = vector.broadcast %select_n3A_650 : vector<128x1xf32> to vector<128x384xf32>
      %mul3A_666 = vector.broadcast %slice3A_664 : vector<1x384xf32> to vector<128x384xf32>
      %mul3A_667 = arith.mulf %mul3A_665, %mul3A_666 : vector<128x384xf32>
      %add3A_668 = arith.addf %dot_general3A_663, %mul3A_667 : vector<128x384xf32>
      %get3A_669 = arith.constant 1280 : index
      %get3A_670 = arith.constant 384 : index
      %get3A_671 = vector.load %arg6[%get3A_669, %get3A_670] : memref<2048x768xf32, #tpu.memory_space<vmem>>, vector<128x384xf32>
      %add3A_672 = arith.addf %get3A_671, %add3A_668 : vector<128x384xf32>
      %swap3A_673 = arith.constant 1280 : index
      %swap3A_674 = arith.constant 384 : index
      %swap3A_675 = vector.load %arg6[%swap3A_673, %swap3A_674] : memref<2048x768xf32, #tpu.memory_space<vmem>>, vector<128x384xf32>
      tpu.vector_store %arg6[%swap3A_673, %swap3A_674], %add3A_672 {strides = array<i32>} : memref<2048x768xf32, #tpu.memory_space<vmem>>, vector<128x384xf32>,
    } else {
    }
    %gt3A_274 = arith.constant 1408 : i32
    %gt3A_275 = arith.cmpi sgt, %get3A_164, %gt3A_274 : i32
    %lt3A_276 = arith.constant 1536 : i32
    %lt3A_277 = arith.cmpi slt, %get3A_160, %lt3A_276 : i32
    %and3A_278 = arith.andi %gt3A_275, %lt3A_277 : i1
    %convert_element_type3A_279 = arith.extui %and3A_278 : i1 to i32
    %cond3A_280 = arith.constant 0 : i32
    %cond3A_281 = arith.cmpi ne, %convert_element_type3A_279, %cond3A_280 : i32
    scf.if %cond3A_281 {
      %iota3A = tpu.iota {dimensions = array<i32: 0>} : vector<128x1xi32>
      %add3A_632 = arith.constant 1408 : i32
      %add3A_633 = vector.broadcast %add3A_632 : i32 to vector<128x1xi32>
      %add3A_634 = arith.addi %add3A_633, %iota3A : vector<128x1xi32>
      %ge3A = vector.broadcast %get3A_160 : i32 to vector<128x1xi32>
      %ge3A_635 = arith.cmpi sge, %add3A_634, %ge3A : vector<128x1xi32>
      %lt3A_636 = vector.broadcast %get3A_164 : i32 to vector<128x1xi32>
      %lt3A_637 = arith.cmpi slt, %add3A_634, %lt3A_636 : vector<128x1xi32>
      %and3A_638 = arith.andi %ge3A_635, %lt3A_637 : vector<128x1xi1>
      %get3A_639 = arith.constant 1408 : index
      %get3A_640 = arith.constant 0 : index
      %get3A_641 = vector.load %arg2[%get3A_639, %get3A_640] : memref<2048x896xf32, #tpu.memory_space<vmem>>, vector<128x768xf32>
      %jit3A = arith.constant 0.000000e+00 : f32
      %broadcast_in_dim3A = vector.shape_cast %and3A_638 : vector<128x1xi1> to vector<128x1xi1>
      %broadcast_in_dim3A_642 = vector.broadcast %broadcast_in_dim3A : vector<128x1xi1> to vector<128x768xi1>
      %broadcast_in_dim3A_643 = vector.broadcast %jit3A : f32 to vector<128x768xf32>
      %select_n3A = arith.select %broadcast_in_dim3A_642, %get3A_641, %broadcast_in_dim3A_643 : vector<128x768xi1>, vector<128x768xf32>
      %convert_element_type3A_644 = arith.truncf %select_n3A : vector<128x768xf32> to vector<128x768xbf16>
      %get3A_645 = arith.constant 1408 : index
      %get3A_646 = arith.constant 768 : index
      %get3A_647 = vector.load %arg2[%get3A_645, %get3A_646] : memref<2048x896xf32, #tpu.memory_space<vmem>>, vector<128x1xf32>
      %jit3A_648 = arith.constant 0.000000e+00 : f32
      %broadcast_in_dim3A_649 = vector.broadcast %jit3A_648 : f32 to vector<128x1xf32>
      %select_n3A_650 = arith.select %and3A_638, %get3A_647, %broadcast_in_dim3A_649 : vector<128x1xi1>, vector<128x1xf32>
      %dot_general3A = arith.constant dense<0.000000e+00> : vector<128x384xf32>
      %dot_general3A_651 = tpu.matmul %convert_element_type3A_644, %convert_element_type3A_172, %dot_general3A {dimension_numbers = #tpu.dot_dimension_numbers<[1], [1], [0], [0], [0, 0, 1, 0], [], []>, transpose_lhs_hint = false} : vector<128x768xbf16>, vector<384x768xbf16>, vector<128x384xf32> -> vector<128x384xf32>
      %slice3A = vector.extract_strided_slice %get3A_185 {offsets = [0, 0], sizes = [1, 384], strides = [1, 1]} : vector<1x768xf32> to vector<1x384xf32>
      %mul3A_652 = vector.broadcast %select_n3A_650 : vector<128x1xf32> to vector<128x384xf32>
      %mul3A_653 = vector.broadcast %slice3A : vector<1x384xf32> to vector<128x384xf32>
      %mul3A_654 = arith.mulf %mul3A_652, %mul3A_653 : vector<128x384xf32>
      %add3A_655 = arith.addf %dot_general3A_651, %mul3A_654 : vector<128x384xf32>
      %get3A_656 = arith.constant 1408 : index
      %get3A_657 = arith.constant 0 : index
      %get3A_658 = vector.load %arg6[%get3A_656, %get3A_657] : memref<2048x768xf32, #tpu.memory_space<vmem>>, vector<128x384xf32>
      %add3A_659 = arith.addf %get3A_658, %add3A_655 : vector<128x384xf32>
      %swap3A = arith.constant 1408 : index
      %swap3A_660 = arith.constant 0 : index
      %swap3A_661 = vector.load %arg6[%swap3A, %swap3A_660] : memref<2048x768xf32, #tpu.memory_space<vmem>>, vector<128x384xf32>
      tpu.vector_store %arg6[%swap3A, %swap3A_660], %add3A_659 {strides = array<i32>} : memref<2048x768xf32, #tpu.memory_space<vmem>>, vector<128x384xf32>,
      %dot_general3A_662 = arith.constant dense<0.000000e+00> : vector<128x384xf32>
      %dot_general3A_663 = tpu.matmul %convert_element_type3A_644, %convert_element_type3A_180, %dot_general3A_662 {dimension_numbers = #tpu.dot_dimension_numbers<[1], [1], [0], [0], [0, 0, 1, 0], [], []>, transpose_lhs_hint = false} : vector<128x768xbf16>, vector<384x768xbf16>, vector<128x384xf32> -> vector<128x384xf32>
      %slice3A_664 = vector.extract_strided_slice %get3A_185 {offsets = [0, 384], sizes = [1, 384], strides = [1, 1]} : vector<1x768xf32> to vector<1x384xf32>
      %mul3A_665 = vector.broadcast %select_n3A_650 : vector<128x1xf32> to vector<128x384xf32>
      %mul3A_666 = vector.broadcast %slice3A_664 : vector<1x384xf32> to vector<128x384xf32>
      %mul3A_667 = arith.mulf %mul3A_665, %mul3A_666 : vector<128x384xf32>
      %add3A_668 = arith.addf %dot_general3A_663, %mul3A_667 : vector<128x384xf32>
      %get3A_669 = arith.constant 1408 : index
      %get3A_670 = arith.constant 384 : index
      %get3A_671 = vector.load %arg6[%get3A_669, %get3A_670] : memref<2048x768xf32, #tpu.memory_space<vmem>>, vector<128x384xf32>
      %add3A_672 = arith.addf %get3A_671, %add3A_668 : vector<128x384xf32>
      %swap3A_673 = arith.constant 1408 : index
      %swap3A_674 = arith.constant 384 : index
      %swap3A_675 = vector.load %arg6[%swap3A_673, %swap3A_674] : memref<2048x768xf32, #tpu.memory_space<vmem>>, vector<128x384xf32>
      tpu.vector_store %arg6[%swap3A_673, %swap3A_674], %add3A_672 {strides = array<i32>} : memref<2048x768xf32, #tpu.memory_space<vmem>>, vector<128x384xf32>,
    } else {
    }
    %gt3A_282 = arith.constant 1536 : i32
    %gt3A_283 = arith.cmpi sgt, %get3A_164, %gt3A_282 : i32
    %lt3A_284 = arith.constant 1664 : i32
    %lt3A_285 = arith.cmpi slt, %get3A_160, %lt3A_284 : i32
    %and3A_286 = arith.andi %gt3A_283, %lt3A_285 : i1
    %convert_element_type3A_287 = arith.extui %and3A_286 : i1 to i32
    %cond3A_288 = arith.constant 0 : i32
    %cond3A_289 = arith.cmpi ne, %convert_element_type3A_287, %cond3A_288 : i32
    scf.if %cond3A_289 {
      %iota3A = tpu.iota {dimensions = array<i32: 0>} : vector<128x1xi32>
      %add3A_632 = arith.constant 1536 : i32
      %add3A_633 = vector.broadcast %add3A_632 : i32 to vector<128x1xi32>
      %add3A_634 = arith.addi %add3A_633, %iota3A : vector<128x1xi32>
      %ge3A = vector.broadcast %get3A_160 : i32 to vector<128x1xi32>
      %ge3A_635 = arith.cmpi sge, %add3A_634, %ge3A : vector<128x1xi32>
      %lt3A_636 = vector.broadcast %get3A_164 : i32 to vector<128x1xi32>
      %lt3A_637 = arith.cmpi slt, %add3A_634, %lt3A_636 : vector<128x1xi32>
      %and3A_638 = arith.andi %ge3A_635, %lt3A_637 : vector<128x1xi1>
      %get3A_639 = arith.constant 1536 : index
      %get3A_640 = arith.constant 0 : index
      %get3A_641 = vector.load %arg2[%get3A_639, %get3A_640] : memref<2048x896xf32, #tpu.memory_space<vmem>>, vector<128x768xf32>
      %jit3A = arith.constant 0.000000e+00 : f32
      %broadcast_in_dim3A = vector.shape_cast %and3A_638 : vector<128x1xi1> to vector<128x1xi1>
      %broadcast_in_dim3A_642 = vector.broadcast %broadcast_in_dim3A : vector<128x1xi1> to vector<128x768xi1>
      %broadcast_in_dim3A_643 = vector.broadcast %jit3A : f32 to vector<128x768xf32>
      %select_n3A = arith.select %broadcast_in_dim3A_642, %get3A_641, %broadcast_in_dim3A_643 : vector<128x768xi1>, vector<128x768xf32>
      %convert_element_type3A_644 = arith.truncf %select_n3A : vector<128x768xf32> to vector<128x768xbf16>
      %get3A_645 = arith.constant 1536 : index
      %get3A_646 = arith.constant 768 : index
      %get3A_647 = vector.load %arg2[%get3A_645, %get3A_646] : memref<2048x896xf32, #tpu.memory_space<vmem>>, vector<128x1xf32>
      %jit3A_648 = arith.constant 0.000000e+00 : f32
      %broadcast_in_dim3A_649 = vector.broadcast %jit3A_648 : f32 to vector<128x1xf32>
      %select_n3A_650 = arith.select %and3A_638, %get3A_647, %broadcast_in_dim3A_649 : vector<128x1xi1>, vector<128x1xf32>
      %dot_general3A = arith.constant dense<0.000000e+00> : vector<128x384xf32>
      %dot_general3A_651 = tpu.matmul %convert_element_type3A_644, %convert_element_type3A_172, %dot_general3A {dimension_numbers = #tpu.dot_dimension_numbers<[1], [1], [0], [0], [0, 0, 1, 0], [], []>, transpose_lhs_hint = false} : vector<128x768xbf16>, vector<384x768xbf16>, vector<128x384xf32> -> vector<128x384xf32>
      %slice3A = vector.extract_strided_slice %get3A_185 {offsets = [0, 0], sizes = [1, 384], strides = [1, 1]} : vector<1x768xf32> to vector<1x384xf32>
      %mul3A_652 = vector.broadcast %select_n3A_650 : vector<128x1xf32> to vector<128x384xf32>
      %mul3A_653 = vector.broadcast %slice3A : vector<1x384xf32> to vector<128x384xf32>
      %mul3A_654 = arith.mulf %mul3A_652, %mul3A_653 : vector<128x384xf32>
      %add3A_655 = arith.addf %dot_general3A_651, %mul3A_654 : vector<128x384xf32>
      %get3A_656 = arith.constant 1536 : index
      %get3A_657 = arith.constant 0 : index
      %get3A_658 = vector.load %arg6[%get3A_656, %get3A_657] : memref<2048x768xf32, #tpu.memory_space<vmem>>, vector<128x384xf32>
      %add3A_659 = arith.addf %get3A_658, %add3A_655 : vector<128x384xf32>
      %swap3A = arith.constant 1536 : index
      %swap3A_660 = arith.constant 0 : index
      %swap3A_661 = vector.load %arg6[%swap3A, %swap3A_660] : memref<2048x768xf32, #tpu.memory_space<vmem>>, vector<128x384xf32>
      tpu.vector_store %arg6[%swap3A, %swap3A_660], %add3A_659 {strides = array<i32>} : memref<2048x768xf32, #tpu.memory_space<vmem>>, vector<128x384xf32>,
      %dot_general3A_662 = arith.constant dense<0.000000e+00> : vector<128x384xf32>
      %dot_general3A_663 = tpu.matmul %convert_element_type3A_644, %convert_element_type3A_180, %dot_general3A_662 {dimension_numbers = #tpu.dot_dimension_numbers<[1], [1], [0], [0], [0, 0, 1, 0], [], []>, transpose_lhs_hint = false} : vector<128x768xbf16>, vector<384x768xbf16>, vector<128x384xf32> -> vector<128x384xf32>
      %slice3A_664 = vector.extract_strided_slice %get3A_185 {offsets = [0, 384], sizes = [1, 384], strides = [1, 1]} : vector<1x768xf32> to vector<1x384xf32>
      %mul3A_665 = vector.broadcast %select_n3A_650 : vector<128x1xf32> to vector<128x384xf32>
      %mul3A_666 = vector.broadcast %slice3A_664 : vector<1x384xf32> to vector<128x384xf32>
      %mul3A_667 = arith.mulf %mul3A_665, %mul3A_666 : vector<128x384xf32>
      %add3A_668 = arith.addf %dot_general3A_663, %mul3A_667 : vector<128x384xf32>
      %get3A_669 = arith.constant 1536 : index
      %get3A_670 = arith.constant 384 : index
      %get3A_671 = vector.load %arg6[%get3A_669, %get3A_670] : memref<2048x768xf32, #tpu.memory_space<vmem>>, vector<128x384xf32>
      %add3A_672 = arith.addf %get3A_671, %add3A_668 : vector<128x384xf32>
      %swap3A_673 = arith.constant 1536 : index
      %swap3A_674 = arith.constant 384 : index
      %swap3A_675 = vector.load %arg6[%swap3A_673, %swap3A_674] : memref<2048x768xf32, #tpu.memory_space<vmem>>, vector<128x384xf32>
      tpu.vector_store %arg6[%swap3A_673, %swap3A_674], %add3A_672 {strides = array<i32>} : memref<2048x768xf32, #tpu.memory_space<vmem>>, vector<128x384xf32>,
    } else {
    }
    %gt3A_290 = arith.constant 1664 : i32
    %gt3A_291 = arith.cmpi sgt, %get3A_164, %gt3A_290 : i32
    %lt3A_292 = arith.constant 1792 : i32
    %lt3A_293 = arith.cmpi slt, %get3A_160, %lt3A_292 : i32
    %and3A_294 = arith.andi %gt3A_291, %lt3A_293 : i1
    %convert_element_type3A_295 = arith.extui %and3A_294 : i1 to i32
    %cond3A_296 = arith.constant 0 : i32
    %cond3A_297 = arith.cmpi ne, %convert_element_type3A_295, %cond3A_296 : i32
    scf.if %cond3A_297 {
      %iota3A = tpu.iota {dimensions = array<i32: 0>} : vector<128x1xi32>
      %add3A_632 = arith.constant 1664 : i32
      %add3A_633 = vector.broadcast %add3A_632 : i32 to vector<128x1xi32>
      %add3A_634 = arith.addi %add3A_633, %iota3A : vector<128x1xi32>
      %ge3A = vector.broadcast %get3A_160 : i32 to vector<128x1xi32>
      %ge3A_635 = arith.cmpi sge, %add3A_634, %ge3A : vector<128x1xi32>
      %lt3A_636 = vector.broadcast %get3A_164 : i32 to vector<128x1xi32>
      %lt3A_637 = arith.cmpi slt, %add3A_634, %lt3A_636 : vector<128x1xi32>
      %and3A_638 = arith.andi %ge3A_635, %lt3A_637 : vector<128x1xi1>
      %get3A_639 = arith.constant 1664 : index
      %get3A_640 = arith.constant 0 : index
      %get3A_641 = vector.load %arg2[%get3A_639, %get3A_640] : memref<2048x896xf32, #tpu.memory_space<vmem>>, vector<128x768xf32>
      %jit3A = arith.constant 0.000000e+00 : f32
      %broadcast_in_dim3A = vector.shape_cast %and3A_638 : vector<128x1xi1> to vector<128x1xi1>
      %broadcast_in_dim3A_642 = vector.broadcast %broadcast_in_dim3A : vector<128x1xi1> to vector<128x768xi1>
      %broadcast_in_dim3A_643 = vector.broadcast %jit3A : f32 to vector<128x768xf32>
      %select_n3A = arith.select %broadcast_in_dim3A_642, %get3A_641, %broadcast_in_dim3A_643 : vector<128x768xi1>, vector<128x768xf32>
      %convert_element_type3A_644 = arith.truncf %select_n3A : vector<128x768xf32> to vector<128x768xbf16>
      %get3A_645 = arith.constant 1664 : index
      %get3A_646 = arith.constant 768 : index
      %get3A_647 = vector.load %arg2[%get3A_645, %get3A_646] : memref<2048x896xf32, #tpu.memory_space<vmem>>, vector<128x1xf32>
      %jit3A_648 = arith.constant 0.000000e+00 : f32
      %broadcast_in_dim3A_649 = vector.broadcast %jit3A_648 : f32 to vector<128x1xf32>
      %select_n3A_650 = arith.select %and3A_638, %get3A_647, %broadcast_in_dim3A_649 : vector<128x1xi1>, vector<128x1xf32>
      %dot_general3A = arith.constant dense<0.000000e+00> : vector<128x384xf32>
      %dot_general3A_651 = tpu.matmul %convert_element_type3A_644, %convert_element_type3A_172, %dot_general3A {dimension_numbers = #tpu.dot_dimension_numbers<[1], [1], [0], [0], [0, 0, 1, 0], [], []>, transpose_lhs_hint = false} : vector<128x768xbf16>, vector<384x768xbf16>, vector<128x384xf32> -> vector<128x384xf32>
      %slice3A = vector.extract_strided_slice %get3A_185 {offsets = [0, 0], sizes = [1, 384], strides = [1, 1]} : vector<1x768xf32> to vector<1x384xf32>
      %mul3A_652 = vector.broadcast %select_n3A_650 : vector<128x1xf32> to vector<128x384xf32>
      %mul3A_653 = vector.broadcast %slice3A : vector<1x384xf32> to vector<128x384xf32>
      %mul3A_654 = arith.mulf %mul3A_652, %mul3A_653 : vector<128x384xf32>
      %add3A_655 = arith.addf %dot_general3A_651, %mul3A_654 : vector<128x384xf32>
      %get3A_656 = arith.constant 1664 : index
      %get3A_657 = arith.constant 0 : index
      %get3A_658 = vector.load %arg6[%get3A_656, %get3A_657] : memref<2048x768xf32, #tpu.memory_space<vmem>>, vector<128x384xf32>
      %add3A_659 = arith.addf %get3A_658, %add3A_655 : vector<128x384xf32>
      %swap3A = arith.constant 1664 : index
      %swap3A_660 = arith.constant 0 : index
      %swap3A_661 = vector.load %arg6[%swap3A, %swap3A_660] : memref<2048x768xf32, #tpu.memory_space<vmem>>, vector<128x384xf32>
      tpu.vector_store %arg6[%swap3A, %swap3A_660], %add3A_659 {strides = array<i32>} : memref<2048x768xf32, #tpu.memory_space<vmem>>, vector<128x384xf32>,
      %dot_general3A_662 = arith.constant dense<0.000000e+00> : vector<128x384xf32>
      %dot_general3A_663 = tpu.matmul %convert_element_type3A_644, %convert_element_type3A_180, %dot_general3A_662 {dimension_numbers = #tpu.dot_dimension_numbers<[1], [1], [0], [0], [0, 0, 1, 0], [], []>, transpose_lhs_hint = false} : vector<128x768xbf16>, vector<384x768xbf16>, vector<128x384xf32> -> vector<128x384xf32>
      %slice3A_664 = vector.extract_strided_slice %get3A_185 {offsets = [0, 384], sizes = [1, 384], strides = [1, 1]} : vector<1x768xf32> to vector<1x384xf32>
      %mul3A_665 = vector.broadcast %select_n3A_650 : vector<128x1xf32> to vector<128x384xf32>
      %mul3A_666 = vector.broadcast %slice3A_664 : vector<1x384xf32> to vector<128x384xf32>
      %mul3A_667 = arith.mulf %mul3A_665, %mul3A_666 : vector<128x384xf32>
      %add3A_668 = arith.addf %dot_general3A_663, %mul3A_667 : vector<128x384xf32>
      %get3A_669 = arith.constant 1664 : index
      %get3A_670 = arith.constant 384 : index
      %get3A_671 = vector.load %arg6[%get3A_669, %get3A_670] : memref<2048x768xf32, #tpu.memory_space<vmem>>, vector<128x384xf32>
      %add3A_672 = arith.addf %get3A_671, %add3A_668 : vector<128x384xf32>
      %swap3A_673 = arith.constant 1664 : index
      %swap3A_674 = arith.constant 384 : index
      %swap3A_675 = vector.load %arg6[%swap3A_673, %swap3A_674] : memref<2048x768xf32, #tpu.memory_space<vmem>>, vector<128x384xf32>
      tpu.vector_store %arg6[%swap3A_673, %swap3A_674], %add3A_672 {strides = array<i32>} : memref<2048x768xf32, #tpu.memory_space<vmem>>, vector<128x384xf32>,
    } else {
    }
    %gt3A_298 = arith.constant 1792 : i32
    %gt3A_299 = arith.cmpi sgt, %get3A_164, %gt3A_298 : i32
    %lt3A_300 = arith.constant 1920 : i32
    %lt3A_301 = arith.cmpi slt, %get3A_160, %lt3A_300 : i32
    %and3A_302 = arith.andi %gt3A_299, %lt3A_301 : i1
    %convert_element_type3A_303 = arith.extui %and3A_302 : i1 to i32
    %cond3A_304 = arith.constant 0 : i32
    %cond3A_305 = arith.cmpi ne, %convert_element_type3A_303, %cond3A_304 : i32
    scf.if %cond3A_305 {
      %iota3A = tpu.iota {dimensions = array<i32: 0>} : vector<128x1xi32>
      %add3A_632 = arith.constant 1792 : i32
      %add3A_633 = vector.broadcast %add3A_632 : i32 to vector<128x1xi32>
      %add3A_634 = arith.addi %add3A_633, %iota3A : vector<128x1xi32>
      %ge3A = vector.broadcast %get3A_160 : i32 to vector<128x1xi32>
      %ge3A_635 = arith.cmpi sge, %add3A_634, %ge3A : vector<128x1xi32>
      %lt3A_636 = vector.broadcast %get3A_164 : i32 to vector<128x1xi32>
      %lt3A_637 = arith.cmpi slt, %add3A_634, %lt3A_636 : vector<128x1xi32>
      %and3A_638 = arith.andi %ge3A_635, %lt3A_637 : vector<128x1xi1>
      %get3A_639 = arith.constant 1792 : index
      %get3A_640 = arith.constant 0 : index
      %get3A_641 = vector.load %arg2[%get3A_639, %get3A_640] : memref<2048x896xf32, #tpu.memory_space<vmem>>, vector<128x768xf32>
      %jit3A = arith.constant 0.000000e+00 : f32
      %broadcast_in_dim3A = vector.shape_cast %and3A_638 : vector<128x1xi1> to vector<128x1xi1>
      %broadcast_in_dim3A_642 = vector.broadcast %broadcast_in_dim3A : vector<128x1xi1> to vector<128x768xi1>
      %broadcast_in_dim3A_643 = vector.broadcast %jit3A : f32 to vector<128x768xf32>
      %select_n3A = arith.select %broadcast_in_dim3A_642, %get3A_641, %broadcast_in_dim3A_643 : vector<128x768xi1>, vector<128x768xf32>
      %convert_element_type3A_644 = arith.truncf %select_n3A : vector<128x768xf32> to vector<128x768xbf16>
      %get3A_645 = arith.constant 1792 : index
      %get3A_646 = arith.constant 768 : index
      %get3A_647 = vector.load %arg2[%get3A_645, %get3A_646] : memref<2048x896xf32, #tpu.memory_space<vmem>>, vector<128x1xf32>
      %jit3A_648 = arith.constant 0.000000e+00 : f32
      %broadcast_in_dim3A_649 = vector.broadcast %jit3A_648 : f32 to vector<128x1xf32>
      %select_n3A_650 = arith.select %and3A_638, %get3A_647, %broadcast_in_dim3A_649 : vector<128x1xi1>, vector<128x1xf32>
      %dot_general3A = arith.constant dense<0.000000e+00> : vector<128x384xf32>
      %dot_general3A_651 = tpu.matmul %convert_element_type3A_644, %convert_element_type3A_172, %dot_general3A {dimension_numbers = #tpu.dot_dimension_numbers<[1], [1], [0], [0], [0, 0, 1, 0], [], []>, transpose_lhs_hint = false} : vector<128x768xbf16>, vector<384x768xbf16>, vector<128x384xf32> -> vector<128x384xf32>
      %slice3A = vector.extract_strided_slice %get3A_185 {offsets = [0, 0], sizes = [1, 384], strides = [1, 1]} : vector<1x768xf32> to vector<1x384xf32>
      %mul3A_652 = vector.broadcast %select_n3A_650 : vector<128x1xf32> to vector<128x384xf32>
      %mul3A_653 = vector.broadcast %slice3A : vector<1x384xf32> to vector<128x384xf32>
      %mul3A_654 = arith.mulf %mul3A_652, %mul3A_653 : vector<128x384xf32>
      %add3A_655 = arith.addf %dot_general3A_651, %mul3A_654 : vector<128x384xf32>
      %get3A_656 = arith.constant 1792 : index
      %get3A_657 = arith.constant 0 : index
      %get3A_658 = vector.load %arg6[%get3A_656, %get3A_657] : memref<2048x768xf32, #tpu.memory_space<vmem>>, vector<128x384xf32>
      %add3A_659 = arith.addf %get3A_658, %add3A_655 : vector<128x384xf32>
      %swap3A = arith.constant 1792 : index
      %swap3A_660 = arith.constant 0 : index
      %swap3A_661 = vector.load %arg6[%swap3A, %swap3A_660] : memref<2048x768xf32, #tpu.memory_space<vmem>>, vector<128x384xf32>
      tpu.vector_store %arg6[%swap3A, %swap3A_660], %add3A_659 {strides = array<i32>} : memref<2048x768xf32, #tpu.memory_space<vmem>>, vector<128x384xf32>,
      %dot_general3A_662 = arith.constant dense<0.000000e+00> : vector<128x384xf32>
      %dot_general3A_663 = tpu.matmul %convert_element_type3A_644, %convert_element_type3A_180, %dot_general3A_662 {dimension_numbers = #tpu.dot_dimension_numbers<[1], [1], [0], [0], [0, 0, 1, 0], [], []>, transpose_lhs_hint = false} : vector<128x768xbf16>, vector<384x768xbf16>, vector<128x384xf32> -> vector<128x384xf32>
      %slice3A_664 = vector.extract_strided_slice %get3A_185 {offsets = [0, 384], sizes = [1, 384], strides = [1, 1]} : vector<1x768xf32> to vector<1x384xf32>
      %mul3A_665 = vector.broadcast %select_n3A_650 : vector<128x1xf32> to vector<128x384xf32>
      %mul3A_666 = vector.broadcast %slice3A_664 : vector<1x384xf32> to vector<128x384xf32>
      %mul3A_667 = arith.mulf %mul3A_665, %mul3A_666 : vector<128x384xf32>
      %add3A_668 = arith.addf %dot_general3A_663, %mul3A_667 : vector<128x384xf32>
      %get3A_669 = arith.constant 1792 : index
      %get3A_670 = arith.constant 384 : index
      %get3A_671 = vector.load %arg6[%get3A_669, %get3A_670] : memref<2048x768xf32, #tpu.memory_space<vmem>>, vector<128x384xf32>
      %add3A_672 = arith.addf %get3A_671, %add3A_668 : vector<128x384xf32>
      %swap3A_673 = arith.constant 1792 : index
      %swap3A_674 = arith.constant 384 : index
      %swap3A_675 = vector.load %arg6[%swap3A_673, %swap3A_674] : memref<2048x768xf32, #tpu.memory_space<vmem>>, vector<128x384xf32>
      tpu.vector_store %arg6[%swap3A_673, %swap3A_674], %add3A_672 {strides = array<i32>} : memref<2048x768xf32, #tpu.memory_space<vmem>>, vector<128x384xf32>,
    } else {
    }
    %gt3A_306 = arith.constant 1920 : i32
    %gt3A_307 = arith.cmpi sgt, %get3A_164, %gt3A_306 : i32
    %lt3A_308 = arith.constant 2048 : i32
    %lt3A_309 = arith.cmpi slt, %get3A_160, %lt3A_308 : i32
    %and3A_310 = arith.andi %gt3A_307, %lt3A_309 : i1
    %convert_element_type3A_311 = arith.extui %and3A_310 : i1 to i32
    %cond3A_312 = arith.constant 0 : i32
    %cond3A_313 = arith.cmpi ne, %convert_element_type3A_311, %cond3A_312 : i32
    scf.if %cond3A_313 {
      %iota3A = tpu.iota {dimensions = array<i32: 0>} : vector<128x1xi32>
      %add3A_632 = arith.constant 1920 : i32
      %add3A_633 = vector.broadcast %add3A_632 : i32 to vector<128x1xi32>
      %add3A_634 = arith.addi %add3A_633, %iota3A : vector<128x1xi32>
      %ge3A = vector.broadcast %get3A_160 : i32 to vector<128x1xi32>
      %ge3A_635 = arith.cmpi sge, %add3A_634, %ge3A : vector<128x1xi32>
      %lt3A_636 = vector.broadcast %get3A_164 : i32 to vector<128x1xi32>
      %lt3A_637 = arith.cmpi slt, %add3A_634, %lt3A_636 : vector<128x1xi32>
      %and3A_638 = arith.andi %ge3A_635, %lt3A_637 : vector<128x1xi1>
      %get3A_639 = arith.constant 1920 : index
      %get3A_640 = arith.constant 0 : index
      %get3A_641 = vector.load %arg2[%get3A_639, %get3A_640] : memref<2048x896xf32, #tpu.memory_space<vmem>>, vector<128x768xf32>
      %jit3A = arith.constant 0.000000e+00 : f32
      %broadcast_in_dim3A = vector.shape_cast %and3A_638 : vector<128x1xi1> to vector<128x1xi1>
      %broadcast_in_dim3A_642 = vector.broadcast %broadcast_in_dim3A : vector<128x1xi1> to vector<128x768xi1>
      %broadcast_in_dim3A_643 = vector.broadcast %jit3A : f32 to vector<128x768xf32>
      %select_n3A = arith.select %broadcast_in_dim3A_642, %get3A_641, %broadcast_in_dim3A_643 : vector<128x768xi1>, vector<128x768xf32>
      %convert_element_type3A_644 = arith.truncf %select_n3A : vector<128x768xf32> to vector<128x768xbf16>
      %get3A_645 = arith.constant 1920 : index
      %get3A_646 = arith.constant 768 : index
      %get3A_647 = vector.load %arg2[%get3A_645, %get3A_646] : memref<2048x896xf32, #tpu.memory_space<vmem>>, vector<128x1xf32>
      %jit3A_648 = arith.constant 0.000000e+00 : f32
      %broadcast_in_dim3A_649 = vector.broadcast %jit3A_648 : f32 to vector<128x1xf32>
      %select_n3A_650 = arith.select %and3A_638, %get3A_647, %broadcast_in_dim3A_649 : vector<128x1xi1>, vector<128x1xf32>
      %dot_general3A = arith.constant dense<0.000000e+00> : vector<128x384xf32>
      %dot_general3A_651 = tpu.matmul %convert_element_type3A_644, %convert_element_type3A_172, %dot_general3A {dimension_numbers = #tpu.dot_dimension_numbers<[1], [1], [0], [0], [0, 0, 1, 0], [], []>, transpose_lhs_hint = false} : vector<128x768xbf16>, vector<384x768xbf16>, vector<128x384xf32> -> vector<128x384xf32>
      %slice3A = vector.extract_strided_slice %get3A_185 {offsets = [0, 0], sizes = [1, 384], strides = [1, 1]} : vector<1x768xf32> to vector<1x384xf32>
      %mul3A_652 = vector.broadcast %select_n3A_650 : vector<128x1xf32> to vector<128x384xf32>
      %mul3A_653 = vector.broadcast %slice3A : vector<1x384xf32> to vector<128x384xf32>
      %mul3A_654 = arith.mulf %mul3A_652, %mul3A_653 : vector<128x384xf32>
      %add3A_655 = arith.addf %dot_general3A_651, %mul3A_654 : vector<128x384xf32>
      %get3A_656 = arith.constant 1920 : index
      %get3A_657 = arith.constant 0 : index
      %get3A_658 = vector.load %arg6[%get3A_656, %get3A_657] : memref<2048x768xf32, #tpu.memory_space<vmem>>, vector<128x384xf32>
      %add3A_659 = arith.addf %get3A_658, %add3A_655 : vector<128x384xf32>
      %swap3A = arith.constant 1920 : index
      %swap3A_660 = arith.constant 0 : index
      %swap3A_661 = vector.load %arg6[%swap3A, %swap3A_660] : memref<2048x768xf32, #tpu.memory_space<vmem>>, vector<128x384xf32>
      tpu.vector_store %arg6[%swap3A, %swap3A_660], %add3A_659 {strides = array<i32>} : memref<2048x768xf32, #tpu.memory_space<vmem>>, vector<128x384xf32>,
      %dot_general3A_662 = arith.constant dense<0.000000e+00> : vector<128x384xf32>
      %dot_general3A_663 = tpu.matmul %convert_element_type3A_644, %convert_element_type3A_180, %dot_general3A_662 {dimension_numbers = #tpu.dot_dimension_numbers<[1], [1], [0], [0], [0, 0, 1, 0], [], []>, transpose_lhs_hint = false} : vector<128x768xbf16>, vector<384x768xbf16>, vector<128x384xf32> -> vector<128x384xf32>
      %slice3A_664 = vector.extract_strided_slice %get3A_185 {offsets = [0, 384], sizes = [1, 384], strides = [1, 1]} : vector<1x768xf32> to vector<1x384xf32>
      %mul3A_665 = vector.broadcast %select_n3A_650 : vector<128x1xf32> to vector<128x384xf32>
      %mul3A_666 = vector.broadcast %slice3A_664 : vector<1x384xf32> to vector<128x384xf32>
      %mul3A_667 = arith.mulf %mul3A_665, %mul3A_666 : vector<128x384xf32>
      %add3A_668 = arith.addf %dot_general3A_663, %mul3A_667 : vector<128x384xf32>
      %get3A_669 = arith.constant 1920 : index
      %get3A_670 = arith.constant 384 : index
      %get3A_671 = vector.load %arg6[%get3A_669, %get3A_670] : memref<2048x768xf32, #tpu.memory_space<vmem>>, vector<128x384xf32>
      %add3A_672 = arith.addf %get3A_671, %add3A_668 : vector<128x384xf32>
      %swap3A_673 = arith.constant 1920 : index
      %swap3A_674 = arith.constant 384 : index
      %swap3A_675 = vector.load %arg6[%swap3A_673, %swap3A_674] : memref<2048x768xf32, #tpu.memory_space<vmem>>, vector<128x384xf32>
      tpu.vector_store %arg6[%swap3A_673, %swap3A_674], %add3A_672 {strides = array<i32>} : memref<2048x768xf32, #tpu.memory_space<vmem>>, vector<128x384xf32>,
    } else {
    }
    %mul3A_314 = arith.constant 4 : i32
    %mul3A_315 = arith.muli %arg0, %mul3A_314 : i32
    %add3A_316 = arith.constant 2 : i32
    %add3A_317 = arith.addi %mul3A_315, %add3A_316 : i32
    %get3A_318 = arith.index_cast %add3A_317 : i32 to index
    %get3A_319 = memref.load %arg1[%get3A_318] : memref<65xi32, #tpu.memory_space<smem>>
    %add3A_320 = arith.constant 1 : i32
    %add3A_321 = arith.addi %add3A_317, %add3A_320 : i32
    %get3A_322 = arith.index_cast %add3A_321 : i32 to index
    %get3A_323 = memref.load %arg1[%get3A_322] : memref<65xi32, #tpu.memory_space<smem>>
    %get3A_324 = arith.constant 0 : index
    %get3A_325 = arith.constant 2 : index
    %get3A_326 = arith.constant 0 : index
    %get3A_327 = arith.constant 0 : index
    %get3A_328 = arith.constant 0 : index
    %get3A_329 = vector.load %arg3[%get3A_324, %get3A_325, %get3A_326, %get3A_327, %get3A_328] : memref<1x4x1x384x768xf32, #tpu.memory_space<vmem>>, vector<1x1x1x384x768xf32>
    %get3A_330 = vector.shape_cast %get3A_329 : vector<1x1x1x384x768xf32> to vector<384x768xf32>
    %convert_element_type3A_331 = arith.truncf %get3A_330 : vector<384x768xf32> to vector<384x768xbf16>
    %get3A_332 = arith.constant 0 : index
    %get3A_333 = arith.constant 2 : index
    %get3A_334 = arith.constant 0 : index
    %get3A_335 = arith.constant 0 : index
    %get3A_336 = arith.constant 0 : index
    %get3A_337 = vector.load %arg4[%get3A_332, %get3A_333, %get3A_334, %get3A_335, %get3A_336] : memref<1x4x1x384x768xf32, #tpu.memory_space<vmem>>, vector<1x1x1x384x768xf32>
    %get3A_338 = vector.shape_cast %get3A_337 : vector<1x1x1x384x768xf32> to vector<384x768xf32>
    %convert_element_type3A_339 = arith.truncf %get3A_338 : vector<384x768xf32> to vector<384x768xbf16>
    %get3A_340 = arith.constant 0 : index
    %get3A_341 = arith.constant 2 : index
    %get3A_342 = arith.constant 0 : index
    %get3A_343 = vector.load %arg5[%get3A_340, %get3A_341, %get3A_342] : memref<1x4x768xf32, #tpu.memory_space<vmem>>, vector<1x1x768xf32>
    %get3A_344 = vector.shape_cast %get3A_343 : vector<1x1x768xf32> to vector<1x768xf32>
    %gt3A_345 = arith.constant 0 : i32
    %gt3A_346 = arith.cmpi sgt, %get3A_323, %gt3A_345 : i32
    %lt3A_347 = arith.constant 128 : i32
    %lt3A_348 = arith.cmpi slt, %get3A_319, %lt3A_347 : i32
    %and3A_349 = arith.andi %gt3A_346, %lt3A_348 : i1
    %convert_element_type3A_350 = arith.extui %and3A_349 : i1 to i32
    %cond3A_351 = arith.constant 0 : i32
    %cond3A_352 = arith.cmpi ne, %convert_element_type3A_350, %cond3A_351 : i32
    scf.if %cond3A_352 {
      %iota3A = tpu.iota {dimensions = array<i32: 0>} : vector<128x1xi32>
      %add3A_632 = arith.constant 0 : i32
      %add3A_633 = vector.broadcast %add3A_632 : i32 to vector<128x1xi32>
      %add3A_634 = arith.addi %add3A_633, %iota3A : vector<128x1xi32>
      %ge3A = vector.broadcast %get3A_319 : i32 to vector<128x1xi32>
      %ge3A_635 = arith.cmpi sge, %add3A_634, %ge3A : vector<128x1xi32>
      %lt3A_636 = vector.broadcast %get3A_323 : i32 to vector<128x1xi32>
      %lt3A_637 = arith.cmpi slt, %add3A_634, %lt3A_636 : vector<128x1xi32>
      %and3A_638 = arith.andi %ge3A_635, %lt3A_637 : vector<128x1xi1>
      %get3A_639 = arith.constant 0 : index
      %get3A_640 = arith.constant 0 : index
      %get3A_641 = vector.load %arg2[%get3A_639, %get3A_640] : memref<2048x896xf32, #tpu.memory_space<vmem>>, vector<128x768xf32>
      %jit3A = arith.constant 0.000000e+00 : f32
      %broadcast_in_dim3A = vector.shape_cast %and3A_638 : vector<128x1xi1> to vector<128x1xi1>
      %broadcast_in_dim3A_642 = vector.broadcast %broadcast_in_dim3A : vector<128x1xi1> to vector<128x768xi1>
      %broadcast_in_dim3A_643 = vector.broadcast %jit3A : f32 to vector<128x768xf32>
      %select_n3A = arith.select %broadcast_in_dim3A_642, %get3A_641, %broadcast_in_dim3A_643 : vector<128x768xi1>, vector<128x768xf32>
      %convert_element_type3A_644 = arith.truncf %select_n3A : vector<128x768xf32> to vector<128x768xbf16>
      %get3A_645 = arith.constant 0 : index
      %get3A_646 = arith.constant 768 : index
      %get3A_647 = vector.load %arg2[%get3A_645, %get3A_646] : memref<2048x896xf32, #tpu.memory_space<vmem>>, vector<128x1xf32>
      %jit3A_648 = arith.constant 0.000000e+00 : f32
      %broadcast_in_dim3A_649 = vector.broadcast %jit3A_648 : f32 to vector<128x1xf32>
      %select_n3A_650 = arith.select %and3A_638, %get3A_647, %broadcast_in_dim3A_649 : vector<128x1xi1>, vector<128x1xf32>
      %dot_general3A = arith.constant dense<0.000000e+00> : vector<128x384xf32>
      %dot_general3A_651 = tpu.matmul %convert_element_type3A_644, %convert_element_type3A_331, %dot_general3A {dimension_numbers = #tpu.dot_dimension_numbers<[1], [1], [0], [0], [0, 0, 1, 0], [], []>, transpose_lhs_hint = false} : vector<128x768xbf16>, vector<384x768xbf16>, vector<128x384xf32> -> vector<128x384xf32>
      %slice3A = vector.extract_strided_slice %get3A_344 {offsets = [0, 0], sizes = [1, 384], strides = [1, 1]} : vector<1x768xf32> to vector<1x384xf32>
      %mul3A_652 = vector.broadcast %select_n3A_650 : vector<128x1xf32> to vector<128x384xf32>
      %mul3A_653 = vector.broadcast %slice3A : vector<1x384xf32> to vector<128x384xf32>
      %mul3A_654 = arith.mulf %mul3A_652, %mul3A_653 : vector<128x384xf32>
      %add3A_655 = arith.addf %dot_general3A_651, %mul3A_654 : vector<128x384xf32>
      %get3A_656 = arith.constant 0 : index
      %get3A_657 = arith.constant 0 : index
      %get3A_658 = vector.load %arg6[%get3A_656, %get3A_657] : memref<2048x768xf32, #tpu.memory_space<vmem>>, vector<128x384xf32>
      %add3A_659 = arith.addf %get3A_658, %add3A_655 : vector<128x384xf32>
      %swap3A = arith.constant 0 : index
      %swap3A_660 = arith.constant 0 : index
      %swap3A_661 = vector.load %arg6[%swap3A, %swap3A_660] : memref<2048x768xf32, #tpu.memory_space<vmem>>, vector<128x384xf32>
      tpu.vector_store %arg6[%swap3A, %swap3A_660], %add3A_659 {strides = array<i32>} : memref<2048x768xf32, #tpu.memory_space<vmem>>, vector<128x384xf32>,
      %dot_general3A_662 = arith.constant dense<0.000000e+00> : vector<128x384xf32>
      %dot_general3A_663 = tpu.matmul %convert_element_type3A_644, %convert_element_type3A_339, %dot_general3A_662 {dimension_numbers = #tpu.dot_dimension_numbers<[1], [1], [0], [0], [0, 0, 1, 0], [], []>, transpose_lhs_hint = false} : vector<128x768xbf16>, vector<384x768xbf16>, vector<128x384xf32> -> vector<128x384xf32>
      %slice3A_664 = vector.extract_strided_slice %get3A_344 {offsets = [0, 384], sizes = [1, 384], strides = [1, 1]} : vector<1x768xf32> to vector<1x384xf32>
      %mul3A_665 = vector.broadcast %select_n3A_650 : vector<128x1xf32> to vector<128x384xf32>
      %mul3A_666 = vector.broadcast %slice3A_664 : vector<1x384xf32> to vector<128x384xf32>
      %mul3A_667 = arith.mulf %mul3A_665, %mul3A_666 : vector<128x384xf32>
      %add3A_668 = arith.addf %dot_general3A_663, %mul3A_667 : vector<128x384xf32>
      %get3A_669 = arith.constant 0 : index
      %get3A_670 = arith.constant 384 : index
      %get3A_671 = vector.load %arg6[%get3A_669, %get3A_670] : memref<2048x768xf32, #tpu.memory_space<vmem>>, vector<128x384xf32>
      %add3A_672 = arith.addf %get3A_671, %add3A_668 : vector<128x384xf32>
      %swap3A_673 = arith.constant 0 : index
      %swap3A_674 = arith.constant 384 : index
      %swap3A_675 = vector.load %arg6[%swap3A_673, %swap3A_674] : memref<2048x768xf32, #tpu.memory_space<vmem>>, vector<128x384xf32>
      tpu.vector_store %arg6[%swap3A_673, %swap3A_674], %add3A_672 {strides = array<i32>} : memref<2048x768xf32, #tpu.memory_space<vmem>>, vector<128x384xf32>,
    } else {
    }
    %gt3A_353 = arith.constant 128 : i32
    %gt3A_354 = arith.cmpi sgt, %get3A_323, %gt3A_353 : i32
    %lt3A_355 = arith.constant 256 : i32
    %lt3A_356 = arith.cmpi slt, %get3A_319, %lt3A_355 : i32
    %and3A_357 = arith.andi %gt3A_354, %lt3A_356 : i1
    %convert_element_type3A_358 = arith.extui %and3A_357 : i1 to i32
    %cond3A_359 = arith.constant 0 : i32
    %cond3A_360 = arith.cmpi ne, %convert_element_type3A_358, %cond3A_359 : i32
    scf.if %cond3A_360 {
      %iota3A = tpu.iota {dimensions = array<i32: 0>} : vector<128x1xi32>
      %add3A_632 = arith.constant 128 : i32
      %add3A_633 = vector.broadcast %add3A_632 : i32 to vector<128x1xi32>
      %add3A_634 = arith.addi %add3A_633, %iota3A : vector<128x1xi32>
      %ge3A = vector.broadcast %get3A_319 : i32 to vector<128x1xi32>
      %ge3A_635 = arith.cmpi sge, %add3A_634, %ge3A : vector<128x1xi32>
      %lt3A_636 = vector.broadcast %get3A_323 : i32 to vector<128x1xi32>
      %lt3A_637 = arith.cmpi slt, %add3A_634, %lt3A_636 : vector<128x1xi32>
      %and3A_638 = arith.andi %ge3A_635, %lt3A_637 : vector<128x1xi1>
      %get3A_639 = arith.constant 128 : index
      %get3A_640 = arith.constant 0 : index
      %get3A_641 = vector.load %arg2[%get3A_639, %get3A_640] : memref<2048x896xf32, #tpu.memory_space<vmem>>, vector<128x768xf32>
      %jit3A = arith.constant 0.000000e+00 : f32
      %broadcast_in_dim3A = vector.shape_cast %and3A_638 : vector<128x1xi1> to vector<128x1xi1>
      %broadcast_in_dim3A_642 = vector.broadcast %broadcast_in_dim3A : vector<128x1xi1> to vector<128x768xi1>
      %broadcast_in_dim3A_643 = vector.broadcast %jit3A : f32 to vector<128x768xf32>
      %select_n3A = arith.select %broadcast_in_dim3A_642, %get3A_641, %broadcast_in_dim3A_643 : vector<128x768xi1>, vector<128x768xf32>
      %convert_element_type3A_644 = arith.truncf %select_n3A : vector<128x768xf32> to vector<128x768xbf16>
      %get3A_645 = arith.constant 128 : index
      %get3A_646 = arith.constant 768 : index
      %get3A_647 = vector.load %arg2[%get3A_645, %get3A_646] : memref<2048x896xf32, #tpu.memory_space<vmem>>, vector<128x1xf32>
      %jit3A_648 = arith.constant 0.000000e+00 : f32
      %broadcast_in_dim3A_649 = vector.broadcast %jit3A_648 : f32 to vector<128x1xf32>
      %select_n3A_650 = arith.select %and3A_638, %get3A_647, %broadcast_in_dim3A_649 : vector<128x1xi1>, vector<128x1xf32>
      %dot_general3A = arith.constant dense<0.000000e+00> : vector<128x384xf32>
      %dot_general3A_651 = tpu.matmul %convert_element_type3A_644, %convert_element_type3A_331, %dot_general3A {dimension_numbers = #tpu.dot_dimension_numbers<[1], [1], [0], [0], [0, 0, 1, 0], [], []>, transpose_lhs_hint = false} : vector<128x768xbf16>, vector<384x768xbf16>, vector<128x384xf32> -> vector<128x384xf32>
      %slice3A = vector.extract_strided_slice %get3A_344 {offsets = [0, 0], sizes = [1, 384], strides = [1, 1]} : vector<1x768xf32> to vector<1x384xf32>
      %mul3A_652 = vector.broadcast %select_n3A_650 : vector<128x1xf32> to vector<128x384xf32>
      %mul3A_653 = vector.broadcast %slice3A : vector<1x384xf32> to vector<128x384xf32>
      %mul3A_654 = arith.mulf %mul3A_652, %mul3A_653 : vector<128x384xf32>
      %add3A_655 = arith.addf %dot_general3A_651, %mul3A_654 : vector<128x384xf32>
      %get3A_656 = arith.constant 128 : index
      %get3A_657 = arith.constant 0 : index
      %get3A_658 = vector.load %arg6[%get3A_656, %get3A_657] : memref<2048x768xf32, #tpu.memory_space<vmem>>, vector<128x384xf32>
      %add3A_659 = arith.addf %get3A_658, %add3A_655 : vector<128x384xf32>
      %swap3A = arith.constant 128 : index
      %swap3A_660 = arith.constant 0 : index
      %swap3A_661 = vector.load %arg6[%swap3A, %swap3A_660] : memref<2048x768xf32, #tpu.memory_space<vmem>>, vector<128x384xf32>
      tpu.vector_store %arg6[%swap3A, %swap3A_660], %add3A_659 {strides = array<i32>} : memref<2048x768xf32, #tpu.memory_space<vmem>>, vector<128x384xf32>,
      %dot_general3A_662 = arith.constant dense<0.000000e+00> : vector<128x384xf32>
      %dot_general3A_663 = tpu.matmul %convert_element_type3A_644, %convert_element_type3A_339, %dot_general3A_662 {dimension_numbers = #tpu.dot_dimension_numbers<[1], [1], [0], [0], [0, 0, 1, 0], [], []>, transpose_lhs_hint = false} : vector<128x768xbf16>, vector<384x768xbf16>, vector<128x384xf32> -> vector<128x384xf32>
      %slice3A_664 = vector.extract_strided_slice %get3A_344 {offsets = [0, 384], sizes = [1, 384], strides = [1, 1]} : vector<1x768xf32> to vector<1x384xf32>
      %mul3A_665 = vector.broadcast %select_n3A_650 : vector<128x1xf32> to vector<128x384xf32>
      %mul3A_666 = vector.broadcast %slice3A_664 : vector<1x384xf32> to vector<128x384xf32>
      %mul3A_667 = arith.mulf %mul3A_665, %mul3A_666 : vector<128x384xf32>
      %add3A_668 = arith.addf %dot_general3A_663, %mul3A_667 : vector<128x384xf32>
      %get3A_669 = arith.constant 128 : index
      %get3A_670 = arith.constant 384 : index
      %get3A_671 = vector.load %arg6[%get3A_669, %get3A_670] : memref<2048x768xf32, #tpu.memory_space<vmem>>, vector<128x384xf32>
      %add3A_672 = arith.addf %get3A_671, %add3A_668 : vector<128x384xf32>
      %swap3A_673 = arith.constant 128 : index
      %swap3A_674 = arith.constant 384 : index
      %swap3A_675 = vector.load %arg6[%swap3A_673, %swap3A_674] : memref<2048x768xf32, #tpu.memory_space<vmem>>, vector<128x384xf32>
      tpu.vector_store %arg6[%swap3A_673, %swap3A_674], %add3A_672 {strides = array<i32>} : memref<2048x768xf32, #tpu.memory_space<vmem>>, vector<128x384xf32>,
    } else {
    }
    %gt3A_361 = arith.constant 256 : i32
    %gt3A_362 = arith.cmpi sgt, %get3A_323, %gt3A_361 : i32
    %lt3A_363 = arith.constant 384 : i32
    %lt3A_364 = arith.cmpi slt, %get3A_319, %lt3A_363 : i32
    %and3A_365 = arith.andi %gt3A_362, %lt3A_364 : i1
    %convert_element_type3A_366 = arith.extui %and3A_365 : i1 to i32
    %cond3A_367 = arith.constant 0 : i32
    %cond3A_368 = arith.cmpi ne, %convert_element_type3A_366, %cond3A_367 : i32
    scf.if %cond3A_368 {
      %iota3A = tpu.iota {dimensions = array<i32: 0>} : vector<128x1xi32>
      %add3A_632 = arith.constant 256 : i32
      %add3A_633 = vector.broadcast %add3A_632 : i32 to vector<128x1xi32>
      %add3A_634 = arith.addi %add3A_633, %iota3A : vector<128x1xi32>
      %ge3A = vector.broadcast %get3A_319 : i32 to vector<128x1xi32>
      %ge3A_635 = arith.cmpi sge, %add3A_634, %ge3A : vector<128x1xi32>
      %lt3A_636 = vector.broadcast %get3A_323 : i32 to vector<128x1xi32>
      %lt3A_637 = arith.cmpi slt, %add3A_634, %lt3A_636 : vector<128x1xi32>
      %and3A_638 = arith.andi %ge3A_635, %lt3A_637 : vector<128x1xi1>
      %get3A_639 = arith.constant 256 : index
      %get3A_640 = arith.constant 0 : index
      %get3A_641 = vector.load %arg2[%get3A_639, %get3A_640] : memref<2048x896xf32, #tpu.memory_space<vmem>>, vector<128x768xf32>
      %jit3A = arith.constant 0.000000e+00 : f32
      %broadcast_in_dim3A = vector.shape_cast %and3A_638 : vector<128x1xi1> to vector<128x1xi1>
      %broadcast_in_dim3A_642 = vector.broadcast %broadcast_in_dim3A : vector<128x1xi1> to vector<128x768xi1>
      %broadcast_in_dim3A_643 = vector.broadcast %jit3A : f32 to vector<128x768xf32>
      %select_n3A = arith.select %broadcast_in_dim3A_642, %get3A_641, %broadcast_in_dim3A_643 : vector<128x768xi1>, vector<128x768xf32>
      %convert_element_type3A_644 = arith.truncf %select_n3A : vector<128x768xf32> to vector<128x768xbf16>
      %get3A_645 = arith.constant 256 : index
      %get3A_646 = arith.constant 768 : index
      %get3A_647 = vector.load %arg2[%get3A_645, %get3A_646] : memref<2048x896xf32, #tpu.memory_space<vmem>>, vector<128x1xf32>
      %jit3A_648 = arith.constant 0.000000e+00 : f32
      %broadcast_in_dim3A_649 = vector.broadcast %jit3A_648 : f32 to vector<128x1xf32>
      %select_n3A_650 = arith.select %and3A_638, %get3A_647, %broadcast_in_dim3A_649 : vector<128x1xi1>, vector<128x1xf32>
      %dot_general3A = arith.constant dense<0.000000e+00> : vector<128x384xf32>
      %dot_general3A_651 = tpu.matmul %convert_element_type3A_644, %convert_element_type3A_331, %dot_general3A {dimension_numbers = #tpu.dot_dimension_numbers<[1], [1], [0], [0], [0, 0, 1, 0], [], []>, transpose_lhs_hint = false} : vector<128x768xbf16>, vector<384x768xbf16>, vector<128x384xf32> -> vector<128x384xf32>
      %slice3A = vector.extract_strided_slice %get3A_344 {offsets = [0, 0], sizes = [1, 384], strides = [1, 1]} : vector<1x768xf32> to vector<1x384xf32>
      %mul3A_652 = vector.broadcast %select_n3A_650 : vector<128x1xf32> to vector<128x384xf32>
      %mul3A_653 = vector.broadcast %slice3A : vector<1x384xf32> to vector<128x384xf32>
      %mul3A_654 = arith.mulf %mul3A_652, %mul3A_653 : vector<128x384xf32>
      %add3A_655 = arith.addf %dot_general3A_651, %mul3A_654 : vector<128x384xf32>
      %get3A_656 = arith.constant 256 : index
      %get3A_657 = arith.constant 0 : index
      %get3A_658 = vector.load %arg6[%get3A_656, %get3A_657] : memref<2048x768xf32, #tpu.memory_space<vmem>>, vector<128x384xf32>
      %add3A_659 = arith.addf %get3A_658, %add3A_655 : vector<128x384xf32>
      %swap3A = arith.constant 256 : index
      %swap3A_660 = arith.constant 0 : index
      %swap3A_661 = vector.load %arg6[%swap3A, %swap3A_660] : memref<2048x768xf32, #tpu.memory_space<vmem>>, vector<128x384xf32>
      tpu.vector_store %arg6[%swap3A, %swap3A_660], %add3A_659 {strides = array<i32>} : memref<2048x768xf32, #tpu.memory_space<vmem>>, vector<128x384xf32>,
      %dot_general3A_662 = arith.constant dense<0.000000e+00> : vector<128x384xf32>
      %dot_general3A_663 = tpu.matmul %convert_element_type3A_644, %convert_element_type3A_339, %dot_general3A_662 {dimension_numbers = #tpu.dot_dimension_numbers<[1], [1], [0], [0], [0, 0, 1, 0], [], []>, transpose_lhs_hint = false} : vector<128x768xbf16>, vector<384x768xbf16>, vector<128x384xf32> -> vector<128x384xf32>
      %slice3A_664 = vector.extract_strided_slice %get3A_344 {offsets = [0, 384], sizes = [1, 384], strides = [1, 1]} : vector<1x768xf32> to vector<1x384xf32>
      %mul3A_665 = vector.broadcast %select_n3A_650 : vector<128x1xf32> to vector<128x384xf32>
      %mul3A_666 = vector.broadcast %slice3A_664 : vector<1x384xf32> to vector<128x384xf32>
      %mul3A_667 = arith.mulf %mul3A_665, %mul3A_666 : vector<128x384xf32>
      %add3A_668 = arith.addf %dot_general3A_663, %mul3A_667 : vector<128x384xf32>
      %get3A_669 = arith.constant 256 : index
      %get3A_670 = arith.constant 384 : index
      %get3A_671 = vector.load %arg6[%get3A_669, %get3A_670] : memref<2048x768xf32, #tpu.memory_space<vmem>>, vector<128x384xf32>
      %add3A_672 = arith.addf %get3A_671, %add3A_668 : vector<128x384xf32>
      %swap3A_673 = arith.constant 256 : index
      %swap3A_674 = arith.constant 384 : index
      %swap3A_675 = vector.load %arg6[%swap3A_673, %swap3A_674] : memref<2048x768xf32, #tpu.memory_space<vmem>>, vector<128x384xf32>
      tpu.vector_store %arg6[%swap3A_673, %swap3A_674], %add3A_672 {strides = array<i32>} : memref<2048x768xf32, #tpu.memory_space<vmem>>, vector<128x384xf32>,
    } else {
    }
    %gt3A_369 = arith.constant 384 : i32
    %gt3A_370 = arith.cmpi sgt, %get3A_323, %gt3A_369 : i32
    %lt3A_371 = arith.constant 512 : i32
    %lt3A_372 = arith.cmpi slt, %get3A_319, %lt3A_371 : i32
    %and3A_373 = arith.andi %gt3A_370, %lt3A_372 : i1
    %convert_element_type3A_374 = arith.extui %and3A_373 : i1 to i32
    %cond3A_375 = arith.constant 0 : i32
    %cond3A_376 = arith.cmpi ne, %convert_element_type3A_374, %cond3A_375 : i32
    scf.if %cond3A_376 {
      %iota3A = tpu.iota {dimensions = array<i32: 0>} : vector<128x1xi32>
      %add3A_632 = arith.constant 384 : i32
      %add3A_633 = vector.broadcast %add3A_632 : i32 to vector<128x1xi32>
      %add3A_634 = arith.addi %add3A_633, %iota3A : vector<128x1xi32>
      %ge3A = vector.broadcast %get3A_319 : i32 to vector<128x1xi32>
      %ge3A_635 = arith.cmpi sge, %add3A_634, %ge3A : vector<128x1xi32>
      %lt3A_636 = vector.broadcast %get3A_323 : i32 to vector<128x1xi32>
      %lt3A_637 = arith.cmpi slt, %add3A_634, %lt3A_636 : vector<128x1xi32>
      %and3A_638 = arith.andi %ge3A_635, %lt3A_637 : vector<128x1xi1>
      %get3A_639 = arith.constant 384 : index
      %get3A_640 = arith.constant 0 : index
      %get3A_641 = vector.load %arg2[%get3A_639, %get3A_640] : memref<2048x896xf32, #tpu.memory_space<vmem>>, vector<128x768xf32>
      %jit3A = arith.constant 0.000000e+00 : f32
      %broadcast_in_dim3A = vector.shape_cast %and3A_638 : vector<128x1xi1> to vector<128x1xi1>
      %broadcast_in_dim3A_642 = vector.broadcast %broadcast_in_dim3A : vector<128x1xi1> to vector<128x768xi1>
      %broadcast_in_dim3A_643 = vector.broadcast %jit3A : f32 to vector<128x768xf32>
      %select_n3A = arith.select %broadcast_in_dim3A_642, %get3A_641, %broadcast_in_dim3A_643 : vector<128x768xi1>, vector<128x768xf32>
      %convert_element_type3A_644 = arith.truncf %select_n3A : vector<128x768xf32> to vector<128x768xbf16>
      %get3A_645 = arith.constant 384 : index
      %get3A_646 = arith.constant 768 : index
      %get3A_647 = vector.load %arg2[%get3A_645, %get3A_646] : memref<2048x896xf32, #tpu.memory_space<vmem>>, vector<128x1xf32>
      %jit3A_648 = arith.constant 0.000000e+00 : f32
      %broadcast_in_dim3A_649 = vector.broadcast %jit3A_648 : f32 to vector<128x1xf32>
      %select_n3A_650 = arith.select %and3A_638, %get3A_647, %broadcast_in_dim3A_649 : vector<128x1xi1>, vector<128x1xf32>
      %dot_general3A = arith.constant dense<0.000000e+00> : vector<128x384xf32>
      %dot_general3A_651 = tpu.matmul %convert_element_type3A_644, %convert_element_type3A_331, %dot_general3A {dimension_numbers = #tpu.dot_dimension_numbers<[1], [1], [0], [0], [0, 0, 1, 0], [], []>, transpose_lhs_hint = false} : vector<128x768xbf16>, vector<384x768xbf16>, vector<128x384xf32> -> vector<128x384xf32>
      %slice3A = vector.extract_strided_slice %get3A_344 {offsets = [0, 0], sizes = [1, 384], strides = [1, 1]} : vector<1x768xf32> to vector<1x384xf32>
      %mul3A_652 = vector.broadcast %select_n3A_650 : vector<128x1xf32> to vector<128x384xf32>
      %mul3A_653 = vector.broadcast %slice3A : vector<1x384xf32> to vector<128x384xf32>
      %mul3A_654 = arith.mulf %mul3A_652, %mul3A_653 : vector<128x384xf32>
      %add3A_655 = arith.addf %dot_general3A_651, %mul3A_654 : vector<128x384xf32>
      %get3A_656 = arith.constant 384 : index
      %get3A_657 = arith.constant 0 : index
      %get3A_658 = vector.load %arg6[%get3A_656, %get3A_657] : memref<2048x768xf32, #tpu.memory_space<vmem>>, vector<128x384xf32>
      %add3A_659 = arith.addf %get3A_658, %add3A_655 : vector<128x384xf32>
      %swap3A = arith.constant 384 : index
      %swap3A_660 = arith.constant 0 : index
      %swap3A_661 = vector.load %arg6[%swap3A, %swap3A_660] : memref<2048x768xf32, #tpu.memory_space<vmem>>, vector<128x384xf32>
      tpu.vector_store %arg6[%swap3A, %swap3A_660], %add3A_659 {strides = array<i32>} : memref<2048x768xf32, #tpu.memory_space<vmem>>, vector<128x384xf32>,
      %dot_general3A_662 = arith.constant dense<0.000000e+00> : vector<128x384xf32>
      %dot_general3A_663 = tpu.matmul %convert_element_type3A_644, %convert_element_type3A_339, %dot_general3A_662 {dimension_numbers = #tpu.dot_dimension_numbers<[1], [1], [0], [0], [0, 0, 1, 0], [], []>, transpose_lhs_hint = false} : vector<128x768xbf16>, vector<384x768xbf16>, vector<128x384xf32> -> vector<128x384xf32>
      %slice3A_664 = vector.extract_strided_slice %get3A_344 {offsets = [0, 384], sizes = [1, 384], strides = [1, 1]} : vector<1x768xf32> to vector<1x384xf32>
      %mul3A_665 = vector.broadcast %select_n3A_650 : vector<128x1xf32> to vector<128x384xf32>
      %mul3A_666 = vector.broadcast %slice3A_664 : vector<1x384xf32> to vector<128x384xf32>
      %mul3A_667 = arith.mulf %mul3A_665, %mul3A_666 : vector<128x384xf32>
      %add3A_668 = arith.addf %dot_general3A_663, %mul3A_667 : vector<128x384xf32>
      %get3A_669 = arith.constant 384 : index
      %get3A_670 = arith.constant 384 : index
      %get3A_671 = vector.load %arg6[%get3A_669, %get3A_670] : memref<2048x768xf32, #tpu.memory_space<vmem>>, vector<128x384xf32>
      %add3A_672 = arith.addf %get3A_671, %add3A_668 : vector<128x384xf32>
      %swap3A_673 = arith.constant 384 : index
      %swap3A_674 = arith.constant 384 : index
      %swap3A_675 = vector.load %arg6[%swap3A_673, %swap3A_674] : memref<2048x768xf32, #tpu.memory_space<vmem>>, vector<128x384xf32>
      tpu.vector_store %arg6[%swap3A_673, %swap3A_674], %add3A_672 {strides = array<i32>} : memref<2048x768xf32, #tpu.memory_space<vmem>>, vector<128x384xf32>,
    } else {
    }
    %gt3A_377 = arith.constant 512 : i32
    %gt3A_378 = arith.cmpi sgt, %get3A_323, %gt3A_377 : i32
    %lt3A_379 = arith.constant 640 : i32
    %lt3A_380 = arith.cmpi slt, %get3A_319, %lt3A_379 : i32
    %and3A_381 = arith.andi %gt3A_378, %lt3A_380 : i1
    %convert_element_type3A_382 = arith.extui %and3A_381 : i1 to i32
    %cond3A_383 = arith.constant 0 : i32
    %cond3A_384 = arith.cmpi ne, %convert_element_type3A_382, %cond3A_383 : i32
    scf.if %cond3A_384 {
      %iota3A = tpu.iota {dimensions = array<i32: 0>} : vector<128x1xi32>
      %add3A_632 = arith.constant 512 : i32
      %add3A_633 = vector.broadcast %add3A_632 : i32 to vector<128x1xi32>
      %add3A_634 = arith.addi %add3A_633, %iota3A : vector<128x1xi32>
      %ge3A = vector.broadcast %get3A_319 : i32 to vector<128x1xi32>
      %ge3A_635 = arith.cmpi sge, %add3A_634, %ge3A : vector<128x1xi32>
      %lt3A_636 = vector.broadcast %get3A_323 : i32 to vector<128x1xi32>
      %lt3A_637 = arith.cmpi slt, %add3A_634, %lt3A_636 : vector<128x1xi32>
      %and3A_638 = arith.andi %ge3A_635, %lt3A_637 : vector<128x1xi1>
      %get3A_639 = arith.constant 512 : index
      %get3A_640 = arith.constant 0 : index
      %get3A_641 = vector.load %arg2[%get3A_639, %get3A_640] : memref<2048x896xf32, #tpu.memory_space<vmem>>, vector<128x768xf32>
      %jit3A = arith.constant 0.000000e+00 : f32
      %broadcast_in_dim3A = vector.shape_cast %and3A_638 : vector<128x1xi1> to vector<128x1xi1>
      %broadcast_in_dim3A_642 = vector.broadcast %broadcast_in_dim3A : vector<128x1xi1> to vector<128x768xi1>
      %broadcast_in_dim3A_643 = vector.broadcast %jit3A : f32 to vector<128x768xf32>
      %select_n3A = arith.select %broadcast_in_dim3A_642, %get3A_641, %broadcast_in_dim3A_643 : vector<128x768xi1>, vector<128x768xf32>
      %convert_element_type3A_644 = arith.truncf %select_n3A : vector<128x768xf32> to vector<128x768xbf16>
      %get3A_645 = arith.constant 512 : index
      %get3A_646 = arith.constant 768 : index
      %get3A_647 = vector.load %arg2[%get3A_645, %get3A_646] : memref<2048x896xf32, #tpu.memory_space<vmem>>, vector<128x1xf32>
      %jit3A_648 = arith.constant 0.000000e+00 : f32
      %broadcast_in_dim3A_649 = vector.broadcast %jit3A_648 : f32 to vector<128x1xf32>
      %select_n3A_650 = arith.select %and3A_638, %get3A_647, %broadcast_in_dim3A_649 : vector<128x1xi1>, vector<128x1xf32>
      %dot_general3A = arith.constant dense<0.000000e+00> : vector<128x384xf32>
      %dot_general3A_651 = tpu.matmul %convert_element_type3A_644, %convert_element_type3A_331, %dot_general3A {dimension_numbers = #tpu.dot_dimension_numbers<[1], [1], [0], [0], [0, 0, 1, 0], [], []>, transpose_lhs_hint = false} : vector<128x768xbf16>, vector<384x768xbf16>, vector<128x384xf32> -> vector<128x384xf32>
      %slice3A = vector.extract_strided_slice %get3A_344 {offsets = [0, 0], sizes = [1, 384], strides = [1, 1]} : vector<1x768xf32> to vector<1x384xf32>
      %mul3A_652 = vector.broadcast %select_n3A_650 : vector<128x1xf32> to vector<128x384xf32>
      %mul3A_653 = vector.broadcast %slice3A : vector<1x384xf32> to vector<128x384xf32>
      %mul3A_654 = arith.mulf %mul3A_652, %mul3A_653 : vector<128x384xf32>
      %add3A_655 = arith.addf %dot_general3A_651, %mul3A_654 : vector<128x384xf32>
      %get3A_656 = arith.constant 512 : index
      %get3A_657 = arith.constant 0 : index
      %get3A_658 = vector.load %arg6[%get3A_656, %get3A_657] : memref<2048x768xf32, #tpu.memory_space<vmem>>, vector<128x384xf32>
      %add3A_659 = arith.addf %get3A_658, %add3A_655 : vector<128x384xf32>
      %swap3A = arith.constant 512 : index
      %swap3A_660 = arith.constant 0 : index
      %swap3A_661 = vector.load %arg6[%swap3A, %swap3A_660] : memref<2048x768xf32, #tpu.memory_space<vmem>>, vector<128x384xf32>
      tpu.vector_store %arg6[%swap3A, %swap3A_660], %add3A_659 {strides = array<i32>} : memref<2048x768xf32, #tpu.memory_space<vmem>>, vector<128x384xf32>,
      %dot_general3A_662 = arith.constant dense<0.000000e+00> : vector<128x384xf32>
      %dot_general3A_663 = tpu.matmul %convert_element_type3A_644, %convert_element_type3A_339, %dot_general3A_662 {dimension_numbers = #tpu.dot_dimension_numbers<[1], [1], [0], [0], [0, 0, 1, 0], [], []>, transpose_lhs_hint = false} : vector<128x768xbf16>, vector<384x768xbf16>, vector<128x384xf32> -> vector<128x384xf32>
      %slice3A_664 = vector.extract_strided_slice %get3A_344 {offsets = [0, 384], sizes = [1, 384], strides = [1, 1]} : vector<1x768xf32> to vector<1x384xf32>
      %mul3A_665 = vector.broadcast %select_n3A_650 : vector<128x1xf32> to vector<128x384xf32>
      %mul3A_666 = vector.broadcast %slice3A_664 : vector<1x384xf32> to vector<128x384xf32>
      %mul3A_667 = arith.mulf %mul3A_665, %mul3A_666 : vector<128x384xf32>
      %add3A_668 = arith.addf %dot_general3A_663, %mul3A_667 : vector<128x384xf32>
      %get3A_669 = arith.constant 512 : index
      %get3A_670 = arith.constant 384 : index
      %get3A_671 = vector.load %arg6[%get3A_669, %get3A_670] : memref<2048x768xf32, #tpu.memory_space<vmem>>, vector<128x384xf32>
      %add3A_672 = arith.addf %get3A_671, %add3A_668 : vector<128x384xf32>
      %swap3A_673 = arith.constant 512 : index
      %swap3A_674 = arith.constant 384 : index
      %swap3A_675 = vector.load %arg6[%swap3A_673, %swap3A_674] : memref<2048x768xf32, #tpu.memory_space<vmem>>, vector<128x384xf32>
      tpu.vector_store %arg6[%swap3A_673, %swap3A_674], %add3A_672 {strides = array<i32>} : memref<2048x768xf32, #tpu.memory_space<vmem>>, vector<128x384xf32>,
    } else {
    }
    %gt3A_385 = arith.constant 640 : i32
    %gt3A_386 = arith.cmpi sgt, %get3A_323, %gt3A_385 : i32
    %lt3A_387 = arith.constant 768 : i32
    %lt3A_388 = arith.cmpi slt, %get3A_319, %lt3A_387 : i32
    %and3A_389 = arith.andi %gt3A_386, %lt3A_388 : i1
    %convert_element_type3A_390 = arith.extui %and3A_389 : i1 to i32
    %cond3A_391 = arith.constant 0 : i32
    %cond3A_392 = arith.cmpi ne, %convert_element_type3A_390, %cond3A_391 : i32
    scf.if %cond3A_392 {
      %iota3A = tpu.iota {dimensions = array<i32: 0>} : vector<128x1xi32>
      %add3A_632 = arith.constant 640 : i32
      %add3A_633 = vector.broadcast %add3A_632 : i32 to vector<128x1xi32>
      %add3A_634 = arith.addi %add3A_633, %iota3A : vector<128x1xi32>
      %ge3A = vector.broadcast %get3A_319 : i32 to vector<128x1xi32>
      %ge3A_635 = arith.cmpi sge, %add3A_634, %ge3A : vector<128x1xi32>
      %lt3A_636 = vector.broadcast %get3A_323 : i32 to vector<128x1xi32>
      %lt3A_637 = arith.cmpi slt, %add3A_634, %lt3A_636 : vector<128x1xi32>
      %and3A_638 = arith.andi %ge3A_635, %lt3A_637 : vector<128x1xi1>
      %get3A_639 = arith.constant 640 : index
      %get3A_640 = arith.constant 0 : index
      %get3A_641 = vector.load %arg2[%get3A_639, %get3A_640] : memref<2048x896xf32, #tpu.memory_space<vmem>>, vector<128x768xf32>
      %jit3A = arith.constant 0.000000e+00 : f32
      %broadcast_in_dim3A = vector.shape_cast %and3A_638 : vector<128x1xi1> to vector<128x1xi1>
      %broadcast_in_dim3A_642 = vector.broadcast %broadcast_in_dim3A : vector<128x1xi1> to vector<128x768xi1>
      %broadcast_in_dim3A_643 = vector.broadcast %jit3A : f32 to vector<128x768xf32>
      %select_n3A = arith.select %broadcast_in_dim3A_642, %get3A_641, %broadcast_in_dim3A_643 : vector<128x768xi1>, vector<128x768xf32>
      %convert_element_type3A_644 = arith.truncf %select_n3A : vector<128x768xf32> to vector<128x768xbf16>
      %get3A_645 = arith.constant 640 : index
      %get3A_646 = arith.constant 768 : index
      %get3A_647 = vector.load %arg2[%get3A_645, %get3A_646] : memref<2048x896xf32, #tpu.memory_space<vmem>>, vector<128x1xf32>
      %jit3A_648 = arith.constant 0.000000e+00 : f32
      %broadcast_in_dim3A_649 = vector.broadcast %jit3A_648 : f32 to vector<128x1xf32>
      %select_n3A_650 = arith.select %and3A_638, %get3A_647, %broadcast_in_dim3A_649 : vector<128x1xi1>, vector<128x1xf32>
      %dot_general3A = arith.constant dense<0.000000e+00> : vector<128x384xf32>
      %dot_general3A_651 = tpu.matmul %convert_element_type3A_644, %convert_element_type3A_331, %dot_general3A {dimension_numbers = #tpu.dot_dimension_numbers<[1], [1], [0], [0], [0, 0, 1, 0], [], []>, transpose_lhs_hint = false} : vector<128x768xbf16>, vector<384x768xbf16>, vector<128x384xf32> -> vector<128x384xf32>
      %slice3A = vector.extract_strided_slice %get3A_344 {offsets = [0, 0], sizes = [1, 384], strides = [1, 1]} : vector<1x768xf32> to vector<1x384xf32>
      %mul3A_652 = vector.broadcast %select_n3A_650 : vector<128x1xf32> to vector<128x384xf32>
      %mul3A_653 = vector.broadcast %slice3A : vector<1x384xf32> to vector<128x384xf32>
      %mul3A_654 = arith.mulf %mul3A_652, %mul3A_653 : vector<128x384xf32>
      %add3A_655 = arith.addf %dot_general3A_651, %mul3A_654 : vector<128x384xf32>
      %get3A_656 = arith.constant 640 : index
      %get3A_657 = arith.constant 0 : index
      %get3A_658 = vector.load %arg6[%get3A_656, %get3A_657] : memref<2048x768xf32, #tpu.memory_space<vmem>>, vector<128x384xf32>
      %add3A_659 = arith.addf %get3A_658, %add3A_655 : vector<128x384xf32>
      %swap3A = arith.constant 640 : index
      %swap3A_660 = arith.constant 0 : index
      %swap3A_661 = vector.load %arg6[%swap3A, %swap3A_660] : memref<2048x768xf32, #tpu.memory_space<vmem>>, vector<128x384xf32>
      tpu.vector_store %arg6[%swap3A, %swap3A_660], %add3A_659 {strides = array<i32>} : memref<2048x768xf32, #tpu.memory_space<vmem>>, vector<128x384xf32>,
      %dot_general3A_662 = arith.constant dense<0.000000e+00> : vector<128x384xf32>
      %dot_general3A_663 = tpu.matmul %convert_element_type3A_644, %convert_element_type3A_339, %dot_general3A_662 {dimension_numbers = #tpu.dot_dimension_numbers<[1], [1], [0], [0], [0, 0, 1, 0], [], []>, transpose_lhs_hint = false} : vector<128x768xbf16>, vector<384x768xbf16>, vector<128x384xf32> -> vector<128x384xf32>
      %slice3A_664 = vector.extract_strided_slice %get3A_344 {offsets = [0, 384], sizes = [1, 384], strides = [1, 1]} : vector<1x768xf32> to vector<1x384xf32>
      %mul3A_665 = vector.broadcast %select_n3A_650 : vector<128x1xf32> to vector<128x384xf32>
      %mul3A_666 = vector.broadcast %slice3A_664 : vector<1x384xf32> to vector<128x384xf32>
      %mul3A_667 = arith.mulf %mul3A_665, %mul3A_666 : vector<128x384xf32>
      %add3A_668 = arith.addf %dot_general3A_663, %mul3A_667 : vector<128x384xf32>
      %get3A_669 = arith.constant 640 : index
      %get3A_670 = arith.constant 384 : index
      %get3A_671 = vector.load %arg6[%get3A_669, %get3A_670] : memref<2048x768xf32, #tpu.memory_space<vmem>>, vector<128x384xf32>
      %add3A_672 = arith.addf %get3A_671, %add3A_668 : vector<128x384xf32>
      %swap3A_673 = arith.constant 640 : index
      %swap3A_674 = arith.constant 384 : index
      %swap3A_675 = vector.load %arg6[%swap3A_673, %swap3A_674] : memref<2048x768xf32, #tpu.memory_space<vmem>>, vector<128x384xf32>
      tpu.vector_store %arg6[%swap3A_673, %swap3A_674], %add3A_672 {strides = array<i32>} : memref<2048x768xf32, #tpu.memory_space<vmem>>, vector<128x384xf32>,
    } else {
    }
    %gt3A_393 = arith.constant 768 : i32
    %gt3A_394 = arith.cmpi sgt, %get3A_323, %gt3A_393 : i32
    %lt3A_395 = arith.constant 896 : i32
    %lt3A_396 = arith.cmpi slt, %get3A_319, %lt3A_395 : i32
    %and3A_397 = arith.andi %gt3A_394, %lt3A_396 : i1
    %convert_element_type3A_398 = arith.extui %and3A_397 : i1 to i32
    %cond3A_399 = arith.constant 0 : i32
    %cond3A_400 = arith.cmpi ne, %convert_element_type3A_398, %cond3A_399 : i32
    scf.if %cond3A_400 {
      %iota3A = tpu.iota {dimensions = array<i32: 0>} : vector<128x1xi32>
      %add3A_632 = arith.constant 768 : i32
      %add3A_633 = vector.broadcast %add3A_632 : i32 to vector<128x1xi32>
      %add3A_634 = arith.addi %add3A_633, %iota3A : vector<128x1xi32>
      %ge3A = vector.broadcast %get3A_319 : i32 to vector<128x1xi32>
      %ge3A_635 = arith.cmpi sge, %add3A_634, %ge3A : vector<128x1xi32>
      %lt3A_636 = vector.broadcast %get3A_323 : i32 to vector<128x1xi32>
      %lt3A_637 = arith.cmpi slt, %add3A_634, %lt3A_636 : vector<128x1xi32>
      %and3A_638 = arith.andi %ge3A_635, %lt3A_637 : vector<128x1xi1>
      %get3A_639 = arith.constant 768 : index
      %get3A_640 = arith.constant 0 : index
      %get3A_641 = vector.load %arg2[%get3A_639, %get3A_640] : memref<2048x896xf32, #tpu.memory_space<vmem>>, vector<128x768xf32>
      %jit3A = arith.constant 0.000000e+00 : f32
      %broadcast_in_dim3A = vector.shape_cast %and3A_638 : vector<128x1xi1> to vector<128x1xi1>
      %broadcast_in_dim3A_642 = vector.broadcast %broadcast_in_dim3A : vector<128x1xi1> to vector<128x768xi1>
      %broadcast_in_dim3A_643 = vector.broadcast %jit3A : f32 to vector<128x768xf32>
      %select_n3A = arith.select %broadcast_in_dim3A_642, %get3A_641, %broadcast_in_dim3A_643 : vector<128x768xi1>, vector<128x768xf32>
      %convert_element_type3A_644 = arith.truncf %select_n3A : vector<128x768xf32> to vector<128x768xbf16>
      %get3A_645 = arith.constant 768 : index
      %get3A_646 = arith.constant 768 : index
      %get3A_647 = vector.load %arg2[%get3A_645, %get3A_646] : memref<2048x896xf32, #tpu.memory_space<vmem>>, vector<128x1xf32>
      %jit3A_648 = arith.constant 0.000000e+00 : f32
      %broadcast_in_dim3A_649 = vector.broadcast %jit3A_648 : f32 to vector<128x1xf32>
      %select_n3A_650 = arith.select %and3A_638, %get3A_647, %broadcast_in_dim3A_649 : vector<128x1xi1>, vector<128x1xf32>
      %dot_general3A = arith.constant dense<0.000000e+00> : vector<128x384xf32>
      %dot_general3A_651 = tpu.matmul %convert_element_type3A_644, %convert_element_type3A_331, %dot_general3A {dimension_numbers = #tpu.dot_dimension_numbers<[1], [1], [0], [0], [0, 0, 1, 0], [], []>, transpose_lhs_hint = false} : vector<128x768xbf16>, vector<384x768xbf16>, vector<128x384xf32> -> vector<128x384xf32>
      %slice3A = vector.extract_strided_slice %get3A_344 {offsets = [0, 0], sizes = [1, 384], strides = [1, 1]} : vector<1x768xf32> to vector<1x384xf32>
      %mul3A_652 = vector.broadcast %select_n3A_650 : vector<128x1xf32> to vector<128x384xf32>
      %mul3A_653 = vector.broadcast %slice3A : vector<1x384xf32> to vector<128x384xf32>
      %mul3A_654 = arith.mulf %mul3A_652, %mul3A_653 : vector<128x384xf32>
      %add3A_655 = arith.addf %dot_general3A_651, %mul3A_654 : vector<128x384xf32>
      %get3A_656 = arith.constant 768 : index
      %get3A_657 = arith.constant 0 : index
      %get3A_658 = vector.load %arg6[%get3A_656, %get3A_657] : memref<2048x768xf32, #tpu.memory_space<vmem>>, vector<128x384xf32>
      %add3A_659 = arith.addf %get3A_658, %add3A_655 : vector<128x384xf32>
      %swap3A = arith.constant 768 : index
      %swap3A_660 = arith.constant 0 : index
      %swap3A_661 = vector.load %arg6[%swap3A, %swap3A_660] : memref<2048x768xf32, #tpu.memory_space<vmem>>, vector<128x384xf32>
      tpu.vector_store %arg6[%swap3A, %swap3A_660], %add3A_659 {strides = array<i32>} : memref<2048x768xf32, #tpu.memory_space<vmem>>, vector<128x384xf32>,
      %dot_general3A_662 = arith.constant dense<0.000000e+00> : vector<128x384xf32>
      %dot_general3A_663 = tpu.matmul %convert_element_type3A_644, %convert_element_type3A_339, %dot_general3A_662 {dimension_numbers = #tpu.dot_dimension_numbers<[1], [1], [0], [0], [0, 0, 1, 0], [], []>, transpose_lhs_hint = false} : vector<128x768xbf16>, vector<384x768xbf16>, vector<128x384xf32> -> vector<128x384xf32>
      %slice3A_664 = vector.extract_strided_slice %get3A_344 {offsets = [0, 384], sizes = [1, 384], strides = [1, 1]} : vector<1x768xf32> to vector<1x384xf32>
      %mul3A_665 = vector.broadcast %select_n3A_650 : vector<128x1xf32> to vector<128x384xf32>
      %mul3A_666 = vector.broadcast %slice3A_664 : vector<1x384xf32> to vector<128x384xf32>
      %mul3A_667 = arith.mulf %mul3A_665, %mul3A_666 : vector<128x384xf32>
      %add3A_668 = arith.addf %dot_general3A_663, %mul3A_667 : vector<128x384xf32>
      %get3A_669 = arith.constant 768 : index
      %get3A_670 = arith.constant 384 : index
      %get3A_671 = vector.load %arg6[%get3A_669, %get3A_670] : memref<2048x768xf32, #tpu.memory_space<vmem>>, vector<128x384xf32>
      %add3A_672 = arith.addf %get3A_671, %add3A_668 : vector<128x384xf32>
      %swap3A_673 = arith.constant 768 : index
      %swap3A_674 = arith.constant 384 : index
      %swap3A_675 = vector.load %arg6[%swap3A_673, %swap3A_674] : memref<2048x768xf32, #tpu.memory_space<vmem>>, vector<128x384xf32>
      tpu.vector_store %arg6[%swap3A_673, %swap3A_674], %add3A_672 {strides = array<i32>} : memref<2048x768xf32, #tpu.memory_space<vmem>>, vector<128x384xf32>,
    } else {
    }
    %gt3A_401 = arith.constant 896 : i32
    %gt3A_402 = arith.cmpi sgt, %get3A_323, %gt3A_401 : i32
    %lt3A_403 = arith.constant 1024 : i32
    %lt3A_404 = arith.cmpi slt, %get3A_319, %lt3A_403 : i32
    %and3A_405 = arith.andi %gt3A_402, %lt3A_404 : i1
    %convert_element_type3A_406 = arith.extui %and3A_405 : i1 to i32
    %cond3A_407 = arith.constant 0 : i32
    %cond3A_408 = arith.cmpi ne, %convert_element_type3A_406, %cond3A_407 : i32
    scf.if %cond3A_408 {
      %iota3A = tpu.iota {dimensions = array<i32: 0>} : vector<128x1xi32>
      %add3A_632 = arith.constant 896 : i32
      %add3A_633 = vector.broadcast %add3A_632 : i32 to vector<128x1xi32>
      %add3A_634 = arith.addi %add3A_633, %iota3A : vector<128x1xi32>
      %ge3A = vector.broadcast %get3A_319 : i32 to vector<128x1xi32>
      %ge3A_635 = arith.cmpi sge, %add3A_634, %ge3A : vector<128x1xi32>
      %lt3A_636 = vector.broadcast %get3A_323 : i32 to vector<128x1xi32>
      %lt3A_637 = arith.cmpi slt, %add3A_634, %lt3A_636 : vector<128x1xi32>
      %and3A_638 = arith.andi %ge3A_635, %lt3A_637 : vector<128x1xi1>
      %get3A_639 = arith.constant 896 : index
      %get3A_640 = arith.constant 0 : index
      %get3A_641 = vector.load %arg2[%get3A_639, %get3A_640] : memref<2048x896xf32, #tpu.memory_space<vmem>>, vector<128x768xf32>
      %jit3A = arith.constant 0.000000e+00 : f32
      %broadcast_in_dim3A = vector.shape_cast %and3A_638 : vector<128x1xi1> to vector<128x1xi1>
      %broadcast_in_dim3A_642 = vector.broadcast %broadcast_in_dim3A : vector<128x1xi1> to vector<128x768xi1>
      %broadcast_in_dim3A_643 = vector.broadcast %jit3A : f32 to vector<128x768xf32>
      %select_n3A = arith.select %broadcast_in_dim3A_642, %get3A_641, %broadcast_in_dim3A_643 : vector<128x768xi1>, vector<128x768xf32>
      %convert_element_type3A_644 = arith.truncf %select_n3A : vector<128x768xf32> to vector<128x768xbf16>
      %get3A_645 = arith.constant 896 : index
      %get3A_646 = arith.constant 768 : index
      %get3A_647 = vector.load %arg2[%get3A_645, %get3A_646] : memref<2048x896xf32, #tpu.memory_space<vmem>>, vector<128x1xf32>
      %jit3A_648 = arith.constant 0.000000e+00 : f32
      %broadcast_in_dim3A_649 = vector.broadcast %jit3A_648 : f32 to vector<128x1xf32>
      %select_n3A_650 = arith.select %and3A_638, %get3A_647, %broadcast_in_dim3A_649 : vector<128x1xi1>, vector<128x1xf32>
      %dot_general3A = arith.constant dense<0.000000e+00> : vector<128x384xf32>
      %dot_general3A_651 = tpu.matmul %convert_element_type3A_644, %convert_element_type3A_331, %dot_general3A {dimension_numbers = #tpu.dot_dimension_numbers<[1], [1], [0], [0], [0, 0, 1, 0], [], []>, transpose_lhs_hint = false} : vector<128x768xbf16>, vector<384x768xbf16>, vector<128x384xf32> -> vector<128x384xf32>
      %slice3A = vector.extract_strided_slice %get3A_344 {offsets = [0, 0], sizes = [1, 384], strides = [1, 1]} : vector<1x768xf32> to vector<1x384xf32>
      %mul3A_652 = vector.broadcast %select_n3A_650 : vector<128x1xf32> to vector<128x384xf32>
      %mul3A_653 = vector.broadcast %slice3A : vector<1x384xf32> to vector<128x384xf32>
      %mul3A_654 = arith.mulf %mul3A_652, %mul3A_653 : vector<128x384xf32>
      %add3A_655 = arith.addf %dot_general3A_651, %mul3A_654 : vector<128x384xf32>
      %get3A_656 = arith.constant 896 : index
      %get3A_657 = arith.constant 0 : index
      %get3A_658 = vector.load %arg6[%get3A_656, %get3A_657] : memref<2048x768xf32, #tpu.memory_space<vmem>>, vector<128x384xf32>
      %add3A_659 = arith.addf %get3A_658, %add3A_655 : vector<128x384xf32>
      %swap3A = arith.constant 896 : index
      %swap3A_660 = arith.constant 0 : index
      %swap3A_661 = vector.load %arg6[%swap3A, %swap3A_660] : memref<2048x768xf32, #tpu.memory_space<vmem>>, vector<128x384xf32>
      tpu.vector_store %arg6[%swap3A, %swap3A_660], %add3A_659 {strides = array<i32>} : memref<2048x768xf32, #tpu.memory_space<vmem>>, vector<128x384xf32>,
      %dot_general3A_662 = arith.constant dense<0.000000e+00> : vector<128x384xf32>
      %dot_general3A_663 = tpu.matmul %convert_element_type3A_644, %convert_element_type3A_339, %dot_general3A_662 {dimension_numbers = #tpu.dot_dimension_numbers<[1], [1], [0], [0], [0, 0, 1, 0], [], []>, transpose_lhs_hint = false} : vector<128x768xbf16>, vector<384x768xbf16>, vector<128x384xf32> -> vector<128x384xf32>
      %slice3A_664 = vector.extract_strided_slice %get3A_344 {offsets = [0, 384], sizes = [1, 384], strides = [1, 1]} : vector<1x768xf32> to vector<1x384xf32>
      %mul3A_665 = vector.broadcast %select_n3A_650 : vector<128x1xf32> to vector<128x384xf32>
      %mul3A_666 = vector.broadcast %slice3A_664 : vector<1x384xf32> to vector<128x384xf32>
      %mul3A_667 = arith.mulf %mul3A_665, %mul3A_666 : vector<128x384xf32>
      %add3A_668 = arith.addf %dot_general3A_663, %mul3A_667 : vector<128x384xf32>
      %get3A_669 = arith.constant 896 : index
      %get3A_670 = arith.constant 384 : index
      %get3A_671 = vector.load %arg6[%get3A_669, %get3A_670] : memref<2048x768xf32, #tpu.memory_space<vmem>>, vector<128x384xf32>
      %add3A_672 = arith.addf %get3A_671, %add3A_668 : vector<128x384xf32>
      %swap3A_673 = arith.constant 896 : index
      %swap3A_674 = arith.constant 384 : index
      %swap3A_675 = vector.load %arg6[%swap3A_673, %swap3A_674] : memref<2048x768xf32, #tpu.memory_space<vmem>>, vector<128x384xf32>
      tpu.vector_store %arg6[%swap3A_673, %swap3A_674], %add3A_672 {strides = array<i32>} : memref<2048x768xf32, #tpu.memory_space<vmem>>, vector<128x384xf32>,
    } else {
    }
    %gt3A_409 = arith.constant 1024 : i32
    %gt3A_410 = arith.cmpi sgt, %get3A_323, %gt3A_409 : i32
    %lt3A_411 = arith.constant 1152 : i32
    %lt3A_412 = arith.cmpi slt, %get3A_319, %lt3A_411 : i32
    %and3A_413 = arith.andi %gt3A_410, %lt3A_412 : i1
    %convert_element_type3A_414 = arith.extui %and3A_413 : i1 to i32
    %cond3A_415 = arith.constant 0 : i32
    %cond3A_416 = arith.cmpi ne, %convert_element_type3A_414, %cond3A_415 : i32
    scf.if %cond3A_416 {
      %iota3A = tpu.iota {dimensions = array<i32: 0>} : vector<128x1xi32>
      %add3A_632 = arith.constant 1024 : i32
      %add3A_633 = vector.broadcast %add3A_632 : i32 to vector<128x1xi32>
      %add3A_634 = arith.addi %add3A_633, %iota3A : vector<128x1xi32>
      %ge3A = vector.broadcast %get3A_319 : i32 to vector<128x1xi32>
      %ge3A_635 = arith.cmpi sge, %add3A_634, %ge3A : vector<128x1xi32>
      %lt3A_636 = vector.broadcast %get3A_323 : i32 to vector<128x1xi32>
      %lt3A_637 = arith.cmpi slt, %add3A_634, %lt3A_636 : vector<128x1xi32>
      %and3A_638 = arith.andi %ge3A_635, %lt3A_637 : vector<128x1xi1>
      %get3A_639 = arith.constant 1024 : index
      %get3A_640 = arith.constant 0 : index
      %get3A_641 = vector.load %arg2[%get3A_639, %get3A_640] : memref<2048x896xf32, #tpu.memory_space<vmem>>, vector<128x768xf32>
      %jit3A = arith.constant 0.000000e+00 : f32
      %broadcast_in_dim3A = vector.shape_cast %and3A_638 : vector<128x1xi1> to vector<128x1xi1>
      %broadcast_in_dim3A_642 = vector.broadcast %broadcast_in_dim3A : vector<128x1xi1> to vector<128x768xi1>
      %broadcast_in_dim3A_643 = vector.broadcast %jit3A : f32 to vector<128x768xf32>
      %select_n3A = arith.select %broadcast_in_dim3A_642, %get3A_641, %broadcast_in_dim3A_643 : vector<128x768xi1>, vector<128x768xf32>
      %convert_element_type3A_644 = arith.truncf %select_n3A : vector<128x768xf32> to vector<128x768xbf16>
      %get3A_645 = arith.constant 1024 : index
      %get3A_646 = arith.constant 768 : index
      %get3A_647 = vector.load %arg2[%get3A_645, %get3A_646] : memref<2048x896xf32, #tpu.memory_space<vmem>>, vector<128x1xf32>
      %jit3A_648 = arith.constant 0.000000e+00 : f32
      %broadcast_in_dim3A_649 = vector.broadcast %jit3A_648 : f32 to vector<128x1xf32>
      %select_n3A_650 = arith.select %and3A_638, %get3A_647, %broadcast_in_dim3A_649 : vector<128x1xi1>, vector<128x1xf32>
      %dot_general3A = arith.constant dense<0.000000e+00> : vector<128x384xf32>
      %dot_general3A_651 = tpu.matmul %convert_element_type3A_644, %convert_element_type3A_331, %dot_general3A {dimension_numbers = #tpu.dot_dimension_numbers<[1], [1], [0], [0], [0, 0, 1, 0], [], []>, transpose_lhs_hint = false} : vector<128x768xbf16>, vector<384x768xbf16>, vector<128x384xf32> -> vector<128x384xf32>
      %slice3A = vector.extract_strided_slice %get3A_344 {offsets = [0, 0], sizes = [1, 384], strides = [1, 1]} : vector<1x768xf32> to vector<1x384xf32>
      %mul3A_652 = vector.broadcast %select_n3A_650 : vector<128x1xf32> to vector<128x384xf32>
      %mul3A_653 = vector.broadcast %slice3A : vector<1x384xf32> to vector<128x384xf32>
      %mul3A_654 = arith.mulf %mul3A_652, %mul3A_653 : vector<128x384xf32>
      %add3A_655 = arith.addf %dot_general3A_651, %mul3A_654 : vector<128x384xf32>
      %get3A_656 = arith.constant 1024 : index
      %get3A_657 = arith.constant 0 : index
      %get3A_658 = vector.load %arg6[%get3A_656, %get3A_657] : memref<2048x768xf32, #tpu.memory_space<vmem>>, vector<128x384xf32>
      %add3A_659 = arith.addf %get3A_658, %add3A_655 : vector<128x384xf32>
      %swap3A = arith.constant 1024 : index
      %swap3A_660 = arith.constant 0 : index
      %swap3A_661 = vector.load %arg6[%swap3A, %swap3A_660] : memref<2048x768xf32, #tpu.memory_space<vmem>>, vector<128x384xf32>
      tpu.vector_store %arg6[%swap3A, %swap3A_660], %add3A_659 {strides = array<i32>} : memref<2048x768xf32, #tpu.memory_space<vmem>>, vector<128x384xf32>,
      %dot_general3A_662 = arith.constant dense<0.000000e+00> : vector<128x384xf32>
      %dot_general3A_663 = tpu.matmul %convert_element_type3A_644, %convert_element_type3A_339, %dot_general3A_662 {dimension_numbers = #tpu.dot_dimension_numbers<[1], [1], [0], [0], [0, 0, 1, 0], [], []>, transpose_lhs_hint = false} : vector<128x768xbf16>, vector<384x768xbf16>, vector<128x384xf32> -> vector<128x384xf32>
      %slice3A_664 = vector.extract_strided_slice %get3A_344 {offsets = [0, 384], sizes = [1, 384], strides = [1, 1]} : vector<1x768xf32> to vector<1x384xf32>
      %mul3A_665 = vector.broadcast %select_n3A_650 : vector<128x1xf32> to vector<128x384xf32>
      %mul3A_666 = vector.broadcast %slice3A_664 : vector<1x384xf32> to vector<128x384xf32>
      %mul3A_667 = arith.mulf %mul3A_665, %mul3A_666 : vector<128x384xf32>
      %add3A_668 = arith.addf %dot_general3A_663, %mul3A_667 : vector<128x384xf32>
      %get3A_669 = arith.constant 1024 : index
      %get3A_670 = arith.constant 384 : index
      %get3A_671 = vector.load %arg6[%get3A_669, %get3A_670] : memref<2048x768xf32, #tpu.memory_space<vmem>>, vector<128x384xf32>
      %add3A_672 = arith.addf %get3A_671, %add3A_668 : vector<128x384xf32>
      %swap3A_673 = arith.constant 1024 : index
      %swap3A_674 = arith.constant 384 : index
      %swap3A_675 = vector.load %arg6[%swap3A_673, %swap3A_674] : memref<2048x768xf32, #tpu.memory_space<vmem>>, vector<128x384xf32>
      tpu.vector_store %arg6[%swap3A_673, %swap3A_674], %add3A_672 {strides = array<i32>} : memref<2048x768xf32, #tpu.memory_space<vmem>>, vector<128x384xf32>,
    } else {
    }
    %gt3A_417 = arith.constant 1152 : i32
    %gt3A_418 = arith.cmpi sgt, %get3A_323, %gt3A_417 : i32
    %lt3A_419 = arith.constant 1280 : i32
    %lt3A_420 = arith.cmpi slt, %get3A_319, %lt3A_419 : i32
    %and3A_421 = arith.andi %gt3A_418, %lt3A_420 : i1
    %convert_element_type3A_422 = arith.extui %and3A_421 : i1 to i32
    %cond3A_423 = arith.constant 0 : i32
    %cond3A_424 = arith.cmpi ne, %convert_element_type3A_422, %cond3A_423 : i32
    scf.if %cond3A_424 {
      %iota3A = tpu.iota {dimensions = array<i32: 0>} : vector<128x1xi32>
      %add3A_632 = arith.constant 1152 : i32
      %add3A_633 = vector.broadcast %add3A_632 : i32 to vector<128x1xi32>
      %add3A_634 = arith.addi %add3A_633, %iota3A : vector<128x1xi32>
      %ge3A = vector.broadcast %get3A_319 : i32 to vector<128x1xi32>
      %ge3A_635 = arith.cmpi sge, %add3A_634, %ge3A : vector<128x1xi32>
      %lt3A_636 = vector.broadcast %get3A_323 : i32 to vector<128x1xi32>
      %lt3A_637 = arith.cmpi slt, %add3A_634, %lt3A_636 : vector<128x1xi32>
      %and3A_638 = arith.andi %ge3A_635, %lt3A_637 : vector<128x1xi1>
      %get3A_639 = arith.constant 1152 : index
      %get3A_640 = arith.constant 0 : index
      %get3A_641 = vector.load %arg2[%get3A_639, %get3A_640] : memref<2048x896xf32, #tpu.memory_space<vmem>>, vector<128x768xf32>
      %jit3A = arith.constant 0.000000e+00 : f32
      %broadcast_in_dim3A = vector.shape_cast %and3A_638 : vector<128x1xi1> to vector<128x1xi1>
      %broadcast_in_dim3A_642 = vector.broadcast %broadcast_in_dim3A : vector<128x1xi1> to vector<128x768xi1>
      %broadcast_in_dim3A_643 = vector.broadcast %jit3A : f32 to vector<128x768xf32>
      %select_n3A = arith.select %broadcast_in_dim3A_642, %get3A_641, %broadcast_in_dim3A_643 : vector<128x768xi1>, vector<128x768xf32>
      %convert_element_type3A_644 = arith.truncf %select_n3A : vector<128x768xf32> to vector<128x768xbf16>
      %get3A_645 = arith.constant 1152 : index
      %get3A_646 = arith.constant 768 : index
      %get3A_647 = vector.load %arg2[%get3A_645, %get3A_646] : memref<2048x896xf32, #tpu.memory_space<vmem>>, vector<128x1xf32>
      %jit3A_648 = arith.constant 0.000000e+00 : f32
      %broadcast_in_dim3A_649 = vector.broadcast %jit3A_648 : f32 to vector<128x1xf32>
      %select_n3A_650 = arith.select %and3A_638, %get3A_647, %broadcast_in_dim3A_649 : vector<128x1xi1>, vector<128x1xf32>
      %dot_general3A = arith.constant dense<0.000000e+00> : vector<128x384xf32>
      %dot_general3A_651 = tpu.matmul %convert_element_type3A_644, %convert_element_type3A_331, %dot_general3A {dimension_numbers = #tpu.dot_dimension_numbers<[1], [1], [0], [0], [0, 0, 1, 0], [], []>, transpose_lhs_hint = false} : vector<128x768xbf16>, vector<384x768xbf16>, vector<128x384xf32> -> vector<128x384xf32>
      %slice3A = vector.extract_strided_slice %get3A_344 {offsets = [0, 0], sizes = [1, 384], strides = [1, 1]} : vector<1x768xf32> to vector<1x384xf32>
      %mul3A_652 = vector.broadcast %select_n3A_650 : vector<128x1xf32> to vector<128x384xf32>
      %mul3A_653 = vector.broadcast %slice3A : vector<1x384xf32> to vector<128x384xf32>
      %mul3A_654 = arith.mulf %mul3A_652, %mul3A_653 : vector<128x384xf32>
      %add3A_655 = arith.addf %dot_general3A_651, %mul3A_654 : vector<128x384xf32>
      %get3A_656 = arith.constant 1152 : index
      %get3A_657 = arith.constant 0 : index
      %get3A_658 = vector.load %arg6[%get3A_656, %get3A_657] : memref<2048x768xf32, #tpu.memory_space<vmem>>, vector<128x384xf32>
      %add3A_659 = arith.addf %get3A_658, %add3A_655 : vector<128x384xf32>
      %swap3A = arith.constant 1152 : index
      %swap3A_660 = arith.constant 0 : index
      %swap3A_661 = vector.load %arg6[%swap3A, %swap3A_660] : memref<2048x768xf32, #tpu.memory_space<vmem>>, vector<128x384xf32>
      tpu.vector_store %arg6[%swap3A, %swap3A_660], %add3A_659 {strides = array<i32>} : memref<2048x768xf32, #tpu.memory_space<vmem>>, vector<128x384xf32>,
      %dot_general3A_662 = arith.constant dense<0.000000e+00> : vector<128x384xf32>
      %dot_general3A_663 = tpu.matmul %convert_element_type3A_644, %convert_element_type3A_339, %dot_general3A_662 {dimension_numbers = #tpu.dot_dimension_numbers<[1], [1], [0], [0], [0, 0, 1, 0], [], []>, transpose_lhs_hint = false} : vector<128x768xbf16>, vector<384x768xbf16>, vector<128x384xf32> -> vector<128x384xf32>
      %slice3A_664 = vector.extract_strided_slice %get3A_344 {offsets = [0, 384], sizes = [1, 384], strides = [1, 1]} : vector<1x768xf32> to vector<1x384xf32>
      %mul3A_665 = vector.broadcast %select_n3A_650 : vector<128x1xf32> to vector<128x384xf32>
      %mul3A_666 = vector.broadcast %slice3A_664 : vector<1x384xf32> to vector<128x384xf32>
      %mul3A_667 = arith.mulf %mul3A_665, %mul3A_666 : vector<128x384xf32>
      %add3A_668 = arith.addf %dot_general3A_663, %mul3A_667 : vector<128x384xf32>
      %get3A_669 = arith.constant 1152 : index
      %get3A_670 = arith.constant 384 : index
      %get3A_671 = vector.load %arg6[%get3A_669, %get3A_670] : memref<2048x768xf32, #tpu.memory_space<vmem>>, vector<128x384xf32>
      %add3A_672 = arith.addf %get3A_671, %add3A_668 : vector<128x384xf32>
      %swap3A_673 = arith.constant 1152 : index
      %swap3A_674 = arith.constant 384 : index
      %swap3A_675 = vector.load %arg6[%swap3A_673, %swap3A_674] : memref<2048x768xf32, #tpu.memory_space<vmem>>, vector<128x384xf32>
      tpu.vector_store %arg6[%swap3A_673, %swap3A_674], %add3A_672 {strides = array<i32>} : memref<2048x768xf32, #tpu.memory_space<vmem>>, vector<128x384xf32>,
    } else {
    }
    %gt3A_425 = arith.constant 1280 : i32
    %gt3A_426 = arith.cmpi sgt, %get3A_323, %gt3A_425 : i32
    %lt3A_427 = arith.constant 1408 : i32
    %lt3A_428 = arith.cmpi slt, %get3A_319, %lt3A_427 : i32
    %and3A_429 = arith.andi %gt3A_426, %lt3A_428 : i1
    %convert_element_type3A_430 = arith.extui %and3A_429 : i1 to i32
    %cond3A_431 = arith.constant 0 : i32
    %cond3A_432 = arith.cmpi ne, %convert_element_type3A_430, %cond3A_431 : i32
    scf.if %cond3A_432 {
      %iota3A = tpu.iota {dimensions = array<i32: 0>} : vector<128x1xi32>
      %add3A_632 = arith.constant 1280 : i32
      %add3A_633 = vector.broadcast %add3A_632 : i32 to vector<128x1xi32>
      %add3A_634 = arith.addi %add3A_633, %iota3A : vector<128x1xi32>
      %ge3A = vector.broadcast %get3A_319 : i32 to vector<128x1xi32>
      %ge3A_635 = arith.cmpi sge, %add3A_634, %ge3A : vector<128x1xi32>
      %lt3A_636 = vector.broadcast %get3A_323 : i32 to vector<128x1xi32>
      %lt3A_637 = arith.cmpi slt, %add3A_634, %lt3A_636 : vector<128x1xi32>
      %and3A_638 = arith.andi %ge3A_635, %lt3A_637 : vector<128x1xi1>
      %get3A_639 = arith.constant 1280 : index
      %get3A_640 = arith.constant 0 : index
      %get3A_641 = vector.load %arg2[%get3A_639, %get3A_640] : memref<2048x896xf32, #tpu.memory_space<vmem>>, vector<128x768xf32>
      %jit3A = arith.constant 0.000000e+00 : f32
      %broadcast_in_dim3A = vector.shape_cast %and3A_638 : vector<128x1xi1> to vector<128x1xi1>
      %broadcast_in_dim3A_642 = vector.broadcast %broadcast_in_dim3A : vector<128x1xi1> to vector<128x768xi1>
      %broadcast_in_dim3A_643 = vector.broadcast %jit3A : f32 to vector<128x768xf32>
      %select_n3A = arith.select %broadcast_in_dim3A_642, %get3A_641, %broadcast_in_dim3A_643 : vector<128x768xi1>, vector<128x768xf32>
      %convert_element_type3A_644 = arith.truncf %select_n3A : vector<128x768xf32> to vector<128x768xbf16>
      %get3A_645 = arith.constant 1280 : index
      %get3A_646 = arith.constant 768 : index
      %get3A_647 = vector.load %arg2[%get3A_645, %get3A_646] : memref<2048x896xf32, #tpu.memory_space<vmem>>, vector<128x1xf32>
      %jit3A_648 = arith.constant 0.000000e+00 : f32
      %broadcast_in_dim3A_649 = vector.broadcast %jit3A_648 : f32 to vector<128x1xf32>
      %select_n3A_650 = arith.select %and3A_638, %get3A_647, %broadcast_in_dim3A_649 : vector<128x1xi1>, vector<128x1xf32>
      %dot_general3A = arith.constant dense<0.000000e+00> : vector<128x384xf32>
      %dot_general3A_651 = tpu.matmul %convert_element_type3A_644, %convert_element_type3A_331, %dot_general3A {dimension_numbers = #tpu.dot_dimension_numbers<[1], [1], [0], [0], [0, 0, 1, 0], [], []>, transpose_lhs_hint = false} : vector<128x768xbf16>, vector<384x768xbf16>, vector<128x384xf32> -> vector<128x384xf32>
      %slice3A = vector.extract_strided_slice %get3A_344 {offsets = [0, 0], sizes = [1, 384], strides = [1, 1]} : vector<1x768xf32> to vector<1x384xf32>
      %mul3A_652 = vector.broadcast %select_n3A_650 : vector<128x1xf32> to vector<128x384xf32>
      %mul3A_653 = vector.broadcast %slice3A : vector<1x384xf32> to vector<128x384xf32>
      %mul3A_654 = arith.mulf %mul3A_652, %mul3A_653 : vector<128x384xf32>
      %add3A_655 = arith.addf %dot_general3A_651, %mul3A_654 : vector<128x384xf32>
      %get3A_656 = arith.constant 1280 : index
      %get3A_657 = arith.constant 0 : index
      %get3A_658 = vector.load %arg6[%get3A_656, %get3A_657] : memref<2048x768xf32, #tpu.memory_space<vmem>>, vector<128x384xf32>
      %add3A_659 = arith.addf %get3A_658, %add3A_655 : vector<128x384xf32>
      %swap3A = arith.constant 1280 : index
      %swap3A_660 = arith.constant 0 : index
      %swap3A_661 = vector.load %arg6[%swap3A, %swap3A_660] : memref<2048x768xf32, #tpu.memory_space<vmem>>, vector<128x384xf32>
      tpu.vector_store %arg6[%swap3A, %swap3A_660], %add3A_659 {strides = array<i32>} : memref<2048x768xf32, #tpu.memory_space<vmem>>, vector<128x384xf32>,
      %dot_general3A_662 = arith.constant dense<0.000000e+00> : vector<128x384xf32>
      %dot_general3A_663 = tpu.matmul %convert_element_type3A_644, %convert_element_type3A_339, %dot_general3A_662 {dimension_numbers = #tpu.dot_dimension_numbers<[1], [1], [0], [0], [0, 0, 1, 0], [], []>, transpose_lhs_hint = false} : vector<128x768xbf16>, vector<384x768xbf16>, vector<128x384xf32> -> vector<128x384xf32>
      %slice3A_664 = vector.extract_strided_slice %get3A_344 {offsets = [0, 384], sizes = [1, 384], strides = [1, 1]} : vector<1x768xf32> to vector<1x384xf32>
      %mul3A_665 = vector.broadcast %select_n3A_650 : vector<128x1xf32> to vector<128x384xf32>
      %mul3A_666 = vector.broadcast %slice3A_664 : vector<1x384xf32> to vector<128x384xf32>
      %mul3A_667 = arith.mulf %mul3A_665, %mul3A_666 : vector<128x384xf32>
      %add3A_668 = arith.addf %dot_general3A_663, %mul3A_667 : vector<128x384xf32>
      %get3A_669 = arith.constant 1280 : index
      %get3A_670 = arith.constant 384 : index
      %get3A_671 = vector.load %arg6[%get3A_669, %get3A_670] : memref<2048x768xf32, #tpu.memory_space<vmem>>, vector<128x384xf32>
      %add3A_672 = arith.addf %get3A_671, %add3A_668 : vector<128x384xf32>
      %swap3A_673 = arith.constant 1280 : index
      %swap3A_674 = arith.constant 384 : index
      %swap3A_675 = vector.load %arg6[%swap3A_673, %swap3A_674] : memref<2048x768xf32, #tpu.memory_space<vmem>>, vector<128x384xf32>
      tpu.vector_store %arg6[%swap3A_673, %swap3A_674], %add3A_672 {strides = array<i32>} : memref<2048x768xf32, #tpu.memory_space<vmem>>, vector<128x384xf32>,
    } else {
    }
    %gt3A_433 = arith.constant 1408 : i32
    %gt3A_434 = arith.cmpi sgt, %get3A_323, %gt3A_433 : i32
    %lt3A_435 = arith.constant 1536 : i32
    %lt3A_436 = arith.cmpi slt, %get3A_319, %lt3A_435 : i32
    %and3A_437 = arith.andi %gt3A_434, %lt3A_436 : i1
    %convert_element_type3A_438 = arith.extui %and3A_437 : i1 to i32
    %cond3A_439 = arith.constant 0 : i32
    %cond3A_440 = arith.cmpi ne, %convert_element_type3A_438, %cond3A_439 : i32
    scf.if %cond3A_440 {
      %iota3A = tpu.iota {dimensions = array<i32: 0>} : vector<128x1xi32>
      %add3A_632 = arith.constant 1408 : i32
      %add3A_633 = vector.broadcast %add3A_632 : i32 to vector<128x1xi32>
      %add3A_634 = arith.addi %add3A_633, %iota3A : vector<128x1xi32>
      %ge3A = vector.broadcast %get3A_319 : i32 to vector<128x1xi32>
      %ge3A_635 = arith.cmpi sge, %add3A_634, %ge3A : vector<128x1xi32>
      %lt3A_636 = vector.broadcast %get3A_323 : i32 to vector<128x1xi32>
      %lt3A_637 = arith.cmpi slt, %add3A_634, %lt3A_636 : vector<128x1xi32>
      %and3A_638 = arith.andi %ge3A_635, %lt3A_637 : vector<128x1xi1>
      %get3A_639 = arith.constant 1408 : index
      %get3A_640 = arith.constant 0 : index
      %get3A_641 = vector.load %arg2[%get3A_639, %get3A_640] : memref<2048x896xf32, #tpu.memory_space<vmem>>, vector<128x768xf32>
      %jit3A = arith.constant 0.000000e+00 : f32
      %broadcast_in_dim3A = vector.shape_cast %and3A_638 : vector<128x1xi1> to vector<128x1xi1>
      %broadcast_in_dim3A_642 = vector.broadcast %broadcast_in_dim3A : vector<128x1xi1> to vector<128x768xi1>
      %broadcast_in_dim3A_643 = vector.broadcast %jit3A : f32 to vector<128x768xf32>
      %select_n3A = arith.select %broadcast_in_dim3A_642, %get3A_641, %broadcast_in_dim3A_643 : vector<128x768xi1>, vector<128x768xf32>
      %convert_element_type3A_644 = arith.truncf %select_n3A : vector<128x768xf32> to vector<128x768xbf16>
      %get3A_645 = arith.constant 1408 : index
      %get3A_646 = arith.constant 768 : index
      %get3A_647 = vector.load %arg2[%get3A_645, %get3A_646] : memref<2048x896xf32, #tpu.memory_space<vmem>>, vector<128x1xf32>
      %jit3A_648 = arith.constant 0.000000e+00 : f32
      %broadcast_in_dim3A_649 = vector.broadcast %jit3A_648 : f32 to vector<128x1xf32>
      %select_n3A_650 = arith.select %and3A_638, %get3A_647, %broadcast_in_dim3A_649 : vector<128x1xi1>, vector<128x1xf32>
      %dot_general3A = arith.constant dense<0.000000e+00> : vector<128x384xf32>
      %dot_general3A_651 = tpu.matmul %convert_element_type3A_644, %convert_element_type3A_331, %dot_general3A {dimension_numbers = #tpu.dot_dimension_numbers<[1], [1], [0], [0], [0, 0, 1, 0], [], []>, transpose_lhs_hint = false} : vector<128x768xbf16>, vector<384x768xbf16>, vector<128x384xf32> -> vector<128x384xf32>
      %slice3A = vector.extract_strided_slice %get3A_344 {offsets = [0, 0], sizes = [1, 384], strides = [1, 1]} : vector<1x768xf32> to vector<1x384xf32>
      %mul3A_652 = vector.broadcast %select_n3A_650 : vector<128x1xf32> to vector<128x384xf32>
      %mul3A_653 = vector.broadcast %slice3A : vector<1x384xf32> to vector<128x384xf32>
      %mul3A_654 = arith.mulf %mul3A_652, %mul3A_653 : vector<128x384xf32>
      %add3A_655 = arith.addf %dot_general3A_651, %mul3A_654 : vector<128x384xf32>
      %get3A_656 = arith.constant 1408 : index
      %get3A_657 = arith.constant 0 : index
      %get3A_658 = vector.load %arg6[%get3A_656, %get3A_657] : memref<2048x768xf32, #tpu.memory_space<vmem>>, vector<128x384xf32>
      %add3A_659 = arith.addf %get3A_658, %add3A_655 : vector<128x384xf32>
      %swap3A = arith.constant 1408 : index
      %swap3A_660 = arith.constant 0 : index
      %swap3A_661 = vector.load %arg6[%swap3A, %swap3A_660] : memref<2048x768xf32, #tpu.memory_space<vmem>>, vector<128x384xf32>
      tpu.vector_store %arg6[%swap3A, %swap3A_660], %add3A_659 {strides = array<i32>} : memref<2048x768xf32, #tpu.memory_space<vmem>>, vector<128x384xf32>,
      %dot_general3A_662 = arith.constant dense<0.000000e+00> : vector<128x384xf32>
      %dot_general3A_663 = tpu.matmul %convert_element_type3A_644, %convert_element_type3A_339, %dot_general3A_662 {dimension_numbers = #tpu.dot_dimension_numbers<[1], [1], [0], [0], [0, 0, 1, 0], [], []>, transpose_lhs_hint = false} : vector<128x768xbf16>, vector<384x768xbf16>, vector<128x384xf32> -> vector<128x384xf32>
      %slice3A_664 = vector.extract_strided_slice %get3A_344 {offsets = [0, 384], sizes = [1, 384], strides = [1, 1]} : vector<1x768xf32> to vector<1x384xf32>
      %mul3A_665 = vector.broadcast %select_n3A_650 : vector<128x1xf32> to vector<128x384xf32>
      %mul3A_666 = vector.broadcast %slice3A_664 : vector<1x384xf32> to vector<128x384xf32>
      %mul3A_667 = arith.mulf %mul3A_665, %mul3A_666 : vector<128x384xf32>
      %add3A_668 = arith.addf %dot_general3A_663, %mul3A_667 : vector<128x384xf32>
      %get3A_669 = arith.constant 1408 : index
      %get3A_670 = arith.constant 384 : index
      %get3A_671 = vector.load %arg6[%get3A_669, %get3A_670] : memref<2048x768xf32, #tpu.memory_space<vmem>>, vector<128x384xf32>
      %add3A_672 = arith.addf %get3A_671, %add3A_668 : vector<128x384xf32>
      %swap3A_673 = arith.constant 1408 : index
      %swap3A_674 = arith.constant 384 : index
      %swap3A_675 = vector.load %arg6[%swap3A_673, %swap3A_674] : memref<2048x768xf32, #tpu.memory_space<vmem>>, vector<128x384xf32>
      tpu.vector_store %arg6[%swap3A_673, %swap3A_674], %add3A_672 {strides = array<i32>} : memref<2048x768xf32, #tpu.memory_space<vmem>>, vector<128x384xf32>,
    } else {
    }
    %gt3A_441 = arith.constant 1536 : i32
    %gt3A_442 = arith.cmpi sgt, %get3A_323, %gt3A_441 : i32
    %lt3A_443 = arith.constant 1664 : i32
    %lt3A_444 = arith.cmpi slt, %get3A_319, %lt3A_443 : i32
    %and3A_445 = arith.andi %gt3A_442, %lt3A_444 : i1
    %convert_element_type3A_446 = arith.extui %and3A_445 : i1 to i32
    %cond3A_447 = arith.constant 0 : i32
    %cond3A_448 = arith.cmpi ne, %convert_element_type3A_446, %cond3A_447 : i32
    scf.if %cond3A_448 {
      %iota3A = tpu.iota {dimensions = array<i32: 0>} : vector<128x1xi32>
      %add3A_632 = arith.constant 1536 : i32
      %add3A_633 = vector.broadcast %add3A_632 : i32 to vector<128x1xi32>
      %add3A_634 = arith.addi %add3A_633, %iota3A : vector<128x1xi32>
      %ge3A = vector.broadcast %get3A_319 : i32 to vector<128x1xi32>
      %ge3A_635 = arith.cmpi sge, %add3A_634, %ge3A : vector<128x1xi32>
      %lt3A_636 = vector.broadcast %get3A_323 : i32 to vector<128x1xi32>
      %lt3A_637 = arith.cmpi slt, %add3A_634, %lt3A_636 : vector<128x1xi32>
      %and3A_638 = arith.andi %ge3A_635, %lt3A_637 : vector<128x1xi1>
      %get3A_639 = arith.constant 1536 : index
      %get3A_640 = arith.constant 0 : index
      %get3A_641 = vector.load %arg2[%get3A_639, %get3A_640] : memref<2048x896xf32, #tpu.memory_space<vmem>>, vector<128x768xf32>
      %jit3A = arith.constant 0.000000e+00 : f32
      %broadcast_in_dim3A = vector.shape_cast %and3A_638 : vector<128x1xi1> to vector<128x1xi1>
      %broadcast_in_dim3A_642 = vector.broadcast %broadcast_in_dim3A : vector<128x1xi1> to vector<128x768xi1>
      %broadcast_in_dim3A_643 = vector.broadcast %jit3A : f32 to vector<128x768xf32>
      %select_n3A = arith.select %broadcast_in_dim3A_642, %get3A_641, %broadcast_in_dim3A_643 : vector<128x768xi1>, vector<128x768xf32>
      %convert_element_type3A_644 = arith.truncf %select_n3A : vector<128x768xf32> to vector<128x768xbf16>
      %get3A_645 = arith.constant 1536 : index
      %get3A_646 = arith.constant 768 : index
      %get3A_647 = vector.load %arg2[%get3A_645, %get3A_646] : memref<2048x896xf32, #tpu.memory_space<vmem>>, vector<128x1xf32>
      %jit3A_648 = arith.constant 0.000000e+00 : f32
      %broadcast_in_dim3A_649 = vector.broadcast %jit3A_648 : f32 to vector<128x1xf32>
      %select_n3A_650 = arith.select %and3A_638, %get3A_647, %broadcast_in_dim3A_649 : vector<128x1xi1>, vector<128x1xf32>
      %dot_general3A = arith.constant dense<0.000000e+00> : vector<128x384xf32>
      %dot_general3A_651 = tpu.matmul %convert_element_type3A_644, %convert_element_type3A_331, %dot_general3A {dimension_numbers = #tpu.dot_dimension_numbers<[1], [1], [0], [0], [0, 0, 1, 0], [], []>, transpose_lhs_hint = false} : vector<128x768xbf16>, vector<384x768xbf16>, vector<128x384xf32> -> vector<128x384xf32>
      %slice3A = vector.extract_strided_slice %get3A_344 {offsets = [0, 0], sizes = [1, 384], strides = [1, 1]} : vector<1x768xf32> to vector<1x384xf32>
      %mul3A_652 = vector.broadcast %select_n3A_650 : vector<128x1xf32> to vector<128x384xf32>
      %mul3A_653 = vector.broadcast %slice3A : vector<1x384xf32> to vector<128x384xf32>
      %mul3A_654 = arith.mulf %mul3A_652, %mul3A_653 : vector<128x384xf32>
      %add3A_655 = arith.addf %dot_general3A_651, %mul3A_654 : vector<128x384xf32>
      %get3A_656 = arith.constant 1536 : index
      %get3A_657 = arith.constant 0 : index
      %get3A_658 = vector.load %arg6[%get3A_656, %get3A_657] : memref<2048x768xf32, #tpu.memory_space<vmem>>, vector<128x384xf32>
      %add3A_659 = arith.addf %get3A_658, %add3A_655 : vector<128x384xf32>
      %swap3A = arith.constant 1536 : index
      %swap3A_660 = arith.constant 0 : index
      %swap3A_661 = vector.load %arg6[%swap3A, %swap3A_660] : memref<2048x768xf32, #tpu.memory_space<vmem>>, vector<128x384xf32>
      tpu.vector_store %arg6[%swap3A, %swap3A_660], %add3A_659 {strides = array<i32>} : memref<2048x768xf32, #tpu.memory_space<vmem>>, vector<128x384xf32>,
      %dot_general3A_662 = arith.constant dense<0.000000e+00> : vector<128x384xf32>
      %dot_general3A_663 = tpu.matmul %convert_element_type3A_644, %convert_element_type3A_339, %dot_general3A_662 {dimension_numbers = #tpu.dot_dimension_numbers<[1], [1], [0], [0], [0, 0, 1, 0], [], []>, transpose_lhs_hint = false} : vector<128x768xbf16>, vector<384x768xbf16>, vector<128x384xf32> -> vector<128x384xf32>
      %slice3A_664 = vector.extract_strided_slice %get3A_344 {offsets = [0, 384], sizes = [1, 384], strides = [1, 1]} : vector<1x768xf32> to vector<1x384xf32>
      %mul3A_665 = vector.broadcast %select_n3A_650 : vector<128x1xf32> to vector<128x384xf32>
      %mul3A_666 = vector.broadcast %slice3A_664 : vector<1x384xf32> to vector<128x384xf32>
      %mul3A_667 = arith.mulf %mul3A_665, %mul3A_666 : vector<128x384xf32>
      %add3A_668 = arith.addf %dot_general3A_663, %mul3A_667 : vector<128x384xf32>
      %get3A_669 = arith.constant 1536 : index
      %get3A_670 = arith.constant 384 : index
      %get3A_671 = vector.load %arg6[%get3A_669, %get3A_670] : memref<2048x768xf32, #tpu.memory_space<vmem>>, vector<128x384xf32>
      %add3A_672 = arith.addf %get3A_671, %add3A_668 : vector<128x384xf32>
      %swap3A_673 = arith.constant 1536 : index
      %swap3A_674 = arith.constant 384 : index
      %swap3A_675 = vector.load %arg6[%swap3A_673, %swap3A_674] : memref<2048x768xf32, #tpu.memory_space<vmem>>, vector<128x384xf32>
      tpu.vector_store %arg6[%swap3A_673, %swap3A_674], %add3A_672 {strides = array<i32>} : memref<2048x768xf32, #tpu.memory_space<vmem>>, vector<128x384xf32>,
    } else {
    }
    %gt3A_449 = arith.constant 1664 : i32
    %gt3A_450 = arith.cmpi sgt, %get3A_323, %gt3A_449 : i32
    %lt3A_451 = arith.constant 1792 : i32
    %lt3A_452 = arith.cmpi slt, %get3A_319, %lt3A_451 : i32
    %and3A_453 = arith.andi %gt3A_450, %lt3A_452 : i1
    %convert_element_type3A_454 = arith.extui %and3A_453 : i1 to i32
    %cond3A_455 = arith.constant 0 : i32
    %cond3A_456 = arith.cmpi ne, %convert_element_type3A_454, %cond3A_455 : i32
    scf.if %cond3A_456 {
      %iota3A = tpu.iota {dimensions = array<i32: 0>} : vector<128x1xi32>
      %add3A_632 = arith.constant 1664 : i32
      %add3A_633 = vector.broadcast %add3A_632 : i32 to vector<128x1xi32>
      %add3A_634 = arith.addi %add3A_633, %iota3A : vector<128x1xi32>
      %ge3A = vector.broadcast %get3A_319 : i32 to vector<128x1xi32>
      %ge3A_635 = arith.cmpi sge, %add3A_634, %ge3A : vector<128x1xi32>
      %lt3A_636 = vector.broadcast %get3A_323 : i32 to vector<128x1xi32>
      %lt3A_637 = arith.cmpi slt, %add3A_634, %lt3A_636 : vector<128x1xi32>
      %and3A_638 = arith.andi %ge3A_635, %lt3A_637 : vector<128x1xi1>
      %get3A_639 = arith.constant 1664 : index
      %get3A_640 = arith.constant 0 : index
      %get3A_641 = vector.load %arg2[%get3A_639, %get3A_640] : memref<2048x896xf32, #tpu.memory_space<vmem>>, vector<128x768xf32>
      %jit3A = arith.constant 0.000000e+00 : f32
      %broadcast_in_dim3A = vector.shape_cast %and3A_638 : vector<128x1xi1> to vector<128x1xi1>
      %broadcast_in_dim3A_642 = vector.broadcast %broadcast_in_dim3A : vector<128x1xi1> to vector<128x768xi1>
      %broadcast_in_dim3A_643 = vector.broadcast %jit3A : f32 to vector<128x768xf32>
      %select_n3A = arith.select %broadcast_in_dim3A_642, %get3A_641, %broadcast_in_dim3A_643 : vector<128x768xi1>, vector<128x768xf32>
      %convert_element_type3A_644 = arith.truncf %select_n3A : vector<128x768xf32> to vector<128x768xbf16>
      %get3A_645 = arith.constant 1664 : index
      %get3A_646 = arith.constant 768 : index
      %get3A_647 = vector.load %arg2[%get3A_645, %get3A_646] : memref<2048x896xf32, #tpu.memory_space<vmem>>, vector<128x1xf32>
      %jit3A_648 = arith.constant 0.000000e+00 : f32
      %broadcast_in_dim3A_649 = vector.broadcast %jit3A_648 : f32 to vector<128x1xf32>
      %select_n3A_650 = arith.select %and3A_638, %get3A_647, %broadcast_in_dim3A_649 : vector<128x1xi1>, vector<128x1xf32>
      %dot_general3A = arith.constant dense<0.000000e+00> : vector<128x384xf32>
      %dot_general3A_651 = tpu.matmul %convert_element_type3A_644, %convert_element_type3A_331, %dot_general3A {dimension_numbers = #tpu.dot_dimension_numbers<[1], [1], [0], [0], [0, 0, 1, 0], [], []>, transpose_lhs_hint = false} : vector<128x768xbf16>, vector<384x768xbf16>, vector<128x384xf32> -> vector<128x384xf32>
      %slice3A = vector.extract_strided_slice %get3A_344 {offsets = [0, 0], sizes = [1, 384], strides = [1, 1]} : vector<1x768xf32> to vector<1x384xf32>
      %mul3A_652 = vector.broadcast %select_n3A_650 : vector<128x1xf32> to vector<128x384xf32>
      %mul3A_653 = vector.broadcast %slice3A : vector<1x384xf32> to vector<128x384xf32>
      %mul3A_654 = arith.mulf %mul3A_652, %mul3A_653 : vector<128x384xf32>
      %add3A_655 = arith.addf %dot_general3A_651, %mul3A_654 : vector<128x384xf32>
      %get3A_656 = arith.constant 1664 : index
      %get3A_657 = arith.constant 0 : index
      %get3A_658 = vector.load %arg6[%get3A_656, %get3A_657] : memref<2048x768xf32, #tpu.memory_space<vmem>>, vector<128x384xf32>
      %add3A_659 = arith.addf %get3A_658, %add3A_655 : vector<128x384xf32>
      %swap3A = arith.constant 1664 : index
      %swap3A_660 = arith.constant 0 : index
      %swap3A_661 = vector.load %arg6[%swap3A, %swap3A_660] : memref<2048x768xf32, #tpu.memory_space<vmem>>, vector<128x384xf32>
      tpu.vector_store %arg6[%swap3A, %swap3A_660], %add3A_659 {strides = array<i32>} : memref<2048x768xf32, #tpu.memory_space<vmem>>, vector<128x384xf32>,
      %dot_general3A_662 = arith.constant dense<0.000000e+00> : vector<128x384xf32>
      %dot_general3A_663 = tpu.matmul %convert_element_type3A_644, %convert_element_type3A_339, %dot_general3A_662 {dimension_numbers = #tpu.dot_dimension_numbers<[1], [1], [0], [0], [0, 0, 1, 0], [], []>, transpose_lhs_hint = false} : vector<128x768xbf16>, vector<384x768xbf16>, vector<128x384xf32> -> vector<128x384xf32>
      %slice3A_664 = vector.extract_strided_slice %get3A_344 {offsets = [0, 384], sizes = [1, 384], strides = [1, 1]} : vector<1x768xf32> to vector<1x384xf32>
      %mul3A_665 = vector.broadcast %select_n3A_650 : vector<128x1xf32> to vector<128x384xf32>
      %mul3A_666 = vector.broadcast %slice3A_664 : vector<1x384xf32> to vector<128x384xf32>
      %mul3A_667 = arith.mulf %mul3A_665, %mul3A_666 : vector<128x384xf32>
      %add3A_668 = arith.addf %dot_general3A_663, %mul3A_667 : vector<128x384xf32>
      %get3A_669 = arith.constant 1664 : index
      %get3A_670 = arith.constant 384 : index
      %get3A_671 = vector.load %arg6[%get3A_669, %get3A_670] : memref<2048x768xf32, #tpu.memory_space<vmem>>, vector<128x384xf32>
      %add3A_672 = arith.addf %get3A_671, %add3A_668 : vector<128x384xf32>
      %swap3A_673 = arith.constant 1664 : index
      %swap3A_674 = arith.constant 384 : index
      %swap3A_675 = vector.load %arg6[%swap3A_673, %swap3A_674] : memref<2048x768xf32, #tpu.memory_space<vmem>>, vector<128x384xf32>
      tpu.vector_store %arg6[%swap3A_673, %swap3A_674], %add3A_672 {strides = array<i32>} : memref<2048x768xf32, #tpu.memory_space<vmem>>, vector<128x384xf32>,
    } else {
    }
    %gt3A_457 = arith.constant 1792 : i32
    %gt3A_458 = arith.cmpi sgt, %get3A_323, %gt3A_457 : i32
    %lt3A_459 = arith.constant 1920 : i32
    %lt3A_460 = arith.cmpi slt, %get3A_319, %lt3A_459 : i32
    %and3A_461 = arith.andi %gt3A_458, %lt3A_460 : i1
    %convert_element_type3A_462 = arith.extui %and3A_461 : i1 to i32
    %cond3A_463 = arith.constant 0 : i32
    %cond3A_464 = arith.cmpi ne, %convert_element_type3A_462, %cond3A_463 : i32
    scf.if %cond3A_464 {
      %iota3A = tpu.iota {dimensions = array<i32: 0>} : vector<128x1xi32>
      %add3A_632 = arith.constant 1792 : i32
      %add3A_633 = vector.broadcast %add3A_632 : i32 to vector<128x1xi32>
      %add3A_634 = arith.addi %add3A_633, %iota3A : vector<128x1xi32>
      %ge3A = vector.broadcast %get3A_319 : i32 to vector<128x1xi32>
      %ge3A_635 = arith.cmpi sge, %add3A_634, %ge3A : vector<128x1xi32>
      %lt3A_636 = vector.broadcast %get3A_323 : i32 to vector<128x1xi32>
      %lt3A_637 = arith.cmpi slt, %add3A_634, %lt3A_636 : vector<128x1xi32>
      %and3A_638 = arith.andi %ge3A_635, %lt3A_637 : vector<128x1xi1>
      %get3A_639 = arith.constant 1792 : index
      %get3A_640 = arith.constant 0 : index
      %get3A_641 = vector.load %arg2[%get3A_639, %get3A_640] : memref<2048x896xf32, #tpu.memory_space<vmem>>, vector<128x768xf32>
      %jit3A = arith.constant 0.000000e+00 : f32
      %broadcast_in_dim3A = vector.shape_cast %and3A_638 : vector<128x1xi1> to vector<128x1xi1>
      %broadcast_in_dim3A_642 = vector.broadcast %broadcast_in_dim3A : vector<128x1xi1> to vector<128x768xi1>
      %broadcast_in_dim3A_643 = vector.broadcast %jit3A : f32 to vector<128x768xf32>
      %select_n3A = arith.select %broadcast_in_dim3A_642, %get3A_641, %broadcast_in_dim3A_643 : vector<128x768xi1>, vector<128x768xf32>
      %convert_element_type3A_644 = arith.truncf %select_n3A : vector<128x768xf32> to vector<128x768xbf16>
      %get3A_645 = arith.constant 1792 : index
      %get3A_646 = arith.constant 768 : index
      %get3A_647 = vector.load %arg2[%get3A_645, %get3A_646] : memref<2048x896xf32, #tpu.memory_space<vmem>>, vector<128x1xf32>
      %jit3A_648 = arith.constant 0.000000e+00 : f32
      %broadcast_in_dim3A_649 = vector.broadcast %jit3A_648 : f32 to vector<128x1xf32>
      %select_n3A_650 = arith.select %and3A_638, %get3A_647, %broadcast_in_dim3A_649 : vector<128x1xi1>, vector<128x1xf32>
      %dot_general3A = arith.constant dense<0.000000e+00> : vector<128x384xf32>
      %dot_general3A_651 = tpu.matmul %convert_element_type3A_644, %convert_element_type3A_331, %dot_general3A {dimension_numbers = #tpu.dot_dimension_numbers<[1], [1], [0], [0], [0, 0, 1, 0], [], []>, transpose_lhs_hint = false} : vector<128x768xbf16>, vector<384x768xbf16>, vector<128x384xf32> -> vector<128x384xf32>
      %slice3A = vector.extract_strided_slice %get3A_344 {offsets = [0, 0], sizes = [1, 384], strides = [1, 1]} : vector<1x768xf32> to vector<1x384xf32>
      %mul3A_652 = vector.broadcast %select_n3A_650 : vector<128x1xf32> to vector<128x384xf32>
      %mul3A_653 = vector.broadcast %slice3A : vector<1x384xf32> to vector<128x384xf32>
      %mul3A_654 = arith.mulf %mul3A_652, %mul3A_653 : vector<128x384xf32>
      %add3A_655 = arith.addf %dot_general3A_651, %mul3A_654 : vector<128x384xf32>
      %get3A_656 = arith.constant 1792 : index
      %get3A_657 = arith.constant 0 : index
      %get3A_658 = vector.load %arg6[%get3A_656, %get3A_657] : memref<2048x768xf32, #tpu.memory_space<vmem>>, vector<128x384xf32>
      %add3A_659 = arith.addf %get3A_658, %add3A_655 : vector<128x384xf32>
      %swap3A = arith.constant 1792 : index
      %swap3A_660 = arith.constant 0 : index
      %swap3A_661 = vector.load %arg6[%swap3A, %swap3A_660] : memref<2048x768xf32, #tpu.memory_space<vmem>>, vector<128x384xf32>
      tpu.vector_store %arg6[%swap3A, %swap3A_660], %add3A_659 {strides = array<i32>} : memref<2048x768xf32, #tpu.memory_space<vmem>>, vector<128x384xf32>,
      %dot_general3A_662 = arith.constant dense<0.000000e+00> : vector<128x384xf32>
      %dot_general3A_663 = tpu.matmul %convert_element_type3A_644, %convert_element_type3A_339, %dot_general3A_662 {dimension_numbers = #tpu.dot_dimension_numbers<[1], [1], [0], [0], [0, 0, 1, 0], [], []>, transpose_lhs_hint = false} : vector<128x768xbf16>, vector<384x768xbf16>, vector<128x384xf32> -> vector<128x384xf32>
      %slice3A_664 = vector.extract_strided_slice %get3A_344 {offsets = [0, 384], sizes = [1, 384], strides = [1, 1]} : vector<1x768xf32> to vector<1x384xf32>
      %mul3A_665 = vector.broadcast %select_n3A_650 : vector<128x1xf32> to vector<128x384xf32>
      %mul3A_666 = vector.broadcast %slice3A_664 : vector<1x384xf32> to vector<128x384xf32>
      %mul3A_667 = arith.mulf %mul3A_665, %mul3A_666 : vector<128x384xf32>
      %add3A_668 = arith.addf %dot_general3A_663, %mul3A_667 : vector<128x384xf32>
      %get3A_669 = arith.constant 1792 : index
      %get3A_670 = arith.constant 384 : index
      %get3A_671 = vector.load %arg6[%get3A_669, %get3A_670] : memref<2048x768xf32, #tpu.memory_space<vmem>>, vector<128x384xf32>
      %add3A_672 = arith.addf %get3A_671, %add3A_668 : vector<128x384xf32>
      %swap3A_673 = arith.constant 1792 : index
      %swap3A_674 = arith.constant 384 : index
      %swap3A_675 = vector.load %arg6[%swap3A_673, %swap3A_674] : memref<2048x768xf32, #tpu.memory_space<vmem>>, vector<128x384xf32>
      tpu.vector_store %arg6[%swap3A_673, %swap3A_674], %add3A_672 {strides = array<i32>} : memref<2048x768xf32, #tpu.memory_space<vmem>>, vector<128x384xf32>,
    } else {
    }
    %gt3A_465 = arith.constant 1920 : i32
    %gt3A_466 = arith.cmpi sgt, %get3A_323, %gt3A_465 : i32
    %lt3A_467 = arith.constant 2048 : i32
    %lt3A_468 = arith.cmpi slt, %get3A_319, %lt3A_467 : i32
    %and3A_469 = arith.andi %gt3A_466, %lt3A_468 : i1
    %convert_element_type3A_470 = arith.extui %and3A_469 : i1 to i32
    %cond3A_471 = arith.constant 0 : i32
    %cond3A_472 = arith.cmpi ne, %convert_element_type3A_470, %cond3A_471 : i32
    scf.if %cond3A_472 {
      %iota3A = tpu.iota {dimensions = array<i32: 0>} : vector<128x1xi32>
      %add3A_632 = arith.constant 1920 : i32
      %add3A_633 = vector.broadcast %add3A_632 : i32 to vector<128x1xi32>
      %add3A_634 = arith.addi %add3A_633, %iota3A : vector<128x1xi32>
      %ge3A = vector.broadcast %get3A_319 : i32 to vector<128x1xi32>
      %ge3A_635 = arith.cmpi sge, %add3A_634, %ge3A : vector<128x1xi32>
      %lt3A_636 = vector.broadcast %get3A_323 : i32 to vector<128x1xi32>
      %lt3A_637 = arith.cmpi slt, %add3A_634, %lt3A_636 : vector<128x1xi32>
      %and3A_638 = arith.andi %ge3A_635, %lt3A_637 : vector<128x1xi1>
      %get3A_639 = arith.constant 1920 : index
      %get3A_640 = arith.constant 0 : index
      %get3A_641 = vector.load %arg2[%get3A_639, %get3A_640] : memref<2048x896xf32, #tpu.memory_space<vmem>>, vector<128x768xf32>
      %jit3A = arith.constant 0.000000e+00 : f32
      %broadcast_in_dim3A = vector.shape_cast %and3A_638 : vector<128x1xi1> to vector<128x1xi1>
      %broadcast_in_dim3A_642 = vector.broadcast %broadcast_in_dim3A : vector<128x1xi1> to vector<128x768xi1>
      %broadcast_in_dim3A_643 = vector.broadcast %jit3A : f32 to vector<128x768xf32>
      %select_n3A = arith.select %broadcast_in_dim3A_642, %get3A_641, %broadcast_in_dim3A_643 : vector<128x768xi1>, vector<128x768xf32>
      %convert_element_type3A_644 = arith.truncf %select_n3A : vector<128x768xf32> to vector<128x768xbf16>
      %get3A_645 = arith.constant 1920 : index
      %get3A_646 = arith.constant 768 : index
      %get3A_647 = vector.load %arg2[%get3A_645, %get3A_646] : memref<2048x896xf32, #tpu.memory_space<vmem>>, vector<128x1xf32>
      %jit3A_648 = arith.constant 0.000000e+00 : f32
      %broadcast_in_dim3A_649 = vector.broadcast %jit3A_648 : f32 to vector<128x1xf32>
      %select_n3A_650 = arith.select %and3A_638, %get3A_647, %broadcast_in_dim3A_649 : vector<128x1xi1>, vector<128x1xf32>
      %dot_general3A = arith.constant dense<0.000000e+00> : vector<128x384xf32>
      %dot_general3A_651 = tpu.matmul %convert_element_type3A_644, %convert_element_type3A_331, %dot_general3A {dimension_numbers = #tpu.dot_dimension_numbers<[1], [1], [0], [0], [0, 0, 1, 0], [], []>, transpose_lhs_hint = false} : vector<128x768xbf16>, vector<384x768xbf16>, vector<128x384xf32> -> vector<128x384xf32>
      %slice3A = vector.extract_strided_slice %get3A_344 {offsets = [0, 0], sizes = [1, 384], strides = [1, 1]} : vector<1x768xf32> to vector<1x384xf32>
      %mul3A_652 = vector.broadcast %select_n3A_650 : vector<128x1xf32> to vector<128x384xf32>
      %mul3A_653 = vector.broadcast %slice3A : vector<1x384xf32> to vector<128x384xf32>
      %mul3A_654 = arith.mulf %mul3A_652, %mul3A_653 : vector<128x384xf32>
      %add3A_655 = arith.addf %dot_general3A_651, %mul3A_654 : vector<128x384xf32>
      %get3A_656 = arith.constant 1920 : index
      %get3A_657 = arith.constant 0 : index
      %get3A_658 = vector.load %arg6[%get3A_656, %get3A_657] : memref<2048x768xf32, #tpu.memory_space<vmem>>, vector<128x384xf32>
      %add3A_659 = arith.addf %get3A_658, %add3A_655 : vector<128x384xf32>
      %swap3A = arith.constant 1920 : index
      %swap3A_660 = arith.constant 0 : index
      %swap3A_661 = vector.load %arg6[%swap3A, %swap3A_660] : memref<2048x768xf32, #tpu.memory_space<vmem>>, vector<128x384xf32>
      tpu.vector_store %arg6[%swap3A, %swap3A_660], %add3A_659 {strides = array<i32>} : memref<2048x768xf32, #tpu.memory_space<vmem>>, vector<128x384xf32>,
      %dot_general3A_662 = arith.constant dense<0.000000e+00> : vector<128x384xf32>
      %dot_general3A_663 = tpu.matmul %convert_element_type3A_644, %convert_element_type3A_339, %dot_general3A_662 {dimension_numbers = #tpu.dot_dimension_numbers<[1], [1], [0], [0], [0, 0, 1, 0], [], []>, transpose_lhs_hint = false} : vector<128x768xbf16>, vector<384x768xbf16>, vector<128x384xf32> -> vector<128x384xf32>
      %slice3A_664 = vector.extract_strided_slice %get3A_344 {offsets = [0, 384], sizes = [1, 384], strides = [1, 1]} : vector<1x768xf32> to vector<1x384xf32>
      %mul3A_665 = vector.broadcast %select_n3A_650 : vector<128x1xf32> to vector<128x384xf32>
      %mul3A_666 = vector.broadcast %slice3A_664 : vector<1x384xf32> to vector<128x384xf32>
      %mul3A_667 = arith.mulf %mul3A_665, %mul3A_666 : vector<128x384xf32>
      %add3A_668 = arith.addf %dot_general3A_663, %mul3A_667 : vector<128x384xf32>
      %get3A_669 = arith.constant 1920 : index
      %get3A_670 = arith.constant 384 : index
      %get3A_671 = vector.load %arg6[%get3A_669, %get3A_670] : memref<2048x768xf32, #tpu.memory_space<vmem>>, vector<128x384xf32>
      %add3A_672 = arith.addf %get3A_671, %add3A_668 : vector<128x384xf32>
      %swap3A_673 = arith.constant 1920 : index
      %swap3A_674 = arith.constant 384 : index
      %swap3A_675 = vector.load %arg6[%swap3A_673, %swap3A_674] : memref<2048x768xf32, #tpu.memory_space<vmem>>, vector<128x384xf32>
      tpu.vector_store %arg6[%swap3A_673, %swap3A_674], %add3A_672 {strides = array<i32>} : memref<2048x768xf32, #tpu.memory_space<vmem>>, vector<128x384xf32>,
    } else {
    }
    %mul3A_473 = arith.constant 4 : i32
    %mul3A_474 = arith.muli %arg0, %mul3A_473 : i32
    %add3A_475 = arith.constant 3 : i32
    %add3A_476 = arith.addi %mul3A_474, %add3A_475 : i32
    %get3A_477 = arith.index_cast %add3A_476 : i32 to index
    %get3A_478 = memref.load %arg1[%get3A_477] : memref<65xi32, #tpu.memory_space<smem>>
    %add3A_479 = arith.constant 1 : i32
    %add3A_480 = arith.addi %add3A_476, %add3A_479 : i32
    %get3A_481 = arith.index_cast %add3A_480 : i32 to index
    %get3A_482 = memref.load %arg1[%get3A_481] : memref<65xi32, #tpu.memory_space<smem>>
    %get3A_483 = arith.constant 0 : index
    %get3A_484 = arith.constant 3 : index
    %get3A_485 = arith.constant 0 : index
    %get3A_486 = arith.constant 0 : index
    %get3A_487 = arith.constant 0 : index
    %get3A_488 = vector.load %arg3[%get3A_483, %get3A_484, %get3A_485, %get3A_486, %get3A_487] : memref<1x4x1x384x768xf32, #tpu.memory_space<vmem>>, vector<1x1x1x384x768xf32>
    %get3A_489 = vector.shape_cast %get3A_488 : vector<1x1x1x384x768xf32> to vector<384x768xf32>
    %convert_element_type3A_490 = arith.truncf %get3A_489 : vector<384x768xf32> to vector<384x768xbf16>
    %get3A_491 = arith.constant 0 : index
    %get3A_492 = arith.constant 3 : index
    %get3A_493 = arith.constant 0 : index
    %get3A_494 = arith.constant 0 : index
    %get3A_495 = arith.constant 0 : index
    %get3A_496 = vector.load %arg4[%get3A_491, %get3A_492, %get3A_493, %get3A_494, %get3A_495] : memref<1x4x1x384x768xf32, #tpu.memory_space<vmem>>, vector<1x1x1x384x768xf32>
    %get3A_497 = vector.shape_cast %get3A_496 : vector<1x1x1x384x768xf32> to vector<384x768xf32>
    %convert_element_type3A_498 = arith.truncf %get3A_497 : vector<384x768xf32> to vector<384x768xbf16>
    %get3A_499 = arith.constant 0 : index
    %get3A_500 = arith.constant 3 : index
    %get3A_501 = arith.constant 0 : index
    %get3A_502 = vector.load %arg5[%get3A_499, %get3A_500, %get3A_501] : memref<1x4x768xf32, #tpu.memory_space<vmem>>, vector<1x1x768xf32>
    %get3A_503 = vector.shape_cast %get3A_502 : vector<1x1x768xf32> to vector<1x768xf32>
    %gt3A_504 = arith.constant 0 : i32
    %gt3A_505 = arith.cmpi sgt, %get3A_482, %gt3A_504 : i32
    %lt3A_506 = arith.constant 128 : i32
    %lt3A_507 = arith.cmpi slt, %get3A_478, %lt3A_506 : i32
    %and3A_508 = arith.andi %gt3A_505, %lt3A_507 : i1
    %convert_element_type3A_509 = arith.extui %and3A_508 : i1 to i32
    %cond3A_510 = arith.constant 0 : i32
    %cond3A_511 = arith.cmpi ne, %convert_element_type3A_509, %cond3A_510 : i32
    scf.if %cond3A_511 {
      %iota3A = tpu.iota {dimensions = array<i32: 0>} : vector<128x1xi32>
      %add3A_632 = arith.constant 0 : i32
      %add3A_633 = vector.broadcast %add3A_632 : i32 to vector<128x1xi32>
      %add3A_634 = arith.addi %add3A_633, %iota3A : vector<128x1xi32>
      %ge3A = vector.broadcast %get3A_478 : i32 to vector<128x1xi32>
      %ge3A_635 = arith.cmpi sge, %add3A_634, %ge3A : vector<128x1xi32>
      %lt3A_636 = vector.broadcast %get3A_482 : i32 to vector<128x1xi32>
      %lt3A_637 = arith.cmpi slt, %add3A_634, %lt3A_636 : vector<128x1xi32>
      %and3A_638 = arith.andi %ge3A_635, %lt3A_637 : vector<128x1xi1>
      %get3A_639 = arith.constant 0 : index
      %get3A_640 = arith.constant 0 : index
      %get3A_641 = vector.load %arg2[%get3A_639, %get3A_640] : memref<2048x896xf32, #tpu.memory_space<vmem>>, vector<128x768xf32>
      %jit3A = arith.constant 0.000000e+00 : f32
      %broadcast_in_dim3A = vector.shape_cast %and3A_638 : vector<128x1xi1> to vector<128x1xi1>
      %broadcast_in_dim3A_642 = vector.broadcast %broadcast_in_dim3A : vector<128x1xi1> to vector<128x768xi1>
      %broadcast_in_dim3A_643 = vector.broadcast %jit3A : f32 to vector<128x768xf32>
      %select_n3A = arith.select %broadcast_in_dim3A_642, %get3A_641, %broadcast_in_dim3A_643 : vector<128x768xi1>, vector<128x768xf32>
      %convert_element_type3A_644 = arith.truncf %select_n3A : vector<128x768xf32> to vector<128x768xbf16>
      %get3A_645 = arith.constant 0 : index
      %get3A_646 = arith.constant 768 : index
      %get3A_647 = vector.load %arg2[%get3A_645, %get3A_646] : memref<2048x896xf32, #tpu.memory_space<vmem>>, vector<128x1xf32>
      %jit3A_648 = arith.constant 0.000000e+00 : f32
      %broadcast_in_dim3A_649 = vector.broadcast %jit3A_648 : f32 to vector<128x1xf32>
      %select_n3A_650 = arith.select %and3A_638, %get3A_647, %broadcast_in_dim3A_649 : vector<128x1xi1>, vector<128x1xf32>
      %dot_general3A = arith.constant dense<0.000000e+00> : vector<128x384xf32>
      %dot_general3A_651 = tpu.matmul %convert_element_type3A_644, %convert_element_type3A_490, %dot_general3A {dimension_numbers = #tpu.dot_dimension_numbers<[1], [1], [0], [0], [0, 0, 1, 0], [], []>, transpose_lhs_hint = false} : vector<128x768xbf16>, vector<384x768xbf16>, vector<128x384xf32> -> vector<128x384xf32>
      %slice3A = vector.extract_strided_slice %get3A_503 {offsets = [0, 0], sizes = [1, 384], strides = [1, 1]} : vector<1x768xf32> to vector<1x384xf32>
      %mul3A_652 = vector.broadcast %select_n3A_650 : vector<128x1xf32> to vector<128x384xf32>
      %mul3A_653 = vector.broadcast %slice3A : vector<1x384xf32> to vector<128x384xf32>
      %mul3A_654 = arith.mulf %mul3A_652, %mul3A_653 : vector<128x384xf32>
      %add3A_655 = arith.addf %dot_general3A_651, %mul3A_654 : vector<128x384xf32>
      %get3A_656 = arith.constant 0 : index
      %get3A_657 = arith.constant 0 : index
      %get3A_658 = vector.load %arg6[%get3A_656, %get3A_657] : memref<2048x768xf32, #tpu.memory_space<vmem>>, vector<128x384xf32>
      %add3A_659 = arith.addf %get3A_658, %add3A_655 : vector<128x384xf32>
      %swap3A = arith.constant 0 : index
      %swap3A_660 = arith.constant 0 : index
      %swap3A_661 = vector.load %arg6[%swap3A, %swap3A_660] : memref<2048x768xf32, #tpu.memory_space<vmem>>, vector<128x384xf32>
      tpu.vector_store %arg6[%swap3A, %swap3A_660], %add3A_659 {strides = array<i32>} : memref<2048x768xf32, #tpu.memory_space<vmem>>, vector<128x384xf32>,
      %dot_general3A_662 = arith.constant dense<0.000000e+00> : vector<128x384xf32>
      %dot_general3A_663 = tpu.matmul %convert_element_type3A_644, %convert_element_type3A_498, %dot_general3A_662 {dimension_numbers = #tpu.dot_dimension_numbers<[1], [1], [0], [0], [0, 0, 1, 0], [], []>, transpose_lhs_hint = false} : vector<128x768xbf16>, vector<384x768xbf16>, vector<128x384xf32> -> vector<128x384xf32>
      %slice3A_664 = vector.extract_strided_slice %get3A_503 {offsets = [0, 384], sizes = [1, 384], strides = [1, 1]} : vector<1x768xf32> to vector<1x384xf32>
      %mul3A_665 = vector.broadcast %select_n3A_650 : vector<128x1xf32> to vector<128x384xf32>
      %mul3A_666 = vector.broadcast %slice3A_664 : vector<1x384xf32> to vector<128x384xf32>
      %mul3A_667 = arith.mulf %mul3A_665, %mul3A_666 : vector<128x384xf32>
      %add3A_668 = arith.addf %dot_general3A_663, %mul3A_667 : vector<128x384xf32>
      %get3A_669 = arith.constant 0 : index
      %get3A_670 = arith.constant 384 : index
      %get3A_671 = vector.load %arg6[%get3A_669, %get3A_670] : memref<2048x768xf32, #tpu.memory_space<vmem>>, vector<128x384xf32>
      %add3A_672 = arith.addf %get3A_671, %add3A_668 : vector<128x384xf32>
      %swap3A_673 = arith.constant 0 : index
      %swap3A_674 = arith.constant 384 : index
      %swap3A_675 = vector.load %arg6[%swap3A_673, %swap3A_674] : memref<2048x768xf32, #tpu.memory_space<vmem>>, vector<128x384xf32>
      tpu.vector_store %arg6[%swap3A_673, %swap3A_674], %add3A_672 {strides = array<i32>} : memref<2048x768xf32, #tpu.memory_space<vmem>>, vector<128x384xf32>,
    } else {
    }
    %gt3A_512 = arith.constant 128 : i32
    %gt3A_513 = arith.cmpi sgt, %get3A_482, %gt3A_512 : i32
    %lt3A_514 = arith.constant 256 : i32
    %lt3A_515 = arith.cmpi slt, %get3A_478, %lt3A_514 : i32
    %and3A_516 = arith.andi %gt3A_513, %lt3A_515 : i1
    %convert_element_type3A_517 = arith.extui %and3A_516 : i1 to i32
    %cond3A_518 = arith.constant 0 : i32
    %cond3A_519 = arith.cmpi ne, %convert_element_type3A_517, %cond3A_518 : i32
    scf.if %cond3A_519 {
      %iota3A = tpu.iota {dimensions = array<i32: 0>} : vector<128x1xi32>
      %add3A_632 = arith.constant 128 : i32
      %add3A_633 = vector.broadcast %add3A_632 : i32 to vector<128x1xi32>
      %add3A_634 = arith.addi %add3A_633, %iota3A : vector<128x1xi32>
      %ge3A = vector.broadcast %get3A_478 : i32 to vector<128x1xi32>
      %ge3A_635 = arith.cmpi sge, %add3A_634, %ge3A : vector<128x1xi32>
      %lt3A_636 = vector.broadcast %get3A_482 : i32 to vector<128x1xi32>
      %lt3A_637 = arith.cmpi slt, %add3A_634, %lt3A_636 : vector<128x1xi32>
      %and3A_638 = arith.andi %ge3A_635, %lt3A_637 : vector<128x1xi1>
      %get3A_639 = arith.constant 128 : index
      %get3A_640 = arith.constant 0 : index
      %get3A_641 = vector.load %arg2[%get3A_639, %get3A_640] : memref<2048x896xf32, #tpu.memory_space<vmem>>, vector<128x768xf32>
      %jit3A = arith.constant 0.000000e+00 : f32
      %broadcast_in_dim3A = vector.shape_cast %and3A_638 : vector<128x1xi1> to vector<128x1xi1>
      %broadcast_in_dim3A_642 = vector.broadcast %broadcast_in_dim3A : vector<128x1xi1> to vector<128x768xi1>
      %broadcast_in_dim3A_643 = vector.broadcast %jit3A : f32 to vector<128x768xf32>
      %select_n3A = arith.select %broadcast_in_dim3A_642, %get3A_641, %broadcast_in_dim3A_643 : vector<128x768xi1>, vector<128x768xf32>
      %convert_element_type3A_644 = arith.truncf %select_n3A : vector<128x768xf32> to vector<128x768xbf16>
      %get3A_645 = arith.constant 128 : index
      %get3A_646 = arith.constant 768 : index
      %get3A_647 = vector.load %arg2[%get3A_645, %get3A_646] : memref<2048x896xf32, #tpu.memory_space<vmem>>, vector<128x1xf32>
      %jit3A_648 = arith.constant 0.000000e+00 : f32
      %broadcast_in_dim3A_649 = vector.broadcast %jit3A_648 : f32 to vector<128x1xf32>
      %select_n3A_650 = arith.select %and3A_638, %get3A_647, %broadcast_in_dim3A_649 : vector<128x1xi1>, vector<128x1xf32>
      %dot_general3A = arith.constant dense<0.000000e+00> : vector<128x384xf32>
      %dot_general3A_651 = tpu.matmul %convert_element_type3A_644, %convert_element_type3A_490, %dot_general3A {dimension_numbers = #tpu.dot_dimension_numbers<[1], [1], [0], [0], [0, 0, 1, 0], [], []>, transpose_lhs_hint = false} : vector<128x768xbf16>, vector<384x768xbf16>, vector<128x384xf32> -> vector<128x384xf32>
      %slice3A = vector.extract_strided_slice %get3A_503 {offsets = [0, 0], sizes = [1, 384], strides = [1, 1]} : vector<1x768xf32> to vector<1x384xf32>
      %mul3A_652 = vector.broadcast %select_n3A_650 : vector<128x1xf32> to vector<128x384xf32>
      %mul3A_653 = vector.broadcast %slice3A : vector<1x384xf32> to vector<128x384xf32>
      %mul3A_654 = arith.mulf %mul3A_652, %mul3A_653 : vector<128x384xf32>
      %add3A_655 = arith.addf %dot_general3A_651, %mul3A_654 : vector<128x384xf32>
      %get3A_656 = arith.constant 128 : index
      %get3A_657 = arith.constant 0 : index
      %get3A_658 = vector.load %arg6[%get3A_656, %get3A_657] : memref<2048x768xf32, #tpu.memory_space<vmem>>, vector<128x384xf32>
      %add3A_659 = arith.addf %get3A_658, %add3A_655 : vector<128x384xf32>
      %swap3A = arith.constant 128 : index
      %swap3A_660 = arith.constant 0 : index
      %swap3A_661 = vector.load %arg6[%swap3A, %swap3A_660] : memref<2048x768xf32, #tpu.memory_space<vmem>>, vector<128x384xf32>
      tpu.vector_store %arg6[%swap3A, %swap3A_660], %add3A_659 {strides = array<i32>} : memref<2048x768xf32, #tpu.memory_space<vmem>>, vector<128x384xf32>,
      %dot_general3A_662 = arith.constant dense<0.000000e+00> : vector<128x384xf32>
      %dot_general3A_663 = tpu.matmul %convert_element_type3A_644, %convert_element_type3A_498, %dot_general3A_662 {dimension_numbers = #tpu.dot_dimension_numbers<[1], [1], [0], [0], [0, 0, 1, 0], [], []>, transpose_lhs_hint = false} : vector<128x768xbf16>, vector<384x768xbf16>, vector<128x384xf32> -> vector<128x384xf32>
      %slice3A_664 = vector.extract_strided_slice %get3A_503 {offsets = [0, 384], sizes = [1, 384], strides = [1, 1]} : vector<1x768xf32> to vector<1x384xf32>
      %mul3A_665 = vector.broadcast %select_n3A_650 : vector<128x1xf32> to vector<128x384xf32>
      %mul3A_666 = vector.broadcast %slice3A_664 : vector<1x384xf32> to vector<128x384xf32>
      %mul3A_667 = arith.mulf %mul3A_665, %mul3A_666 : vector<128x384xf32>
      %add3A_668 = arith.addf %dot_general3A_663, %mul3A_667 : vector<128x384xf32>
      %get3A_669 = arith.constant 128 : index
      %get3A_670 = arith.constant 384 : index
      %get3A_671 = vector.load %arg6[%get3A_669, %get3A_670] : memref<2048x768xf32, #tpu.memory_space<vmem>>, vector<128x384xf32>
      %add3A_672 = arith.addf %get3A_671, %add3A_668 : vector<128x384xf32>
      %swap3A_673 = arith.constant 128 : index
      %swap3A_674 = arith.constant 384 : index
      %swap3A_675 = vector.load %arg6[%swap3A_673, %swap3A_674] : memref<2048x768xf32, #tpu.memory_space<vmem>>, vector<128x384xf32>
      tpu.vector_store %arg6[%swap3A_673, %swap3A_674], %add3A_672 {strides = array<i32>} : memref<2048x768xf32, #tpu.memory_space<vmem>>, vector<128x384xf32>,
    } else {
    }
    %gt3A_520 = arith.constant 256 : i32
    %gt3A_521 = arith.cmpi sgt, %get3A_482, %gt3A_520 : i32
    %lt3A_522 = arith.constant 384 : i32
    %lt3A_523 = arith.cmpi slt, %get3A_478, %lt3A_522 : i32
    %and3A_524 = arith.andi %gt3A_521, %lt3A_523 : i1
    %convert_element_type3A_525 = arith.extui %and3A_524 : i1 to i32
    %cond3A_526 = arith.constant 0 : i32
    %cond3A_527 = arith.cmpi ne, %convert_element_type3A_525, %cond3A_526 : i32
    scf.if %cond3A_527 {
      %iota3A = tpu.iota {dimensions = array<i32: 0>} : vector<128x1xi32>
      %add3A_632 = arith.constant 256 : i32
      %add3A_633 = vector.broadcast %add3A_632 : i32 to vector<128x1xi32>
      %add3A_634 = arith.addi %add3A_633, %iota3A : vector<128x1xi32>
      %ge3A = vector.broadcast %get3A_478 : i32 to vector<128x1xi32>
      %ge3A_635 = arith.cmpi sge, %add3A_634, %ge3A : vector<128x1xi32>
      %lt3A_636 = vector.broadcast %get3A_482 : i32 to vector<128x1xi32>
      %lt3A_637 = arith.cmpi slt, %add3A_634, %lt3A_636 : vector<128x1xi32>
      %and3A_638 = arith.andi %ge3A_635, %lt3A_637 : vector<128x1xi1>
      %get3A_639 = arith.constant 256 : index
      %get3A_640 = arith.constant 0 : index
      %get3A_641 = vector.load %arg2[%get3A_639, %get3A_640] : memref<2048x896xf32, #tpu.memory_space<vmem>>, vector<128x768xf32>
      %jit3A = arith.constant 0.000000e+00 : f32
      %broadcast_in_dim3A = vector.shape_cast %and3A_638 : vector<128x1xi1> to vector<128x1xi1>
      %broadcast_in_dim3A_642 = vector.broadcast %broadcast_in_dim3A : vector<128x1xi1> to vector<128x768xi1>
      %broadcast_in_dim3A_643 = vector.broadcast %jit3A : f32 to vector<128x768xf32>
      %select_n3A = arith.select %broadcast_in_dim3A_642, %get3A_641, %broadcast_in_dim3A_643 : vector<128x768xi1>, vector<128x768xf32>
      %convert_element_type3A_644 = arith.truncf %select_n3A : vector<128x768xf32> to vector<128x768xbf16>
      %get3A_645 = arith.constant 256 : index
      %get3A_646 = arith.constant 768 : index
      %get3A_647 = vector.load %arg2[%get3A_645, %get3A_646] : memref<2048x896xf32, #tpu.memory_space<vmem>>, vector<128x1xf32>
      %jit3A_648 = arith.constant 0.000000e+00 : f32
      %broadcast_in_dim3A_649 = vector.broadcast %jit3A_648 : f32 to vector<128x1xf32>
      %select_n3A_650 = arith.select %and3A_638, %get3A_647, %broadcast_in_dim3A_649 : vector<128x1xi1>, vector<128x1xf32>
      %dot_general3A = arith.constant dense<0.000000e+00> : vector<128x384xf32>
      %dot_general3A_651 = tpu.matmul %convert_element_type3A_644, %convert_element_type3A_490, %dot_general3A {dimension_numbers = #tpu.dot_dimension_numbers<[1], [1], [0], [0], [0, 0, 1, 0], [], []>, transpose_lhs_hint = false} : vector<128x768xbf16>, vector<384x768xbf16>, vector<128x384xf32> -> vector<128x384xf32>
      %slice3A = vector.extract_strided_slice %get3A_503 {offsets = [0, 0], sizes = [1, 384], strides = [1, 1]} : vector<1x768xf32> to vector<1x384xf32>
      %mul3A_652 = vector.broadcast %select_n3A_650 : vector<128x1xf32> to vector<128x384xf32>
      %mul3A_653 = vector.broadcast %slice3A : vector<1x384xf32> to vector<128x384xf32>
      %mul3A_654 = arith.mulf %mul3A_652, %mul3A_653 : vector<128x384xf32>
      %add3A_655 = arith.addf %dot_general3A_651, %mul3A_654 : vector<128x384xf32>
      %get3A_656 = arith.constant 256 : index
      %get3A_657 = arith.constant 0 : index
      %get3A_658 = vector.load %arg6[%get3A_656, %get3A_657] : memref<2048x768xf32, #tpu.memory_space<vmem>>, vector<128x384xf32>
      %add3A_659 = arith.addf %get3A_658, %add3A_655 : vector<128x384xf32>
      %swap3A = arith.constant 256 : index
      %swap3A_660 = arith.constant 0 : index
      %swap3A_661 = vector.load %arg6[%swap3A, %swap3A_660] : memref<2048x768xf32, #tpu.memory_space<vmem>>, vector<128x384xf32>
      tpu.vector_store %arg6[%swap3A, %swap3A_660], %add3A_659 {strides = array<i32>} : memref<2048x768xf32, #tpu.memory_space<vmem>>, vector<128x384xf32>,
      %dot_general3A_662 = arith.constant dense<0.000000e+00> : vector<128x384xf32>
      %dot_general3A_663 = tpu.matmul %convert_element_type3A_644, %convert_element_type3A_498, %dot_general3A_662 {dimension_numbers = #tpu.dot_dimension_numbers<[1], [1], [0], [0], [0, 0, 1, 0], [], []>, transpose_lhs_hint = false} : vector<128x768xbf16>, vector<384x768xbf16>, vector<128x384xf32> -> vector<128x384xf32>
      %slice3A_664 = vector.extract_strided_slice %get3A_503 {offsets = [0, 384], sizes = [1, 384], strides = [1, 1]} : vector<1x768xf32> to vector<1x384xf32>
      %mul3A_665 = vector.broadcast %select_n3A_650 : vector<128x1xf32> to vector<128x384xf32>
      %mul3A_666 = vector.broadcast %slice3A_664 : vector<1x384xf32> to vector<128x384xf32>
      %mul3A_667 = arith.mulf %mul3A_665, %mul3A_666 : vector<128x384xf32>
      %add3A_668 = arith.addf %dot_general3A_663, %mul3A_667 : vector<128x384xf32>
      %get3A_669 = arith.constant 256 : index
      %get3A_670 = arith.constant 384 : index
      %get3A_671 = vector.load %arg6[%get3A_669, %get3A_670] : memref<2048x768xf32, #tpu.memory_space<vmem>>, vector<128x384xf32>
      %add3A_672 = arith.addf %get3A_671, %add3A_668 : vector<128x384xf32>
      %swap3A_673 = arith.constant 256 : index
      %swap3A_674 = arith.constant 384 : index
      %swap3A_675 = vector.load %arg6[%swap3A_673, %swap3A_674] : memref<2048x768xf32, #tpu.memory_space<vmem>>, vector<128x384xf32>
      tpu.vector_store %arg6[%swap3A_673, %swap3A_674], %add3A_672 {strides = array<i32>} : memref<2048x768xf32, #tpu.memory_space<vmem>>, vector<128x384xf32>,
    } else {
    }
    %gt3A_528 = arith.constant 384 : i32
    %gt3A_529 = arith.cmpi sgt, %get3A_482, %gt3A_528 : i32
    %lt3A_530 = arith.constant 512 : i32
    %lt3A_531 = arith.cmpi slt, %get3A_478, %lt3A_530 : i32
    %and3A_532 = arith.andi %gt3A_529, %lt3A_531 : i1
    %convert_element_type3A_533 = arith.extui %and3A_532 : i1 to i32
    %cond3A_534 = arith.constant 0 : i32
    %cond3A_535 = arith.cmpi ne, %convert_element_type3A_533, %cond3A_534 : i32
    scf.if %cond3A_535 {
      %iota3A = tpu.iota {dimensions = array<i32: 0>} : vector<128x1xi32>
      %add3A_632 = arith.constant 384 : i32
      %add3A_633 = vector.broadcast %add3A_632 : i32 to vector<128x1xi32>
      %add3A_634 = arith.addi %add3A_633, %iota3A : vector<128x1xi32>
      %ge3A = vector.broadcast %get3A_478 : i32 to vector<128x1xi32>
      %ge3A_635 = arith.cmpi sge, %add3A_634, %ge3A : vector<128x1xi32>
      %lt3A_636 = vector.broadcast %get3A_482 : i32 to vector<128x1xi32>
      %lt3A_637 = arith.cmpi slt, %add3A_634, %lt3A_636 : vector<128x1xi32>
      %and3A_638 = arith.andi %ge3A_635, %lt3A_637 : vector<128x1xi1>
      %get3A_639 = arith.constant 384 : index
      %get3A_640 = arith.constant 0 : index
      %get3A_641 = vector.load %arg2[%get3A_639, %get3A_640] : memref<2048x896xf32, #tpu.memory_space<vmem>>, vector<128x768xf32>
      %jit3A = arith.constant 0.000000e+00 : f32
      %broadcast_in_dim3A = vector.shape_cast %and3A_638 : vector<128x1xi1> to vector<128x1xi1>
      %broadcast_in_dim3A_642 = vector.broadcast %broadcast_in_dim3A : vector<128x1xi1> to vector<128x768xi1>
      %broadcast_in_dim3A_643 = vector.broadcast %jit3A : f32 to vector<128x768xf32>
      %select_n3A = arith.select %broadcast_in_dim3A_642, %get3A_641, %broadcast_in_dim3A_643 : vector<128x768xi1>, vector<128x768xf32>
      %convert_element_type3A_644 = arith.truncf %select_n3A : vector<128x768xf32> to vector<128x768xbf16>
      %get3A_645 = arith.constant 384 : index
      %get3A_646 = arith.constant 768 : index
      %get3A_647 = vector.load %arg2[%get3A_645, %get3A_646] : memref<2048x896xf32, #tpu.memory_space<vmem>>, vector<128x1xf32>
      %jit3A_648 = arith.constant 0.000000e+00 : f32
      %broadcast_in_dim3A_649 = vector.broadcast %jit3A_648 : f32 to vector<128x1xf32>
      %select_n3A_650 = arith.select %and3A_638, %get3A_647, %broadcast_in_dim3A_649 : vector<128x1xi1>, vector<128x1xf32>
      %dot_general3A = arith.constant dense<0.000000e+00> : vector<128x384xf32>
      %dot_general3A_651 = tpu.matmul %convert_element_type3A_644, %convert_element_type3A_490, %dot_general3A {dimension_numbers = #tpu.dot_dimension_numbers<[1], [1], [0], [0], [0, 0, 1, 0], [], []>, transpose_lhs_hint = false} : vector<128x768xbf16>, vector<384x768xbf16>, vector<128x384xf32> -> vector<128x384xf32>
      %slice3A = vector.extract_strided_slice %get3A_503 {offsets = [0, 0], sizes = [1, 384], strides = [1, 1]} : vector<1x768xf32> to vector<1x384xf32>
      %mul3A_652 = vector.broadcast %select_n3A_650 : vector<128x1xf32> to vector<128x384xf32>
      %mul3A_653 = vector.broadcast %slice3A : vector<1x384xf32> to vector<128x384xf32>
      %mul3A_654 = arith.mulf %mul3A_652, %mul3A_653 : vector<128x384xf32>
      %add3A_655 = arith.addf %dot_general3A_651, %mul3A_654 : vector<128x384xf32>
      %get3A_656 = arith.constant 384 : index
      %get3A_657 = arith.constant 0 : index
      %get3A_658 = vector.load %arg6[%get3A_656, %get3A_657] : memref<2048x768xf32, #tpu.memory_space<vmem>>, vector<128x384xf32>
      %add3A_659 = arith.addf %get3A_658, %add3A_655 : vector<128x384xf32>
      %swap3A = arith.constant 384 : index
      %swap3A_660 = arith.constant 0 : index
      %swap3A_661 = vector.load %arg6[%swap3A, %swap3A_660] : memref<2048x768xf32, #tpu.memory_space<vmem>>, vector<128x384xf32>
      tpu.vector_store %arg6[%swap3A, %swap3A_660], %add3A_659 {strides = array<i32>} : memref<2048x768xf32, #tpu.memory_space<vmem>>, vector<128x384xf32>,
      %dot_general3A_662 = arith.constant dense<0.000000e+00> : vector<128x384xf32>
      %dot_general3A_663 = tpu.matmul %convert_element_type3A_644, %convert_element_type3A_498, %dot_general3A_662 {dimension_numbers = #tpu.dot_dimension_numbers<[1], [1], [0], [0], [0, 0, 1, 0], [], []>, transpose_lhs_hint = false} : vector<128x768xbf16>, vector<384x768xbf16>, vector<128x384xf32> -> vector<128x384xf32>
      %slice3A_664 = vector.extract_strided_slice %get3A_503 {offsets = [0, 384], sizes = [1, 384], strides = [1, 1]} : vector<1x768xf32> to vector<1x384xf32>
      %mul3A_665 = vector.broadcast %select_n3A_650 : vector<128x1xf32> to vector<128x384xf32>
      %mul3A_666 = vector.broadcast %slice3A_664 : vector<1x384xf32> to vector<128x384xf32>
      %mul3A_667 = arith.mulf %mul3A_665, %mul3A_666 : vector<128x384xf32>
      %add3A_668 = arith.addf %dot_general3A_663, %mul3A_667 : vector<128x384xf32>
      %get3A_669 = arith.constant 384 : index
      %get3A_670 = arith.constant 384 : index
      %get3A_671 = vector.load %arg6[%get3A_669, %get3A_670] : memref<2048x768xf32, #tpu.memory_space<vmem>>, vector<128x384xf32>
      %add3A_672 = arith.addf %get3A_671, %add3A_668 : vector<128x384xf32>
      %swap3A_673 = arith.constant 384 : index
      %swap3A_674 = arith.constant 384 : index
      %swap3A_675 = vector.load %arg6[%swap3A_673, %swap3A_674] : memref<2048x768xf32, #tpu.memory_space<vmem>>, vector<128x384xf32>
      tpu.vector_store %arg6[%swap3A_673, %swap3A_674], %add3A_672 {strides = array<i32>} : memref<2048x768xf32, #tpu.memory_space<vmem>>, vector<128x384xf32>,
    } else {
    }
    %gt3A_536 = arith.constant 512 : i32
    %gt3A_537 = arith.cmpi sgt, %get3A_482, %gt3A_536 : i32
    %lt3A_538 = arith.constant 640 : i32
    %lt3A_539 = arith.cmpi slt, %get3A_478, %lt3A_538 : i32
    %and3A_540 = arith.andi %gt3A_537, %lt3A_539 : i1
    %convert_element_type3A_541 = arith.extui %and3A_540 : i1 to i32
    %cond3A_542 = arith.constant 0 : i32
    %cond3A_543 = arith.cmpi ne, %convert_element_type3A_541, %cond3A_542 : i32
    scf.if %cond3A_543 {
      %iota3A = tpu.iota {dimensions = array<i32: 0>} : vector<128x1xi32>
      %add3A_632 = arith.constant 512 : i32
      %add3A_633 = vector.broadcast %add3A_632 : i32 to vector<128x1xi32>
      %add3A_634 = arith.addi %add3A_633, %iota3A : vector<128x1xi32>
      %ge3A = vector.broadcast %get3A_478 : i32 to vector<128x1xi32>
      %ge3A_635 = arith.cmpi sge, %add3A_634, %ge3A : vector<128x1xi32>
      %lt3A_636 = vector.broadcast %get3A_482 : i32 to vector<128x1xi32>
      %lt3A_637 = arith.cmpi slt, %add3A_634, %lt3A_636 : vector<128x1xi32>
      %and3A_638 = arith.andi %ge3A_635, %lt3A_637 : vector<128x1xi1>
      %get3A_639 = arith.constant 512 : index
      %get3A_640 = arith.constant 0 : index
      %get3A_641 = vector.load %arg2[%get3A_639, %get3A_640] : memref<2048x896xf32, #tpu.memory_space<vmem>>, vector<128x768xf32>
      %jit3A = arith.constant 0.000000e+00 : f32
      %broadcast_in_dim3A = vector.shape_cast %and3A_638 : vector<128x1xi1> to vector<128x1xi1>
      %broadcast_in_dim3A_642 = vector.broadcast %broadcast_in_dim3A : vector<128x1xi1> to vector<128x768xi1>
      %broadcast_in_dim3A_643 = vector.broadcast %jit3A : f32 to vector<128x768xf32>
      %select_n3A = arith.select %broadcast_in_dim3A_642, %get3A_641, %broadcast_in_dim3A_643 : vector<128x768xi1>, vector<128x768xf32>
      %convert_element_type3A_644 = arith.truncf %select_n3A : vector<128x768xf32> to vector<128x768xbf16>
      %get3A_645 = arith.constant 512 : index
      %get3A_646 = arith.constant 768 : index
      %get3A_647 = vector.load %arg2[%get3A_645, %get3A_646] : memref<2048x896xf32, #tpu.memory_space<vmem>>, vector<128x1xf32>
      %jit3A_648 = arith.constant 0.000000e+00 : f32
      %broadcast_in_dim3A_649 = vector.broadcast %jit3A_648 : f32 to vector<128x1xf32>
      %select_n3A_650 = arith.select %and3A_638, %get3A_647, %broadcast_in_dim3A_649 : vector<128x1xi1>, vector<128x1xf32>
      %dot_general3A = arith.constant dense<0.000000e+00> : vector<128x384xf32>
      %dot_general3A_651 = tpu.matmul %convert_element_type3A_644, %convert_element_type3A_490, %dot_general3A {dimension_numbers = #tpu.dot_dimension_numbers<[1], [1], [0], [0], [0, 0, 1, 0], [], []>, transpose_lhs_hint = false} : vector<128x768xbf16>, vector<384x768xbf16>, vector<128x384xf32> -> vector<128x384xf32>
      %slice3A = vector.extract_strided_slice %get3A_503 {offsets = [0, 0], sizes = [1, 384], strides = [1, 1]} : vector<1x768xf32> to vector<1x384xf32>
      %mul3A_652 = vector.broadcast %select_n3A_650 : vector<128x1xf32> to vector<128x384xf32>
      %mul3A_653 = vector.broadcast %slice3A : vector<1x384xf32> to vector<128x384xf32>
      %mul3A_654 = arith.mulf %mul3A_652, %mul3A_653 : vector<128x384xf32>
      %add3A_655 = arith.addf %dot_general3A_651, %mul3A_654 : vector<128x384xf32>
      %get3A_656 = arith.constant 512 : index
      %get3A_657 = arith.constant 0 : index
      %get3A_658 = vector.load %arg6[%get3A_656, %get3A_657] : memref<2048x768xf32, #tpu.memory_space<vmem>>, vector<128x384xf32>
      %add3A_659 = arith.addf %get3A_658, %add3A_655 : vector<128x384xf32>
      %swap3A = arith.constant 512 : index
      %swap3A_660 = arith.constant 0 : index
      %swap3A_661 = vector.load %arg6[%swap3A, %swap3A_660] : memref<2048x768xf32, #tpu.memory_space<vmem>>, vector<128x384xf32>
      tpu.vector_store %arg6[%swap3A, %swap3A_660], %add3A_659 {strides = array<i32>} : memref<2048x768xf32, #tpu.memory_space<vmem>>, vector<128x384xf32>,
      %dot_general3A_662 = arith.constant dense<0.000000e+00> : vector<128x384xf32>
      %dot_general3A_663 = tpu.matmul %convert_element_type3A_644, %convert_element_type3A_498, %dot_general3A_662 {dimension_numbers = #tpu.dot_dimension_numbers<[1], [1], [0], [0], [0, 0, 1, 0], [], []>, transpose_lhs_hint = false} : vector<128x768xbf16>, vector<384x768xbf16>, vector<128x384xf32> -> vector<128x384xf32>
      %slice3A_664 = vector.extract_strided_slice %get3A_503 {offsets = [0, 384], sizes = [1, 384], strides = [1, 1]} : vector<1x768xf32> to vector<1x384xf32>
      %mul3A_665 = vector.broadcast %select_n3A_650 : vector<128x1xf32> to vector<128x384xf32>
      %mul3A_666 = vector.broadcast %slice3A_664 : vector<1x384xf32> to vector<128x384xf32>
      %mul3A_667 = arith.mulf %mul3A_665, %mul3A_666 : vector<128x384xf32>
      %add3A_668 = arith.addf %dot_general3A_663, %mul3A_667 : vector<128x384xf32>
      %get3A_669 = arith.constant 512 : index
      %get3A_670 = arith.constant 384 : index
      %get3A_671 = vector.load %arg6[%get3A_669, %get3A_670] : memref<2048x768xf32, #tpu.memory_space<vmem>>, vector<128x384xf32>
      %add3A_672 = arith.addf %get3A_671, %add3A_668 : vector<128x384xf32>
      %swap3A_673 = arith.constant 512 : index
      %swap3A_674 = arith.constant 384 : index
      %swap3A_675 = vector.load %arg6[%swap3A_673, %swap3A_674] : memref<2048x768xf32, #tpu.memory_space<vmem>>, vector<128x384xf32>
      tpu.vector_store %arg6[%swap3A_673, %swap3A_674], %add3A_672 {strides = array<i32>} : memref<2048x768xf32, #tpu.memory_space<vmem>>, vector<128x384xf32>,
    } else {
    }
    %gt3A_544 = arith.constant 640 : i32
    %gt3A_545 = arith.cmpi sgt, %get3A_482, %gt3A_544 : i32
    %lt3A_546 = arith.constant 768 : i32
    %lt3A_547 = arith.cmpi slt, %get3A_478, %lt3A_546 : i32
    %and3A_548 = arith.andi %gt3A_545, %lt3A_547 : i1
    %convert_element_type3A_549 = arith.extui %and3A_548 : i1 to i32
    %cond3A_550 = arith.constant 0 : i32
    %cond3A_551 = arith.cmpi ne, %convert_element_type3A_549, %cond3A_550 : i32
    scf.if %cond3A_551 {
      %iota3A = tpu.iota {dimensions = array<i32: 0>} : vector<128x1xi32>
      %add3A_632 = arith.constant 640 : i32
      %add3A_633 = vector.broadcast %add3A_632 : i32 to vector<128x1xi32>
      %add3A_634 = arith.addi %add3A_633, %iota3A : vector<128x1xi32>
      %ge3A = vector.broadcast %get3A_478 : i32 to vector<128x1xi32>
      %ge3A_635 = arith.cmpi sge, %add3A_634, %ge3A : vector<128x1xi32>
      %lt3A_636 = vector.broadcast %get3A_482 : i32 to vector<128x1xi32>
      %lt3A_637 = arith.cmpi slt, %add3A_634, %lt3A_636 : vector<128x1xi32>
      %and3A_638 = arith.andi %ge3A_635, %lt3A_637 : vector<128x1xi1>
      %get3A_639 = arith.constant 640 : index
      %get3A_640 = arith.constant 0 : index
      %get3A_641 = vector.load %arg2[%get3A_639, %get3A_640] : memref<2048x896xf32, #tpu.memory_space<vmem>>, vector<128x768xf32>
      %jit3A = arith.constant 0.000000e+00 : f32
      %broadcast_in_dim3A = vector.shape_cast %and3A_638 : vector<128x1xi1> to vector<128x1xi1>
      %broadcast_in_dim3A_642 = vector.broadcast %broadcast_in_dim3A : vector<128x1xi1> to vector<128x768xi1>
      %broadcast_in_dim3A_643 = vector.broadcast %jit3A : f32 to vector<128x768xf32>
      %select_n3A = arith.select %broadcast_in_dim3A_642, %get3A_641, %broadcast_in_dim3A_643 : vector<128x768xi1>, vector<128x768xf32>
      %convert_element_type3A_644 = arith.truncf %select_n3A : vector<128x768xf32> to vector<128x768xbf16>
      %get3A_645 = arith.constant 640 : index
      %get3A_646 = arith.constant 768 : index
      %get3A_647 = vector.load %arg2[%get3A_645, %get3A_646] : memref<2048x896xf32, #tpu.memory_space<vmem>>, vector<128x1xf32>
      %jit3A_648 = arith.constant 0.000000e+00 : f32
      %broadcast_in_dim3A_649 = vector.broadcast %jit3A_648 : f32 to vector<128x1xf32>
      %select_n3A_650 = arith.select %and3A_638, %get3A_647, %broadcast_in_dim3A_649 : vector<128x1xi1>, vector<128x1xf32>
      %dot_general3A = arith.constant dense<0.000000e+00> : vector<128x384xf32>
      %dot_general3A_651 = tpu.matmul %convert_element_type3A_644, %convert_element_type3A_490, %dot_general3A {dimension_numbers = #tpu.dot_dimension_numbers<[1], [1], [0], [0], [0, 0, 1, 0], [], []>, transpose_lhs_hint = false} : vector<128x768xbf16>, vector<384x768xbf16>, vector<128x384xf32> -> vector<128x384xf32>
      %slice3A = vector.extract_strided_slice %get3A_503 {offsets = [0, 0], sizes = [1, 384], strides = [1, 1]} : vector<1x768xf32> to vector<1x384xf32>
      %mul3A_652 = vector.broadcast %select_n3A_650 : vector<128x1xf32> to vector<128x384xf32>
      %mul3A_653 = vector.broadcast %slice3A : vector<1x384xf32> to vector<128x384xf32>
      %mul3A_654 = arith.mulf %mul3A_652, %mul3A_653 : vector<128x384xf32>
      %add3A_655 = arith.addf %dot_general3A_651, %mul3A_654 : vector<128x384xf32>
      %get3A_656 = arith.constant 640 : index
      %get3A_657 = arith.constant 0 : index
      %get3A_658 = vector.load %arg6[%get3A_656, %get3A_657] : memref<2048x768xf32, #tpu.memory_space<vmem>>, vector<128x384xf32>
      %add3A_659 = arith.addf %get3A_658, %add3A_655 : vector<128x384xf32>
      %swap3A = arith.constant 640 : index
      %swap3A_660 = arith.constant 0 : index
      %swap3A_661 = vector.load %arg6[%swap3A, %swap3A_660] : memref<2048x768xf32, #tpu.memory_space<vmem>>, vector<128x384xf32>
      tpu.vector_store %arg6[%swap3A, %swap3A_660], %add3A_659 {strides = array<i32>} : memref<2048x768xf32, #tpu.memory_space<vmem>>, vector<128x384xf32>,
      %dot_general3A_662 = arith.constant dense<0.000000e+00> : vector<128x384xf32>
      %dot_general3A_663 = tpu.matmul %convert_element_type3A_644, %convert_element_type3A_498, %dot_general3A_662 {dimension_numbers = #tpu.dot_dimension_numbers<[1], [1], [0], [0], [0, 0, 1, 0], [], []>, transpose_lhs_hint = false} : vector<128x768xbf16>, vector<384x768xbf16>, vector<128x384xf32> -> vector<128x384xf32>
      %slice3A_664 = vector.extract_strided_slice %get3A_503 {offsets = [0, 384], sizes = [1, 384], strides = [1, 1]} : vector<1x768xf32> to vector<1x384xf32>
      %mul3A_665 = vector.broadcast %select_n3A_650 : vector<128x1xf32> to vector<128x384xf32>
      %mul3A_666 = vector.broadcast %slice3A_664 : vector<1x384xf32> to vector<128x384xf32>
      %mul3A_667 = arith.mulf %mul3A_665, %mul3A_666 : vector<128x384xf32>
      %add3A_668 = arith.addf %dot_general3A_663, %mul3A_667 : vector<128x384xf32>
      %get3A_669 = arith.constant 640 : index
      %get3A_670 = arith.constant 384 : index
      %get3A_671 = vector.load %arg6[%get3A_669, %get3A_670] : memref<2048x768xf32, #tpu.memory_space<vmem>>, vector<128x384xf32>
      %add3A_672 = arith.addf %get3A_671, %add3A_668 : vector<128x384xf32>
      %swap3A_673 = arith.constant 640 : index
      %swap3A_674 = arith.constant 384 : index
      %swap3A_675 = vector.load %arg6[%swap3A_673, %swap3A_674] : memref<2048x768xf32, #tpu.memory_space<vmem>>, vector<128x384xf32>
      tpu.vector_store %arg6[%swap3A_673, %swap3A_674], %add3A_672 {strides = array<i32>} : memref<2048x768xf32, #tpu.memory_space<vmem>>, vector<128x384xf32>,
    } else {
    }
    %gt3A_552 = arith.constant 768 : i32
    %gt3A_553 = arith.cmpi sgt, %get3A_482, %gt3A_552 : i32
    %lt3A_554 = arith.constant 896 : i32
    %lt3A_555 = arith.cmpi slt, %get3A_478, %lt3A_554 : i32
    %and3A_556 = arith.andi %gt3A_553, %lt3A_555 : i1
    %convert_element_type3A_557 = arith.extui %and3A_556 : i1 to i32
    %cond3A_558 = arith.constant 0 : i32
    %cond3A_559 = arith.cmpi ne, %convert_element_type3A_557, %cond3A_558 : i32
    scf.if %cond3A_559 {
      %iota3A = tpu.iota {dimensions = array<i32: 0>} : vector<128x1xi32>
      %add3A_632 = arith.constant 768 : i32
      %add3A_633 = vector.broadcast %add3A_632 : i32 to vector<128x1xi32>
      %add3A_634 = arith.addi %add3A_633, %iota3A : vector<128x1xi32>
      %ge3A = vector.broadcast %get3A_478 : i32 to vector<128x1xi32>
      %ge3A_635 = arith.cmpi sge, %add3A_634, %ge3A : vector<128x1xi32>
      %lt3A_636 = vector.broadcast %get3A_482 : i32 to vector<128x1xi32>
      %lt3A_637 = arith.cmpi slt, %add3A_634, %lt3A_636 : vector<128x1xi32>
      %and3A_638 = arith.andi %ge3A_635, %lt3A_637 : vector<128x1xi1>
      %get3A_639 = arith.constant 768 : index
      %get3A_640 = arith.constant 0 : index
      %get3A_641 = vector.load %arg2[%get3A_639, %get3A_640] : memref<2048x896xf32, #tpu.memory_space<vmem>>, vector<128x768xf32>
      %jit3A = arith.constant 0.000000e+00 : f32
      %broadcast_in_dim3A = vector.shape_cast %and3A_638 : vector<128x1xi1> to vector<128x1xi1>
      %broadcast_in_dim3A_642 = vector.broadcast %broadcast_in_dim3A : vector<128x1xi1> to vector<128x768xi1>
      %broadcast_in_dim3A_643 = vector.broadcast %jit3A : f32 to vector<128x768xf32>
      %select_n3A = arith.select %broadcast_in_dim3A_642, %get3A_641, %broadcast_in_dim3A_643 : vector<128x768xi1>, vector<128x768xf32>
      %convert_element_type3A_644 = arith.truncf %select_n3A : vector<128x768xf32> to vector<128x768xbf16>
      %get3A_645 = arith.constant 768 : index
      %get3A_646 = arith.constant 768 : index
      %get3A_647 = vector.load %arg2[%get3A_645, %get3A_646] : memref<2048x896xf32, #tpu.memory_space<vmem>>, vector<128x1xf32>
      %jit3A_648 = arith.constant 0.000000e+00 : f32
      %broadcast_in_dim3A_649 = vector.broadcast %jit3A_648 : f32 to vector<128x1xf32>
      %select_n3A_650 = arith.select %and3A_638, %get3A_647, %broadcast_in_dim3A_649 : vector<128x1xi1>, vector<128x1xf32>
      %dot_general3A = arith.constant dense<0.000000e+00> : vector<128x384xf32>
      %dot_general3A_651 = tpu.matmul %convert_element_type3A_644, %convert_element_type3A_490, %dot_general3A {dimension_numbers = #tpu.dot_dimension_numbers<[1], [1], [0], [0], [0, 0, 1, 0], [], []>, transpose_lhs_hint = false} : vector<128x768xbf16>, vector<384x768xbf16>, vector<128x384xf32> -> vector<128x384xf32>
      %slice3A = vector.extract_strided_slice %get3A_503 {offsets = [0, 0], sizes = [1, 384], strides = [1, 1]} : vector<1x768xf32> to vector<1x384xf32>
      %mul3A_652 = vector.broadcast %select_n3A_650 : vector<128x1xf32> to vector<128x384xf32>
      %mul3A_653 = vector.broadcast %slice3A : vector<1x384xf32> to vector<128x384xf32>
      %mul3A_654 = arith.mulf %mul3A_652, %mul3A_653 : vector<128x384xf32>
      %add3A_655 = arith.addf %dot_general3A_651, %mul3A_654 : vector<128x384xf32>
      %get3A_656 = arith.constant 768 : index
      %get3A_657 = arith.constant 0 : index
      %get3A_658 = vector.load %arg6[%get3A_656, %get3A_657] : memref<2048x768xf32, #tpu.memory_space<vmem>>, vector<128x384xf32>
      %add3A_659 = arith.addf %get3A_658, %add3A_655 : vector<128x384xf32>
      %swap3A = arith.constant 768 : index
      %swap3A_660 = arith.constant 0 : index
      %swap3A_661 = vector.load %arg6[%swap3A, %swap3A_660] : memref<2048x768xf32, #tpu.memory_space<vmem>>, vector<128x384xf32>
      tpu.vector_store %arg6[%swap3A, %swap3A_660], %add3A_659 {strides = array<i32>} : memref<2048x768xf32, #tpu.memory_space<vmem>>, vector<128x384xf32>,
      %dot_general3A_662 = arith.constant dense<0.000000e+00> : vector<128x384xf32>
      %dot_general3A_663 = tpu.matmul %convert_element_type3A_644, %convert_element_type3A_498, %dot_general3A_662 {dimension_numbers = #tpu.dot_dimension_numbers<[1], [1], [0], [0], [0, 0, 1, 0], [], []>, transpose_lhs_hint = false} : vector<128x768xbf16>, vector<384x768xbf16>, vector<128x384xf32> -> vector<128x384xf32>
      %slice3A_664 = vector.extract_strided_slice %get3A_503 {offsets = [0, 384], sizes = [1, 384], strides = [1, 1]} : vector<1x768xf32> to vector<1x384xf32>
      %mul3A_665 = vector.broadcast %select_n3A_650 : vector<128x1xf32> to vector<128x384xf32>
      %mul3A_666 = vector.broadcast %slice3A_664 : vector<1x384xf32> to vector<128x384xf32>
      %mul3A_667 = arith.mulf %mul3A_665, %mul3A_666 : vector<128x384xf32>
      %add3A_668 = arith.addf %dot_general3A_663, %mul3A_667 : vector<128x384xf32>
      %get3A_669 = arith.constant 768 : index
      %get3A_670 = arith.constant 384 : index
      %get3A_671 = vector.load %arg6[%get3A_669, %get3A_670] : memref<2048x768xf32, #tpu.memory_space<vmem>>, vector<128x384xf32>
      %add3A_672 = arith.addf %get3A_671, %add3A_668 : vector<128x384xf32>
      %swap3A_673 = arith.constant 768 : index
      %swap3A_674 = arith.constant 384 : index
      %swap3A_675 = vector.load %arg6[%swap3A_673, %swap3A_674] : memref<2048x768xf32, #tpu.memory_space<vmem>>, vector<128x384xf32>
      tpu.vector_store %arg6[%swap3A_673, %swap3A_674], %add3A_672 {strides = array<i32>} : memref<2048x768xf32, #tpu.memory_space<vmem>>, vector<128x384xf32>,
    } else {
    }
    %gt3A_560 = arith.constant 896 : i32
    %gt3A_561 = arith.cmpi sgt, %get3A_482, %gt3A_560 : i32
    %lt3A_562 = arith.constant 1024 : i32
    %lt3A_563 = arith.cmpi slt, %get3A_478, %lt3A_562 : i32
    %and3A_564 = arith.andi %gt3A_561, %lt3A_563 : i1
    %convert_element_type3A_565 = arith.extui %and3A_564 : i1 to i32
    %cond3A_566 = arith.constant 0 : i32
    %cond3A_567 = arith.cmpi ne, %convert_element_type3A_565, %cond3A_566 : i32
    scf.if %cond3A_567 {
      %iota3A = tpu.iota {dimensions = array<i32: 0>} : vector<128x1xi32>
      %add3A_632 = arith.constant 896 : i32
      %add3A_633 = vector.broadcast %add3A_632 : i32 to vector<128x1xi32>
      %add3A_634 = arith.addi %add3A_633, %iota3A : vector<128x1xi32>
      %ge3A = vector.broadcast %get3A_478 : i32 to vector<128x1xi32>
      %ge3A_635 = arith.cmpi sge, %add3A_634, %ge3A : vector<128x1xi32>
      %lt3A_636 = vector.broadcast %get3A_482 : i32 to vector<128x1xi32>
      %lt3A_637 = arith.cmpi slt, %add3A_634, %lt3A_636 : vector<128x1xi32>
      %and3A_638 = arith.andi %ge3A_635, %lt3A_637 : vector<128x1xi1>
      %get3A_639 = arith.constant 896 : index
      %get3A_640 = arith.constant 0 : index
      %get3A_641 = vector.load %arg2[%get3A_639, %get3A_640] : memref<2048x896xf32, #tpu.memory_space<vmem>>, vector<128x768xf32>
      %jit3A = arith.constant 0.000000e+00 : f32
      %broadcast_in_dim3A = vector.shape_cast %and3A_638 : vector<128x1xi1> to vector<128x1xi1>
      %broadcast_in_dim3A_642 = vector.broadcast %broadcast_in_dim3A : vector<128x1xi1> to vector<128x768xi1>
      %broadcast_in_dim3A_643 = vector.broadcast %jit3A : f32 to vector<128x768xf32>
      %select_n3A = arith.select %broadcast_in_dim3A_642, %get3A_641, %broadcast_in_dim3A_643 : vector<128x768xi1>, vector<128x768xf32>
      %convert_element_type3A_644 = arith.truncf %select_n3A : vector<128x768xf32> to vector<128x768xbf16>
      %get3A_645 = arith.constant 896 : index
      %get3A_646 = arith.constant 768 : index
      %get3A_647 = vector.load %arg2[%get3A_645, %get3A_646] : memref<2048x896xf32, #tpu.memory_space<vmem>>, vector<128x1xf32>
      %jit3A_648 = arith.constant 0.000000e+00 : f32
      %broadcast_in_dim3A_649 = vector.broadcast %jit3A_648 : f32 to vector<128x1xf32>
      %select_n3A_650 = arith.select %and3A_638, %get3A_647, %broadcast_in_dim3A_649 : vector<128x1xi1>, vector<128x1xf32>
      %dot_general3A = arith.constant dense<0.000000e+00> : vector<128x384xf32>
      %dot_general3A_651 = tpu.matmul %convert_element_type3A_644, %convert_element_type3A_490, %dot_general3A {dimension_numbers = #tpu.dot_dimension_numbers<[1], [1], [0], [0], [0, 0, 1, 0], [], []>, transpose_lhs_hint = false} : vector<128x768xbf16>, vector<384x768xbf16>, vector<128x384xf32> -> vector<128x384xf32>
      %slice3A = vector.extract_strided_slice %get3A_503 {offsets = [0, 0], sizes = [1, 384], strides = [1, 1]} : vector<1x768xf32> to vector<1x384xf32>
      %mul3A_652 = vector.broadcast %select_n3A_650 : vector<128x1xf32> to vector<128x384xf32>
      %mul3A_653 = vector.broadcast %slice3A : vector<1x384xf32> to vector<128x384xf32>
      %mul3A_654 = arith.mulf %mul3A_652, %mul3A_653 : vector<128x384xf32>
      %add3A_655 = arith.addf %dot_general3A_651, %mul3A_654 : vector<128x384xf32>
      %get3A_656 = arith.constant 896 : index
      %get3A_657 = arith.constant 0 : index
      %get3A_658 = vector.load %arg6[%get3A_656, %get3A_657] : memref<2048x768xf32, #tpu.memory_space<vmem>>, vector<128x384xf32>
      %add3A_659 = arith.addf %get3A_658, %add3A_655 : vector<128x384xf32>
      %swap3A = arith.constant 896 : index
      %swap3A_660 = arith.constant 0 : index
      %swap3A_661 = vector.load %arg6[%swap3A, %swap3A_660] : memref<2048x768xf32, #tpu.memory_space<vmem>>, vector<128x384xf32>
      tpu.vector_store %arg6[%swap3A, %swap3A_660], %add3A_659 {strides = array<i32>} : memref<2048x768xf32, #tpu.memory_space<vmem>>, vector<128x384xf32>,
      %dot_general3A_662 = arith.constant dense<0.000000e+00> : vector<128x384xf32>
      %dot_general3A_663 = tpu.matmul %convert_element_type3A_644, %convert_element_type3A_498, %dot_general3A_662 {dimension_numbers = #tpu.dot_dimension_numbers<[1], [1], [0], [0], [0, 0, 1, 0], [], []>, transpose_lhs_hint = false} : vector<128x768xbf16>, vector<384x768xbf16>, vector<128x384xf32> -> vector<128x384xf32>
      %slice3A_664 = vector.extract_strided_slice %get3A_503 {offsets = [0, 384], sizes = [1, 384], strides = [1, 1]} : vector<1x768xf32> to vector<1x384xf32>
      %mul3A_665 = vector.broadcast %select_n3A_650 : vector<128x1xf32> to vector<128x384xf32>
      %mul3A_666 = vector.broadcast %slice3A_664 : vector<1x384xf32> to vector<128x384xf32>
      %mul3A_667 = arith.mulf %mul3A_665, %mul3A_666 : vector<128x384xf32>
      %add3A_668 = arith.addf %dot_general3A_663, %mul3A_667 : vector<128x384xf32>
      %get3A_669 = arith.constant 896 : index
      %get3A_670 = arith.constant 384 : index
      %get3A_671 = vector.load %arg6[%get3A_669, %get3A_670] : memref<2048x768xf32, #tpu.memory_space<vmem>>, vector<128x384xf32>
      %add3A_672 = arith.addf %get3A_671, %add3A_668 : vector<128x384xf32>
      %swap3A_673 = arith.constant 896 : index
      %swap3A_674 = arith.constant 384 : index
      %swap3A_675 = vector.load %arg6[%swap3A_673, %swap3A_674] : memref<2048x768xf32, #tpu.memory_space<vmem>>, vector<128x384xf32>
      tpu.vector_store %arg6[%swap3A_673, %swap3A_674], %add3A_672 {strides = array<i32>} : memref<2048x768xf32, #tpu.memory_space<vmem>>, vector<128x384xf32>,
    } else {
    }
    %gt3A_568 = arith.constant 1024 : i32
    %gt3A_569 = arith.cmpi sgt, %get3A_482, %gt3A_568 : i32
    %lt3A_570 = arith.constant 1152 : i32
    %lt3A_571 = arith.cmpi slt, %get3A_478, %lt3A_570 : i32
    %and3A_572 = arith.andi %gt3A_569, %lt3A_571 : i1
    %convert_element_type3A_573 = arith.extui %and3A_572 : i1 to i32
    %cond3A_574 = arith.constant 0 : i32
    %cond3A_575 = arith.cmpi ne, %convert_element_type3A_573, %cond3A_574 : i32
    scf.if %cond3A_575 {
      %iota3A = tpu.iota {dimensions = array<i32: 0>} : vector<128x1xi32>
      %add3A_632 = arith.constant 1024 : i32
      %add3A_633 = vector.broadcast %add3A_632 : i32 to vector<128x1xi32>
      %add3A_634 = arith.addi %add3A_633, %iota3A : vector<128x1xi32>
      %ge3A = vector.broadcast %get3A_478 : i32 to vector<128x1xi32>
      %ge3A_635 = arith.cmpi sge, %add3A_634, %ge3A : vector<128x1xi32>
      %lt3A_636 = vector.broadcast %get3A_482 : i32 to vector<128x1xi32>
      %lt3A_637 = arith.cmpi slt, %add3A_634, %lt3A_636 : vector<128x1xi32>
      %and3A_638 = arith.andi %ge3A_635, %lt3A_637 : vector<128x1xi1>
      %get3A_639 = arith.constant 1024 : index
      %get3A_640 = arith.constant 0 : index
      %get3A_641 = vector.load %arg2[%get3A_639, %get3A_640] : memref<2048x896xf32, #tpu.memory_space<vmem>>, vector<128x768xf32>
      %jit3A = arith.constant 0.000000e+00 : f32
      %broadcast_in_dim3A = vector.shape_cast %and3A_638 : vector<128x1xi1> to vector<128x1xi1>
      %broadcast_in_dim3A_642 = vector.broadcast %broadcast_in_dim3A : vector<128x1xi1> to vector<128x768xi1>
      %broadcast_in_dim3A_643 = vector.broadcast %jit3A : f32 to vector<128x768xf32>
      %select_n3A = arith.select %broadcast_in_dim3A_642, %get3A_641, %broadcast_in_dim3A_643 : vector<128x768xi1>, vector<128x768xf32>
      %convert_element_type3A_644 = arith.truncf %select_n3A : vector<128x768xf32> to vector<128x768xbf16>
      %get3A_645 = arith.constant 1024 : index
      %get3A_646 = arith.constant 768 : index
      %get3A_647 = vector.load %arg2[%get3A_645, %get3A_646] : memref<2048x896xf32, #tpu.memory_space<vmem>>, vector<128x1xf32>
      %jit3A_648 = arith.constant 0.000000e+00 : f32
      %broadcast_in_dim3A_649 = vector.broadcast %jit3A_648 : f32 to vector<128x1xf32>
      %select_n3A_650 = arith.select %and3A_638, %get3A_647, %broadcast_in_dim3A_649 : vector<128x1xi1>, vector<128x1xf32>
      %dot_general3A = arith.constant dense<0.000000e+00> : vector<128x384xf32>
      %dot_general3A_651 = tpu.matmul %convert_element_type3A_644, %convert_element_type3A_490, %dot_general3A {dimension_numbers = #tpu.dot_dimension_numbers<[1], [1], [0], [0], [0, 0, 1, 0], [], []>, transpose_lhs_hint = false} : vector<128x768xbf16>, vector<384x768xbf16>, vector<128x384xf32> -> vector<128x384xf32>
      %slice3A = vector.extract_strided_slice %get3A_503 {offsets = [0, 0], sizes = [1, 384], strides = [1, 1]} : vector<1x768xf32> to vector<1x384xf32>
      %mul3A_652 = vector.broadcast %select_n3A_650 : vector<128x1xf32> to vector<128x384xf32>
      %mul3A_653 = vector.broadcast %slice3A : vector<1x384xf32> to vector<128x384xf32>
      %mul3A_654 = arith.mulf %mul3A_652, %mul3A_653 : vector<128x384xf32>
      %add3A_655 = arith.addf %dot_general3A_651, %mul3A_654 : vector<128x384xf32>
      %get3A_656 = arith.constant 1024 : index
      %get3A_657 = arith.constant 0 : index
      %get3A_658 = vector.load %arg6[%get3A_656, %get3A_657] : memref<2048x768xf32, #tpu.memory_space<vmem>>, vector<128x384xf32>
      %add3A_659 = arith.addf %get3A_658, %add3A_655 : vector<128x384xf32>
      %swap3A = arith.constant 1024 : index
      %swap3A_660 = arith.constant 0 : index
      %swap3A_661 = vector.load %arg6[%swap3A, %swap3A_660] : memref<2048x768xf32, #tpu.memory_space<vmem>>, vector<128x384xf32>
      tpu.vector_store %arg6[%swap3A, %swap3A_660], %add3A_659 {strides = array<i32>} : memref<2048x768xf32, #tpu.memory_space<vmem>>, vector<128x384xf32>,
      %dot_general3A_662 = arith.constant dense<0.000000e+00> : vector<128x384xf32>
      %dot_general3A_663 = tpu.matmul %convert_element_type3A_644, %convert_element_type3A_498, %dot_general3A_662 {dimension_numbers = #tpu.dot_dimension_numbers<[1], [1], [0], [0], [0, 0, 1, 0], [], []>, transpose_lhs_hint = false} : vector<128x768xbf16>, vector<384x768xbf16>, vector<128x384xf32> -> vector<128x384xf32>
      %slice3A_664 = vector.extract_strided_slice %get3A_503 {offsets = [0, 384], sizes = [1, 384], strides = [1, 1]} : vector<1x768xf32> to vector<1x384xf32>
      %mul3A_665 = vector.broadcast %select_n3A_650 : vector<128x1xf32> to vector<128x384xf32>
      %mul3A_666 = vector.broadcast %slice3A_664 : vector<1x384xf32> to vector<128x384xf32>
      %mul3A_667 = arith.mulf %mul3A_665, %mul3A_666 : vector<128x384xf32>
      %add3A_668 = arith.addf %dot_general3A_663, %mul3A_667 : vector<128x384xf32>
      %get3A_669 = arith.constant 1024 : index
      %get3A_670 = arith.constant 384 : index
      %get3A_671 = vector.load %arg6[%get3A_669, %get3A_670] : memref<2048x768xf32, #tpu.memory_space<vmem>>, vector<128x384xf32>
      %add3A_672 = arith.addf %get3A_671, %add3A_668 : vector<128x384xf32>
      %swap3A_673 = arith.constant 1024 : index
      %swap3A_674 = arith.constant 384 : index
      %swap3A_675 = vector.load %arg6[%swap3A_673, %swap3A_674] : memref<2048x768xf32, #tpu.memory_space<vmem>>, vector<128x384xf32>
      tpu.vector_store %arg6[%swap3A_673, %swap3A_674], %add3A_672 {strides = array<i32>} : memref<2048x768xf32, #tpu.memory_space<vmem>>, vector<128x384xf32>,
    } else {
    }
    %gt3A_576 = arith.constant 1152 : i32
    %gt3A_577 = arith.cmpi sgt, %get3A_482, %gt3A_576 : i32
    %lt3A_578 = arith.constant 1280 : i32
    %lt3A_579 = arith.cmpi slt, %get3A_478, %lt3A_578 : i32
    %and3A_580 = arith.andi %gt3A_577, %lt3A_579 : i1
    %convert_element_type3A_581 = arith.extui %and3A_580 : i1 to i32
    %cond3A_582 = arith.constant 0 : i32
    %cond3A_583 = arith.cmpi ne, %convert_element_type3A_581, %cond3A_582 : i32
    scf.if %cond3A_583 {
      %iota3A = tpu.iota {dimensions = array<i32: 0>} : vector<128x1xi32>
      %add3A_632 = arith.constant 1152 : i32
      %add3A_633 = vector.broadcast %add3A_632 : i32 to vector<128x1xi32>
      %add3A_634 = arith.addi %add3A_633, %iota3A : vector<128x1xi32>
      %ge3A = vector.broadcast %get3A_478 : i32 to vector<128x1xi32>
      %ge3A_635 = arith.cmpi sge, %add3A_634, %ge3A : vector<128x1xi32>
      %lt3A_636 = vector.broadcast %get3A_482 : i32 to vector<128x1xi32>
      %lt3A_637 = arith.cmpi slt, %add3A_634, %lt3A_636 : vector<128x1xi32>
      %and3A_638 = arith.andi %ge3A_635, %lt3A_637 : vector<128x1xi1>
      %get3A_639 = arith.constant 1152 : index
      %get3A_640 = arith.constant 0 : index
      %get3A_641 = vector.load %arg2[%get3A_639, %get3A_640] : memref<2048x896xf32, #tpu.memory_space<vmem>>, vector<128x768xf32>
      %jit3A = arith.constant 0.000000e+00 : f32
      %broadcast_in_dim3A = vector.shape_cast %and3A_638 : vector<128x1xi1> to vector<128x1xi1>
      %broadcast_in_dim3A_642 = vector.broadcast %broadcast_in_dim3A : vector<128x1xi1> to vector<128x768xi1>
      %broadcast_in_dim3A_643 = vector.broadcast %jit3A : f32 to vector<128x768xf32>
      %select_n3A = arith.select %broadcast_in_dim3A_642, %get3A_641, %broadcast_in_dim3A_643 : vector<128x768xi1>, vector<128x768xf32>
      %convert_element_type3A_644 = arith.truncf %select_n3A : vector<128x768xf32> to vector<128x768xbf16>
      %get3A_645 = arith.constant 1152 : index
      %get3A_646 = arith.constant 768 : index
      %get3A_647 = vector.load %arg2[%get3A_645, %get3A_646] : memref<2048x896xf32, #tpu.memory_space<vmem>>, vector<128x1xf32>
      %jit3A_648 = arith.constant 0.000000e+00 : f32
      %broadcast_in_dim3A_649 = vector.broadcast %jit3A_648 : f32 to vector<128x1xf32>
      %select_n3A_650 = arith.select %and3A_638, %get3A_647, %broadcast_in_dim3A_649 : vector<128x1xi1>, vector<128x1xf32>
      %dot_general3A = arith.constant dense<0.000000e+00> : vector<128x384xf32>
      %dot_general3A_651 = tpu.matmul %convert_element_type3A_644, %convert_element_type3A_490, %dot_general3A {dimension_numbers = #tpu.dot_dimension_numbers<[1], [1], [0], [0], [0, 0, 1, 0], [], []>, transpose_lhs_hint = false} : vector<128x768xbf16>, vector<384x768xbf16>, vector<128x384xf32> -> vector<128x384xf32>
      %slice3A = vector.extract_strided_slice %get3A_503 {offsets = [0, 0], sizes = [1, 384], strides = [1, 1]} : vector<1x768xf32> to vector<1x384xf32>
      %mul3A_652 = vector.broadcast %select_n3A_650 : vector<128x1xf32> to vector<128x384xf32>
      %mul3A_653 = vector.broadcast %slice3A : vector<1x384xf32> to vector<128x384xf32>
      %mul3A_654 = arith.mulf %mul3A_652, %mul3A_653 : vector<128x384xf32>
      %add3A_655 = arith.addf %dot_general3A_651, %mul3A_654 : vector<128x384xf32>
      %get3A_656 = arith.constant 1152 : index
      %get3A_657 = arith.constant 0 : index
      %get3A_658 = vector.load %arg6[%get3A_656, %get3A_657] : memref<2048x768xf32, #tpu.memory_space<vmem>>, vector<128x384xf32>
      %add3A_659 = arith.addf %get3A_658, %add3A_655 : vector<128x384xf32>
      %swap3A = arith.constant 1152 : index
      %swap3A_660 = arith.constant 0 : index
      %swap3A_661 = vector.load %arg6[%swap3A, %swap3A_660] : memref<2048x768xf32, #tpu.memory_space<vmem>>, vector<128x384xf32>
      tpu.vector_store %arg6[%swap3A, %swap3A_660], %add3A_659 {strides = array<i32>} : memref<2048x768xf32, #tpu.memory_space<vmem>>, vector<128x384xf32>,
      %dot_general3A_662 = arith.constant dense<0.000000e+00> : vector<128x384xf32>
      %dot_general3A_663 = tpu.matmul %convert_element_type3A_644, %convert_element_type3A_498, %dot_general3A_662 {dimension_numbers = #tpu.dot_dimension_numbers<[1], [1], [0], [0], [0, 0, 1, 0], [], []>, transpose_lhs_hint = false} : vector<128x768xbf16>, vector<384x768xbf16>, vector<128x384xf32> -> vector<128x384xf32>
      %slice3A_664 = vector.extract_strided_slice %get3A_503 {offsets = [0, 384], sizes = [1, 384], strides = [1, 1]} : vector<1x768xf32> to vector<1x384xf32>
      %mul3A_665 = vector.broadcast %select_n3A_650 : vector<128x1xf32> to vector<128x384xf32>
      %mul3A_666 = vector.broadcast %slice3A_664 : vector<1x384xf32> to vector<128x384xf32>
      %mul3A_667 = arith.mulf %mul3A_665, %mul3A_666 : vector<128x384xf32>
      %add3A_668 = arith.addf %dot_general3A_663, %mul3A_667 : vector<128x384xf32>
      %get3A_669 = arith.constant 1152 : index
      %get3A_670 = arith.constant 384 : index
      %get3A_671 = vector.load %arg6[%get3A_669, %get3A_670] : memref<2048x768xf32, #tpu.memory_space<vmem>>, vector<128x384xf32>
      %add3A_672 = arith.addf %get3A_671, %add3A_668 : vector<128x384xf32>
      %swap3A_673 = arith.constant 1152 : index
      %swap3A_674 = arith.constant 384 : index
      %swap3A_675 = vector.load %arg6[%swap3A_673, %swap3A_674] : memref<2048x768xf32, #tpu.memory_space<vmem>>, vector<128x384xf32>
      tpu.vector_store %arg6[%swap3A_673, %swap3A_674], %add3A_672 {strides = array<i32>} : memref<2048x768xf32, #tpu.memory_space<vmem>>, vector<128x384xf32>,
    } else {
    }
    %gt3A_584 = arith.constant 1280 : i32
    %gt3A_585 = arith.cmpi sgt, %get3A_482, %gt3A_584 : i32
    %lt3A_586 = arith.constant 1408 : i32
    %lt3A_587 = arith.cmpi slt, %get3A_478, %lt3A_586 : i32
    %and3A_588 = arith.andi %gt3A_585, %lt3A_587 : i1
    %convert_element_type3A_589 = arith.extui %and3A_588 : i1 to i32
    %cond3A_590 = arith.constant 0 : i32
    %cond3A_591 = arith.cmpi ne, %convert_element_type3A_589, %cond3A_590 : i32
    scf.if %cond3A_591 {
      %iota3A = tpu.iota {dimensions = array<i32: 0>} : vector<128x1xi32>
      %add3A_632 = arith.constant 1280 : i32
      %add3A_633 = vector.broadcast %add3A_632 : i32 to vector<128x1xi32>
      %add3A_634 = arith.addi %add3A_633, %iota3A : vector<128x1xi32>
      %ge3A = vector.broadcast %get3A_478 : i32 to vector<128x1xi32>
      %ge3A_635 = arith.cmpi sge, %add3A_634, %ge3A : vector<128x1xi32>
      %lt3A_636 = vector.broadcast %get3A_482 : i32 to vector<128x1xi32>
      %lt3A_637 = arith.cmpi slt, %add3A_634, %lt3A_636 : vector<128x1xi32>
      %and3A_638 = arith.andi %ge3A_635, %lt3A_637 : vector<128x1xi1>
      %get3A_639 = arith.constant 1280 : index
      %get3A_640 = arith.constant 0 : index
      %get3A_641 = vector.load %arg2[%get3A_639, %get3A_640] : memref<2048x896xf32, #tpu.memory_space<vmem>>, vector<128x768xf32>
      %jit3A = arith.constant 0.000000e+00 : f32
      %broadcast_in_dim3A = vector.shape_cast %and3A_638 : vector<128x1xi1> to vector<128x1xi1>
      %broadcast_in_dim3A_642 = vector.broadcast %broadcast_in_dim3A : vector<128x1xi1> to vector<128x768xi1>
      %broadcast_in_dim3A_643 = vector.broadcast %jit3A : f32 to vector<128x768xf32>
      %select_n3A = arith.select %broadcast_in_dim3A_642, %get3A_641, %broadcast_in_dim3A_643 : vector<128x768xi1>, vector<128x768xf32>
      %convert_element_type3A_644 = arith.truncf %select_n3A : vector<128x768xf32> to vector<128x768xbf16>
      %get3A_645 = arith.constant 1280 : index
      %get3A_646 = arith.constant 768 : index
      %get3A_647 = vector.load %arg2[%get3A_645, %get3A_646] : memref<2048x896xf32, #tpu.memory_space<vmem>>, vector<128x1xf32>
      %jit3A_648 = arith.constant 0.000000e+00 : f32
      %broadcast_in_dim3A_649 = vector.broadcast %jit3A_648 : f32 to vector<128x1xf32>
      %select_n3A_650 = arith.select %and3A_638, %get3A_647, %broadcast_in_dim3A_649 : vector<128x1xi1>, vector<128x1xf32>
      %dot_general3A = arith.constant dense<0.000000e+00> : vector<128x384xf32>
      %dot_general3A_651 = tpu.matmul %convert_element_type3A_644, %convert_element_type3A_490, %dot_general3A {dimension_numbers = #tpu.dot_dimension_numbers<[1], [1], [0], [0], [0, 0, 1, 0], [], []>, transpose_lhs_hint = false} : vector<128x768xbf16>, vector<384x768xbf16>, vector<128x384xf32> -> vector<128x384xf32>
      %slice3A = vector.extract_strided_slice %get3A_503 {offsets = [0, 0], sizes = [1, 384], strides = [1, 1]} : vector<1x768xf32> to vector<1x384xf32>
      %mul3A_652 = vector.broadcast %select_n3A_650 : vector<128x1xf32> to vector<128x384xf32>
      %mul3A_653 = vector.broadcast %slice3A : vector<1x384xf32> to vector<128x384xf32>
      %mul3A_654 = arith.mulf %mul3A_652, %mul3A_653 : vector<128x384xf32>
      %add3A_655 = arith.addf %dot_general3A_651, %mul3A_654 : vector<128x384xf32>
      %get3A_656 = arith.constant 1280 : index
      %get3A_657 = arith.constant 0 : index
      %get3A_658 = vector.load %arg6[%get3A_656, %get3A_657] : memref<2048x768xf32, #tpu.memory_space<vmem>>, vector<128x384xf32>
      %add3A_659 = arith.addf %get3A_658, %add3A_655 : vector<128x384xf32>
      %swap3A = arith.constant 1280 : index
      %swap3A_660 = arith.constant 0 : index
      %swap3A_661 = vector.load %arg6[%swap3A, %swap3A_660] : memref<2048x768xf32, #tpu.memory_space<vmem>>, vector<128x384xf32>
      tpu.vector_store %arg6[%swap3A, %swap3A_660], %add3A_659 {strides = array<i32>} : memref<2048x768xf32, #tpu.memory_space<vmem>>, vector<128x384xf32>,
      %dot_general3A_662 = arith.constant dense<0.000000e+00> : vector<128x384xf32>
      %dot_general3A_663 = tpu.matmul %convert_element_type3A_644, %convert_element_type3A_498, %dot_general3A_662 {dimension_numbers = #tpu.dot_dimension_numbers<[1], [1], [0], [0], [0, 0, 1, 0], [], []>, transpose_lhs_hint = false} : vector<128x768xbf16>, vector<384x768xbf16>, vector<128x384xf32> -> vector<128x384xf32>
      %slice3A_664 = vector.extract_strided_slice %get3A_503 {offsets = [0, 384], sizes = [1, 384], strides = [1, 1]} : vector<1x768xf32> to vector<1x384xf32>
      %mul3A_665 = vector.broadcast %select_n3A_650 : vector<128x1xf32> to vector<128x384xf32>
      %mul3A_666 = vector.broadcast %slice3A_664 : vector<1x384xf32> to vector<128x384xf32>
      %mul3A_667 = arith.mulf %mul3A_665, %mul3A_666 : vector<128x384xf32>
      %add3A_668 = arith.addf %dot_general3A_663, %mul3A_667 : vector<128x384xf32>
      %get3A_669 = arith.constant 1280 : index
      %get3A_670 = arith.constant 384 : index
      %get3A_671 = vector.load %arg6[%get3A_669, %get3A_670] : memref<2048x768xf32, #tpu.memory_space<vmem>>, vector<128x384xf32>
      %add3A_672 = arith.addf %get3A_671, %add3A_668 : vector<128x384xf32>
      %swap3A_673 = arith.constant 1280 : index
      %swap3A_674 = arith.constant 384 : index
      %swap3A_675 = vector.load %arg6[%swap3A_673, %swap3A_674] : memref<2048x768xf32, #tpu.memory_space<vmem>>, vector<128x384xf32>
      tpu.vector_store %arg6[%swap3A_673, %swap3A_674], %add3A_672 {strides = array<i32>} : memref<2048x768xf32, #tpu.memory_space<vmem>>, vector<128x384xf32>,
    } else {
    }
    %gt3A_592 = arith.constant 1408 : i32
    %gt3A_593 = arith.cmpi sgt, %get3A_482, %gt3A_592 : i32
    %lt3A_594 = arith.constant 1536 : i32
    %lt3A_595 = arith.cmpi slt, %get3A_478, %lt3A_594 : i32
    %and3A_596 = arith.andi %gt3A_593, %lt3A_595 : i1
    %convert_element_type3A_597 = arith.extui %and3A_596 : i1 to i32
    %cond3A_598 = arith.constant 0 : i32
    %cond3A_599 = arith.cmpi ne, %convert_element_type3A_597, %cond3A_598 : i32
    scf.if %cond3A_599 {
      %iota3A = tpu.iota {dimensions = array<i32: 0>} : vector<128x1xi32>
      %add3A_632 = arith.constant 1408 : i32
      %add3A_633 = vector.broadcast %add3A_632 : i32 to vector<128x1xi32>
      %add3A_634 = arith.addi %add3A_633, %iota3A : vector<128x1xi32>
      %ge3A = vector.broadcast %get3A_478 : i32 to vector<128x1xi32>
      %ge3A_635 = arith.cmpi sge, %add3A_634, %ge3A : vector<128x1xi32>
      %lt3A_636 = vector.broadcast %get3A_482 : i32 to vector<128x1xi32>
      %lt3A_637 = arith.cmpi slt, %add3A_634, %lt3A_636 : vector<128x1xi32>
      %and3A_638 = arith.andi %ge3A_635, %lt3A_637 : vector<128x1xi1>
      %get3A_639 = arith.constant 1408 : index
      %get3A_640 = arith.constant 0 : index
      %get3A_641 = vector.load %arg2[%get3A_639, %get3A_640] : memref<2048x896xf32, #tpu.memory_space<vmem>>, vector<128x768xf32>
      %jit3A = arith.constant 0.000000e+00 : f32
      %broadcast_in_dim3A = vector.shape_cast %and3A_638 : vector<128x1xi1> to vector<128x1xi1>
      %broadcast_in_dim3A_642 = vector.broadcast %broadcast_in_dim3A : vector<128x1xi1> to vector<128x768xi1>
      %broadcast_in_dim3A_643 = vector.broadcast %jit3A : f32 to vector<128x768xf32>
      %select_n3A = arith.select %broadcast_in_dim3A_642, %get3A_641, %broadcast_in_dim3A_643 : vector<128x768xi1>, vector<128x768xf32>
      %convert_element_type3A_644 = arith.truncf %select_n3A : vector<128x768xf32> to vector<128x768xbf16>
      %get3A_645 = arith.constant 1408 : index
      %get3A_646 = arith.constant 768 : index
      %get3A_647 = vector.load %arg2[%get3A_645, %get3A_646] : memref<2048x896xf32, #tpu.memory_space<vmem>>, vector<128x1xf32>
      %jit3A_648 = arith.constant 0.000000e+00 : f32
      %broadcast_in_dim3A_649 = vector.broadcast %jit3A_648 : f32 to vector<128x1xf32>
      %select_n3A_650 = arith.select %and3A_638, %get3A_647, %broadcast_in_dim3A_649 : vector<128x1xi1>, vector<128x1xf32>
      %dot_general3A = arith.constant dense<0.000000e+00> : vector<128x384xf32>
      %dot_general3A_651 = tpu.matmul %convert_element_type3A_644, %convert_element_type3A_490, %dot_general3A {dimension_numbers = #tpu.dot_dimension_numbers<[1], [1], [0], [0], [0, 0, 1, 0], [], []>, transpose_lhs_hint = false} : vector<128x768xbf16>, vector<384x768xbf16>, vector<128x384xf32> -> vector<128x384xf32>
      %slice3A = vector.extract_strided_slice %get3A_503 {offsets = [0, 0], sizes = [1, 384], strides = [1, 1]} : vector<1x768xf32> to vector<1x384xf32>
      %mul3A_652 = vector.broadcast %select_n3A_650 : vector<128x1xf32> to vector<128x384xf32>
      %mul3A_653 = vector.broadcast %slice3A : vector<1x384xf32> to vector<128x384xf32>
      %mul3A_654 = arith.mulf %mul3A_652, %mul3A_653 : vector<128x384xf32>
      %add3A_655 = arith.addf %dot_general3A_651, %mul3A_654 : vector<128x384xf32>
      %get3A_656 = arith.constant 1408 : index
      %get3A_657 = arith.constant 0 : index
      %get3A_658 = vector.load %arg6[%get3A_656, %get3A_657] : memref<2048x768xf32, #tpu.memory_space<vmem>>, vector<128x384xf32>
      %add3A_659 = arith.addf %get3A_658, %add3A_655 : vector<128x384xf32>
      %swap3A = arith.constant 1408 : index
      %swap3A_660 = arith.constant 0 : index
      %swap3A_661 = vector.load %arg6[%swap3A, %swap3A_660] : memref<2048x768xf32, #tpu.memory_space<vmem>>, vector<128x384xf32>
      tpu.vector_store %arg6[%swap3A, %swap3A_660], %add3A_659 {strides = array<i32>} : memref<2048x768xf32, #tpu.memory_space<vmem>>, vector<128x384xf32>,
      %dot_general3A_662 = arith.constant dense<0.000000e+00> : vector<128x384xf32>
      %dot_general3A_663 = tpu.matmul %convert_element_type3A_644, %convert_element_type3A_498, %dot_general3A_662 {dimension_numbers = #tpu.dot_dimension_numbers<[1], [1], [0], [0], [0, 0, 1, 0], [], []>, transpose_lhs_hint = false} : vector<128x768xbf16>, vector<384x768xbf16>, vector<128x384xf32> -> vector<128x384xf32>
      %slice3A_664 = vector.extract_strided_slice %get3A_503 {offsets = [0, 384], sizes = [1, 384], strides = [1, 1]} : vector<1x768xf32> to vector<1x384xf32>
      %mul3A_665 = vector.broadcast %select_n3A_650 : vector<128x1xf32> to vector<128x384xf32>
      %mul3A_666 = vector.broadcast %slice3A_664 : vector<1x384xf32> to vector<128x384xf32>
      %mul3A_667 = arith.mulf %mul3A_665, %mul3A_666 : vector<128x384xf32>
      %add3A_668 = arith.addf %dot_general3A_663, %mul3A_667 : vector<128x384xf32>
      %get3A_669 = arith.constant 1408 : index
      %get3A_670 = arith.constant 384 : index
      %get3A_671 = vector.load %arg6[%get3A_669, %get3A_670] : memref<2048x768xf32, #tpu.memory_space<vmem>>, vector<128x384xf32>
      %add3A_672 = arith.addf %get3A_671, %add3A_668 : vector<128x384xf32>
      %swap3A_673 = arith.constant 1408 : index
      %swap3A_674 = arith.constant 384 : index
      %swap3A_675 = vector.load %arg6[%swap3A_673, %swap3A_674] : memref<2048x768xf32, #tpu.memory_space<vmem>>, vector<128x384xf32>
      tpu.vector_store %arg6[%swap3A_673, %swap3A_674], %add3A_672 {strides = array<i32>} : memref<2048x768xf32, #tpu.memory_space<vmem>>, vector<128x384xf32>,
    } else {
    }
    %gt3A_600 = arith.constant 1536 : i32
    %gt3A_601 = arith.cmpi sgt, %get3A_482, %gt3A_600 : i32
    %lt3A_602 = arith.constant 1664 : i32
    %lt3A_603 = arith.cmpi slt, %get3A_478, %lt3A_602 : i32
    %and3A_604 = arith.andi %gt3A_601, %lt3A_603 : i1
    %convert_element_type3A_605 = arith.extui %and3A_604 : i1 to i32
    %cond3A_606 = arith.constant 0 : i32
    %cond3A_607 = arith.cmpi ne, %convert_element_type3A_605, %cond3A_606 : i32
    scf.if %cond3A_607 {
      %iota3A = tpu.iota {dimensions = array<i32: 0>} : vector<128x1xi32>
      %add3A_632 = arith.constant 1536 : i32
      %add3A_633 = vector.broadcast %add3A_632 : i32 to vector<128x1xi32>
      %add3A_634 = arith.addi %add3A_633, %iota3A : vector<128x1xi32>
      %ge3A = vector.broadcast %get3A_478 : i32 to vector<128x1xi32>
      %ge3A_635 = arith.cmpi sge, %add3A_634, %ge3A : vector<128x1xi32>
      %lt3A_636 = vector.broadcast %get3A_482 : i32 to vector<128x1xi32>
      %lt3A_637 = arith.cmpi slt, %add3A_634, %lt3A_636 : vector<128x1xi32>
      %and3A_638 = arith.andi %ge3A_635, %lt3A_637 : vector<128x1xi1>
      %get3A_639 = arith.constant 1536 : index
      %get3A_640 = arith.constant 0 : index
      %get3A_641 = vector.load %arg2[%get3A_639, %get3A_640] : memref<2048x896xf32, #tpu.memory_space<vmem>>, vector<128x768xf32>
      %jit3A = arith.constant 0.000000e+00 : f32
      %broadcast_in_dim3A = vector.shape_cast %and3A_638 : vector<128x1xi1> to vector<128x1xi1>
      %broadcast_in_dim3A_642 = vector.broadcast %broadcast_in_dim3A : vector<128x1xi1> to vector<128x768xi1>
      %broadcast_in_dim3A_643 = vector.broadcast %jit3A : f32 to vector<128x768xf32>
      %select_n3A = arith.select %broadcast_in_dim3A_642, %get3A_641, %broadcast_in_dim3A_643 : vector<128x768xi1>, vector<128x768xf32>
      %convert_element_type3A_644 = arith.truncf %select_n3A : vector<128x768xf32> to vector<128x768xbf16>
      %get3A_645 = arith.constant 1536 : index
      %get3A_646 = arith.constant 768 : index
      %get3A_647 = vector.load %arg2[%get3A_645, %get3A_646] : memref<2048x896xf32, #tpu.memory_space<vmem>>, vector<128x1xf32>
      %jit3A_648 = arith.constant 0.000000e+00 : f32
      %broadcast_in_dim3A_649 = vector.broadcast %jit3A_648 : f32 to vector<128x1xf32>
      %select_n3A_650 = arith.select %and3A_638, %get3A_647, %broadcast_in_dim3A_649 : vector<128x1xi1>, vector<128x1xf32>
      %dot_general3A = arith.constant dense<0.000000e+00> : vector<128x384xf32>
      %dot_general3A_651 = tpu.matmul %convert_element_type3A_644, %convert_element_type3A_490, %dot_general3A {dimension_numbers = #tpu.dot_dimension_numbers<[1], [1], [0], [0], [0, 0, 1, 0], [], []>, transpose_lhs_hint = false} : vector<128x768xbf16>, vector<384x768xbf16>, vector<128x384xf32> -> vector<128x384xf32>
      %slice3A = vector.extract_strided_slice %get3A_503 {offsets = [0, 0], sizes = [1, 384], strides = [1, 1]} : vector<1x768xf32> to vector<1x384xf32>
      %mul3A_652 = vector.broadcast %select_n3A_650 : vector<128x1xf32> to vector<128x384xf32>
      %mul3A_653 = vector.broadcast %slice3A : vector<1x384xf32> to vector<128x384xf32>
      %mul3A_654 = arith.mulf %mul3A_652, %mul3A_653 : vector<128x384xf32>
      %add3A_655 = arith.addf %dot_general3A_651, %mul3A_654 : vector<128x384xf32>
      %get3A_656 = arith.constant 1536 : index
      %get3A_657 = arith.constant 0 : index
      %get3A_658 = vector.load %arg6[%get3A_656, %get3A_657] : memref<2048x768xf32, #tpu.memory_space<vmem>>, vector<128x384xf32>
      %add3A_659 = arith.addf %get3A_658, %add3A_655 : vector<128x384xf32>
      %swap3A = arith.constant 1536 : index
      %swap3A_660 = arith.constant 0 : index
      %swap3A_661 = vector.load %arg6[%swap3A, %swap3A_660] : memref<2048x768xf32, #tpu.memory_space<vmem>>, vector<128x384xf32>
      tpu.vector_store %arg6[%swap3A, %swap3A_660], %add3A_659 {strides = array<i32>} : memref<2048x768xf32, #tpu.memory_space<vmem>>, vector<128x384xf32>,
      %dot_general3A_662 = arith.constant dense<0.000000e+00> : vector<128x384xf32>
      %dot_general3A_663 = tpu.matmul %convert_element_type3A_644, %convert_element_type3A_498, %dot_general3A_662 {dimension_numbers = #tpu.dot_dimension_numbers<[1], [1], [0], [0], [0, 0, 1, 0], [], []>, transpose_lhs_hint = false} : vector<128x768xbf16>, vector<384x768xbf16>, vector<128x384xf32> -> vector<128x384xf32>
      %slice3A_664 = vector.extract_strided_slice %get3A_503 {offsets = [0, 384], sizes = [1, 384], strides = [1, 1]} : vector<1x768xf32> to vector<1x384xf32>
      %mul3A_665 = vector.broadcast %select_n3A_650 : vector<128x1xf32> to vector<128x384xf32>
      %mul3A_666 = vector.broadcast %slice3A_664 : vector<1x384xf32> to vector<128x384xf32>
      %mul3A_667 = arith.mulf %mul3A_665, %mul3A_666 : vector<128x384xf32>
      %add3A_668 = arith.addf %dot_general3A_663, %mul3A_667 : vector<128x384xf32>
      %get3A_669 = arith.constant 1536 : index
      %get3A_670 = arith.constant 384 : index
      %get3A_671 = vector.load %arg6[%get3A_669, %get3A_670] : memref<2048x768xf32, #tpu.memory_space<vmem>>, vector<128x384xf32>
      %add3A_672 = arith.addf %get3A_671, %add3A_668 : vector<128x384xf32>
      %swap3A_673 = arith.constant 1536 : index
      %swap3A_674 = arith.constant 384 : index
      %swap3A_675 = vector.load %arg6[%swap3A_673, %swap3A_674] : memref<2048x768xf32, #tpu.memory_space<vmem>>, vector<128x384xf32>
      tpu.vector_store %arg6[%swap3A_673, %swap3A_674], %add3A_672 {strides = array<i32>} : memref<2048x768xf32, #tpu.memory_space<vmem>>, vector<128x384xf32>,
    } else {
    }
    %gt3A_608 = arith.constant 1664 : i32
    %gt3A_609 = arith.cmpi sgt, %get3A_482, %gt3A_608 : i32
    %lt3A_610 = arith.constant 1792 : i32
    %lt3A_611 = arith.cmpi slt, %get3A_478, %lt3A_610 : i32
    %and3A_612 = arith.andi %gt3A_609, %lt3A_611 : i1
    %convert_element_type3A_613 = arith.extui %and3A_612 : i1 to i32
    %cond3A_614 = arith.constant 0 : i32
    %cond3A_615 = arith.cmpi ne, %convert_element_type3A_613, %cond3A_614 : i32
    scf.if %cond3A_615 {
      %iota3A = tpu.iota {dimensions = array<i32: 0>} : vector<128x1xi32>
      %add3A_632 = arith.constant 1664 : i32
      %add3A_633 = vector.broadcast %add3A_632 : i32 to vector<128x1xi32>
      %add3A_634 = arith.addi %add3A_633, %iota3A : vector<128x1xi32>
      %ge3A = vector.broadcast %get3A_478 : i32 to vector<128x1xi32>
      %ge3A_635 = arith.cmpi sge, %add3A_634, %ge3A : vector<128x1xi32>
      %lt3A_636 = vector.broadcast %get3A_482 : i32 to vector<128x1xi32>
      %lt3A_637 = arith.cmpi slt, %add3A_634, %lt3A_636 : vector<128x1xi32>
      %and3A_638 = arith.andi %ge3A_635, %lt3A_637 : vector<128x1xi1>
      %get3A_639 = arith.constant 1664 : index
      %get3A_640 = arith.constant 0 : index
      %get3A_641 = vector.load %arg2[%get3A_639, %get3A_640] : memref<2048x896xf32, #tpu.memory_space<vmem>>, vector<128x768xf32>
      %jit3A = arith.constant 0.000000e+00 : f32
      %broadcast_in_dim3A = vector.shape_cast %and3A_638 : vector<128x1xi1> to vector<128x1xi1>
      %broadcast_in_dim3A_642 = vector.broadcast %broadcast_in_dim3A : vector<128x1xi1> to vector<128x768xi1>
      %broadcast_in_dim3A_643 = vector.broadcast %jit3A : f32 to vector<128x768xf32>
      %select_n3A = arith.select %broadcast_in_dim3A_642, %get3A_641, %broadcast_in_dim3A_643 : vector<128x768xi1>, vector<128x768xf32>
      %convert_element_type3A_644 = arith.truncf %select_n3A : vector<128x768xf32> to vector<128x768xbf16>
      %get3A_645 = arith.constant 1664 : index
      %get3A_646 = arith.constant 768 : index
      %get3A_647 = vector.load %arg2[%get3A_645, %get3A_646] : memref<2048x896xf32, #tpu.memory_space<vmem>>, vector<128x1xf32>
      %jit3A_648 = arith.constant 0.000000e+00 : f32
      %broadcast_in_dim3A_649 = vector.broadcast %jit3A_648 : f32 to vector<128x1xf32>
      %select_n3A_650 = arith.select %and3A_638, %get3A_647, %broadcast_in_dim3A_649 : vector<128x1xi1>, vector<128x1xf32>
      %dot_general3A = arith.constant dense<0.000000e+00> : vector<128x384xf32>
      %dot_general3A_651 = tpu.matmul %convert_element_type3A_644, %convert_element_type3A_490, %dot_general3A {dimension_numbers = #tpu.dot_dimension_numbers<[1], [1], [0], [0], [0, 0, 1, 0], [], []>, transpose_lhs_hint = false} : vector<128x768xbf16>, vector<384x768xbf16>, vector<128x384xf32> -> vector<128x384xf32>
      %slice3A = vector.extract_strided_slice %get3A_503 {offsets = [0, 0], sizes = [1, 384], strides = [1, 1]} : vector<1x768xf32> to vector<1x384xf32>
      %mul3A_652 = vector.broadcast %select_n3A_650 : vector<128x1xf32> to vector<128x384xf32>
      %mul3A_653 = vector.broadcast %slice3A : vector<1x384xf32> to vector<128x384xf32>
      %mul3A_654 = arith.mulf %mul3A_652, %mul3A_653 : vector<128x384xf32>
      %add3A_655 = arith.addf %dot_general3A_651, %mul3A_654 : vector<128x384xf32>
      %get3A_656 = arith.constant 1664 : index
      %get3A_657 = arith.constant 0 : index
      %get3A_658 = vector.load %arg6[%get3A_656, %get3A_657] : memref<2048x768xf32, #tpu.memory_space<vmem>>, vector<128x384xf32>
      %add3A_659 = arith.addf %get3A_658, %add3A_655 : vector<128x384xf32>
      %swap3A = arith.constant 1664 : index
      %swap3A_660 = arith.constant 0 : index
      %swap3A_661 = vector.load %arg6[%swap3A, %swap3A_660] : memref<2048x768xf32, #tpu.memory_space<vmem>>, vector<128x384xf32>
      tpu.vector_store %arg6[%swap3A, %swap3A_660], %add3A_659 {strides = array<i32>} : memref<2048x768xf32, #tpu.memory_space<vmem>>, vector<128x384xf32>,
      %dot_general3A_662 = arith.constant dense<0.000000e+00> : vector<128x384xf32>
      %dot_general3A_663 = tpu.matmul %convert_element_type3A_644, %convert_element_type3A_498, %dot_general3A_662 {dimension_numbers = #tpu.dot_dimension_numbers<[1], [1], [0], [0], [0, 0, 1, 0], [], []>, transpose_lhs_hint = false} : vector<128x768xbf16>, vector<384x768xbf16>, vector<128x384xf32> -> vector<128x384xf32>
      %slice3A_664 = vector.extract_strided_slice %get3A_503 {offsets = [0, 384], sizes = [1, 384], strides = [1, 1]} : vector<1x768xf32> to vector<1x384xf32>
      %mul3A_665 = vector.broadcast %select_n3A_650 : vector<128x1xf32> to vector<128x384xf32>
      %mul3A_666 = vector.broadcast %slice3A_664 : vector<1x384xf32> to vector<128x384xf32>
      %mul3A_667 = arith.mulf %mul3A_665, %mul3A_666 : vector<128x384xf32>
      %add3A_668 = arith.addf %dot_general3A_663, %mul3A_667 : vector<128x384xf32>
      %get3A_669 = arith.constant 1664 : index
      %get3A_670 = arith.constant 384 : index
      %get3A_671 = vector.load %arg6[%get3A_669, %get3A_670] : memref<2048x768xf32, #tpu.memory_space<vmem>>, vector<128x384xf32>
      %add3A_672 = arith.addf %get3A_671, %add3A_668 : vector<128x384xf32>
      %swap3A_673 = arith.constant 1664 : index
      %swap3A_674 = arith.constant 384 : index
      %swap3A_675 = vector.load %arg6[%swap3A_673, %swap3A_674] : memref<2048x768xf32, #tpu.memory_space<vmem>>, vector<128x384xf32>
      tpu.vector_store %arg6[%swap3A_673, %swap3A_674], %add3A_672 {strides = array<i32>} : memref<2048x768xf32, #tpu.memory_space<vmem>>, vector<128x384xf32>,
    } else {
    }
    %gt3A_616 = arith.constant 1792 : i32
    %gt3A_617 = arith.cmpi sgt, %get3A_482, %gt3A_616 : i32
    %lt3A_618 = arith.constant 1920 : i32
    %lt3A_619 = arith.cmpi slt, %get3A_478, %lt3A_618 : i32
    %and3A_620 = arith.andi %gt3A_617, %lt3A_619 : i1
    %convert_element_type3A_621 = arith.extui %and3A_620 : i1 to i32
    %cond3A_622 = arith.constant 0 : i32
    %cond3A_623 = arith.cmpi ne, %convert_element_type3A_621, %cond3A_622 : i32
    scf.if %cond3A_623 {
      %iota3A = tpu.iota {dimensions = array<i32: 0>} : vector<128x1xi32>
      %add3A_632 = arith.constant 1792 : i32
      %add3A_633 = vector.broadcast %add3A_632 : i32 to vector<128x1xi32>
      %add3A_634 = arith.addi %add3A_633, %iota3A : vector<128x1xi32>
      %ge3A = vector.broadcast %get3A_478 : i32 to vector<128x1xi32>
      %ge3A_635 = arith.cmpi sge, %add3A_634, %ge3A : vector<128x1xi32>
      %lt3A_636 = vector.broadcast %get3A_482 : i32 to vector<128x1xi32>
      %lt3A_637 = arith.cmpi slt, %add3A_634, %lt3A_636 : vector<128x1xi32>
      %and3A_638 = arith.andi %ge3A_635, %lt3A_637 : vector<128x1xi1>
      %get3A_639 = arith.constant 1792 : index
      %get3A_640 = arith.constant 0 : index
      %get3A_641 = vector.load %arg2[%get3A_639, %get3A_640] : memref<2048x896xf32, #tpu.memory_space<vmem>>, vector<128x768xf32>
      %jit3A = arith.constant 0.000000e+00 : f32
      %broadcast_in_dim3A = vector.shape_cast %and3A_638 : vector<128x1xi1> to vector<128x1xi1>
      %broadcast_in_dim3A_642 = vector.broadcast %broadcast_in_dim3A : vector<128x1xi1> to vector<128x768xi1>
      %broadcast_in_dim3A_643 = vector.broadcast %jit3A : f32 to vector<128x768xf32>
      %select_n3A = arith.select %broadcast_in_dim3A_642, %get3A_641, %broadcast_in_dim3A_643 : vector<128x768xi1>, vector<128x768xf32>
      %convert_element_type3A_644 = arith.truncf %select_n3A : vector<128x768xf32> to vector<128x768xbf16>
      %get3A_645 = arith.constant 1792 : index
      %get3A_646 = arith.constant 768 : index
      %get3A_647 = vector.load %arg2[%get3A_645, %get3A_646] : memref<2048x896xf32, #tpu.memory_space<vmem>>, vector<128x1xf32>
      %jit3A_648 = arith.constant 0.000000e+00 : f32
      %broadcast_in_dim3A_649 = vector.broadcast %jit3A_648 : f32 to vector<128x1xf32>
      %select_n3A_650 = arith.select %and3A_638, %get3A_647, %broadcast_in_dim3A_649 : vector<128x1xi1>, vector<128x1xf32>
      %dot_general3A = arith.constant dense<0.000000e+00> : vector<128x384xf32>
      %dot_general3A_651 = tpu.matmul %convert_element_type3A_644, %convert_element_type3A_490, %dot_general3A {dimension_numbers = #tpu.dot_dimension_numbers<[1], [1], [0], [0], [0, 0, 1, 0], [], []>, transpose_lhs_hint = false} : vector<128x768xbf16>, vector<384x768xbf16>, vector<128x384xf32> -> vector<128x384xf32>
      %slice3A = vector.extract_strided_slice %get3A_503 {offsets = [0, 0], sizes = [1, 384], strides = [1, 1]} : vector<1x768xf32> to vector<1x384xf32>
      %mul3A_652 = vector.broadcast %select_n3A_650 : vector<128x1xf32> to vector<128x384xf32>
      %mul3A_653 = vector.broadcast %slice3A : vector<1x384xf32> to vector<128x384xf32>
      %mul3A_654 = arith.mulf %mul3A_652, %mul3A_653 : vector<128x384xf32>
      %add3A_655 = arith.addf %dot_general3A_651, %mul3A_654 : vector<128x384xf32>
      %get3A_656 = arith.constant 1792 : index
      %get3A_657 = arith.constant 0 : index
      %get3A_658 = vector.load %arg6[%get3A_656, %get3A_657] : memref<2048x768xf32, #tpu.memory_space<vmem>>, vector<128x384xf32>
      %add3A_659 = arith.addf %get3A_658, %add3A_655 : vector<128x384xf32>
      %swap3A = arith.constant 1792 : index
      %swap3A_660 = arith.constant 0 : index
      %swap3A_661 = vector.load %arg6[%swap3A, %swap3A_660] : memref<2048x768xf32, #tpu.memory_space<vmem>>, vector<128x384xf32>
      tpu.vector_store %arg6[%swap3A, %swap3A_660], %add3A_659 {strides = array<i32>} : memref<2048x768xf32, #tpu.memory_space<vmem>>, vector<128x384xf32>,
      %dot_general3A_662 = arith.constant dense<0.000000e+00> : vector<128x384xf32>
      %dot_general3A_663 = tpu.matmul %convert_element_type3A_644, %convert_element_type3A_498, %dot_general3A_662 {dimension_numbers = #tpu.dot_dimension_numbers<[1], [1], [0], [0], [0, 0, 1, 0], [], []>, transpose_lhs_hint = false} : vector<128x768xbf16>, vector<384x768xbf16>, vector<128x384xf32> -> vector<128x384xf32>
      %slice3A_664 = vector.extract_strided_slice %get3A_503 {offsets = [0, 384], sizes = [1, 384], strides = [1, 1]} : vector<1x768xf32> to vector<1x384xf32>
      %mul3A_665 = vector.broadcast %select_n3A_650 : vector<128x1xf32> to vector<128x384xf32>
      %mul3A_666 = vector.broadcast %slice3A_664 : vector<1x384xf32> to vector<128x384xf32>
      %mul3A_667 = arith.mulf %mul3A_665, %mul3A_666 : vector<128x384xf32>
      %add3A_668 = arith.addf %dot_general3A_663, %mul3A_667 : vector<128x384xf32>
      %get3A_669 = arith.constant 1792 : index
      %get3A_670 = arith.constant 384 : index
      %get3A_671 = vector.load %arg6[%get3A_669, %get3A_670] : memref<2048x768xf32, #tpu.memory_space<vmem>>, vector<128x384xf32>
      %add3A_672 = arith.addf %get3A_671, %add3A_668 : vector<128x384xf32>
      %swap3A_673 = arith.constant 1792 : index
      %swap3A_674 = arith.constant 384 : index
      %swap3A_675 = vector.load %arg6[%swap3A_673, %swap3A_674] : memref<2048x768xf32, #tpu.memory_space<vmem>>, vector<128x384xf32>
      tpu.vector_store %arg6[%swap3A_673, %swap3A_674], %add3A_672 {strides = array<i32>} : memref<2048x768xf32, #tpu.memory_space<vmem>>, vector<128x384xf32>,
    } else {
    }
    %gt3A_624 = arith.constant 1920 : i32
    %gt3A_625 = arith.cmpi sgt, %get3A_482, %gt3A_624 : i32
    %lt3A_626 = arith.constant 2048 : i32
    %lt3A_627 = arith.cmpi slt, %get3A_478, %lt3A_626 : i32
    %and3A_628 = arith.andi %gt3A_625, %lt3A_627 : i1
    %convert_element_type3A_629 = arith.extui %and3A_628 : i1 to i32
    %cond3A_630 = arith.constant 0 : i32
    %cond3A_631 = arith.cmpi ne, %convert_element_type3A_629, %cond3A_630 : i32
    scf.if %cond3A_631 {
      %iota3A = tpu.iota {dimensions = array<i32: 0>} : vector<128x1xi32>
      %add3A_632 = arith.constant 1920 : i32
      %add3A_633 = vector.broadcast %add3A_632 : i32 to vector<128x1xi32>
      %add3A_634 = arith.addi %add3A_633, %iota3A : vector<128x1xi32>
      %ge3A = vector.broadcast %get3A_478 : i32 to vector<128x1xi32>
      %ge3A_635 = arith.cmpi sge, %add3A_634, %ge3A : vector<128x1xi32>
      %lt3A_636 = vector.broadcast %get3A_482 : i32 to vector<128x1xi32>
      %lt3A_637 = arith.cmpi slt, %add3A_634, %lt3A_636 : vector<128x1xi32>
      %and3A_638 = arith.andi %ge3A_635, %lt3A_637 : vector<128x1xi1>
      %get3A_639 = arith.constant 1920 : index
      %get3A_640 = arith.constant 0 : index
      %get3A_641 = vector.load %arg2[%get3A_639, %get3A_640] : memref<2048x896xf32, #tpu.memory_space<vmem>>, vector<128x768xf32>
      %jit3A = arith.constant 0.000000e+00 : f32
      %broadcast_in_dim3A = vector.shape_cast %and3A_638 : vector<128x1xi1> to vector<128x1xi1>
      %broadcast_in_dim3A_642 = vector.broadcast %broadcast_in_dim3A : vector<128x1xi1> to vector<128x768xi1>
      %broadcast_in_dim3A_643 = vector.broadcast %jit3A : f32 to vector<128x768xf32>
      %select_n3A = arith.select %broadcast_in_dim3A_642, %get3A_641, %broadcast_in_dim3A_643 : vector<128x768xi1>, vector<128x768xf32>
      %convert_element_type3A_644 = arith.truncf %select_n3A : vector<128x768xf32> to vector<128x768xbf16>
      %get3A_645 = arith.constant 1920 : index
      %get3A_646 = arith.constant 768 : index
      %get3A_647 = vector.load %arg2[%get3A_645, %get3A_646] : memref<2048x896xf32, #tpu.memory_space<vmem>>, vector<128x1xf32>
      %jit3A_648 = arith.constant 0.000000e+00 : f32
      %broadcast_in_dim3A_649 = vector.broadcast %jit3A_648 : f32 to vector<128x1xf32>
      %select_n3A_650 = arith.select %and3A_638, %get3A_647, %broadcast_in_dim3A_649 : vector<128x1xi1>, vector<128x1xf32>
      %dot_general3A = arith.constant dense<0.000000e+00> : vector<128x384xf32>
      %dot_general3A_651 = tpu.matmul %convert_element_type3A_644, %convert_element_type3A_490, %dot_general3A {dimension_numbers = #tpu.dot_dimension_numbers<[1], [1], [0], [0], [0, 0, 1, 0], [], []>, transpose_lhs_hint = false} : vector<128x768xbf16>, vector<384x768xbf16>, vector<128x384xf32> -> vector<128x384xf32>
      %slice3A = vector.extract_strided_slice %get3A_503 {offsets = [0, 0], sizes = [1, 384], strides = [1, 1]} : vector<1x768xf32> to vector<1x384xf32>
      %mul3A_652 = vector.broadcast %select_n3A_650 : vector<128x1xf32> to vector<128x384xf32>
      %mul3A_653 = vector.broadcast %slice3A : vector<1x384xf32> to vector<128x384xf32>
      %mul3A_654 = arith.mulf %mul3A_652, %mul3A_653 : vector<128x384xf32>
      %add3A_655 = arith.addf %dot_general3A_651, %mul3A_654 : vector<128x384xf32>
      %get3A_656 = arith.constant 1920 : index
      %get3A_657 = arith.constant 0 : index
      %get3A_658 = vector.load %arg6[%get3A_656, %get3A_657] : memref<2048x768xf32, #tpu.memory_space<vmem>>, vector<128x384xf32>
      %add3A_659 = arith.addf %get3A_658, %add3A_655 : vector<128x384xf32>
      %swap3A = arith.constant 1920 : index
      %swap3A_660 = arith.constant 0 : index
      %swap3A_661 = vector.load %arg6[%swap3A, %swap3A_660] : memref<2048x768xf32, #tpu.memory_space<vmem>>, vector<128x384xf32>
      tpu.vector_store %arg6[%swap3A, %swap3A_660], %add3A_659 {strides = array<i32>} : memref<2048x768xf32, #tpu.memory_space<vmem>>, vector<128x384xf32>,
      %dot_general3A_662 = arith.constant dense<0.000000e+00> : vector<128x384xf32>
      %dot_general3A_663 = tpu.matmul %convert_element_type3A_644, %convert_element_type3A_498, %dot_general3A_662 {dimension_numbers = #tpu.dot_dimension_numbers<[1], [1], [0], [0], [0, 0, 1, 0], [], []>, transpose_lhs_hint = false} : vector<128x768xbf16>, vector<384x768xbf16>, vector<128x384xf32> -> vector<128x384xf32>
      %slice3A_664 = vector.extract_strided_slice %get3A_503 {offsets = [0, 384], sizes = [1, 384], strides = [1, 1]} : vector<1x768xf32> to vector<1x384xf32>
      %mul3A_665 = vector.broadcast %select_n3A_650 : vector<128x1xf32> to vector<128x384xf32>
      %mul3A_666 = vector.broadcast %slice3A_664 : vector<1x384xf32> to vector<128x384xf32>
      %mul3A_667 = arith.mulf %mul3A_665, %mul3A_666 : vector<128x384xf32>
      %add3A_668 = arith.addf %dot_general3A_663, %mul3A_667 : vector<128x384xf32>
      %get3A_669 = arith.constant 1920 : index
      %get3A_670 = arith.constant 384 : index
      %get3A_671 = vector.load %arg6[%get3A_669, %get3A_670] : memref<2048x768xf32, #tpu.memory_space<vmem>>, vector<128x384xf32>
      %add3A_672 = arith.addf %get3A_671, %add3A_668 : vector<128x384xf32>
      %swap3A_673 = arith.constant 1920 : index
      %swap3A_674 = arith.constant 384 : index
      %swap3A_675 = vector.load %arg6[%swap3A_673, %swap3A_674] : memref<2048x768xf32, #tpu.memory_space<vmem>>, vector<128x384xf32>
      tpu.vector_store %arg6[%swap3A_673, %swap3A_674], %add3A_672 {strides = array<i32>} : memref<2048x768xf32, #tpu.memory_space<vmem>>, vector<128x384xf32>,
    } else {
    }
    return
  }
  func.func @transform_0(%arg0: i32, %arg1: memref<65xi32, #tpu.memory_space<smem>>) -> (i32, i32) {
    %c0_i32 = arith.constant 0 : i32
    %c0_i32_0 = arith.constant 0 : i32
    %c0_i32_1 = arith.constant 0 : i32
    return %c0_i32, %c0_i32_0 : i32, i32
  }
  func.func @transform_1(%arg0: i32, %arg1: memref<65xi32, #tpu.memory_space<smem>>) -> (i32, i32, i32, i32, i32) {
    %c0_i32 = arith.constant 0 : i32
    %c0_i32_0 = arith.constant 0 : i32
    %c0_i32_1 = arith.constant 0 : i32
    %c0_i32_2 = arith.constant 0 : i32
    %c0_i32_3 = arith.constant 0 : i32
    return %arg0, %c0_i32, %c0_i32_0, %c0_i32_1, %c0_i32_2 : i32, i32, i32, i32, i32
  }
  func.func @transform_2(%arg0: i32, %arg1: memref<65xi32, #tpu.memory_space<smem>>) -> (i32, i32, i32, i32, i32) {
    %c0_i32 = arith.constant 0 : i32
    %c1_i32 = arith.constant 1 : i32
    %c0_i32_0 = arith.constant 0 : i32
    %c0_i32_1 = arith.constant 0 : i32
    %c0_i32_2 = arith.constant 0 : i32
    return %arg0, %c0_i32, %c1_i32, %c0_i32_0, %c0_i32_1 : i32, i32, i32, i32, i32
  }
  func.func @transform_3(%arg0: i32, %arg1: memref<65xi32, #tpu.memory_space<smem>>) -> (i32, i32, i32) {
    %c0_i32 = arith.constant 0 : i32
    %c0_i32_0 = arith.constant 0 : i32
    %c0_i32_1 = arith.constant 0 : i32
    return %arg0, %c0_i32, %c0_i32_0 : i32, i32, i32
  }
  func.func @transform_4(%arg0: i32, %arg1: memref<65xi32, #tpu.memory_space<smem>>) -> (i32, i32) {
    %c0_i32 = arith.constant 0 : i32
    %c0_i32_0 = arith.constant 0 : i32
    %c0_i32_1 = arith.constant 0 : i32
    return %c0_i32, %c0_i32_0 : i32, i32
  }
}

</mosaic_0001>

<sc_bundles>
// kernel: kernel.6.cloned.1.call-start
scs
__scs_entry_jumppad:
0x0: {  	(pc) =	sbr.rel $0x88, $3  }
0x1: {  	(tag) =	ssettag $0x0;
	lr =	simm.s32 $0x1  }
0x2: {  	[smem:$0x3F9D] =	sst lr;
	_ =	strace $0xD0000000  }
0x3: {  	_ = 	snop  }
0x4: {  	_ = 	snop  }
0x5: {  	_ = 	snop  }
0x6: {  	_ = 	snop  }
0x7: {  	_ = 	snop  }
__scs_overlays_trampoline_lowered:
0x8: {  	[smem:$0x3FAC] =	sst s0  }
0x9: {  	[smem:$0x3FAD] =	sst s1  }
0xa: {  	[smem:$0x3FAE] =	sst s2  }
0xb: {  	[smem:$0x3FAF] =	sst s3  }
0xc: {  	[smem:$0x3FB0] =	sst s4  }
0xd: {  	[smem:$0x3FB1] =	sst s5  }
0xe: {  	[smem:$0x3FB2] =	sst s6  }
0xf: {  	[smem:$0x3FB3] =	sst s7  }
0x10: {  	[smem:$0x3FB4] =	sst s8  }
0x11: {  	[smem:$0x3FB5] =	sst s9;
	s0 =	simm.s32 @!p0 $0x0  }
0x12: {  	s1 =	sld [smem:$0x3F9B];
	s0 =	simm.s32 @p0 $0x1  }
0x13: {  	[smem:$0x3FB6] =	sst s0;
	s0 =	simm.s32 @!p1 $0x0  }
0x14: {  	s2 =	sld [smem:$0x3F9A];
	s0 =	simm.s32 @p1 $0x1  }
0x15: {  	[smem:$0x3FB7] =	sst s0;
	s0 =	simm.s32 @!p2 $0x0  }
0x16: {  	s3 =	sld [smem:$0x3FDB];
	s0 =	simm.s32 @p2 $0x1  }
0x17: {  	s4 =	simm.s32 $0x1BF5;
	[smem:$0x3FB9] =	sst s0  }
0x18: {  	s0 =	sld [smem:$0x3F9C];
	_ =	swait.ge [sflag:s4], $0x0  }
0x19: {  	s7 =	sld [smem:$0x3F9D]  }
0x1a: {  	s8 =	sadd.s32 $0xFFFFE003, lr  }
0x1b: {  	s9 =	sadd.s32 $0xFFFFFEF7, lr;
	s5 =	simm.s32 $0xFFFFFFFF;
	p2 =	slt.u32 s8, $0xFFFFF086  }
0x1c: {  	p1 =	slt.u32 s9, $0xF7A;
	s5 =	simm.s32 @!p2 $0x0  }
0x1d: {  	s5 =	simm.s32 @p1 $0x1;
	p0 =	seq.s32 s7, s2  }
0x1e: {  	s7 =	smul.u32 @!p0 $0xF7A, s2;
	p2 =	seq.s32 @!p0 s5, $0x0  }
0x1f: {  	s9 =	smul.u32 $0xF7A, s1;
	s8 =	simm.s32 @!p0 $0x1BF5;
	p2 =	por !p2, p0  }
0x20: {  	[sflag:s8] =	ssyncset.s32 @!p0 $0xFFFFF086;
	s6 =	sadd.s32 @!p0 s3, s7;
	s7 =	simm.s32 @!p0 $0x108  }
0x21: {  	s3 =	sadd.s32 s3, s9;
	s6 =	sadd.s32 @!p0 $0x88, s6;
	s7 =	simm.s32 @p2 $0x1082  }
0x22: {  	[simem:s7], [sflag:s8] =	dma.local @!p0 [hbm:s6], $0xF7A  }
0x23: {  	s9 =	sor.u32 $0xD0000000, s2;
	s6 =	simm.s32 $0x108;
	_ =	swait.ge @!p0 [sflag:s8], $0x0  }
0x24: {  	s3 =	sadd.s32 $0x88, s3;
	s6 =	simm.s32 @!p1 $0x1082;
	[sflag:s4] =	ssyncset.s32 $0xFFFFF086  }
0x25: {  	[simem:s6], [sflag:s4] =	dma.local [hbm:s3], $0xF7A  }
0x26: {  	[smem:$0x3F9D] =	sst s1;
	(tag) =	ssettag s2;
	_ =	strace s9  }
0x27: {  	s1 =	sld [smem:$0x3FAD]  }
0x28: {  	s2 =	sld [smem:$0x3FAE]  }
0x29: {  	s4 =	sld [smem:$0x3FB0]  }
0x2a: {  	p0 =	seq.s32 s5, $0x0;
	s5 =	sld [smem:$0x3FB1]  }
0x2b: {  	s6 =	sld [smem:$0x3FB2]  }
0x2c: {  	s7 =	sld [smem:$0x3FB3]  }
0x2d: {  	s3 =	simm.s32 $0x108;
	s8 =	sld [smem:$0x3FB4]  }
0x2e: {  	s3 =	simm.s32 @!p0 $0x1082;
	s9 =	sld [smem:$0x3FB5]  }
0x2f: {  	lr =	sadd.s32 s0, s3;
	s0 =	sld [smem:$0x3FAC]  }
0x30: {  	s3 =	sld [smem:$0x3FAF]  }
0x31: {  	[smem:$0x3FB8] =	sst s10  }
0x32: {  	s10 =	sld [smem:$0x3FB6];
	_ =	sdelay $0x3  }
0x33: {  	p0 =	seq.s32 s10, $0x1;
	s10 =	sld [smem:$0x3FB8];
	_ =	sdelay $0x3  }
0x34: {  	[smem:$0x3FB8] =	sst s10  }
0x35: {  	s10 =	sld [smem:$0x3FB7];
	_ =	sdelay $0x3  }
0x36: {  	p1 =	seq.s32 s10, $0x1;
	s10 =	sld [smem:$0x3FB8];
	_ =	sdelay $0x3  }
0x37: {  	[smem:$0x3FB8] =	sst s10  }
0x38: {  	s10 =	sld [smem:$0x3FB9]  }
0x39: {  	_ = 	snop;
	(pc) =	sbr.ind lr, $3  }
0x3a: {  	_ = 	snop  }
0x3b: {  	_ = 	snop  }
0x3c: {  	p2 =	seq.s32 s10, $0x1;
	s10 =	sld [smem:$0x3FB8]  }
0x3d: {  	_ =	shalt  }
0x3e: {  	_ =	shalt  }
0x3f: {  	_ =	shalt  }
0x40: {  	_ =	shalt  }
0x41: {  	_ =	shalt  }
0x42: {  	_ =	shalt  }
0x43: {  	_ =	shalt  }
0x44: {  	_ =	shalt  }
0x45: {  	_ =	shalt  }
0x46: {  	_ =	shalt  }
0x47: {  	_ =	shalt  }
0x48: {  	_ =	shalt  }
0x49: {  	_ =	shalt  }
0x4a: {  	_ =	shalt  }
0x4b: {  	_ =	shalt  }
0x4c: {  	_ =	shalt  }
0x4d: {  	_ =	shalt  }
0x4e: {  	_ =	shalt  }
0x4f: {  	_ =	shalt  }
0x50: {  	_ =	shalt  }
0x51: {  	_ =	shalt  }
0x52: {  	_ =	shalt  }
0x53: {  	_ =	shalt  }
0x54: {  	_ =	shalt  }
0x55: {  	_ =	shalt  }
0x56: {  	_ =	shalt  }
0x57: {  	_ =	shalt  }
0x58: {  	_ =	shalt  }
0x59: {  	_ =	shalt  }
0x5a: {  	_ =	shalt  }
0x5b: {  	_ =	shalt  }
0x5c: {  	_ =	shalt  }
0x5d: {  	_ =	shalt  }
0x5e: {  	_ =	shalt  }
0x5f: {  	_ =	shalt  }
0x60: {  	_ =	shalt  }
0x61: {  	_ =	shalt  }
0x62: {  	_ =	shalt  }
0x63: {  	_ =	shalt  }
0x64: {  	_ =	shalt  }
0x65: {  	_ =	shalt  }
0x66: {  	_ =	shalt  }
0x67: {  	_ =	shalt  }
0x68: {  	_ =	shalt  }
0x69: {  	_ =	shalt  }
0x6a: {  	_ =	shalt  }
0x6b: {  	_ =	shalt  }
0x6c: {  	_ =	shalt  }
0x6d: {  	_ =	shalt  }
0x6e: {  	_ =	shalt  }
0x6f: {  	_ =	shalt  }
0x70: {  	_ =	shalt  }
0x71: {  	_ =	shalt  }
0x72: {  	_ =	shalt  }
0x73: {  	_ =	shalt  }
0x74: {  	_ =	shalt  }
0x75: {  	_ =	shalt  }
0x76: {  	_ =	shalt  }
0x77: {  	_ =	shalt  }
0x78: {  	_ =	shalt  }
0x79: {  	_ =	shalt  }
0x7a: {  	_ =	shalt  }
0x7b: {  	_ =	shalt  }
0x7c: {  	_ =	shalt  }
0x7d: {  	_ =	shalt  }
0x7e: {  	_ =	shalt  }
0x7f: {  	_ =	shalt  }
0x80: {  	_ =	shalt  }
0x81: {  	_ =	shalt  }
0x82: {  	_ =	shalt  }
0x83: {  	_ =	shalt  }
0x84: {  	_ =	shalt  }
0x85: {  	_ =	shalt  }
0x86: {  	_ =	shalt  }
0x87: {  	_ =	shalt  }
.Lfunc_end0:
.L_simem_size_0:
called_computation_lowered:
.L_overlay_start_0:
0x88: {  	s2 =	sld [smem:$0x3FD9]  }
0x89: {  	s3 =	sld [smem:$0x3FFE];
	_ =	sdelay $0x1  }
0x8a: {  	s1 =	srdreg.scid  }
0x8b: {  	s0 =	sand.u32 $0x1, s1  }
0x8c: {  	s16 =	sshll.u32 s0, $0xA;
	s2 =	sadd.s32 s3, s2  }
0x8d: {  	s2 =	sadd.s32 s2, s16  }
0x8e: {  	[smem:$0x3FC4] =	sst s2  }
0x8f: {  	_ = 	snop  }
0x90: {  	(tm) =	ssettm $0x1  }
0x91: {  	s17 =	sld [smem:$0x3FFB];
	_ =	sdelay $0x3  }
0x92: {  	_ =	strace s17  }
0x93: {  	s2 =	sld [smem:$0x3FFC];
	_ =	sdelay $0x3  }
0x94: {  	_ =	strace s2  }
0x95: {  	s2 =	sld [smem:$0x3FFD];
	_ =	sdelay $0x3  }
0x96: {  	_ =	strace s2  }
0x97: {  	_ =	strace $0x8FFFFFFF  }
0x98: {  	s18 =	sld [smem:$0x3FDB];
	_ =	sdelay $0x1  }
0x99: {  	s19 =	simm.s32 $_scs_section_size  }
0x9a: {  	s4 =	simm.s32 $_size__tile_overlayer_lowered;
	s5 =	simm.s32 $_tile_overlayer_lowered  }
0x9b: {  	s22 =	simm.s32 $0x1BFF;
	s21 =	sshll.u32 s5, $0x1;
	s2 =	sadd.s32 s19, s18  }
0x9c: {  	s6 =	simm.s32 $0x0;
	s20 =	sshll.u32 s4, $0x1;
	s4 =	sadd.s32 s21, s2  }
0x9d: {  	[timem:s6], [sflag:s22] =	dma.local [hbm:s4], s20  }
0x9e: {  	_ =	swait.ge [sflag:s22], s20  }
0x9f: {  	s3 =	ssub.s32 $0x0, s20;
	[sflag:s22] =	ssyncset.done $0x0  }
0xa0: {  	[sflag:s22] =	ssyncadd.s32 s3;
	_ =	sdelay $0x1  }
0xa1: {  	s23 =	simm.s32 $0x1B8B  }
0xa2: {  	_ =	swait.ge [sflag:s23], $0x1  }
0xa3: {  	[sflag:s23] =	ssyncset.done $0x0  }
0xa4: {  	s25 =	simm.s32 $0x1B8E;
	s24 =	sld [smem:$0x3FFE];
	[sflag:s23] =	ssyncadd.s32 $0xFFFFFFFF  }
0xa5: {  	s26 =	simm.s32 $execute0_lowered;
	[smem:$0x3FD2] =	sst s25  }
0xa6: {  	s4 =	sshll.u32 s26, $0x1;
	_ =	strace $0x80000046;
	[dreg:$0x1] =	wrdreg $0xFFFFFFFF  }
0xa7: {  	s28 =	simm.s32 $_size_execute0_lowered;
	s2 =	sadd.s32 s2, s4;
	[dreg:$0x0] =	wrdreg $0x0  }
0xa8: {  	s4 =	sshll.u32 s28, $0x1;
	[dreg:$0x2] =	wrdreg s2  }
0xa9: {  	[dreg:$0x3] =	wrdreg s4  }
0xaa: {  	[dreg:$0x4] =	wrdreg $0xC0  }
0xab: {  	_ =	task [dreg:s6], $0x5FFFF  }
0xac: {  	[dreg:$0x1] =	wrdreg $0xFFFFFFFF  }
0xad: {  	[dreg:$0x0] =	wrdreg $0x60  }
0xae: {  	[dreg:$0x2] =	wrdreg s24  }
0xaf: {  	[dreg:$0x3] =	wrdreg $0x9  }
0xb0: {  	_ =	task.clear_ibuf [dreg:s6], $0x4FFFF;
	_ =	strace $0x90000046  }
0xb1: {  	s29 =	simm.s32 $0x9;
	_ =	strace $0x80000048  }
0xb2: {  	_ =	swait.ge [sflag:s29], $0x1  }
0xb3: {  	[sflag:s29] =	ssyncadd.s32 $0xFFFFFFFF  }
0xb4: {  	_ =	strace $0x90000048  }
0xb5: {  	_ =	sfence  }
0xb6: {  	s30 =	sld [smem:$0x0];
	_ =	sdelay $0x2  }
0xb7: {  	s31 =	sshll.u32 s1, $0xD;
	s1 =	sshrl.u32 s1, $0x2  }
0xb8: {  	s3 =	sand.u32 $0x4000, s31;
	s1 =	sadd.s32 s1, s30  }
0xb9: {  	s0 =	sor.u32 s3, s0;
	s1 =	sshll.u32 s1, $0x11  }
0xba: {  	s0 =	sor.u32 s1, s0  }
0xbb: {  	s0 =	sadd.s32 $0x8F2B, s0  }
0xbc: {  	[sflag:s0] =	ssyncadd.remote.s32 $0x1  }
0xbd: {  	_ =	sfence.sel $0xFFFF  }
0xbe: {  	[dreg:$0x0] =	wrdreg $0xFFFFFFFF;
	(pc) =	sbr.abs _section_cstart, $3  }
0xbf: {  	[dreg:$0x1] =	wrdreg $0xFFFFFFFF  }
0xc0: {  	_ =	task.clear_ibuf [dreg:s6], $0x2FFFF;
	_ =	strace $0x9FFFFFFF  }
0xc1: {  	(tm) =	ssettm $0x7FFFFFFF  }
tec
execute0_lowered:
.L_overlay_start_1:
0x0: {  	(tag) =	ssettag $0x1  }
0x1: {  	s1 =	srdreg.scid;
	s0 =	stileid.u32  }
0x2: {  	s6 =	rddreg [dreg:$0x0];
	s19 =	simm.s32 $0x880;
	s20 =	simm.s32 $0x1080  }
0x3: {  	s21 =	simm.s32 $0x1880;
	s22 =	simm.s32 $0x1C80;
	s23 =	simm.s32 $0x2480  }
0x4: {  	s7 =	simm.s32 $0x2C80;
	s24 =	simm.s32 $0x3480;
	s8 =	simm.s32 $0x3880  }
0x5: {  	s25 =	simm.s32 $0x4080;
	s26 =	simm.s32 $0x4880;
	s1 =	sand.u32 $0x1, s1  }
0x6: {  	s9 =	simm.s32 $0x80;
	s2 =	sshll.u32 s0, $0x4;
	s3 =	sshll.u32 s1, $0x3  }
0x7: {  	s11 =	simm.s32 $0x5480;
	s3 =	sor.u32 s3, s2;
	s2 =	simm.s32 $0x0  }
0x8: {  	s12 =	simm.s32 $0x5C80;
	s13 =	simm.s32 $0x6480;
	[smem:$0x7FF] =	sst s2  }
0x9: {  	s14 =	simm.s32 $0x6C80;
	_ =	strace $0x80000047;
	[dreg:$0x4] =	wrdreg s19  }
0xa: {  	s15 =	simm.s32 $0x7080;
	s16 =	simm.s32 $0x7880;
	[dreg:$0x5] =	wrdreg s20  }
0xb: {  	s17 =	simm.s32 $0x8080;
	s28 =	simm.s32 $0xC480;
	[dreg:$0x6] =	wrdreg s21  }
0xc: {  	s29 =	simm.s32 $0xCC80;
	s30 =	simm.s32 $0xD480;
	[dreg:$0x7] =	wrdreg s22  }
0xd: {  	s31 =	simm.s32 $0xDC80;
	s1 =	ssub.s32 $0x2, s1;
	[dreg:$0x8] =	wrdreg s23  }
0xe: {  	s5 =	sshrl.u32 s1, $0x1;
	s4 =	smul.u32 $0x380, s3;
	[dreg:$0x9] =	wrdreg s7  }
0xf: {  	s3 =	sadd.s32 s3, s6;
	s1 =	ssub.s32 s1, s5;
	[dreg:$0xa] =	wrdreg s24  }
0x10: {  	s5 =	sadd.s32 $0x39600, s6;
	s3 =	sadd.s32 $0x39200, s3;
	[dreg:$0xb] =	wrdreg s8  }
0x11: {  	s7 =	smax.u32 s1, $0x1;
	s8 =	simm.s32 $0x2;
	[dreg:$0xc] =	wrdreg s25  }
0x12: {  	[dreg:$0xd] =	wrdreg s26;
	s19 =	simm.s32 $0x8C80;
	s20 =	simm.s32 $0x9480  }
0x13: {  	s21 =	simm.s32 $0x9C80;
	s22 =	simm.s32 $0xA480;
	s23 =	simm.s32 $0xA880  }
0x14: {  	s24 =	simm.s32 $0xB080;
	s25 =	simm.s32 $0xB880;
	s26 =	simm.s32 $0xC080  }
0x15: {  	v2 =	vlaneseq.u32;
	s1 =	simm.s32 $0x1;
	s4 =	sadd.s32 s4, s6;
	[dreg:$0x2] =	wrdreg s3  }
0x16: {  	vm0 =	vmmov $0xffff;
	vm1 =	vmmov $0xff;
	v1 =	vshrl.u32 v2, $0x3;
	s3 =	sadd.s32 $0x39400, s6;
	s18 =	sadd.s32 $0x1200, s4;
	s4 =	sadd.s32 $0x39500, s6  }
0x17: {  	v0 =	vand.u32 $0x7, v2;
	v2 =	vor.u32 $0x8, v2;
	v1 =	vmul.u32 $0x8, v1;
	s6 =	sadd.s32 $0x39700, s6;
	[dreg:$0x3] =	wrdreg s18;
	s18 =	simm.s32 $0x8880  }
.LBB2_1:
0x18: {  	s0 =	rddreg [dreg:$0x2]  }
0x19: {  	[tilespmem:s2], [sflag:$0x2] =	stream.linear.gather [hbm4b:s0+s2], $0x40, $0x38;
	[tilespmem:$0xE080] =	vst v63  }
0x1a: {  	_ =	swait.ge [sflag:s8], $0x40  }
0x1b: {  	[sflag:s8] =	ssyncset.done $0x0  }
0x1c: {  	s10 =	rddreg [dreg:$0x3];
	[sflag:s8] =	ssyncadd.s32 $0xFFFFFFC0  }
0x1d: {  	[tilespmem:s9], [sflag:$0x2] =	stream.linear.gather [hbm4b:s10+s2], $0xE000, $0x38;
	[tilespmem:$0xE080] =	vst v63  }
0x1e: {  	_ =	swait.ge [sflag:s8], $0xE000  }
0x1f: {  	[sflag:s8] =	ssyncset.done $0x0  }
0x20: {  	[sflag:s8] =	ssyncadd.s32 $0xFFFF2000  }
0x21: {  	v3 =	vld [tilespmem:$0x0];
	_ =	sdelay $0x4  }
0x22: {  	v4 =	vshrl.u32 v3, $0x3  }
0x23: {  	v4 =	vmul.u32 $0x38, v4  }
0x24: {  	v3 =	vand.u32 $0x7, v3  }
0x25: {  	v3 =	vor.u32 v3, v4  }
0x26: {  	v4 =	vperm.xlane v3, v0;
	_ =	sdelay $0x1  }
0x27: {  	v4 =	vadd.s32 v1, v4;
	_ =	sdelay $0x4  }
0x28: {  	[hbm4b:s3+s2] =	stream.indirect_vreg.scatter [tilespmem:s9], [sflag:$0x1], $0x80, v4, vm0, $0xb8;
	[tilespmem:$0xE080] =	vst v63  }
0x29: {  	s0 =	rddreg [dreg:$0x4];
	v3 =	vperm.xlane v3, v2  }
0x2a: {  	[hbm4b:s4+s2] =	stream.indirect_vreg.scatter [tilespmem:s0], [sflag:$0x1], $0x80, v4, vm0, $0xb8;
	[tilespmem:$0xE080] =	vst v63  }
0x2b: {  	s10 =	rddreg [dreg:$0x5];
	v3 =	vadd.s32 v1, v3  }
0x2c: {  	[hbm4b:s5+s2] =	stream.indirect_vreg.scatter [tilespmem:s10], [sflag:$0x1], $0x80, v4, vm0, $0xb8;
	[tilespmem:$0xE080] =	vst v63  }
0x2d: {  	s0 =	rddreg [dreg:$0x6]  }
0x2e: {  	[hbm4b:s6+s2] =	stream.indirect_vreg.scatter [tilespmem:s0], [sflag:$0x1], $0x80, v4, vm1, $0xb8;
	[tilespmem:$0xE080] =	vst v63  }
0x2f: {  	s10 =	rddreg [dreg:$0x7]  }
0x30: {  	[hbm4b:s3+s2] =	stream.indirect_vreg.scatter [tilespmem:s10], [sflag:$0x1], $0x80, v3, vm0, $0xb8;
	[tilespmem:$0xE080] =	vst v63  }
0x31: {  	s0 =	rddreg [dreg:$0x8]  }
0x32: {  	[hbm4b:s4+s2] =	stream.indirect_vreg.scatter [tilespmem:s0], [sflag:$0x1], $0x80, v3, vm0, $0xb8;
	[tilespmem:$0xE080] =	vst v63  }
0x33: {  	s10 =	rddreg [dreg:$0x9]  }
0x34: {  	[hbm4b:s5+s2] =	stream.indirect_vreg.scatter [tilespmem:s10], [sflag:$0x1], $0x80, v3, vm0, $0xb8;
	[tilespmem:$0xE080] =	vst v63  }
0x35: {  	s0 =	rddreg [dreg:$0xa]  }
0x36: {  	[hbm4b:s6+s2] =	stream.indirect_vreg.scatter [tilespmem:s0], [sflag:$0x1], $0x80, v3, vm1, $0xb8;
	[tilespmem:$0xE080] =	vst v63  }
0x37: {  	v3 =	vld [tilespmem:$0x10];
	_ =	sdelay $0x4  }
0x38: {  	v61 =	vshrl.u32 v3, $0x3  }
0x39: {  	v4 =	vmul.u32 $0x38, v61  }
0x3a: {  	v3 =	vand.u32 $0x7, v3  }
0x3b: {  	v3 =	vor.u32 v3, v4  }
0x3c: {  	v4 =	vperm.xlane v3, v0;
	_ =	sdelay $0x1  }
0x3d: {  	v4 =	vadd.s32 v1, v4;
	_ =	sdelay $0x3  }
0x3e: {  	s0 =	rddreg [dreg:$0xb]  }
0x3f: {  	[hbm4b:s3+s2] =	stream.indirect_vreg.scatter [tilespmem:s0], [sflag:$0x1], $0x80, v4, vm0, $0xb8;
	[tilespmem:$0xE080] =	vst v63  }
0x40: {  	s10 =	rddreg [dreg:$0xc];
	v3 =	vperm.xlane v3, v2  }
0x41: {  	[hbm4b:s4+s2] =	stream.indirect_vreg.scatter [tilespmem:s10], [sflag:$0x1], $0x80, v4, vm0, $0xb8;
	[tilespmem:$0xE080] =	vst v63  }
0x42: {  	v3 =	vadd.s32 v1, v3;
	s0 =	rddreg [dreg:$0xd]  }
0x43: {  	[hbm4b:s5+s2] =	stream.indirect_vreg.scatter [tilespmem:s0], [sflag:$0x1], $0x80, v4, vm0, $0xb8;
	[tilespmem:$0xE080] =	vst v63  }
0x44: {  	s10 =	simm.s32 $0x5080  }
0x45: {  	[hbm4b:s6+s2] =	stream.indirect_vreg.scatter [tilespmem:s10], [sflag:$0x1], $0x80, v4, vm1, $0xb8;
	[tilespmem:$0xE080] =	vst v63  }
0x46: {  	_ = 	snop  }
0x47: {  	[hbm4b:s3+s2] =	stream.indirect_vreg.scatter [tilespmem:s11], [sflag:$0x1], $0x80, v3, vm0, $0xb8;
	[tilespmem:$0xE080] =	vst v63  }
0x48: {  	_ = 	snop  }
0x49: {  	[hbm4b:s4+s2] =	stream.indirect_vreg.scatter [tilespmem:s12], [sflag:$0x1], $0x80, v3, vm0, $0xb8;
	[tilespmem:$0xE080] =	vst v63  }
0x4a: {  	_ = 	snop  }
0x4b: {  	[hbm4b:s5+s2] =	stream.indirect_vreg.scatter [tilespmem:s13], [sflag:$0x1], $0x80, v3, vm0, $0xb8;
	[tilespmem:$0xE080] =	vst v63  }
0x4c: {  	_ = 	snop  }
0x4d: {  	[hbm4b:s6+s2] =	stream.indirect_vreg.scatter [tilespmem:s14], [sflag:$0x1], $0x80, v3, vm1, $0xb8;
	[tilespmem:$0xE080] =	vst v63  }
0x4e: {  	v3 =	vld [tilespmem:$0x20];
	_ =	sdelay $0x4  }
0x4f: {  	v62 =	vshrl.u32 v3, $0x3  }
0x50: {  	v4 =	vmul.u32 $0x38, v62  }
0x51: {  	v3 =	vand.u32 $0x7, v3  }
0x52: {  	v3 =	vor.u32 v3, v4  }
0x53: {  	v4 =	vperm.xlane v3, v0;
	_ =	sdelay $0x1  }
0x54: {  	v4 =	vadd.s32 v1, v4;
	_ =	sdelay $0x4  }
0x55: {  	[hbm4b:s3+s2] =	stream.indirect_vreg.scatter [tilespmem:s15], [sflag:$0x1], $0x80, v4, vm0, $0xb8;
	[tilespmem:$0xE080] =	vst v63  }
0x56: {  	v3 =	vperm.xlane v3, v2  }
0x57: {  	[hbm4b:s4+s2] =	stream.indirect_vreg.scatter [tilespmem:s16], [sflag:$0x1], $0x80, v4, vm0, $0xb8;
	[tilespmem:$0xE080] =	vst v63  }
0x58: {  	v3 =	vadd.s32 v1, v3  }
0x59: {  	[hbm4b:s5+s2] =	stream.indirect_vreg.scatter [tilespmem:s17], [sflag:$0x1], $0x80, v4, vm0, $0xb8;
	[tilespmem:$0xE080] =	vst v63  }
0x5a: {  	_ = 	snop  }
0x5b: {  	[hbm4b:s6+s2] =	stream.indirect_vreg.scatter [tilespmem:s18], [sflag:$0x1], $0x80, v4, vm1, $0xb8;
	[tilespmem:$0xE080] =	vst v63  }
0x5c: {  	_ = 	snop  }
0x5d: {  	[hbm4b:s3+s2] =	stream.indirect_vreg.scatter [tilespmem:s19], [sflag:$0x1], $0x80, v3, vm0, $0xb8;
	[tilespmem:$0xE080] =	vst v63  }
0x5e: {  	_ = 	snop  }
0x5f: {  	[hbm4b:s4+s2] =	stream.indirect_vreg.scatter [tilespmem:s20], [sflag:$0x1], $0x80, v3, vm0, $0xb8;
	[tilespmem:$0xE080] =	vst v63  }
0x60: {  	_ = 	snop  }
0x61: {  	[hbm4b:s5+s2] =	stream.indirect_vreg.scatter [tilespmem:s21], [sflag:$0x1], $0x80, v3, vm0, $0xb8;
	[tilespmem:$0xE080] =	vst v63  }
0x62: {  	_ = 	snop  }
0x63: {  	[hbm4b:s6+s2] =	stream.indirect_vreg.scatter [tilespmem:s22], [sflag:$0x1], $0x80, v3, vm1, $0xb8;
	[tilespmem:$0xE080] =	vst v63  }
0x64: {  	v3 =	vld [tilespmem:$0x30];
	_ =	sdelay $0x4  }
0x65: {  	v63 =	vshrl.u32 v3, $0x3  }
0x66: {  	v4 =	vmul.u32 $0x38, v63  }
0x67: {  	v3 =	vand.u32 $0x7, v3  }
0x68: {  	v3 =	vor.u32 v3, v4  }
0x69: {  	v4 =	vperm.xlane v3, v0;
	_ =	sdelay $0x1  }
0x6a: {  	v4 =	vadd.s32 v1, v4;
	_ =	sdelay $0x4  }
0x6b: {  	[hbm4b:s3+s2] =	stream.indirect_vreg.scatter [tilespmem:s23], [sflag:$0x1], $0x80, v4, vm0, $0xb8;
	[tilespmem:$0xE080] =	vst v63  }
0x6c: {  	v3 =	vperm.xlane v3, v2  }
0x6d: {  	[hbm4b:s4+s2] =	stream.indirect_vreg.scatter [tilespmem:s24], [sflag:$0x1], $0x80, v4, vm0, $0xb8;
	[tilespmem:$0xE080] =	vst v63  }
0x6e: {  	v3 =	vadd.s32 v1, v3  }
0x6f: {  	[hbm4b:s5+s2] =	stream.indirect_vreg.scatter [tilespmem:s25], [sflag:$0x1], $0x80, v4, vm0, $0xb8;
	[tilespmem:$0xE080] =	vst v63  }
0x70: {  	_ = 	snop  }
0x71: {  	[hbm4b:s6+s2] =	stream.indirect_vreg.scatter [tilespmem:s26], [sflag:$0x1], $0x80, v4, vm1, $0xb8;
	[tilespmem:$0xE080] =	vst v63  }
0x72: {  	_ = 	snop  }
0x73: {  	[hbm4b:s3+s2] =	stream.indirect_vreg.scatter [tilespmem:s28], [sflag:$0x1], $0x80, v3, vm0, $0xb8;
	[tilespmem:$0xE080] =	vst v63  }
0x74: {  	_ = 	snop  }
0x75: {  	[hbm4b:s4+s2] =	stream.indirect_vreg.scatter [tilespmem:s29], [sflag:$0x1], $0x80, v3, vm0, $0xb8;
	[tilespmem:$0xE080] =	vst v63  }
0x76: {  	p0 =	sne.s32 s7, $0x1  }
0x77: {  	[hbm4b:s5+s2] =	stream.indirect_vreg.scatter [tilespmem:s30], [sflag:$0x1], $0x80, v3, vm0, $0xb8;
	[tilespmem:$0xE080] =	vst v63  }
.Ltmp0:
0x78: {  	_ = 	snop;
	(pc) =	sbr.rel @p0 .LBB2_1-.Ltmp0, $4  }
0x79: {  	[hbm4b:s6+s2] =	stream.indirect_vreg.scatter [tilespmem:s31], [sflag:$0x1], $0x80, v3, vm1, $0xb8;
	[tilespmem:$0xE080] =	vst v63  }
0x7a: {  	_ =	swait.ge [sflag:s1], $0xE000  }
0x7b: {  	[sflag:s1] =	ssyncset.done $0x0  }
0x7c: {  	s7 =	sadd.s32 $0xFFFFFFFF, s7;
	[sflag:s1] =	ssyncadd.s32 $0xFFFF2000  }
0x7d: {  	_ =	sfence.sel $0x180000  }
0x7e: {  	[bflag:$0x0] =	sbarrier.arrive $0xFFFF  }
0x7f: {  	_ =	strace $0x90000047  }
0x80: {  	s0 =	stileid.u32;
	[bflag:$0x2] =	sbarrier.arrive $0xFFFF  }
0x81: {  	p0 =	sne.s32 s0, $0x0;
	s0 =	rddreg [dreg:$0x1]  }
0x82: {  	s0 =	sadd.s32 @!p0 $0x100000, s0  }
0x83: {  	[sflag:s0] =	ssyncadd.tile.s32 @!p0 $0x1;
	_ =	shalt  }
.Lfunc_end2:
_tile_overlayer_lowered:
.L_overlay_start_2:
0x84: {  	(tag) =	ssettag $0x2  }
0x85: {  	s0 =	rddreg [dreg:$0x0];
	s2 =	stileid.u32  }
0x86: {  	s1 =	rddreg [dreg:$0x1];
	p0 =	sne.s32 s2, $0x0  }
0x87: {  	s3 =	rddreg [dreg:$0x2];
	[bflag:$0x3] =	sbarrier.arrive $0xFFFF;
	s2 =	simm.s32 @!p0 $0x1C02  }
0x88: {  	[timem:s3], [sflag:s2] =	dma.local @!p0 [hbm:s0], s1  }
0x89: {  	s0 =	simm.s32 @!p0 $0x2  }
0x8a: {  	_ =	swait.ge @!p0 [sflag:s0], s1  }
0x8b: {  	s1 =	ssub.s32 @!p0 $0x0, s1;
	[sflag:s0] =	ssyncset.done @!p0 $0x0  }
0x8c: {  	[sflag:s0] =	ssyncadd.s32 @!p0 s1  }
0x8d: {  	[bflag:$0x3] =	sbarrier.arrive $0xFFFF  }
0x8e: {  	_ =	shalt  }

// kernel: kernel.9.cloned.1.call-start
scs
__scs_entry_jumppad:
0x0: {  	(pc) =	sbr.rel $0x88, $3  }
0x1: {  	(tag) =	ssettag $0x0;
	lr =	simm.s32 $0x1  }
0x2: {  	[smem:$0x3F9D] =	sst lr;
	_ =	strace $0xD0000000  }
0x3: {  	_ = 	snop  }
0x4: {  	_ = 	snop  }
0x5: {  	_ = 	snop  }
0x6: {  	_ = 	snop  }
0x7: {  	_ = 	snop  }
__scs_overlays_trampoline_lowered:
0x8: {  	[smem:$0x3FAC] =	sst s0  }
0x9: {  	[smem:$0x3FAD] =	sst s1  }
0xa: {  	[smem:$0x3FAE] =	sst s2  }
0xb: {  	[smem:$0x3FAF] =	sst s3  }
0xc: {  	[smem:$0x3FB0] =	sst s4  }
0xd: {  	[smem:$0x3FB1] =	sst s5  }
0xe: {  	[smem:$0x3FB2] =	sst s6  }
0xf: {  	[smem:$0x3FB3] =	sst s7  }
0x10: {  	[smem:$0x3FB4] =	sst s8  }
0x11: {  	[smem:$0x3FB5] =	sst s9;
	s0 =	simm.s32 @!p0 $0x0  }
0x12: {  	s1 =	sld [smem:$0x3F9B];
	s0 =	simm.s32 @p0 $0x1  }
0x13: {  	[smem:$0x3FB6] =	sst s0;
	s0 =	simm.s32 @!p1 $0x0  }
0x14: {  	s2 =	sld [smem:$0x3F9A];
	s0 =	simm.s32 @p1 $0x1  }
0x15: {  	[smem:$0x3FB7] =	sst s0;
	s0 =	simm.s32 @!p2 $0x0  }
0x16: {  	s3 =	sld [smem:$0x3FDB];
	s0 =	simm.s32 @p2 $0x1  }
0x17: {  	s4 =	simm.s32 $0x1BF5;
	[smem:$0x3FB9] =	sst s0  }
0x18: {  	s0 =	sld [smem:$0x3F9C];
	_ =	swait.ge [sflag:s4], $0x0  }
0x19: {  	s7 =	sld [smem:$0x3F9D]  }
0x1a: {  	s8 =	sadd.s32 $0xFFFFE003, lr  }
0x1b: {  	s9 =	sadd.s32 $0xFFFFFEF7, lr;
	s5 =	simm.s32 $0xFFFFFFFF;
	p2 =	slt.u32 s8, $0xFFFFF086  }
0x1c: {  	p1 =	slt.u32 s9, $0xF7A;
	s5 =	simm.s32 @!p2 $0x0  }
0x1d: {  	s5 =	simm.s32 @p1 $0x1;
	p0 =	seq.s32 s7, s2  }
0x1e: {  	s7 =	smul.u32 @!p0 $0xF7A, s2;
	p2 =	seq.s32 @!p0 s5, $0x0  }
0x1f: {  	s9 =	smul.u32 $0xF7A, s1;
	s8 =	simm.s32 @!p0 $0x1BF5;
	p2 =	por !p2, p0  }
0x20: {  	[sflag:s8] =	ssyncset.s32 @!p0 $0xFFFFF086;
	s6 =	sadd.s32 @!p0 s3, s7;
	s7 =	simm.s32 @!p0 $0x108  }
0x21: {  	s3 =	sadd.s32 s3, s9;
	s6 =	sadd.s32 @!p0 $0x88, s6;
	s7 =	simm.s32 @p2 $0x1082  }
0x22: {  	[simem:s7], [sflag:s8] =	dma.local @!p0 [hbm:s6], $0xF7A  }
0x23: {  	s9 =	sor.u32 $0xD0000000, s2;
	s6 =	simm.s32 $0x108;
	_ =	swait.ge @!p0 [sflag:s8], $0x0  }
0x24: {  	s3 =	sadd.s32 $0x88, s3;
	s6 =	simm.s32 @!p1 $0x1082;
	[sflag:s4] =	ssyncset.s32 $0xFFFFF086  }
0x25: {  	[simem:s6], [sflag:s4] =	dma.local [hbm:s3], $0xF7A  }
0x26: {  	[smem:$0x3F9D] =	sst s1;
	(tag) =	ssettag s2;
	_ =	strace s9  }
0x27: {  	s1 =	sld [smem:$0x3FAD]  }
0x28: {  	s2 =	sld [smem:$0x3FAE]  }
0x29: {  	s4 =	sld [smem:$0x3FB0]  }
0x2a: {  	p0 =	seq.s32 s5, $0x0;
	s5 =	sld [smem:$0x3FB1]  }
0x2b: {  	s6 =	sld [smem:$0x3FB2]  }
0x2c: {  	s7 =	sld [smem:$0x3FB3]  }
0x2d: {  	s3 =	simm.s32 $0x108;
	s8 =	sld [smem:$0x3FB4]  }
0x2e: {  	s3 =	simm.s32 @!p0 $0x1082;
	s9 =	sld [smem:$0x3FB5]  }
0x2f: {  	lr =	sadd.s32 s0, s3;
	s0 =	sld [smem:$0x3FAC]  }
0x30: {  	s3 =	sld [smem:$0x3FAF]  }
0x31: {  	[smem:$0x3FB8] =	sst s10  }
0x32: {  	s10 =	sld [smem:$0x3FB6];
	_ =	sdelay $0x3  }
0x33: {  	p0 =	seq.s32 s10, $0x1;
	s10 =	sld [smem:$0x3FB8];
	_ =	sdelay $0x3  }
0x34: {  	[smem:$0x3FB8] =	sst s10  }
0x35: {  	s10 =	sld [smem:$0x3FB7];
	_ =	sdelay $0x3  }
0x36: {  	p1 =	seq.s32 s10, $0x1;
	s10 =	sld [smem:$0x3FB8];
	_ =	sdelay $0x3  }
0x37: {  	[smem:$0x3FB8] =	sst s10  }
0x38: {  	s10 =	sld [smem:$0x3FB9]  }
0x39: {  	_ = 	snop;
	(pc) =	sbr.ind lr, $3  }
0x3a: {  	_ = 	snop  }
0x3b: {  	_ = 	snop  }
0x3c: {  	p2 =	seq.s32 s10, $0x1;
	s10 =	sld [smem:$0x3FB8]  }
0x3d: {  	_ =	shalt  }
0x3e: {  	_ =	shalt  }
0x3f: {  	_ =	shalt  }
0x40: {  	_ =	shalt  }
0x41: {  	_ =	shalt  }
0x42: {  	_ =	shalt  }
0x43: {  	_ =	shalt  }
0x44: {  	_ =	shalt  }
0x45: {  	_ =	shalt  }
0x46: {  	_ =	shalt  }
0x47: {  	_ =	shalt  }
0x48: {  	_ =	shalt  }
0x49: {  	_ =	shalt  }
0x4a: {  	_ =	shalt  }
0x4b: {  	_ =	shalt  }
0x4c: {  	_ =	shalt  }
0x4d: {  	_ =	shalt  }
0x4e: {  	_ =	shalt  }
0x4f: {  	_ =	shalt  }
0x50: {  	_ =	shalt  }
0x51: {  	_ =	shalt  }
0x52: {  	_ =	shalt  }
0x53: {  	_ =	shalt  }
0x54: {  	_ =	shalt  }
0x55: {  	_ =	shalt  }
0x56: {  	_ =	shalt  }
0x57: {  	_ =	shalt  }
0x58: {  	_ =	shalt  }
0x59: {  	_ =	shalt  }
0x5a: {  	_ =	shalt  }
0x5b: {  	_ =	shalt  }
0x5c: {  	_ =	shalt  }
0x5d: {  	_ =	shalt  }
0x5e: {  	_ =	shalt  }
0x5f: {  	_ =	shalt  }
0x60: {  	_ =	shalt  }
0x61: {  	_ =	shalt  }
0x62: {  	_ =	shalt  }
0x63: {  	_ =	shalt  }
0x64: {  	_ =	shalt  }
0x65: {  	_ =	shalt  }
0x66: {  	_ =	shalt  }
0x67: {  	_ =	shalt  }
0x68: {  	_ =	shalt  }
0x69: {  	_ =	shalt  }
0x6a: {  	_ =	shalt  }
0x6b: {  	_ =	shalt  }
0x6c: {  	_ =	shalt  }
0x6d: {  	_ =	shalt  }
0x6e: {  	_ =	shalt  }
0x6f: {  	_ =	shalt  }
0x70: {  	_ =	shalt  }
0x71: {  	_ =	shalt  }
0x72: {  	_ =	shalt  }
0x73: {  	_ =	shalt  }
0x74: {  	_ =	shalt  }
0x75: {  	_ =	shalt  }
0x76: {  	_ =	shalt  }
0x77: {  	_ =	shalt  }
0x78: {  	_ =	shalt  }
0x79: {  	_ =	shalt  }
0x7a: {  	_ =	shalt  }
0x7b: {  	_ =	shalt  }
0x7c: {  	_ =	shalt  }
0x7d: {  	_ =	shalt  }
0x7e: {  	_ =	shalt  }
0x7f: {  	_ =	shalt  }
0x80: {  	_ =	shalt  }
0x81: {  	_ =	shalt  }
0x82: {  	_ =	shalt  }
0x83: {  	_ =	shalt  }
0x84: {  	_ =	shalt  }
0x85: {  	_ =	shalt  }
0x86: {  	_ =	shalt  }
0x87: {  	_ =	shalt  }
.Lfunc_end0:
.L_simem_size_0:
called_computation.1_lowered:
.L_overlay_start_0:
0x88: {  	s2 =	sld [smem:$0x3FD9]  }
0x89: {  	s3 =	sld [smem:$0x3FFE];
	_ =	sdelay $0x1  }
0x8a: {  	s1 =	srdreg.scid  }
0x8b: {  	s0 =	sand.u32 $0x1, s1  }
0x8c: {  	s17 =	sshll.u32 s0, $0xA;
	s2 =	sadd.s32 s3, s2  }
0x8d: {  	s2 =	sadd.s32 s2, s17  }
0x8e: {  	[smem:$0x3FC4] =	sst s2  }
0x8f: {  	_ = 	snop  }
0x90: {  	s2 =	sld [smem:$0x3FD0];
	(tm) =	ssettm $0x1  }
0x91: {  	s18 =	sld [smem:$0x3FFB];
	_ =	sdelay $0x3  }
0x92: {  	_ =	strace s18  }
0x93: {  	s3 =	sld [smem:$0x3FFC];
	_ =	sdelay $0x3  }
0x94: {  	_ =	strace s3  }
0x95: {  	s3 =	sld [smem:$0x3FFD];
	_ =	sdelay $0x3  }
0x96: {  	_ =	strace s3  }
0x97: {  	_ =	strace $0x8FFFFFFF  }
0x98: {  	s19 =	sld [smem:$0x3FDB];
	_ =	sdelay $0x1  }
0x99: {  	s4 =	simm.s32 $_scs_section_size  }
0x9a: {  	s5 =	simm.s32 $_size__tile_overlayer_lowered;
	s6 =	simm.s32 $_tile_overlayer_lowered  }
0x9b: {  	s22 =	simm.s32 $0x1BFF;
	s21 =	sshll.u32 s6, $0x1;
	s3 =	sadd.s32 s4, s19  }
0x9c: {  	s7 =	simm.s32 $0x0;
	s20 =	sshll.u32 s5, $0x1;
	s5 =	sadd.s32 s21, s3  }
0x9d: {  	[timem:s7], [sflag:s22] =	dma.local [hbm:s5], s20  }
0x9e: {  	_ =	swait.ge [sflag:s22], s20  }
0x9f: {  	s4 =	ssub.s32 $0x0, s20;
	[sflag:s22] =	ssyncset.done $0x0  }
0xa0: {  	[sflag:s22] =	ssyncadd.s32 s4;
	_ =	sdelay $0x1  }
0xa1: {  	s23 =	simm.s32 $0x1B8B  }
0xa2: {  	_ =	swait.ge [sflag:s23], $0x1  }
0xa3: {  	[sflag:s23] =	ssyncset.done $0x0  }
0xa4: {  	s25 =	simm.s32 $0x1B8E;
	s24 =	sld [smem:$0x3FFE];
	[sflag:s23] =	ssyncadd.s32 $0xFFFFFFFF  }
0xa5: {  	s26 =	simm.s32 $execute0_lowered;
	[smem:$0x3FD2] =	sst s25  }
0xa6: {  	s5 =	sshll.u32 s26, $0x1;
	_ =	strace $0x80000049;
	[dreg:$0x1] =	wrdreg $0xFFFFFFFF  }
0xa7: {  	s28 =	simm.s32 $_size_execute0_lowered;
	s3 =	sadd.s32 s3, s5;
	[dreg:$0x0] =	wrdreg $0x0  }
0xa8: {  	s5 =	sshll.u32 s28, $0x1;
	[dreg:$0x2] =	wrdreg s3  }
0xa9: {  	[dreg:$0x3] =	wrdreg s5  }
0xaa: {  	[dreg:$0x4] =	wrdreg $0xC0  }
0xab: {  	_ =	task [dreg:s7], $0x5FFFF  }
0xac: {  	[dreg:$0x1] =	wrdreg $0xFFFFFFFF  }
0xad: {  	[dreg:$0x0] =	wrdreg $0x60  }
0xae: {  	[dreg:$0x2] =	wrdreg s24  }
0xaf: {  	[dreg:$0x3] =	wrdreg s2  }
0xb0: {  	[dreg:$0x4] =	wrdreg $0x9  }
0xb1: {  	_ =	task.clear_ibuf [dreg:s7], $0x5FFFF;
	_ =	strace $0x90000049  }
0xb2: {  	s29 =	simm.s32 $0x9;
	_ =	strace $0x8000004B  }
0xb3: {  	_ =	swait.ge [sflag:s29], $0x1  }
0xb4: {  	[sflag:s29] =	ssyncadd.s32 $0xFFFFFFFF  }
0xb5: {  	_ =	strace $0x9000004B  }
0xb6: {  	_ =	sfence  }
0xb7: {  	s30 =	sld [smem:$0x0];
	_ =	sdelay $0x2  }
0xb8: {  	s31 =	sshll.u32 s1, $0xD;
	s1 =	sshrl.u32 s1, $0x2  }
0xb9: {  	s3 =	sand.u32 $0x4000, s31;
	s1 =	sadd.s32 s1, s30  }
0xba: {  	s0 =	sor.u32 s3, s0;
	s1 =	sshll.u32 s1, $0x11  }
0xbb: {  	s0 =	sor.u32 s1, s0  }
0xbc: {  	s0 =	sadd.s32 $0x8F2B, s0  }
0xbd: {  	[sflag:s0] =	ssyncadd.remote.s32 $0x1  }
0xbe: {  	_ =	sfence.sel $0xFFFF  }
0xbf: {  	[dreg:$0x0] =	wrdreg $0xFFFFFFFF;
	(pc) =	sbr.abs _section_cstart, $3  }
0xc0: {  	[dreg:$0x1] =	wrdreg $0xFFFFFFFF  }
0xc1: {  	_ =	task.clear_ibuf [dreg:s7], $0x2FFFF;
	_ =	strace $0x9FFFFFFF  }
0xc2: {  	(tm) =	ssettm $0x7FFFFFFF  }
0xc3: {  	_ =	shalt  }
tec
execute0_lowered:
.L_overlay_start_1:
0x0: {  	(tag) =	ssettag $0x1  }
0x1: {  	s0 =	rddreg [dreg:$0x0]  }
0x2: {  	s5 =	rddreg [dreg:$0x1];
	s3 =	srdreg.scid  }
0x3: {  	s2 =	simm.s32 $0x0;
	s1 =	stileid.u32;
	s26 =	simm.s32 $0x880  }
0x4: {  	s10 =	simm.s32 $0x1880;
	s11 =	simm.s32 $0x2080;
	s12 =	simm.s32 $0x2880  }
0x5: {  	s13 =	simm.s32 $0x3080;
	s14 =	simm.s32 $0x3880;
	s15 =	simm.s32 $0x4080  }
0x6: {  	s16 =	simm.s32 $0x4880;
	s17 =	simm.s32 $0x5080;
	s18 =	simm.s32 $0x5880  }
0x7: {  	s19 =	simm.s32 $0x6080;
	s20 =	simm.s32 $0x6880;
	s21 =	simm.s32 $0x7080  }
0x8: {  	s22 =	simm.s32 $0x7880;
	s28 =	simm.s32 $0xA080;
	s29 =	simm.s32 $0xA880  }
0x9: {  	s30 =	simm.s32 $0xB080;
	s31 =	simm.s32 $0xB880;
	s3 =	sand.u32 $0x1, s3  }
0xa: {  	[smem:$0x7FF] =	sst s2;
	s4 =	sshll.u32 s1, $0x4;
	s6 =	sshll.u32 s3, $0x3  }
0xb: {  	_ =	strace $0x8000004A;
	s23 =	ssub.s32 $0x2, s3;
	s3 =	sadd.s32 $0x1200, s0  }
0xc: {  	[dreg:$0x5] =	wrdreg s26;
	s26 =	simm.s32 $0x9880;
	s4 =	sor.u32 s6, s4  }
0xd: {  	s8 =	sshrl.u32 s23, $0x1;
	s7 =	sadd.s32 s4, s0;
	s9 =	smul.u32 $0x300, s4  }
0xe: {  	s6 =	ssub.s32 s23, s8;
	s4 =	sadd.s32 $0x1300, s0;
	s8 =	simm.s32 $0x80  }
0xf: {  	s23 =	simm.s32 $0x8080;
	s24 =	sadd.s32 $0x39200, s7;
	s6 =	smax.u32 s6, $0x1  }
0x10: {  	v2 =	vlaneseq.u32;
	s7 =	simm.s32 $0x2;
	[dreg:$0x3] =	wrdreg s24;
	s25 =	sadd.s32 s5, s9  }
0x11: {  	vm0 =	vmmov $0xffff;
	v1 =	vshrl.u32 v2, $0x3;
	s5 =	sadd.s32 $0x1400, s0;
	s9 =	simm.s32 $0x1080;
	s24 =	simm.s32 $0x8880  }
0x12: {  	v0 =	vand.u32 $0x7, v2;
	v2 =	vor.u32 $0x8, v2;
	v1 =	vmul.u32 $0x8, v1;
	s0 =	simm.s32 $0x1;
	[dreg:$0x4] =	wrdreg s25;
	s25 =	simm.s32 $0x9080  }
.LBB2_1:
0x13: {  	s1 =	rddreg [dreg:$0x3]  }
0x14: {  	[tilespmem:s2], [sflag:$0x2] =	stream.linear.gather [hbm4b:s1+s2], $0x40, $0x38;
	[tilespmem:$0xC080] =	vst v63  }
0x15: {  	_ =	swait.ge [sflag:s7], $0x40  }
0x16: {  	[sflag:s7] =	ssyncset.done $0x0  }
0x17: {  	[sflag:s7] =	ssyncadd.s32 $0xFFFFFFC0  }
0x18: {  	v3 =	vld [tilespmem:$0x0];
	_ =	sdelay $0x4  }
0x19: {  	v4 =	vshrl.u32 v3, $0x3  }
0x1a: {  	v4 =	vmul.u32 $0x30, v4  }
0x1b: {  	v3 =	vand.u32 $0x7, v3  }
0x1c: {  	v3 =	vor.u32 v3, v4  }
0x1d: {  	v4 =	vperm.xlane v3, v0;
	_ =	sdelay $0x1  }
0x1e: {  	v4 =	vadd.s32 v1, v4;
	_ =	sdelay $0x3  }
0x1f: {  	v3 =	vperm.xlane v3, v2  }
0x20: {  	[tilespmem:s8], [sflag:$0x1] =	stream.indirect_vreg.gather [hbm4b:s3+s2], $0x80, v4, vm0, $0xb8;
	[tilespmem:$0xC080] =	vst v63  }
0x21: {  	s1 =	rddreg [dreg:$0x5];
	v3 =	vadd.s32 v1, v3  }
0x22: {  	[tilespmem:s1], [sflag:$0x1] =	stream.indirect_vreg.gather [hbm4b:s4+s2], $0x80, v4, vm0, $0xb8;
	[tilespmem:$0xC080] =	vst v63  }
0x23: {  	_ = 	snop  }
0x24: {  	[tilespmem:s9], [sflag:$0x1] =	stream.indirect_vreg.gather [hbm4b:s5+s2], $0x80, v4, vm0, $0xb8;
	[tilespmem:$0xC080] =	vst v63  }
0x25: {  	_ = 	snop  }
0x26: {  	[tilespmem:s10], [sflag:$0x1] =	stream.indirect_vreg.gather [hbm4b:s3+s2], $0x80, v3, vm0, $0xb8;
	[tilespmem:$0xC080] =	vst v63  }
0x27: {  	_ = 	snop  }
0x28: {  	[tilespmem:s11], [sflag:$0x1] =	stream.indirect_vreg.gather [hbm4b:s4+s2], $0x80, v3, vm0, $0xb8;
	[tilespmem:$0xC080] =	vst v63  }
0x29: {  	_ = 	snop  }
0x2a: {  	[tilespmem:s12], [sflag:$0x1] =	stream.indirect_vreg.gather [hbm4b:s5+s2], $0x80, v3, vm0, $0xb8;
	[tilespmem:$0xC080] =	vst v63  }
0x2b: {  	v3 =	vld [tilespmem:$0x10];
	_ =	sdelay $0x4  }
0x2c: {  	v61 =	vshrl.u32 v3, $0x3  }
0x2d: {  	v4 =	vmul.u32 $0x30, v61  }
0x2e: {  	v3 =	vand.u32 $0x7, v3  }
0x2f: {  	v3 =	vor.u32 v3, v4  }
0x30: {  	v4 =	vperm.xlane v3, v0;
	_ =	sdelay $0x1  }
0x31: {  	v4 =	vadd.s32 v1, v4;
	_ =	sdelay $0x3  }
0x32: {  	v3 =	vperm.xlane v3, v2  }
0x33: {  	[tilespmem:s13], [sflag:$0x1] =	stream.indirect_vreg.gather [hbm4b:s3+s2], $0x80, v4, vm0, $0xb8;
	[tilespmem:$0xC080] =	vst v63  }
0x34: {  	v3 =	vadd.s32 v1, v3  }
0x35: {  	[tilespmem:s14], [sflag:$0x1] =	stream.indirect_vreg.gather [hbm4b:s4+s2], $0x80, v4, vm0, $0xb8;
	[tilespmem:$0xC080] =	vst v63  }
0x36: {  	_ = 	snop  }
0x37: {  	[tilespmem:s15], [sflag:$0x1] =	stream.indirect_vreg.gather [hbm4b:s5+s2], $0x80, v4, vm0, $0xb8;
	[tilespmem:$0xC080] =	vst v63  }
0x38: {  	_ = 	snop  }
0x39: {  	[tilespmem:s16], [sflag:$0x1] =	stream.indirect_vreg.gather [hbm4b:s3+s2], $0x80, v3, vm0, $0xb8;
	[tilespmem:$0xC080] =	vst v63  }
0x3a: {  	_ = 	snop  }
0x3b: {  	[tilespmem:s17], [sflag:$0x1] =	stream.indirect_vreg.gather [hbm4b:s4+s2], $0x80, v3, vm0, $0xb8;
	[tilespmem:$0xC080] =	vst v63  }
0x3c: {  	_ = 	snop  }
0x3d: {  	[tilespmem:s18], [sflag:$0x1] =	stream.indirect_vreg.gather [hbm4b:s5+s2], $0x80, v3, vm0, $0xb8;
	[tilespmem:$0xC080] =	vst v63  }
0x3e: {  	v3 =	vld [tilespmem:$0x20];
	_ =	sdelay $0x4  }
0x3f: {  	v62 =	vshrl.u32 v3, $0x3  }
0x40: {  	v4 =	vmul.u32 $0x30, v62  }
0x41: {  	v3 =	vand.u32 $0x7, v3  }
0x42: {  	v3 =	vor.u32 v3, v4  }
0x43: {  	v4 =	vperm.xlane v3, v0;
	_ =	sdelay $0x1  }
0x44: {  	v4 =	vadd.s32 v1, v4;
	_ =	sdelay $0x3  }
0x45: {  	v3 =	vperm.xlane v3, v2  }
0x46: {  	[tilespmem:s19], [sflag:$0x1] =	stream.indirect_vreg.gather [hbm4b:s3+s2], $0x80, v4, vm0, $0xb8;
	[tilespmem:$0xC080] =	vst v63  }
0x47: {  	v3 =	vadd.s32 v1, v3  }
0x48: {  	[tilespmem:s20], [sflag:$0x1] =	stream.indirect_vreg.gather [hbm4b:s4+s2], $0x80, v4, vm0, $0xb8;
	[tilespmem:$0xC080] =	vst v63  }
0x49: {  	_ = 	snop  }
0x4a: {  	[tilespmem:s21], [sflag:$0x1] =	stream.indirect_vreg.gather [hbm4b:s5+s2], $0x80, v4, vm0, $0xb8;
	[tilespmem:$0xC080] =	vst v63  }
0x4b: {  	_ = 	snop  }
0x4c: {  	[tilespmem:s22], [sflag:$0x1] =	stream.indirect_vreg.gather [hbm4b:s3+s2], $0x80, v3, vm0, $0xb8;
	[tilespmem:$0xC080] =	vst v63  }
0x4d: {  	_ = 	snop  }
0x4e: {  	[tilespmem:s23], [sflag:$0x1] =	stream.indirect_vreg.gather [hbm4b:s4+s2], $0x80, v3, vm0, $0xb8;
	[tilespmem:$0xC080] =	vst v63  }
0x4f: {  	_ = 	snop  }
0x50: {  	[tilespmem:s24], [sflag:$0x1] =	stream.indirect_vreg.gather [hbm4b:s5+s2], $0x80, v3, vm0, $0xb8;
	[tilespmem:$0xC080] =	vst v63  }
0x51: {  	v3 =	vld [tilespmem:$0x30];
	_ =	sdelay $0x4  }
0x52: {  	v63 =	vshrl.u32 v3, $0x3  }
0x53: {  	v4 =	vmul.u32 $0x30, v63  }
0x54: {  	v3 =	vand.u32 $0x7, v3  }
0x55: {  	v3 =	vor.u32 v3, v4  }
0x56: {  	v4 =	vperm.xlane v3, v0;
	_ =	sdelay $0x1  }
0x57: {  	v4 =	vadd.s32 v1, v4;
	_ =	sdelay $0x3  }
0x58: {  	v3 =	vperm.xlane v3, v2  }
0x59: {  	[tilespmem:s25], [sflag:$0x1] =	stream.indirect_vreg.gather [hbm4b:s3+s2], $0x80, v4, vm0, $0xb8;
	[tilespmem:$0xC080] =	vst v63  }
0x5a: {  	v3 =	vadd.s32 v1, v3  }
0x5b: {  	[tilespmem:s26], [sflag:$0x1] =	stream.indirect_vreg.gather [hbm4b:s4+s2], $0x80, v4, vm0, $0xb8;
	[tilespmem:$0xC080] =	vst v63  }
0x5c: {  	_ = 	snop  }
0x5d: {  	[tilespmem:s28], [sflag:$0x1] =	stream.indirect_vreg.gather [hbm4b:s5+s2], $0x80, v4, vm0, $0xb8;
	[tilespmem:$0xC080] =	vst v63  }
0x5e: {  	_ = 	snop  }
0x5f: {  	[tilespmem:s29], [sflag:$0x1] =	stream.indirect_vreg.gather [hbm4b:s3+s2], $0x80, v3, vm0, $0xb8;
	[tilespmem:$0xC080] =	vst v63  }
0x60: {  	_ = 	snop  }
0x61: {  	[tilespmem:s30], [sflag:$0x1] =	stream.indirect_vreg.gather [hbm4b:s4+s2], $0x80, v3, vm0, $0xb8;
	[tilespmem:$0xC080] =	vst v63  }
0x62: {  	_ = 	snop  }
0x63: {  	[tilespmem:s31], [sflag:$0x1] =	stream.indirect_vreg.gather [hbm4b:s5+s2], $0x80, v3, vm0, $0xb8;
	[tilespmem:$0xC080] =	vst v63  }
0x64: {  	_ =	swait.ge [sflag:s0], $0xC000  }
0x65: {  	p0 =	sne.s32 s6, $0x1;
	[sflag:s0] =	ssyncset.done $0x0  }
.Ltmp0:
0x66: {  	s1 =	rddreg [dreg:$0x4];
	[sflag:s0] =	ssyncadd.s32 $0xFFFF4000;
	(pc) =	sbr.rel @p0 .LBB2_1-.Ltmp0, $4  }
0x67: {  	[hbm4b:s1+s2] =	stream.linear.scatter [tilespmem:s8], [sflag:$0x2], $0xC000, $0x38;
	[tilespmem:$0xC080] =	vst v63  }
0x68: {  	_ =	swait.ge [sflag:s7], $0xC000  }
0x69: {  	[sflag:s7] =	ssyncset.done $0x0  }
0x6a: {  	s6 =	sadd.s32 $0xFFFFFFFF, s6;
	[sflag:s7] =	ssyncadd.s32 $0xFFFF4000  }
0x6b: {  	_ =	sfence.sel $0x180000  }
0x6c: {  	[bflag:$0x0] =	sbarrier.arrive $0xFFFF  }
0x6d: {  	_ =	strace $0x9000004A  }
0x6e: {  	s0 =	stileid.u32;
	[bflag:$0x2] =	sbarrier.arrive $0xFFFF  }
0x6f: {  	p0 =	sne.s32 s0, $0x0;
	s0 =	rddreg [dreg:$0x2]  }
0x70: {  	s0 =	sadd.s32 @!p0 $0x100000, s0  }
0x71: {  	[sflag:s0] =	ssyncadd.tile.s32 @!p0 $0x1;
	_ =	shalt  }
.Lfunc_end2:
_tile_overlayer_lowered:
.L_overlay_start_2:
0x72: {  	(tag) =	ssettag $0x2  }
0x73: {  	s0 =	rddreg [dreg:$0x0];
	s2 =	stileid.u32  }
0x74: {  	s1 =	rddreg [dreg:$0x1];
	p0 =	sne.s32 s2, $0x0  }
0x75: {  	s3 =	rddreg [dreg:$0x2];
	[bflag:$0x3] =	sbarrier.arrive $0xFFFF;
	s2 =	simm.s32 @!p0 $0x1C02  }
0x76: {  	[timem:s3], [sflag:s2] =	dma.local @!p0 [hbm:s0], s1  }
0x77: {  	s0 =	simm.s32 @!p0 $0x2  }
0x78: {  	_ =	swait.ge @!p0 [sflag:s0], s1  }
0x79: {  	s1 =	ssub.s32 @!p0 $0x0, s1;
	[sflag:s0] =	ssyncset.done @!p0 $0x0  }
0x7a: {  	[sflag:s0] =	ssyncadd.s32 @!p0 s1  }
0x7b: {  	[bflag:$0x3] =	sbarrier.arrive $0xFFFF  }
0x7c: {  	_ =	shalt  }

</sc_bundles>
